<compile_context>
chip_gen: v7x
topology: tpu7x:2x2x1
jax: 0.10.2.dev20260603
libtpu: 0.0.44.dev20260713+nightly
codegen_flags: <defaults>
</compile_context>

<pallas_src>
import functools

import jax
import jax.numpy as jnp
from jax import lax
from jax.experimental import pallas as pl
from jax.experimental.pallas import tpu as pltpu
from jax.experimental.pallas import tpu_sc as plsc

B, S, D, P, E = 4, 2048, 1024, 256, 8
N = B * S
T = 512
NT = N // T
G = NT + E - 1
XS_ROWS = G * T

NC, NS = 2, 16
NW = NC * NS
RPW = N // NW
XCH = 32
NXCH = RPW // XCH
OGRP = 4
OCH = XCH * OGRP
NOCH = RPW // OCH


@functools.cache
def _sc_kernels():
    mesh = plsc.VectorSubcoreMesh(core_axis_name="c", subcore_axis_name="s")

    @functools.partial(
        pl.kernel,
        mesh=mesh,
        compiler_params=pltpu.CompilerParams(needs_layout_passes=False),
        out_type=(
            jax.ShapeDtypeStruct((XS_ROWS, D), jnp.float32),
            jax.ShapeDtypeStruct((NW, NXCH, XCH), jnp.int32),
        ),
        scratch_types=[
            pltpu.VMEM((RPW,), jnp.int32),
            pltpu.VMEM((E, 16), jnp.int32),
            pltpu.VMEM((NXCH, XCH), jnp.int32),
            pltpu.VMEM((XCH, D), jnp.float32),
            pltpu.VMEM((XCH, D), jnp.float32),
            pltpu.VMEM((XCH, D), jnp.float32),
            pltpu.SemaphoreType.DMA,
            pltpu.SemaphoreType.DMA,
            pltpu.SemaphoreType.DMA,
            pltpu.SemaphoreType.DMA,
            pltpu.SemaphoreType.DMA,
            pltpu.SemaphoreType.DMA,
            pltpu.SemaphoreType.DMA,
        ],
    )
    def scatter_x(x_hbm, eid_hbm, base_hbm, xs_hbm, pos_hbm,
                  ids_v, state_v, idx_v, rows0, rows1, rows2,
                  rs0, rs1, rs2, ws0, ws1, ws2, psem):
        wid = lax.axis_index("s") * NC + lax.axis_index("c")
        base = wid * RPW
        bufs = (rows0, rows1, rows2)
        rsem = (rs0, rs1, rs2)
        wsem = (ws0, ws1, ws2)
        NB = 3

        def read(j, b):
            return pltpu.async_copy(
                x_hbm.at[pl.ds(base + j * XCH, XCH)], bufs[b], rsem[b])

        h_r = [read(b, b) for b in range(NB)]
        pltpu.sync_copy(eid_hbm.at[wid], ids_v)
        pltpu.sync_copy(base_hbm.at[wid], state_v)

        zero = jnp.zeros((16,), jnp.int32)
        state = [state_v[e, :] for e in range(E)]
        for k in range(RPW // 16):
            ids = ids_v[pl.ds(k * 16, 16)]
            pos16 = zero
            for e in range(E):
                m = ids == e
                c = plsc.cumsum(jnp.where(m, 1, 0))
                pos16 = pos16 + jnp.where(m, state[e] + c - 1, 0)
                state[e] = state[e] + plsc.all_reduce_population_count(m)
            idx_v[k // 2, pl.ds((k % 2) * 16, 16)] = pos16

        h_p = pltpu.async_copy(idx_v, pos_hbm.at[wid], psem)
        h_w = [None] * NB
        for j in range(NXCH):
            b = j % NB
            h_r[b].wait()
            h_w[b] = pltpu.async_copy(bufs[b], xs_hbm.at[idx_v.at[j]], wsem[b])
            if j + NB < NXCH:
                h_w[b].wait()
                h_r[b] = read(j + NB, b)
        for b in range(NB):
            if h_w[b] is not None:
                h_w[b].wait()
        h_p.wait()

    @functools.partial(
        pl.kernel,
        mesh=mesh,
        out_type=jax.ShapeDtypeStruct((N, P), jnp.float32),
        scratch_types=[
            pltpu.VMEM((NXCH, XCH), jnp.int32),
            pltpu.VMEM((OCH, P), jnp.float32),
            pltpu.VMEM((OCH, P), jnp.float32),
            pltpu.SemaphoreType.DMA,
            pltpu.SemaphoreType.DMA,
            pltpu.SemaphoreType.DMA,
            pltpu.SemaphoreType.DMA,
        ],
    )
    def gather_out(ys_hbm, pos_hbm, out_hbm, idx_v, rows0, rows1,
                   rs0, rs1, ws0, ws1):
        wid = lax.axis_index("s") * NC + lax.axis_index("c")
        base = wid * RPW
        pltpu.sync_copy(pos_hbm.at[wid], idx_v)
        bufs = (rows0, rows1)
        rsem = (rs0, rs1)
        wsem = (ws0, ws1)
        h_r = [[pltpu.async_copy(
                    ys_hbm.at[idx_v.at[j * OGRP + q]],
                    bufs[j].at[pl.ds(q * XCH, XCH)], rsem[j])
                for q in range(OGRP)]
               for j in range(NOCH)]
        h_w = []
        for j in range(NOCH):
            for h in h_r[j]:
                h.wait()
            h_w.append(pltpu.async_copy(
                bufs[j], out_hbm.at[pl.ds(base + j * OCH, OCH)], wsem[j]))
        for h in h_w:
            h.wait()

    return scatter_x, gather_out


def _mm_body(ei, ts, ir, xs_ref, w_ref, b_ref, out_ref):
    g = pl.program_id(0)

    @pl.when(ir[g] == 1)
    def _():
        e = ei[g]
        xb = xs_ref[...].astype(jnp.bfloat16)
        y = lax.dot_general(
            xb, w_ref[e],
            dimension_numbers=(((1,), (0,)), ((), ())),
            preferred_element_type=jnp.float32,
        )
        out_ref[...] = y + b_ref[e]


_grouped_matmul = pl.pallas_call(
    _mm_body,
    grid_spec=pltpu.PrefetchScalarGridSpec(
        num_scalar_prefetch=3,
        grid=(G,),
        in_specs=[
            pl.BlockSpec((T, D), lambda g, ei, ts, ir: (ts[g], 0)),
            pl.BlockSpec((E, D, P), lambda g, ei, ts, ir: (0, 0, 0)),
            pl.BlockSpec((E, 1, P), lambda g, ei, ts, ir: (0, 0, 0)),
        ],
        out_specs=pl.BlockSpec((T, P), lambda g, ei, ts, ir: (ts[g], 0)),
    ),
    out_shape=jax.ShapeDtypeStruct((XS_ROWS, P), jnp.float32),
)


def _routing_metadata(idx_w):
    eids = jnp.arange(E, dtype=jnp.int32)
    onehot = (idx_w[:, :, None] == eids[None, None, :]).astype(jnp.int32)
    counts_wc = onehot.sum(1)
    counts = counts_wc.sum(0)
    tiles_e = (counts + T - 1) // T
    tile_start = jnp.cumsum(tiles_e) - tiles_e
    starts_pad = (tile_start * T).astype(jnp.int32)
    total_tiles = jnp.sum(tiles_e)

    wbase = jnp.cumsum(counts_wc, axis=0) - counts_wc
    base_w = jnp.broadcast_to(
        (starts_pad[None, :] + wbase)[:, :, None], (NW, E, 16)).astype(jnp.int32)

    g = jnp.arange(G, dtype=jnp.int32)
    in_e = ((g[:, None] >= tile_start[None, :])
            & (g[:, None] < (tile_start + tiles_e)[None, :]))
    e_of_g = jnp.sum(in_e.astype(jnp.int32) * eids[None, :], axis=1)
    is_real = (g < total_tiles).astype(jnp.int32)
    expert_ids = jnp.where(is_real == 1, e_of_g, E - 1).astype(jnp.int32)
    tile_src = jnp.where(is_real == 1, g, total_tiles - 1).astype(jnp.int32)
    return base_w, expert_ids, tile_src, is_real


def kernel(x, block_indices, W, b):
    xf = x.reshape(N, D)
    idx_w = block_indices.reshape(NW, RPW).astype(jnp.int32)
    base_w, expert_ids, tile_src, is_real = _routing_metadata(idx_w)
    scatter_x, gather_out = _sc_kernels()
    xs, pos = scatter_x(xf, idx_w, base_w)
    ys = _grouped_matmul(expert_ids, tile_src, is_real, xs,
                         W.astype(jnp.bfloat16).transpose(0, 2, 1),
                         b.reshape(E, 1, P))
    out = gather_out(ys, pos)
    return out.reshape(B, S, P)

# --- scband reference (transcript-rebuilt; emitter-appended) ---
"""Pipeline reference for scband-blockwise-to-pixels-56882546868645 (READ-ONLY COPY).

The authoritative reference and input builder live on the scoring server;
editing this copy changes nothing except your own understanding.
"""

import jax, jax.numpy as jnp
import numpy as np

B, S, D, P, E = 4, 2048, 1024, 256, 8

def setup_inputs(seed: int = 0) -> dict:
    key = jax.random.key(seed)
    k1, k2, k3, k4 = jax.random.split(key, 4)
    x = jax.random.normal(k1, (B, S, D), dtype=jnp.float32)
    block_indices = jax.random.randint(k2, (B, S), 0, E)
    # Stacked parameters of the E per-block nn.Linear(dim, pixels_per_patch) layers:
    # torch Linear weight is [out, in] = [P, D], bias [P]
    W = jax.random.normal(k3, (E, P, D), dtype=jnp.float32) * (1.0 / np.sqrt(D))
    b = jax.random.normal(k4, (E, P), dtype=jnp.float32) * 0.01
    return {"x": x, "block_indices": block_indices, "W": W, "b": b}

def reference(x, block_indices, W, b):
    # out[t] = Linear_{block_indices[t]}(x[t]) ; dtype float32 ('32-true')
    num_blocks = W.shape[0]
    out = jnp.zeros(x.shape[:2] + (W.shape[1],), dtype=jnp.float32)
    for i in range(num_blocks):
        y = jnp.einsum('bsd,pd->bsp', x, W[i]) + b[i]
        mask = (block_indices == i)[..., None]
        out = jnp.where(mask, y, out)
    return out

if __name__ == "__main__":
    import jax
    _d = setup_inputs()
    print(jax.jit(kernel)(*tuple(_d.values())))

</pallas_src>

<mosaic_0001>
#map = affine_map<(d0, d1) -> (0, 0)>
#map1 = affine_map<(d0, d1) -> (0, 0, 0)>
module attributes {stable_mosaic.version = 14 : i64} {
  func.func @gather_out(%arg0: i32, %arg1: i32, %arg2: memref<11776x256xf32, #tpu.memory_space<hbm>>, %arg3: memref<32x8x32xi32, #tpu.memory_space<hbm>>, %arg4: memref<8192x256xf32, #tpu.memory_space<hbm>>, %arg5: memref<8x32xi32, #tpu.memory_space<vmem>>, %arg6: memref<128x256xf32, #tpu.memory_space<vmem>>, %arg7: memref<128x256xf32, #tpu.memory_space<vmem>>, %arg8: memref<!tpu.dma_semaphore, #tpu.memory_space<semaphore_mem>>, %arg9: memref<!tpu.dma_semaphore, #tpu.memory_space<semaphore_mem>>, %arg10: memref<!tpu.dma_semaphore, #tpu.memory_space<semaphore_mem>>, %arg11: memref<!tpu.dma_semaphore, #tpu.memory_space<semaphore_mem>>) attributes {dimension_semantics = [#tpu.dimension_semantics<core_parallel>, #tpu.dimension_semantics<subcore_parallel>], iteration_bounds = array<i64: 2, 16>, scalar_prefetch = 0 : i64, scratch_operands = 7 : i64, tpu.core_type = #tpu.core_type<sc_vector_subcore>, window_params = [{transform_indices = #map}, {transform_indices = #map1}, {transform_indices = #map}]} {
    %mul3A = arith.constant 2 : i32
    %mul3A_0 = arith.muli %arg1, %mul3A : i32
    %add3A = arith.addi %mul3A_0, %arg0 : i32
    %mul3A_1 = arith.constant 256 : i32
    %mul3A_2 = arith.muli %add3A, %mul3A_1 : i32
    "tpu.region"() ({
      %run_scoped3A = tpu.sem_alloc : memref<!tpu.dma_semaphore, #tpu.memory_space<semaphore_mem>>
      %dma_start3A_181 = arith.constant 0 : i32
      %dma_start3A_182 = arith.constant 0 : i32
      %dma_start3A_183 = tpu.memref_slice %arg3[%add3A, %dma_start3A_181, %dma_start3A_182] : memref<32x8x32xi32, #tpu.memory_space<hbm>> -> memref<1x8x32xi32, #tpu.memory_space<hbm>>
      %dma_start3A_184 = tpu.memref_squeeze %dma_start3A_183 : memref<1x8x32xi32, #tpu.memory_space<hbm>> -> memref<8x32xi32, #tpu.memory_space<hbm>>
      %dma_start3A_185 = arith.constant 0 : i32
      %dma_start3A_186 = arith.constant 0 : i32
      %dma_start3A_187 = tpu.memref_slice %arg3[%add3A, %dma_start3A_185, %dma_start3A_186] : memref<32x8x32xi32, #tpu.memory_space<hbm>> -> memref<1x8x32xi32, #tpu.memory_space<hbm>>
      %dma_start3A_188 = tpu.memref_squeeze %dma_start3A_187 : memref<1x8x32xi32, #tpu.memory_space<hbm>> -> memref<8x32xi32, #tpu.memory_space<hbm>>
      tpu.enqueue_dma source(%dma_start3A_188 : memref<8x32xi32, #tpu.memory_space<hbm>>) target(%arg5 : memref<8x32xi32, #tpu.memory_space<vmem>>) target_semaphore(%run_scoped3A : memref<!tpu.dma_semaphore, #tpu.memory_space<semaphore_mem>>)
      %dma_wait3A_189 = arith.constant 0 : i32
      %dma_wait3A_190 = arith.constant 0 : i32
      %dma_wait3A_191 = tpu.memref_slice %arg3[%add3A, %dma_wait3A_189, %dma_wait3A_190] : memref<32x8x32xi32, #tpu.memory_space<hbm>> -> memref<1x8x32xi32, #tpu.memory_space<hbm>>
      %dma_wait3A_192 = tpu.memref_squeeze %dma_wait3A_191 : memref<1x8x32xi32, #tpu.memory_space<hbm>> -> memref<8x32xi32, #tpu.memory_space<hbm>>
      %dma_wait3A_193 = arith.constant 0 : i32
      %dma_wait3A_194 = arith.constant 0 : i32
      %dma_wait3A_195 = tpu.memref_slice %arg3[%add3A, %dma_wait3A_193, %dma_wait3A_194] : memref<32x8x32xi32, #tpu.memory_space<hbm>> -> memref<1x8x32xi32, #tpu.memory_space<hbm>>
      %dma_wait3A_196 = tpu.memref_squeeze %dma_wait3A_195 : memref<1x8x32xi32, #tpu.memory_space<hbm>> -> memref<8x32xi32, #tpu.memory_space<hbm>>
      tpu.wait_dma2 semaphore(%run_scoped3A : memref<!tpu.dma_semaphore, #tpu.memory_space<semaphore_mem>>) src(%dma_wait3A_196 : memref<8x32xi32, #tpu.memory_space<hbm>>) dst(%arg5 : memref<8x32xi32, #tpu.memory_space<vmem>>)
      tpu.yield
    }) : () -> ()
    %dma_start3A = arith.constant 0 : i32
    %dma_start3A_3 = arith.constant 0 : i32
    %dma_start3A_4 = arith.constant 0 : i32
    %dma_start3A_5 = tpu.memref_slice %arg6[%dma_start3A_3, %dma_start3A_4] : memref<128x256xf32, #tpu.memory_space<vmem>> -> memref<32x256xf32, #tpu.memory_space<vmem>>
    %dma_start3A_6 = arith.constant 0 : i32
    %dma_start3A_7 = tpu.memref_slice %arg5[%dma_start3A, %dma_start3A_6] : memref<8x32xi32, #tpu.memory_space<vmem>> -> memref<1x32xi32, #tpu.memory_space<vmem>>
    %dma_start3A_8 = tpu.memref_squeeze %dma_start3A_7 : memref<1x32xi32, #tpu.memory_space<vmem>> -> memref<32xi32, #tpu.memory_space<vmem>>
    %dma_start3A_9 = arith.constant 0 : i32
    %dma_start3A_10 = arith.constant 0 : i32
    %dma_start3A_11 = tpu.memref_slice %arg2[%dma_start3A_9, %dma_start3A_10] : memref<11776x256xf32, #tpu.memory_space<hbm>> -> memref<11776x256xf32, #tpu.memory_space<hbm>>
    tpu.enqueue_indirect_dma source(%dma_start3A_11 : memref<11776x256xf32, #tpu.memory_space<hbm>>) target(%dma_start3A_5 : memref<32x256xf32, #tpu.memory_space<vmem>>) offsets(%dma_start3A_8 : memref<32xi32, #tpu.memory_space<vmem>>) semaphore(%arg8 : memref<!tpu.dma_semaphore, #tpu.memory_space<semaphore_mem>>)
    %dma_start3A_12 = arith.constant 1 : i32
    %dma_start3A_13 = arith.constant 32 : i32
    %dma_start3A_14 = arith.constant 0 : i32
    %dma_start3A_15 = tpu.memref_slice %arg6[%dma_start3A_13, %dma_start3A_14] : memref<128x256xf32, #tpu.memory_space<vmem>> -> memref<32x256xf32, #tpu.memory_space<vmem>>
    %dma_start3A_16 = arith.constant 0 : i32
    %dma_start3A_17 = tpu.memref_slice %arg5[%dma_start3A_12, %dma_start3A_16] : memref<8x32xi32, #tpu.memory_space<vmem>> -> memref<1x32xi32, #tpu.memory_space<vmem>>
    %dma_start3A_18 = tpu.memref_squeeze %dma_start3A_17 : memref<1x32xi32, #tpu.memory_space<vmem>> -> memref<32xi32, #tpu.memory_space<vmem>>
    %dma_start3A_19 = arith.constant 0 : i32
    %dma_start3A_20 = arith.constant 0 : i32
    %dma_start3A_21 = tpu.memref_slice %arg2[%dma_start3A_19, %dma_start3A_20] : memref<11776x256xf32, #tpu.memory_space<hbm>> -> memref<11776x256xf32, #tpu.memory_space<hbm>>
    tpu.enqueue_indirect_dma source(%dma_start3A_21 : memref<11776x256xf32, #tpu.memory_space<hbm>>) target(%dma_start3A_15 : memref<32x256xf32, #tpu.memory_space<vmem>>) offsets(%dma_start3A_18 : memref<32xi32, #tpu.memory_space<vmem>>) semaphore(%arg8 : memref<!tpu.dma_semaphore, #tpu.memory_space<semaphore_mem>>)
    %dma_start3A_22 = arith.constant 2 : i32
    %dma_start3A_23 = arith.constant 64 : i32
    %dma_start3A_24 = arith.constant 0 : i32
    %dma_start3A_25 = tpu.memref_slice %arg6[%dma_start3A_23, %dma_start3A_24] : memref<128x256xf32, #tpu.memory_space<vmem>> -> memref<32x256xf32, #tpu.memory_space<vmem>>
    %dma_start3A_26 = arith.constant 0 : i32
    %dma_start3A_27 = tpu.memref_slice %arg5[%dma_start3A_22, %dma_start3A_26] : memref<8x32xi32, #tpu.memory_space<vmem>> -> memref<1x32xi32, #tpu.memory_space<vmem>>
    %dma_start3A_28 = tpu.memref_squeeze %dma_start3A_27 : memref<1x32xi32, #tpu.memory_space<vmem>> -> memref<32xi32, #tpu.memory_space<vmem>>
    %dma_start3A_29 = arith.constant 0 : i32
    %dma_start3A_30 = arith.constant 0 : i32
    %dma_start3A_31 = tpu.memref_slice %arg2[%dma_start3A_29, %dma_start3A_30] : memref<11776x256xf32, #tpu.memory_space<hbm>> -> memref<11776x256xf32, #tpu.memory_space<hbm>>
    tpu.enqueue_indirect_dma source(%dma_start3A_31 : memref<11776x256xf32, #tpu.memory_space<hbm>>) target(%dma_start3A_25 : memref<32x256xf32, #tpu.memory_space<vmem>>) offsets(%dma_start3A_28 : memref<32xi32, #tpu.memory_space<vmem>>) semaphore(%arg8 : memref<!tpu.dma_semaphore, #tpu.memory_space<semaphore_mem>>)
    %dma_start3A_32 = arith.constant 3 : i32
    %dma_start3A_33 = arith.constant 96 : i32
    %dma_start3A_34 = arith.constant 0 : i32
    %dma_start3A_35 = tpu.memref_slice %arg6[%dma_start3A_33, %dma_start3A_34] : memref<128x256xf32, #tpu.memory_space<vmem>> -> memref<32x256xf32, #tpu.memory_space<vmem>>
    %dma_start3A_36 = arith.constant 0 : i32
    %dma_start3A_37 = tpu.memref_slice %arg5[%dma_start3A_32, %dma_start3A_36] : memref<8x32xi32, #tpu.memory_space<vmem>> -> memref<1x32xi32, #tpu.memory_space<vmem>>
    %dma_start3A_38 = tpu.memref_squeeze %dma_start3A_37 : memref<1x32xi32, #tpu.memory_space<vmem>> -> memref<32xi32, #tpu.memory_space<vmem>>
    %dma_start3A_39 = arith.constant 0 : i32
    %dma_start3A_40 = arith.constant 0 : i32
    %dma_start3A_41 = tpu.memref_slice %arg2[%dma_start3A_39, %dma_start3A_40] : memref<11776x256xf32, #tpu.memory_space<hbm>> -> memref<11776x256xf32, #tpu.memory_space<hbm>>
    tpu.enqueue_indirect_dma source(%dma_start3A_41 : memref<11776x256xf32, #tpu.memory_space<hbm>>) target(%dma_start3A_35 : memref<32x256xf32, #tpu.memory_space<vmem>>) offsets(%dma_start3A_38 : memref<32xi32, #tpu.memory_space<vmem>>) semaphore(%arg8 : memref<!tpu.dma_semaphore, #tpu.memory_space<semaphore_mem>>)
    %dma_start3A_42 = arith.constant 4 : i32
    %dma_start3A_43 = arith.constant 0 : i32
    %dma_start3A_44 = arith.constant 0 : i32
    %dma_start3A_45 = tpu.memref_slice %arg7[%dma_start3A_43, %dma_start3A_44] : memref<128x256xf32, #tpu.memory_space<vmem>> -> memref<32x256xf32, #tpu.memory_space<vmem>>
    %dma_start3A_46 = arith.constant 0 : i32
    %dma_start3A_47 = tpu.memref_slice %arg5[%dma_start3A_42, %dma_start3A_46] : memref<8x32xi32, #tpu.memory_space<vmem>> -> memref<1x32xi32, #tpu.memory_space<vmem>>
    %dma_start3A_48 = tpu.memref_squeeze %dma_start3A_47 : memref<1x32xi32, #tpu.memory_space<vmem>> -> memref<32xi32, #tpu.memory_space<vmem>>
    %dma_start3A_49 = arith.constant 0 : i32
    %dma_start3A_50 = arith.constant 0 : i32
    %dma_start3A_51 = tpu.memref_slice %arg2[%dma_start3A_49, %dma_start3A_50] : memref<11776x256xf32, #tpu.memory_space<hbm>> -> memref<11776x256xf32, #tpu.memory_space<hbm>>
    tpu.enqueue_indirect_dma source(%dma_start3A_51 : memref<11776x256xf32, #tpu.memory_space<hbm>>) target(%dma_start3A_45 : memref<32x256xf32, #tpu.memory_space<vmem>>) offsets(%dma_start3A_48 : memref<32xi32, #tpu.memory_space<vmem>>) semaphore(%arg9 : memref<!tpu.dma_semaphore, #tpu.memory_space<semaphore_mem>>)
    %dma_start3A_52 = arith.constant 5 : i32
    %dma_start3A_53 = arith.constant 32 : i32
    %dma_start3A_54 = arith.constant 0 : i32
    %dma_start3A_55 = tpu.memref_slice %arg7[%dma_start3A_53, %dma_start3A_54] : memref<128x256xf32, #tpu.memory_space<vmem>> -> memref<32x256xf32, #tpu.memory_space<vmem>>
    %dma_start3A_56 = arith.constant 0 : i32
    %dma_start3A_57 = tpu.memref_slice %arg5[%dma_start3A_52, %dma_start3A_56] : memref<8x32xi32, #tpu.memory_space<vmem>> -> memref<1x32xi32, #tpu.memory_space<vmem>>
    %dma_start3A_58 = tpu.memref_squeeze %dma_start3A_57 : memref<1x32xi32, #tpu.memory_space<vmem>> -> memref<32xi32, #tpu.memory_space<vmem>>
    %dma_start3A_59 = arith.constant 0 : i32
    %dma_start3A_60 = arith.constant 0 : i32
    %dma_start3A_61 = tpu.memref_slice %arg2[%dma_start3A_59, %dma_start3A_60] : memref<11776x256xf32, #tpu.memory_space<hbm>> -> memref<11776x256xf32, #tpu.memory_space<hbm>>
    tpu.enqueue_indirect_dma source(%dma_start3A_61 : memref<11776x256xf32, #tpu.memory_space<hbm>>) target(%dma_start3A_55 : memref<32x256xf32, #tpu.memory_space<vmem>>) offsets(%dma_start3A_58 : memref<32xi32, #tpu.memory_space<vmem>>) semaphore(%arg9 : memref<!tpu.dma_semaphore, #tpu.memory_space<semaphore_mem>>)
    %dma_start3A_62 = arith.constant 6 : i32
    %dma_start3A_63 = arith.constant 64 : i32
    %dma_start3A_64 = arith.constant 0 : i32
    %dma_start3A_65 = tpu.memref_slice %arg7[%dma_start3A_63, %dma_start3A_64] : memref<128x256xf32, #tpu.memory_space<vmem>> -> memref<32x256xf32, #tpu.memory_space<vmem>>
    %dma_start3A_66 = arith.constant 0 : i32
    %dma_start3A_67 = tpu.memref_slice %arg5[%dma_start3A_62, %dma_start3A_66] : memref<8x32xi32, #tpu.memory_space<vmem>> -> memref<1x32xi32, #tpu.memory_space<vmem>>
    %dma_start3A_68 = tpu.memref_squeeze %dma_start3A_67 : memref<1x32xi32, #tpu.memory_space<vmem>> -> memref<32xi32, #tpu.memory_space<vmem>>
    %dma_start3A_69 = arith.constant 0 : i32
    %dma_start3A_70 = arith.constant 0 : i32
    %dma_start3A_71 = tpu.memref_slice %arg2[%dma_start3A_69, %dma_start3A_70] : memref<11776x256xf32, #tpu.memory_space<hbm>> -> memref<11776x256xf32, #tpu.memory_space<hbm>>
    tpu.enqueue_indirect_dma source(%dma_start3A_71 : memref<11776x256xf32, #tpu.memory_space<hbm>>) target(%dma_start3A_65 : memref<32x256xf32, #tpu.memory_space<vmem>>) offsets(%dma_start3A_68 : memref<32xi32, #tpu.memory_space<vmem>>) semaphore(%arg9 : memref<!tpu.dma_semaphore, #tpu.memory_space<semaphore_mem>>)
    %dma_start3A_72 = arith.constant 7 : i32
    %dma_start3A_73 = arith.constant 96 : i32
    %dma_start3A_74 = arith.constant 0 : i32
    %dma_start3A_75 = tpu.memref_slice %arg7[%dma_start3A_73, %dma_start3A_74] : memref<128x256xf32, #tpu.memory_space<vmem>> -> memref<32x256xf32, #tpu.memory_space<vmem>>
    %dma_start3A_76 = arith.constant 0 : i32
    %dma_start3A_77 = tpu.memref_slice %arg5[%dma_start3A_72, %dma_start3A_76] : memref<8x32xi32, #tpu.memory_space<vmem>> -> memref<1x32xi32, #tpu.memory_space<vmem>>
    %dma_start3A_78 = tpu.memref_squeeze %dma_start3A_77 : memref<1x32xi32, #tpu.memory_space<vmem>> -> memref<32xi32, #tpu.memory_space<vmem>>
    %dma_start3A_79 = arith.constant 0 : i32
    %dma_start3A_80 = arith.constant 0 : i32
    %dma_start3A_81 = tpu.memref_slice %arg2[%dma_start3A_79, %dma_start3A_80] : memref<11776x256xf32, #tpu.memory_space<hbm>> -> memref<11776x256xf32, #tpu.memory_space<hbm>>
    tpu.enqueue_indirect_dma source(%dma_start3A_81 : memref<11776x256xf32, #tpu.memory_space<hbm>>) target(%dma_start3A_75 : memref<32x256xf32, #tpu.memory_space<vmem>>) offsets(%dma_start3A_78 : memref<32xi32, #tpu.memory_space<vmem>>) semaphore(%arg9 : memref<!tpu.dma_semaphore, #tpu.memory_space<semaphore_mem>>)
    %dma_wait3A = arith.constant 0 : i32
    %dma_wait3A_82 = arith.constant 0 : i32
    %dma_wait3A_83 = arith.constant 0 : i32
    %dma_wait3A_84 = tpu.memref_slice %arg6[%dma_wait3A_82, %dma_wait3A_83] : memref<128x256xf32, #tpu.memory_space<vmem>> -> memref<32x256xf32, #tpu.memory_space<vmem>>
    %dma_wait3A_85 = arith.constant 0 : i32
    %dma_wait3A_86 = tpu.memref_slice %arg5[%dma_wait3A, %dma_wait3A_85] : memref<8x32xi32, #tpu.memory_space<vmem>> -> memref<1x32xi32, #tpu.memory_space<vmem>>
    %dma_wait3A_87 = tpu.memref_squeeze %dma_wait3A_86 : memref<1x32xi32, #tpu.memory_space<vmem>> -> memref<32xi32, #tpu.memory_space<vmem>>
    %dma_wait3A_88 = arith.constant 0 : i32
    %dma_wait3A_89 = arith.constant 0 : i32
    %dma_wait3A_90 = tpu.memref_slice %arg2[%dma_wait3A_88, %dma_wait3A_89] : memref<11776x256xf32, #tpu.memory_space<hbm>> -> memref<11776x256xf32, #tpu.memory_space<hbm>>
    tpu.wait_indirect_dma semaphore(%arg8 : memref<!tpu.dma_semaphore, #tpu.memory_space<semaphore_mem>>) src(%dma_wait3A_90 : memref<11776x256xf32, #tpu.memory_space<hbm>>) dst(%dma_wait3A_84 : memref<32x256xf32, #tpu.memory_space<vmem>>)
    %dma_wait3A_91 = arith.constant 1 : i32
    %dma_wait3A_92 = arith.constant 32 : i32
    %dma_wait3A_93 = arith.constant 0 : i32
    %dma_wait3A_94 = tpu.memref_slice %arg6[%dma_wait3A_92, %dma_wait3A_93] : memref<128x256xf32, #tpu.memory_space<vmem>> -> memref<32x256xf32, #tpu.memory_space<vmem>>
    %dma_wait3A_95 = arith.constant 0 : i32
    %dma_wait3A_96 = tpu.memref_slice %arg5[%dma_wait3A_91, %dma_wait3A_95] : memref<8x32xi32, #tpu.memory_space<vmem>> -> memref<1x32xi32, #tpu.memory_space<vmem>>
    %dma_wait3A_97 = tpu.memref_squeeze %dma_wait3A_96 : memref<1x32xi32, #tpu.memory_space<vmem>> -> memref<32xi32, #tpu.memory_space<vmem>>
    %dma_wait3A_98 = arith.constant 0 : i32
    %dma_wait3A_99 = arith.constant 0 : i32
    %dma_wait3A_100 = tpu.memref_slice %arg2[%dma_wait3A_98, %dma_wait3A_99] : memref<11776x256xf32, #tpu.memory_space<hbm>> -> memref<11776x256xf32, #tpu.memory_space<hbm>>
    tpu.wait_indirect_dma semaphore(%arg8 : memref<!tpu.dma_semaphore, #tpu.memory_space<semaphore_mem>>) src(%dma_wait3A_100 : memref<11776x256xf32, #tpu.memory_space<hbm>>) dst(%dma_wait3A_94 : memref<32x256xf32, #tpu.memory_space<vmem>>)
    %dma_wait3A_101 = arith.constant 2 : i32
    %dma_wait3A_102 = arith.constant 64 : i32
    %dma_wait3A_103 = arith.constant 0 : i32
    %dma_wait3A_104 = tpu.memref_slice %arg6[%dma_wait3A_102, %dma_wait3A_103] : memref<128x256xf32, #tpu.memory_space<vmem>> -> memref<32x256xf32, #tpu.memory_space<vmem>>
    %dma_wait3A_105 = arith.constant 0 : i32
    %dma_wait3A_106 = tpu.memref_slice %arg5[%dma_wait3A_101, %dma_wait3A_105] : memref<8x32xi32, #tpu.memory_space<vmem>> -> memref<1x32xi32, #tpu.memory_space<vmem>>
    %dma_wait3A_107 = tpu.memref_squeeze %dma_wait3A_106 : memref<1x32xi32, #tpu.memory_space<vmem>> -> memref<32xi32, #tpu.memory_space<vmem>>
    %dma_wait3A_108 = arith.constant 0 : i32
    %dma_wait3A_109 = arith.constant 0 : i32
    %dma_wait3A_110 = tpu.memref_slice %arg2[%dma_wait3A_108, %dma_wait3A_109] : memref<11776x256xf32, #tpu.memory_space<hbm>> -> memref<11776x256xf32, #tpu.memory_space<hbm>>
    tpu.wait_indirect_dma semaphore(%arg8 : memref<!tpu.dma_semaphore, #tpu.memory_space<semaphore_mem>>) src(%dma_wait3A_110 : memref<11776x256xf32, #tpu.memory_space<hbm>>) dst(%dma_wait3A_104 : memref<32x256xf32, #tpu.memory_space<vmem>>)
    %dma_wait3A_111 = arith.constant 3 : i32
    %dma_wait3A_112 = arith.constant 96 : i32
    %dma_wait3A_113 = arith.constant 0 : i32
    %dma_wait3A_114 = tpu.memref_slice %arg6[%dma_wait3A_112, %dma_wait3A_113] : memref<128x256xf32, #tpu.memory_space<vmem>> -> memref<32x256xf32, #tpu.memory_space<vmem>>
    %dma_wait3A_115 = arith.constant 0 : i32
    %dma_wait3A_116 = tpu.memref_slice %arg5[%dma_wait3A_111, %dma_wait3A_115] : memref<8x32xi32, #tpu.memory_space<vmem>> -> memref<1x32xi32, #tpu.memory_space<vmem>>
    %dma_wait3A_117 = tpu.memref_squeeze %dma_wait3A_116 : memref<1x32xi32, #tpu.memory_space<vmem>> -> memref<32xi32, #tpu.memory_space<vmem>>
    %dma_wait3A_118 = arith.constant 0 : i32
    %dma_wait3A_119 = arith.constant 0 : i32
    %dma_wait3A_120 = tpu.memref_slice %arg2[%dma_wait3A_118, %dma_wait3A_119] : memref<11776x256xf32, #tpu.memory_space<hbm>> -> memref<11776x256xf32, #tpu.memory_space<hbm>>
    tpu.wait_indirect_dma semaphore(%arg8 : memref<!tpu.dma_semaphore, #tpu.memory_space<semaphore_mem>>) src(%dma_wait3A_120 : memref<11776x256xf32, #tpu.memory_space<hbm>>) dst(%dma_wait3A_114 : memref<32x256xf32, #tpu.memory_space<vmem>>)
    %add3A_121 = arith.constant 0 : i32
    %add3A_122 = arith.addi %mul3A_2, %add3A_121 : i32
    %dma_start3A_123 = arith.constant 0 : i32
    %dma_start3A_124 = tpu.memref_slice %arg4[%add3A_122, %dma_start3A_123] : memref<8192x256xf32, #tpu.memory_space<hbm>> -> memref<128x256xf32, #tpu.memory_space<hbm>>
    %dma_start3A_125 = arith.constant 0 : i32
    %dma_start3A_126 = tpu.memref_slice %arg4[%add3A_122, %dma_start3A_125] : memref<8192x256xf32, #tpu.memory_space<hbm>> -> memref<128x256xf32, #tpu.memory_space<hbm>>
    tpu.enqueue_dma source(%arg6 : memref<128x256xf32, #tpu.memory_space<vmem>>) target(%dma_start3A_126 : memref<128x256xf32, #tpu.memory_space<hbm>>) target_semaphore(%arg10 : memref<!tpu.dma_semaphore, #tpu.memory_space<semaphore_mem>>)
    %dma_wait3A_127 = arith.constant 4 : i32
    %dma_wait3A_128 = arith.constant 0 : i32
    %dma_wait3A_129 = arith.constant 0 : i32
    %dma_wait3A_130 = tpu.memref_slice %arg7[%dma_wait3A_128, %dma_wait3A_129] : memref<128x256xf32, #tpu.memory_space<vmem>> -> memref<32x256xf32, #tpu.memory_space<vmem>>
    %dma_wait3A_131 = arith.constant 0 : i32
    %dma_wait3A_132 = tpu.memref_slice %arg5[%dma_wait3A_127, %dma_wait3A_131] : memref<8x32xi32, #tpu.memory_space<vmem>> -> memref<1x32xi32, #tpu.memory_space<vmem>>
    %dma_wait3A_133 = tpu.memref_squeeze %dma_wait3A_132 : memref<1x32xi32, #tpu.memory_space<vmem>> -> memref<32xi32, #tpu.memory_space<vmem>>
    %dma_wait3A_134 = arith.constant 0 : i32
    %dma_wait3A_135 = arith.constant 0 : i32
    %dma_wait3A_136 = tpu.memref_slice %arg2[%dma_wait3A_134, %dma_wait3A_135] : memref<11776x256xf32, #tpu.memory_space<hbm>> -> memref<11776x256xf32, #tpu.memory_space<hbm>>
    tpu.wait_indirect_dma semaphore(%arg9 : memref<!tpu.dma_semaphore, #tpu.memory_space<semaphore_mem>>) src(%dma_wait3A_136 : memref<11776x256xf32, #tpu.memory_space<hbm>>) dst(%dma_wait3A_130 : memref<32x256xf32, #tpu.memory_space<vmem>>)
    %dma_wait3A_137 = arith.constant 5 : i32
    %dma_wait3A_138 = arith.constant 32 : i32
    %dma_wait3A_139 = arith.constant 0 : i32
    %dma_wait3A_140 = tpu.memref_slice %arg7[%dma_wait3A_138, %dma_wait3A_139] : memref<128x256xf32, #tpu.memory_space<vmem>> -> memref<32x256xf32, #tpu.memory_space<vmem>>
    %dma_wait3A_141 = arith.constant 0 : i32
    %dma_wait3A_142 = tpu.memref_slice %arg5[%dma_wait3A_137, %dma_wait3A_141] : memref<8x32xi32, #tpu.memory_space<vmem>> -> memref<1x32xi32, #tpu.memory_space<vmem>>
    %dma_wait3A_143 = tpu.memref_squeeze %dma_wait3A_142 : memref<1x32xi32, #tpu.memory_space<vmem>> -> memref<32xi32, #tpu.memory_space<vmem>>
    %dma_wait3A_144 = arith.constant 0 : i32
    %dma_wait3A_145 = arith.constant 0 : i32
    %dma_wait3A_146 = tpu.memref_slice %arg2[%dma_wait3A_144, %dma_wait3A_145] : memref<11776x256xf32, #tpu.memory_space<hbm>> -> memref<11776x256xf32, #tpu.memory_space<hbm>>
    tpu.wait_indirect_dma semaphore(%arg9 : memref<!tpu.dma_semaphore, #tpu.memory_space<semaphore_mem>>) src(%dma_wait3A_146 : memref<11776x256xf32, #tpu.memory_space<hbm>>) dst(%dma_wait3A_140 : memref<32x256xf32, #tpu.memory_space<vmem>>)
    %dma_wait3A_147 = arith.constant 6 : i32
    %dma_wait3A_148 = arith.constant 64 : i32
    %dma_wait3A_149 = arith.constant 0 : i32
    %dma_wait3A_150 = tpu.memref_slice %arg7[%dma_wait3A_148, %dma_wait3A_149] : memref<128x256xf32, #tpu.memory_space<vmem>> -> memref<32x256xf32, #tpu.memory_space<vmem>>
    %dma_wait3A_151 = arith.constant 0 : i32
    %dma_wait3A_152 = tpu.memref_slice %arg5[%dma_wait3A_147, %dma_wait3A_151] : memref<8x32xi32, #tpu.memory_space<vmem>> -> memref<1x32xi32, #tpu.memory_space<vmem>>
    %dma_wait3A_153 = tpu.memref_squeeze %dma_wait3A_152 : memref<1x32xi32, #tpu.memory_space<vmem>> -> memref<32xi32, #tpu.memory_space<vmem>>
    %dma_wait3A_154 = arith.constant 0 : i32
    %dma_wait3A_155 = arith.constant 0 : i32
    %dma_wait3A_156 = tpu.memref_slice %arg2[%dma_wait3A_154, %dma_wait3A_155] : memref<11776x256xf32, #tpu.memory_space<hbm>> -> memref<11776x256xf32, #tpu.memory_space<hbm>>
    tpu.wait_indirect_dma semaphore(%arg9 : memref<!tpu.dma_semaphore, #tpu.memory_space<semaphore_mem>>) src(%dma_wait3A_156 : memref<11776x256xf32, #tpu.memory_space<hbm>>) dst(%dma_wait3A_150 : memref<32x256xf32, #tpu.memory_space<vmem>>)
    %dma_wait3A_157 = arith.constant 7 : i32
    %dma_wait3A_158 = arith.constant 96 : i32
    %dma_wait3A_159 = arith.constant 0 : i32
    %dma_wait3A_160 = tpu.memref_slice %arg7[%dma_wait3A_158, %dma_wait3A_159] : memref<128x256xf32, #tpu.memory_space<vmem>> -> memref<32x256xf32, #tpu.memory_space<vmem>>
    %dma_wait3A_161 = arith.constant 0 : i32
    %dma_wait3A_162 = tpu.memref_slice %arg5[%dma_wait3A_157, %dma_wait3A_161] : memref<8x32xi32, #tpu.memory_space<vmem>> -> memref<1x32xi32, #tpu.memory_space<vmem>>
    %dma_wait3A_163 = tpu.memref_squeeze %dma_wait3A_162 : memref<1x32xi32, #tpu.memory_space<vmem>> -> memref<32xi32, #tpu.memory_space<vmem>>
    %dma_wait3A_164 = arith.constant 0 : i32
    %dma_wait3A_165 = arith.constant 0 : i32
    %dma_wait3A_166 = tpu.memref_slice %arg2[%dma_wait3A_164, %dma_wait3A_165] : memref<11776x256xf32, #tpu.memory_space<hbm>> -> memref<11776x256xf32, #tpu.memory_space<hbm>>
    tpu.wait_indirect_dma semaphore(%arg9 : memref<!tpu.dma_semaphore, #tpu.memory_space<semaphore_mem>>) src(%dma_wait3A_166 : memref<11776x256xf32, #tpu.memory_space<hbm>>) dst(%dma_wait3A_160 : memref<32x256xf32, #tpu.memory_space<vmem>>)
    %add3A_167 = arith.constant 128 : i32
    %add3A_168 = arith.addi %mul3A_2, %add3A_167 : i32
    %dma_start3A_169 = arith.constant 0 : i32
    %dma_start3A_170 = tpu.memref_slice %arg4[%add3A_168, %dma_start3A_169] : memref<8192x256xf32, #tpu.memory_space<hbm>> -> memref<128x256xf32, #tpu.memory_space<hbm>>
    %dma_start3A_171 = arith.constant 0 : i32
    %dma_start3A_172 = tpu.memref_slice %arg4[%add3A_168, %dma_start3A_171] : memref<8192x256xf32, #tpu.memory_space<hbm>> -> memref<128x256xf32, #tpu.memory_space<hbm>>
    tpu.enqueue_dma source(%arg7 : memref<128x256xf32, #tpu.memory_space<vmem>>) target(%dma_start3A_172 : memref<128x256xf32, #tpu.memory_space<hbm>>) target_semaphore(%arg11 : memref<!tpu.dma_semaphore, #tpu.memory_space<semaphore_mem>>)
    %dma_wait3A_173 = arith.constant 0 : i32
    %dma_wait3A_174 = tpu.memref_slice %arg4[%add3A_122, %dma_wait3A_173] : memref<8192x256xf32, #tpu.memory_space<hbm>> -> memref<128x256xf32, #tpu.memory_space<hbm>>
    %dma_wait3A_175 = arith.constant 0 : i32
    %dma_wait3A_176 = tpu.memref_slice %arg4[%add3A_122, %dma_wait3A_175] : memref<8192x256xf32, #tpu.memory_space<hbm>> -> memref<128x256xf32, #tpu.memory_space<hbm>>
    tpu.wait_dma2 semaphore(%arg10 : memref<!tpu.dma_semaphore, #tpu.memory_space<semaphore_mem>>) src(%arg6 : memref<128x256xf32, #tpu.memory_space<vmem>>) dst(%dma_wait3A_176 : memref<128x256xf32, #tpu.memory_space<hbm>>)
    %dma_wait3A_177 = arith.constant 0 : i32
    %dma_wait3A_178 = tpu.memref_slice %arg4[%add3A_168, %dma_wait3A_177] : memref<8192x256xf32, #tpu.memory_space<hbm>> -> memref<128x256xf32, #tpu.memory_space<hbm>>
    %dma_wait3A_179 = arith.constant 0 : i32
    %dma_wait3A_180 = tpu.memref_slice %arg4[%add3A_168, %dma_wait3A_179] : memref<8192x256xf32, #tpu.memory_space<hbm>> -> memref<128x256xf32, #tpu.memory_space<hbm>>
    tpu.wait_dma2 semaphore(%arg11 : memref<!tpu.dma_semaphore, #tpu.memory_space<semaphore_mem>>) src(%arg7 : memref<128x256xf32, #tpu.memory_space<vmem>>) dst(%dma_wait3A_180 : memref<128x256xf32, #tpu.memory_space<hbm>>)
    return
  }
}

#map = affine_map<(d0, d1) -> (0, 0)>
#map1 = affine_map<(d0, d1) -> (0, 0, 0)>
module attributes {stable_mosaic.version = 14 : i64} {
  func.func @scatter_x(%arg0: i32, %arg1: i32, %arg2: memref<8192x1024xf32, #tpu.memory_space<hbm>>, %arg3: memref<32x256xi32, #tpu.memory_space<hbm>>, %arg4: memref<32x8x16xi32, #tpu.memory_space<hbm>>, %arg5: memref<11776x1024xf32, #tpu.memory_space<hbm>>, %arg6: memref<32x8x32xi32, #tpu.memory_space<hbm>>, %arg7: memref<256xi32, #tpu.memory_space<vmem>>, %arg8: memref<8x16xi32, #tpu.memory_space<vmem>>, %arg9: memref<8x32xi32, #tpu.memory_space<vmem>>, %arg10: memref<32x1024xf32, #tpu.memory_space<vmem>>, %arg11: memref<32x1024xf32, #tpu.memory_space<vmem>>, %arg12: memref<32x1024xf32, #tpu.memory_space<vmem>>, %arg13: memref<!tpu.dma_semaphore, #tpu.memory_space<semaphore_mem>>, %arg14: memref<!tpu.dma_semaphore, #tpu.memory_space<semaphore_mem>>, %arg15: memref<!tpu.dma_semaphore, #tpu.memory_space<semaphore_mem>>, %arg16: memref<!tpu.dma_semaphore, #tpu.memory_space<semaphore_mem>>, %arg17: memref<!tpu.dma_semaphore, #tpu.memory_space<semaphore_mem>>, %arg18: memref<!tpu.dma_semaphore, #tpu.memory_space<semaphore_mem>>, %arg19: memref<!tpu.dma_semaphore, #tpu.memory_space<semaphore_mem>>) attributes {dimension_semantics = [#tpu.dimension_semantics<core_parallel>, #tpu.dimension_semantics<subcore_parallel>], iteration_bounds = array<i64: 2, 16>, scalar_prefetch = 0 : i64, scratch_operands = 13 : i64, tpu.core_type = #tpu.core_type<sc_vector_subcore>, window_params = [{transform_indices = #map}, {transform_indices = #map}, {transform_indices = #map1}, {transform_indices = #map}, {transform_indices = #map1}]} {
    %mul3A = arith.constant 2 : i32
    %mul3A_0 = arith.muli %arg1, %mul3A : i32
    %add3A = arith.addi %mul3A_0, %arg0 : i32
    %mul3A_1 = arith.constant 256 : i32
    %mul3A_2 = arith.muli %add3A, %mul3A_1 : i32
    %add3A_3 = arith.constant 0 : i32
    %add3A_4 = arith.addi %mul3A_2, %add3A_3 : i32
    %dma_start3A = arith.constant 0 : i32
    %dma_start3A_5 = tpu.memref_slice %arg2[%add3A_4, %dma_start3A] : memref<8192x1024xf32, #tpu.memory_space<hbm>> -> memref<32x1024xf32, #tpu.memory_space<hbm>>
    %dma_start3A_6 = arith.constant 0 : i32
    %dma_start3A_7 = tpu.memref_slice %arg2[%add3A_4, %dma_start3A_6] : memref<8192x1024xf32, #tpu.memory_space<hbm>> -> memref<32x1024xf32, #tpu.memory_space<hbm>>
    tpu.enqueue_dma source(%dma_start3A_7 : memref<32x1024xf32, #tpu.memory_space<hbm>>) target(%arg10 : memref<32x1024xf32, #tpu.memory_space<vmem>>) target_semaphore(%arg13 : memref<!tpu.dma_semaphore, #tpu.memory_space<semaphore_mem>>)
    %add3A_8 = arith.constant 32 : i32
    %add3A_9 = arith.addi %mul3A_2, %add3A_8 : i32
    %dma_start3A_10 = arith.constant 0 : i32
    %dma_start3A_11 = tpu.memref_slice %arg2[%add3A_9, %dma_start3A_10] : memref<8192x1024xf32, #tpu.memory_space<hbm>> -> memref<32x1024xf32, #tpu.memory_space<hbm>>
    %dma_start3A_12 = arith.constant 0 : i32
    %dma_start3A_13 = tpu.memref_slice %arg2[%add3A_9, %dma_start3A_12] : memref<8192x1024xf32, #tpu.memory_space<hbm>> -> memref<32x1024xf32, #tpu.memory_space<hbm>>
    tpu.enqueue_dma source(%dma_start3A_13 : memref<32x1024xf32, #tpu.memory_space<hbm>>) target(%arg11 : memref<32x1024xf32, #tpu.memory_space<vmem>>) target_semaphore(%arg14 : memref<!tpu.dma_semaphore, #tpu.memory_space<semaphore_mem>>)
    %add3A_14 = arith.constant 64 : i32
    %add3A_15 = arith.addi %mul3A_2, %add3A_14 : i32
    %dma_start3A_16 = arith.constant 0 : i32
    %dma_start3A_17 = tpu.memref_slice %arg2[%add3A_15, %dma_start3A_16] : memref<8192x1024xf32, #tpu.memory_space<hbm>> -> memref<32x1024xf32, #tpu.memory_space<hbm>>
    %dma_start3A_18 = arith.constant 0 : i32
    %dma_start3A_19 = tpu.memref_slice %arg2[%add3A_15, %dma_start3A_18] : memref<8192x1024xf32, #tpu.memory_space<hbm>> -> memref<32x1024xf32, #tpu.memory_space<hbm>>
    tpu.enqueue_dma source(%dma_start3A_19 : memref<32x1024xf32, #tpu.memory_space<hbm>>) target(%arg12 : memref<32x1024xf32, #tpu.memory_space<vmem>>) target_semaphore(%arg15 : memref<!tpu.dma_semaphore, #tpu.memory_space<semaphore_mem>>)
    "tpu.region"() ({
      %run_scoped3A = tpu.sem_alloc : memref<!tpu.dma_semaphore, #tpu.memory_space<semaphore_mem>>
      %dma_start3A_3018 = arith.constant 0 : i32
      %dma_start3A_3019 = tpu.memref_slice %arg3[%add3A, %dma_start3A_3018] : memref<32x256xi32, #tpu.memory_space<hbm>> -> memref<1x256xi32, #tpu.memory_space<hbm>>
      %dma_start3A_3020 = tpu.memref_squeeze %dma_start3A_3019 : memref<1x256xi32, #tpu.memory_space<hbm>> -> memref<256xi32, #tpu.memory_space<hbm>>
      %dma_start3A_3021 = arith.constant 0 : i32
      %dma_start3A_3022 = tpu.memref_slice %arg3[%add3A, %dma_start3A_3021] : memref<32x256xi32, #tpu.memory_space<hbm>> -> memref<1x256xi32, #tpu.memory_space<hbm>>
      %dma_start3A_3023 = tpu.memref_squeeze %dma_start3A_3022 : memref<1x256xi32, #tpu.memory_space<hbm>> -> memref<256xi32, #tpu.memory_space<hbm>>
      tpu.enqueue_dma source(%dma_start3A_3023 : memref<256xi32, #tpu.memory_space<hbm>>) target(%arg7 : memref<256xi32, #tpu.memory_space<vmem>>) target_semaphore(%run_scoped3A : memref<!tpu.dma_semaphore, #tpu.memory_space<semaphore_mem>>)
      %dma_wait3A_3024 = arith.constant 0 : i32
      %dma_wait3A_3025 = tpu.memref_slice %arg3[%add3A, %dma_wait3A_3024] : memref<32x256xi32, #tpu.memory_space<hbm>> -> memref<1x256xi32, #tpu.memory_space<hbm>>
      %dma_wait3A_3026 = tpu.memref_squeeze %dma_wait3A_3025 : memref<1x256xi32, #tpu.memory_space<hbm>> -> memref<256xi32, #tpu.memory_space<hbm>>
      %dma_wait3A_3027 = arith.constant 0 : i32
      %dma_wait3A_3028 = tpu.memref_slice %arg3[%add3A, %dma_wait3A_3027] : memref<32x256xi32, #tpu.memory_space<hbm>> -> memref<1x256xi32, #tpu.memory_space<hbm>>
      %dma_wait3A_3029 = tpu.memref_squeeze %dma_wait3A_3028 : memref<1x256xi32, #tpu.memory_space<hbm>> -> memref<256xi32, #tpu.memory_space<hbm>>
      tpu.wait_dma2 semaphore(%run_scoped3A : memref<!tpu.dma_semaphore, #tpu.memory_space<semaphore_mem>>) src(%dma_wait3A_3029 : memref<256xi32, #tpu.memory_space<hbm>>) dst(%arg7 : memref<256xi32, #tpu.memory_space<vmem>>)
      tpu.yield
    }) : () -> ()
    "tpu.region"() ({
      %run_scoped3A = tpu.sem_alloc : memref<!tpu.dma_semaphore, #tpu.memory_space<semaphore_mem>>
      %dma_start3A_3018 = arith.constant 0 : i32
      %dma_start3A_3019 = arith.constant 0 : i32
      %dma_start3A_3020 = tpu.memref_slice %arg4[%add3A, %dma_start3A_3018, %dma_start3A_3019] : memref<32x8x16xi32, #tpu.memory_space<hbm>> -> memref<1x8x16xi32, #tpu.memory_space<hbm>>
      %dma_start3A_3021 = tpu.memref_squeeze %dma_start3A_3020 : memref<1x8x16xi32, #tpu.memory_space<hbm>> -> memref<8x16xi32, #tpu.memory_space<hbm>>
      %dma_start3A_3022 = arith.constant 0 : i32
      %dma_start3A_3023 = arith.constant 0 : i32
      %dma_start3A_3024 = tpu.memref_slice %arg4[%add3A, %dma_start3A_3022, %dma_start3A_3023] : memref<32x8x16xi32, #tpu.memory_space<hbm>> -> memref<1x8x16xi32, #tpu.memory_space<hbm>>
      %dma_start3A_3025 = tpu.memref_squeeze %dma_start3A_3024 : memref<1x8x16xi32, #tpu.memory_space<hbm>> -> memref<8x16xi32, #tpu.memory_space<hbm>>
      tpu.enqueue_dma source(%dma_start3A_3025 : memref<8x16xi32, #tpu.memory_space<hbm>>) target(%arg8 : memref<8x16xi32, #tpu.memory_space<vmem>>) target_semaphore(%run_scoped3A : memref<!tpu.dma_semaphore, #tpu.memory_space<semaphore_mem>>)
      %dma_wait3A_3026 = arith.constant 0 : i32
      %dma_wait3A_3027 = arith.constant 0 : i32
      %dma_wait3A_3028 = tpu.memref_slice %arg4[%add3A, %dma_wait3A_3026, %dma_wait3A_3027] : memref<32x8x16xi32, #tpu.memory_space<hbm>> -> memref<1x8x16xi32, #tpu.memory_space<hbm>>
      %dma_wait3A_3029 = tpu.memref_squeeze %dma_wait3A_3028 : memref<1x8x16xi32, #tpu.memory_space<hbm>> -> memref<8x16xi32, #tpu.memory_space<hbm>>
      %dma_wait3A_3030 = arith.constant 0 : i32
      %dma_wait3A_3031 = arith.constant 0 : i32
      %dma_wait3A_3032 = tpu.memref_slice %arg4[%add3A, %dma_wait3A_3030, %dma_wait3A_3031] : memref<32x8x16xi32, #tpu.memory_space<hbm>> -> memref<1x8x16xi32, #tpu.memory_space<hbm>>
      %dma_wait3A_3033 = tpu.memref_squeeze %dma_wait3A_3032 : memref<1x8x16xi32, #tpu.memory_space<hbm>> -> memref<8x16xi32, #tpu.memory_space<hbm>>
      tpu.wait_dma2 semaphore(%run_scoped3A : memref<!tpu.dma_semaphore, #tpu.memory_space<semaphore_mem>>) src(%dma_wait3A_3033 : memref<8x16xi32, #tpu.memory_space<hbm>>) dst(%arg8 : memref<8x16xi32, #tpu.memory_space<vmem>>)
      tpu.yield
    }) : () -> ()
    %broadcast_in_dim3A = arith.constant 0 : i32
    %broadcast_in_dim3A_20 = vector.broadcast %broadcast_in_dim3A : i32 to vector<16xi32>
    %get3A = arith.constant 0 : i32
    %get3A_21 = arith.index_cast %get3A : i32 to index
    %get3A_22 = arith.constant 0 : index
    %get3A_23 = tpu.vector_load %arg8[%get3A_21, %get3A_22] {strides = array<i32>} : memref<8x16xi32, #tpu.memory_space<vmem>>, vector<16xi32>,
    %get3A_24 = arith.constant 1 : i32
    %get3A_25 = arith.index_cast %get3A_24 : i32 to index
    %get3A_26 = arith.constant 0 : index
    %get3A_27 = tpu.vector_load %arg8[%get3A_25, %get3A_26] {strides = array<i32>} : memref<8x16xi32, #tpu.memory_space<vmem>>, vector<16xi32>,
    %get3A_28 = arith.constant 2 : i32
    %get3A_29 = arith.index_cast %get3A_28 : i32 to index
    %get3A_30 = arith.constant 0 : index
    %get3A_31 = tpu.vector_load %arg8[%get3A_29, %get3A_30] {strides = array<i32>} : memref<8x16xi32, #tpu.memory_space<vmem>>, vector<16xi32>,
    %get3A_32 = arith.constant 3 : i32
    %get3A_33 = arith.index_cast %get3A_32 : i32 to index
    %get3A_34 = arith.constant 0 : index
    %get3A_35 = tpu.vector_load %arg8[%get3A_33, %get3A_34] {strides = array<i32>} : memref<8x16xi32, #tpu.memory_space<vmem>>, vector<16xi32>,
    %get3A_36 = arith.constant 4 : i32
    %get3A_37 = arith.index_cast %get3A_36 : i32 to index
    %get3A_38 = arith.constant 0 : index
    %get3A_39 = tpu.vector_load %arg8[%get3A_37, %get3A_38] {strides = array<i32>} : memref<8x16xi32, #tpu.memory_space<vmem>>, vector<16xi32>,
    %get3A_40 = arith.constant 5 : i32
    %get3A_41 = arith.index_cast %get3A_40 : i32 to index
    %get3A_42 = arith.constant 0 : index
    %get3A_43 = tpu.vector_load %arg8[%get3A_41, %get3A_42] {strides = array<i32>} : memref<8x16xi32, #tpu.memory_space<vmem>>, vector<16xi32>,
    %get3A_44 = arith.constant 6 : i32
    %get3A_45 = arith.index_cast %get3A_44 : i32 to index
    %get3A_46 = arith.constant 0 : index
    %get3A_47 = tpu.vector_load %arg8[%get3A_45, %get3A_46] {strides = array<i32>} : memref<8x16xi32, #tpu.memory_space<vmem>>, vector<16xi32>,
    %get3A_48 = arith.constant 7 : i32
    %get3A_49 = arith.index_cast %get3A_48 : i32 to index
    %get3A_50 = arith.constant 0 : index
    %get3A_51 = tpu.vector_load %arg8[%get3A_49, %get3A_50] {strides = array<i32>} : memref<8x16xi32, #tpu.memory_space<vmem>>, vector<16xi32>,
    %get3A_52 = arith.constant 0 : index
    %get3A_53 = tpu.vector_load %arg7[%get3A_52] {strides = array<i32>} : memref<256xi32, #tpu.memory_space<vmem>>, vector<16xi32>,
    %eq3A = arith.constant 0 : i32
    %eq3A_54 = vector.broadcast %eq3A : i32 to vector<16xi32>
    %eq3A_55 = arith.cmpi eq, %get3A_53, %eq3A_54 : vector<16xi32>
    %jit3A = arith.constant 1 : i32
    %jit3A_56 = arith.constant 0 : i32
    %broadcast_in_dim3A_57 = vector.broadcast %jit3A : i32 to vector<16xi32>
    %broadcast_in_dim3A_58 = vector.broadcast %jit3A_56 : i32 to vector<16xi32>
    %select_n3A = arith.select %eq3A_55, %broadcast_in_dim3A_57, %broadcast_in_dim3A_58 : vector<16xi1>, vector<16xi32>
    %broadcast_in_dim3A_59 = arith.constant true
    %broadcast_in_dim3A_60 = vector.broadcast %broadcast_in_dim3A_59 : i1 to vector<16xi1>
    %masked_cumsum3A = tpu.scan <sum>, %select_n3A masked %broadcast_in_dim3A_60 : vector<16xi32>, vector<16xi1> -> vector<16xi32>
    %add3A_61 = arith.addi %get3A_23, %masked_cumsum3A : vector<16xi32>
    %sub3A = arith.constant 1 : i32
    %sub3A_62 = vector.broadcast %sub3A : i32 to vector<16xi32>
    %sub3A_63 = arith.subi %add3A_61, %sub3A_62 : vector<16xi32>
    %jit3A_64 = arith.constant 0 : i32
    %broadcast_in_dim3A_65 = vector.broadcast %jit3A_64 : i32 to vector<16xi32>
    %select_n3A_66 = arith.select %eq3A_55, %sub3A_63, %broadcast_in_dim3A_65 : vector<16xi1>, vector<16xi32>
    %add3A_67 = arith.addi %broadcast_in_dim3A_20, %select_n3A_66 : vector<16xi32>
    %all_reduce_population_count3A = tpu.all_reduce %eq3A_55 {dim = 0 : i64, kind = #tpu.reduction_kind<sum>} : vector<16xi1> -> vector<16xi32>
    %add3A_68 = arith.addi %get3A_23, %all_reduce_population_count3A : vector<16xi32>
    %eq3A_69 = arith.constant 1 : i32
    %eq3A_70 = vector.broadcast %eq3A_69 : i32 to vector<16xi32>
    %eq3A_71 = arith.cmpi eq, %get3A_53, %eq3A_70 : vector<16xi32>
    %jit3A_72 = arith.constant 1 : i32
    %jit3A_73 = arith.constant 0 : i32
    %broadcast_in_dim3A_74 = vector.broadcast %jit3A_72 : i32 to vector<16xi32>
    %broadcast_in_dim3A_75 = vector.broadcast %jit3A_73 : i32 to vector<16xi32>
    %select_n3A_76 = arith.select %eq3A_71, %broadcast_in_dim3A_74, %broadcast_in_dim3A_75 : vector<16xi1>, vector<16xi32>
    %broadcast_in_dim3A_77 = arith.constant true
    %broadcast_in_dim3A_78 = vector.broadcast %broadcast_in_dim3A_77 : i1 to vector<16xi1>
    %masked_cumsum3A_79 = tpu.scan <sum>, %select_n3A_76 masked %broadcast_in_dim3A_78 : vector<16xi32>, vector<16xi1> -> vector<16xi32>
    %add3A_80 = arith.addi %get3A_27, %masked_cumsum3A_79 : vector<16xi32>
    %sub3A_81 = arith.constant 1 : i32
    %sub3A_82 = vector.broadcast %sub3A_81 : i32 to vector<16xi32>
    %sub3A_83 = arith.subi %add3A_80, %sub3A_82 : vector<16xi32>
    %jit3A_84 = arith.constant 0 : i32
    %broadcast_in_dim3A_85 = vector.broadcast %jit3A_84 : i32 to vector<16xi32>
    %select_n3A_86 = arith.select %eq3A_71, %sub3A_83, %broadcast_in_dim3A_85 : vector<16xi1>, vector<16xi32>
    %add3A_87 = arith.addi %add3A_67, %select_n3A_86 : vector<16xi32>
    %all_reduce_population_count3A_88 = tpu.all_reduce %eq3A_71 {dim = 0 : i64, kind = #tpu.reduction_kind<sum>} : vector<16xi1> -> vector<16xi32>
    %add3A_89 = arith.addi %get3A_27, %all_reduce_population_count3A_88 : vector<16xi32>
    %eq3A_90 = arith.constant 2 : i32
    %eq3A_91 = vector.broadcast %eq3A_90 : i32 to vector<16xi32>
    %eq3A_92 = arith.cmpi eq, %get3A_53, %eq3A_91 : vector<16xi32>
    %jit3A_93 = arith.constant 1 : i32
    %jit3A_94 = arith.constant 0 : i32
    %broadcast_in_dim3A_95 = vector.broadcast %jit3A_93 : i32 to vector<16xi32>
    %broadcast_in_dim3A_96 = vector.broadcast %jit3A_94 : i32 to vector<16xi32>
    %select_n3A_97 = arith.select %eq3A_92, %broadcast_in_dim3A_95, %broadcast_in_dim3A_96 : vector<16xi1>, vector<16xi32>
    %broadcast_in_dim3A_98 = arith.constant true
    %broadcast_in_dim3A_99 = vector.broadcast %broadcast_in_dim3A_98 : i1 to vector<16xi1>
    %masked_cumsum3A_100 = tpu.scan <sum>, %select_n3A_97 masked %broadcast_in_dim3A_99 : vector<16xi32>, vector<16xi1> -> vector<16xi32>
    %add3A_101 = arith.addi %get3A_31, %masked_cumsum3A_100 : vector<16xi32>
    %sub3A_102 = arith.constant 1 : i32
    %sub3A_103 = vector.broadcast %sub3A_102 : i32 to vector<16xi32>
    %sub3A_104 = arith.subi %add3A_101, %sub3A_103 : vector<16xi32>
    %jit3A_105 = arith.constant 0 : i32
    %broadcast_in_dim3A_106 = vector.broadcast %jit3A_105 : i32 to vector<16xi32>
    %select_n3A_107 = arith.select %eq3A_92, %sub3A_104, %broadcast_in_dim3A_106 : vector<16xi1>, vector<16xi32>
    %add3A_108 = arith.addi %add3A_87, %select_n3A_107 : vector<16xi32>
    %all_reduce_population_count3A_109 = tpu.all_reduce %eq3A_92 {dim = 0 : i64, kind = #tpu.reduction_kind<sum>} : vector<16xi1> -> vector<16xi32>
    %add3A_110 = arith.addi %get3A_31, %all_reduce_population_count3A_109 : vector<16xi32>
    %eq3A_111 = arith.constant 3 : i32
    %eq3A_112 = vector.broadcast %eq3A_111 : i32 to vector<16xi32>
    %eq3A_113 = arith.cmpi eq, %get3A_53, %eq3A_112 : vector<16xi32>
    %jit3A_114 = arith.constant 1 : i32
    %jit3A_115 = arith.constant 0 : i32
    %broadcast_in_dim3A_116 = vector.broadcast %jit3A_114 : i32 to vector<16xi32>
    %broadcast_in_dim3A_117 = vector.broadcast %jit3A_115 : i32 to vector<16xi32>
    %select_n3A_118 = arith.select %eq3A_113, %broadcast_in_dim3A_116, %broadcast_in_dim3A_117 : vector<16xi1>, vector<16xi32>
    %broadcast_in_dim3A_119 = arith.constant true
    %broadcast_in_dim3A_120 = vector.broadcast %broadcast_in_dim3A_119 : i1 to vector<16xi1>
    %masked_cumsum3A_121 = tpu.scan <sum>, %select_n3A_118 masked %broadcast_in_dim3A_120 : vector<16xi32>, vector<16xi1> -> vector<16xi32>
    %add3A_122 = arith.addi %get3A_35, %masked_cumsum3A_121 : vector<16xi32>
    %sub3A_123 = arith.constant 1 : i32
    %sub3A_124 = vector.broadcast %sub3A_123 : i32 to vector<16xi32>
    %sub3A_125 = arith.subi %add3A_122, %sub3A_124 : vector<16xi32>
    %jit3A_126 = arith.constant 0 : i32
    %broadcast_in_dim3A_127 = vector.broadcast %jit3A_126 : i32 to vector<16xi32>
    %select_n3A_128 = arith.select %eq3A_113, %sub3A_125, %broadcast_in_dim3A_127 : vector<16xi1>, vector<16xi32>
    %add3A_129 = arith.addi %add3A_108, %select_n3A_128 : vector<16xi32>
    %all_reduce_population_count3A_130 = tpu.all_reduce %eq3A_113 {dim = 0 : i64, kind = #tpu.reduction_kind<sum>} : vector<16xi1> -> vector<16xi32>
    %add3A_131 = arith.addi %get3A_35, %all_reduce_population_count3A_130 : vector<16xi32>
    %eq3A_132 = arith.constant 4 : i32
    %eq3A_133 = vector.broadcast %eq3A_132 : i32 to vector<16xi32>
    %eq3A_134 = arith.cmpi eq, %get3A_53, %eq3A_133 : vector<16xi32>
    %jit3A_135 = arith.constant 1 : i32
    %jit3A_136 = arith.constant 0 : i32
    %broadcast_in_dim3A_137 = vector.broadcast %jit3A_135 : i32 to vector<16xi32>
    %broadcast_in_dim3A_138 = vector.broadcast %jit3A_136 : i32 to vector<16xi32>
    %select_n3A_139 = arith.select %eq3A_134, %broadcast_in_dim3A_137, %broadcast_in_dim3A_138 : vector<16xi1>, vector<16xi32>
    %broadcast_in_dim3A_140 = arith.constant true
    %broadcast_in_dim3A_141 = vector.broadcast %broadcast_in_dim3A_140 : i1 to vector<16xi1>
    %masked_cumsum3A_142 = tpu.scan <sum>, %select_n3A_139 masked %broadcast_in_dim3A_141 : vector<16xi32>, vector<16xi1> -> vector<16xi32>
    %add3A_143 = arith.addi %get3A_39, %masked_cumsum3A_142 : vector<16xi32>
    %sub3A_144 = arith.constant 1 : i32
    %sub3A_145 = vector.broadcast %sub3A_144 : i32 to vector<16xi32>
    %sub3A_146 = arith.subi %add3A_143, %sub3A_145 : vector<16xi32>
    %jit3A_147 = arith.constant 0 : i32
    %broadcast_in_dim3A_148 = vector.broadcast %jit3A_147 : i32 to vector<16xi32>
    %select_n3A_149 = arith.select %eq3A_134, %sub3A_146, %broadcast_in_dim3A_148 : vector<16xi1>, vector<16xi32>
    %add3A_150 = arith.addi %add3A_129, %select_n3A_149 : vector<16xi32>
    %all_reduce_population_count3A_151 = tpu.all_reduce %eq3A_134 {dim = 0 : i64, kind = #tpu.reduction_kind<sum>} : vector<16xi1> -> vector<16xi32>
    %add3A_152 = arith.addi %get3A_39, %all_reduce_population_count3A_151 : vector<16xi32>
    %eq3A_153 = arith.constant 5 : i32
    %eq3A_154 = vector.broadcast %eq3A_153 : i32 to vector<16xi32>
    %eq3A_155 = arith.cmpi eq, %get3A_53, %eq3A_154 : vector<16xi32>
    %jit3A_156 = arith.constant 1 : i32
    %jit3A_157 = arith.constant 0 : i32
    %broadcast_in_dim3A_158 = vector.broadcast %jit3A_156 : i32 to vector<16xi32>
    %broadcast_in_dim3A_159 = vector.broadcast %jit3A_157 : i32 to vector<16xi32>
    %select_n3A_160 = arith.select %eq3A_155, %broadcast_in_dim3A_158, %broadcast_in_dim3A_159 : vector<16xi1>, vector<16xi32>
    %broadcast_in_dim3A_161 = arith.constant true
    %broadcast_in_dim3A_162 = vector.broadcast %broadcast_in_dim3A_161 : i1 to vector<16xi1>
    %masked_cumsum3A_163 = tpu.scan <sum>, %select_n3A_160 masked %broadcast_in_dim3A_162 : vector<16xi32>, vector<16xi1> -> vector<16xi32>
    %add3A_164 = arith.addi %get3A_43, %masked_cumsum3A_163 : vector<16xi32>
    %sub3A_165 = arith.constant 1 : i32
    %sub3A_166 = vector.broadcast %sub3A_165 : i32 to vector<16xi32>
    %sub3A_167 = arith.subi %add3A_164, %sub3A_166 : vector<16xi32>
    %jit3A_168 = arith.constant 0 : i32
    %broadcast_in_dim3A_169 = vector.broadcast %jit3A_168 : i32 to vector<16xi32>
    %select_n3A_170 = arith.select %eq3A_155, %sub3A_167, %broadcast_in_dim3A_169 : vector<16xi1>, vector<16xi32>
    %add3A_171 = arith.addi %add3A_150, %select_n3A_170 : vector<16xi32>
    %all_reduce_population_count3A_172 = tpu.all_reduce %eq3A_155 {dim = 0 : i64, kind = #tpu.reduction_kind<sum>} : vector<16xi1> -> vector<16xi32>
    %add3A_173 = arith.addi %get3A_43, %all_reduce_population_count3A_172 : vector<16xi32>
    %eq3A_174 = arith.constant 6 : i32
    %eq3A_175 = vector.broadcast %eq3A_174 : i32 to vector<16xi32>
    %eq3A_176 = arith.cmpi eq, %get3A_53, %eq3A_175 : vector<16xi32>
    %jit3A_177 = arith.constant 1 : i32
    %jit3A_178 = arith.constant 0 : i32
    %broadcast_in_dim3A_179 = vector.broadcast %jit3A_177 : i32 to vector<16xi32>
    %broadcast_in_dim3A_180 = vector.broadcast %jit3A_178 : i32 to vector<16xi32>
    %select_n3A_181 = arith.select %eq3A_176, %broadcast_in_dim3A_179, %broadcast_in_dim3A_180 : vector<16xi1>, vector<16xi32>
    %broadcast_in_dim3A_182 = arith.constant true
    %broadcast_in_dim3A_183 = vector.broadcast %broadcast_in_dim3A_182 : i1 to vector<16xi1>
    %masked_cumsum3A_184 = tpu.scan <sum>, %select_n3A_181 masked %broadcast_in_dim3A_183 : vector<16xi32>, vector<16xi1> -> vector<16xi32>
    %add3A_185 = arith.addi %get3A_47, %masked_cumsum3A_184 : vector<16xi32>
    %sub3A_186 = arith.constant 1 : i32
    %sub3A_187 = vector.broadcast %sub3A_186 : i32 to vector<16xi32>
    %sub3A_188 = arith.subi %add3A_185, %sub3A_187 : vector<16xi32>
    %jit3A_189 = arith.constant 0 : i32
    %broadcast_in_dim3A_190 = vector.broadcast %jit3A_189 : i32 to vector<16xi32>
    %select_n3A_191 = arith.select %eq3A_176, %sub3A_188, %broadcast_in_dim3A_190 : vector<16xi1>, vector<16xi32>
    %add3A_192 = arith.addi %add3A_171, %select_n3A_191 : vector<16xi32>
    %all_reduce_population_count3A_193 = tpu.all_reduce %eq3A_176 {dim = 0 : i64, kind = #tpu.reduction_kind<sum>} : vector<16xi1> -> vector<16xi32>
    %add3A_194 = arith.addi %get3A_47, %all_reduce_population_count3A_193 : vector<16xi32>
    %eq3A_195 = arith.constant 7 : i32
    %eq3A_196 = vector.broadcast %eq3A_195 : i32 to vector<16xi32>
    %eq3A_197 = arith.cmpi eq, %get3A_53, %eq3A_196 : vector<16xi32>
    %jit3A_198 = arith.constant 1 : i32
    %jit3A_199 = arith.constant 0 : i32
    %broadcast_in_dim3A_200 = vector.broadcast %jit3A_198 : i32 to vector<16xi32>
    %broadcast_in_dim3A_201 = vector.broadcast %jit3A_199 : i32 to vector<16xi32>
    %select_n3A_202 = arith.select %eq3A_197, %broadcast_in_dim3A_200, %broadcast_in_dim3A_201 : vector<16xi1>, vector<16xi32>
    %broadcast_in_dim3A_203 = arith.constant true
    %broadcast_in_dim3A_204 = vector.broadcast %broadcast_in_dim3A_203 : i1 to vector<16xi1>
    %masked_cumsum3A_205 = tpu.scan <sum>, %select_n3A_202 masked %broadcast_in_dim3A_204 : vector<16xi32>, vector<16xi1> -> vector<16xi32>
    %add3A_206 = arith.addi %get3A_51, %masked_cumsum3A_205 : vector<16xi32>
    %sub3A_207 = arith.constant 1 : i32
    %sub3A_208 = vector.broadcast %sub3A_207 : i32 to vector<16xi32>
    %sub3A_209 = arith.subi %add3A_206, %sub3A_208 : vector<16xi32>
    %jit3A_210 = arith.constant 0 : i32
    %broadcast_in_dim3A_211 = vector.broadcast %jit3A_210 : i32 to vector<16xi32>
    %select_n3A_212 = arith.select %eq3A_197, %sub3A_209, %broadcast_in_dim3A_211 : vector<16xi1>, vector<16xi32>
    %add3A_213 = arith.addi %add3A_192, %select_n3A_212 : vector<16xi32>
    %all_reduce_population_count3A_214 = tpu.all_reduce %eq3A_197 {dim = 0 : i64, kind = #tpu.reduction_kind<sum>} : vector<16xi1> -> vector<16xi32>
    %add3A_215 = arith.addi %get3A_51, %all_reduce_population_count3A_214 : vector<16xi32>
    %swap3A = arith.constant 0 : i32
    %swap3A_216 = arith.index_cast %swap3A : i32 to index
    %swap3A_217 = arith.constant 0 : index
    %swap3A_218 = tpu.vector_load %arg9[%swap3A_216, %swap3A_217] {strides = array<i32>} : memref<8x32xi32, #tpu.memory_space<vmem>>, vector<16xi32>,
    tpu.vector_store %arg9[%swap3A_216, %swap3A_217], %add3A_213 {strides = array<i32>} : memref<8x32xi32, #tpu.memory_space<vmem>>, vector<16xi32>,
    %get3A_219 = arith.constant 16 : index
    %get3A_220 = tpu.vector_load %arg7[%get3A_219] {strides = array<i32>} : memref<256xi32, #tpu.memory_space<vmem>>, vector<16xi32>,
    %eq3A_221 = arith.constant 0 : i32
    %eq3A_222 = vector.broadcast %eq3A_221 : i32 to vector<16xi32>
    %eq3A_223 = arith.cmpi eq, %get3A_220, %eq3A_222 : vector<16xi32>
    %jit3A_224 = arith.constant 1 : i32
    %jit3A_225 = arith.constant 0 : i32
    %broadcast_in_dim3A_226 = vector.broadcast %jit3A_224 : i32 to vector<16xi32>
    %broadcast_in_dim3A_227 = vector.broadcast %jit3A_225 : i32 to vector<16xi32>
    %select_n3A_228 = arith.select %eq3A_223, %broadcast_in_dim3A_226, %broadcast_in_dim3A_227 : vector<16xi1>, vector<16xi32>
    %broadcast_in_dim3A_229 = arith.constant true
    %broadcast_in_dim3A_230 = vector.broadcast %broadcast_in_dim3A_229 : i1 to vector<16xi1>
    %masked_cumsum3A_231 = tpu.scan <sum>, %select_n3A_228 masked %broadcast_in_dim3A_230 : vector<16xi32>, vector<16xi1> -> vector<16xi32>
    %add3A_232 = arith.addi %add3A_68, %masked_cumsum3A_231 : vector<16xi32>
    %sub3A_233 = arith.constant 1 : i32
    %sub3A_234 = vector.broadcast %sub3A_233 : i32 to vector<16xi32>
    %sub3A_235 = arith.subi %add3A_232, %sub3A_234 : vector<16xi32>
    %jit3A_236 = arith.constant 0 : i32
    %broadcast_in_dim3A_237 = vector.broadcast %jit3A_236 : i32 to vector<16xi32>
    %select_n3A_238 = arith.select %eq3A_223, %sub3A_235, %broadcast_in_dim3A_237 : vector<16xi1>, vector<16xi32>
    %add3A_239 = arith.addi %broadcast_in_dim3A_20, %select_n3A_238 : vector<16xi32>
    %all_reduce_population_count3A_240 = tpu.all_reduce %eq3A_223 {dim = 0 : i64, kind = #tpu.reduction_kind<sum>} : vector<16xi1> -> vector<16xi32>
    %add3A_241 = arith.addi %add3A_68, %all_reduce_population_count3A_240 : vector<16xi32>
    %eq3A_242 = arith.constant 1 : i32
    %eq3A_243 = vector.broadcast %eq3A_242 : i32 to vector<16xi32>
    %eq3A_244 = arith.cmpi eq, %get3A_220, %eq3A_243 : vector<16xi32>
    %jit3A_245 = arith.constant 1 : i32
    %jit3A_246 = arith.constant 0 : i32
    %broadcast_in_dim3A_247 = vector.broadcast %jit3A_245 : i32 to vector<16xi32>
    %broadcast_in_dim3A_248 = vector.broadcast %jit3A_246 : i32 to vector<16xi32>
    %select_n3A_249 = arith.select %eq3A_244, %broadcast_in_dim3A_247, %broadcast_in_dim3A_248 : vector<16xi1>, vector<16xi32>
    %broadcast_in_dim3A_250 = arith.constant true
    %broadcast_in_dim3A_251 = vector.broadcast %broadcast_in_dim3A_250 : i1 to vector<16xi1>
    %masked_cumsum3A_252 = tpu.scan <sum>, %select_n3A_249 masked %broadcast_in_dim3A_251 : vector<16xi32>, vector<16xi1> -> vector<16xi32>
    %add3A_253 = arith.addi %add3A_89, %masked_cumsum3A_252 : vector<16xi32>
    %sub3A_254 = arith.constant 1 : i32
    %sub3A_255 = vector.broadcast %sub3A_254 : i32 to vector<16xi32>
    %sub3A_256 = arith.subi %add3A_253, %sub3A_255 : vector<16xi32>
    %jit3A_257 = arith.constant 0 : i32
    %broadcast_in_dim3A_258 = vector.broadcast %jit3A_257 : i32 to vector<16xi32>
    %select_n3A_259 = arith.select %eq3A_244, %sub3A_256, %broadcast_in_dim3A_258 : vector<16xi1>, vector<16xi32>
    %add3A_260 = arith.addi %add3A_239, %select_n3A_259 : vector<16xi32>
    %all_reduce_population_count3A_261 = tpu.all_reduce %eq3A_244 {dim = 0 : i64, kind = #tpu.reduction_kind<sum>} : vector<16xi1> -> vector<16xi32>
    %add3A_262 = arith.addi %add3A_89, %all_reduce_population_count3A_261 : vector<16xi32>
    %eq3A_263 = arith.constant 2 : i32
    %eq3A_264 = vector.broadcast %eq3A_263 : i32 to vector<16xi32>
    %eq3A_265 = arith.cmpi eq, %get3A_220, %eq3A_264 : vector<16xi32>
    %jit3A_266 = arith.constant 1 : i32
    %jit3A_267 = arith.constant 0 : i32
    %broadcast_in_dim3A_268 = vector.broadcast %jit3A_266 : i32 to vector<16xi32>
    %broadcast_in_dim3A_269 = vector.broadcast %jit3A_267 : i32 to vector<16xi32>
    %select_n3A_270 = arith.select %eq3A_265, %broadcast_in_dim3A_268, %broadcast_in_dim3A_269 : vector<16xi1>, vector<16xi32>
    %broadcast_in_dim3A_271 = arith.constant true
    %broadcast_in_dim3A_272 = vector.broadcast %broadcast_in_dim3A_271 : i1 to vector<16xi1>
    %masked_cumsum3A_273 = tpu.scan <sum>, %select_n3A_270 masked %broadcast_in_dim3A_272 : vector<16xi32>, vector<16xi1> -> vector<16xi32>
    %add3A_274 = arith.addi %add3A_110, %masked_cumsum3A_273 : vector<16xi32>
    %sub3A_275 = arith.constant 1 : i32
    %sub3A_276 = vector.broadcast %sub3A_275 : i32 to vector<16xi32>
    %sub3A_277 = arith.subi %add3A_274, %sub3A_276 : vector<16xi32>
    %jit3A_278 = arith.constant 0 : i32
    %broadcast_in_dim3A_279 = vector.broadcast %jit3A_278 : i32 to vector<16xi32>
    %select_n3A_280 = arith.select %eq3A_265, %sub3A_277, %broadcast_in_dim3A_279 : vector<16xi1>, vector<16xi32>
    %add3A_281 = arith.addi %add3A_260, %select_n3A_280 : vector<16xi32>
    %all_reduce_population_count3A_282 = tpu.all_reduce %eq3A_265 {dim = 0 : i64, kind = #tpu.reduction_kind<sum>} : vector<16xi1> -> vector<16xi32>
    %add3A_283 = arith.addi %add3A_110, %all_reduce_population_count3A_282 : vector<16xi32>
    %eq3A_284 = arith.constant 3 : i32
    %eq3A_285 = vector.broadcast %eq3A_284 : i32 to vector<16xi32>
    %eq3A_286 = arith.cmpi eq, %get3A_220, %eq3A_285 : vector<16xi32>
    %jit3A_287 = arith.constant 1 : i32
    %jit3A_288 = arith.constant 0 : i32
    %broadcast_in_dim3A_289 = vector.broadcast %jit3A_287 : i32 to vector<16xi32>
    %broadcast_in_dim3A_290 = vector.broadcast %jit3A_288 : i32 to vector<16xi32>
    %select_n3A_291 = arith.select %eq3A_286, %broadcast_in_dim3A_289, %broadcast_in_dim3A_290 : vector<16xi1>, vector<16xi32>
    %broadcast_in_dim3A_292 = arith.constant true
    %broadcast_in_dim3A_293 = vector.broadcast %broadcast_in_dim3A_292 : i1 to vector<16xi1>
    %masked_cumsum3A_294 = tpu.scan <sum>, %select_n3A_291 masked %broadcast_in_dim3A_293 : vector<16xi32>, vector<16xi1> -> vector<16xi32>
    %add3A_295 = arith.addi %add3A_131, %masked_cumsum3A_294 : vector<16xi32>
    %sub3A_296 = arith.constant 1 : i32
    %sub3A_297 = vector.broadcast %sub3A_296 : i32 to vector<16xi32>
    %sub3A_298 = arith.subi %add3A_295, %sub3A_297 : vector<16xi32>
    %jit3A_299 = arith.constant 0 : i32
    %broadcast_in_dim3A_300 = vector.broadcast %jit3A_299 : i32 to vector<16xi32>
    %select_n3A_301 = arith.select %eq3A_286, %sub3A_298, %broadcast_in_dim3A_300 : vector<16xi1>, vector<16xi32>
    %add3A_302 = arith.addi %add3A_281, %select_n3A_301 : vector<16xi32>
    %all_reduce_population_count3A_303 = tpu.all_reduce %eq3A_286 {dim = 0 : i64, kind = #tpu.reduction_kind<sum>} : vector<16xi1> -> vector<16xi32>
    %add3A_304 = arith.addi %add3A_131, %all_reduce_population_count3A_303 : vector<16xi32>
    %eq3A_305 = arith.constant 4 : i32
    %eq3A_306 = vector.broadcast %eq3A_305 : i32 to vector<16xi32>
    %eq3A_307 = arith.cmpi eq, %get3A_220, %eq3A_306 : vector<16xi32>
    %jit3A_308 = arith.constant 1 : i32
    %jit3A_309 = arith.constant 0 : i32
    %broadcast_in_dim3A_310 = vector.broadcast %jit3A_308 : i32 to vector<16xi32>
    %broadcast_in_dim3A_311 = vector.broadcast %jit3A_309 : i32 to vector<16xi32>
    %select_n3A_312 = arith.select %eq3A_307, %broadcast_in_dim3A_310, %broadcast_in_dim3A_311 : vector<16xi1>, vector<16xi32>
    %broadcast_in_dim3A_313 = arith.constant true
    %broadcast_in_dim3A_314 = vector.broadcast %broadcast_in_dim3A_313 : i1 to vector<16xi1>
    %masked_cumsum3A_315 = tpu.scan <sum>, %select_n3A_312 masked %broadcast_in_dim3A_314 : vector<16xi32>, vector<16xi1> -> vector<16xi32>
    %add3A_316 = arith.addi %add3A_152, %masked_cumsum3A_315 : vector<16xi32>
    %sub3A_317 = arith.constant 1 : i32
    %sub3A_318 = vector.broadcast %sub3A_317 : i32 to vector<16xi32>
    %sub3A_319 = arith.subi %add3A_316, %sub3A_318 : vector<16xi32>
    %jit3A_320 = arith.constant 0 : i32
    %broadcast_in_dim3A_321 = vector.broadcast %jit3A_320 : i32 to vector<16xi32>
    %select_n3A_322 = arith.select %eq3A_307, %sub3A_319, %broadcast_in_dim3A_321 : vector<16xi1>, vector<16xi32>
    %add3A_323 = arith.addi %add3A_302, %select_n3A_322 : vector<16xi32>
    %all_reduce_population_count3A_324 = tpu.all_reduce %eq3A_307 {dim = 0 : i64, kind = #tpu.reduction_kind<sum>} : vector<16xi1> -> vector<16xi32>
    %add3A_325 = arith.addi %add3A_152, %all_reduce_population_count3A_324 : vector<16xi32>
    %eq3A_326 = arith.constant 5 : i32
    %eq3A_327 = vector.broadcast %eq3A_326 : i32 to vector<16xi32>
    %eq3A_328 = arith.cmpi eq, %get3A_220, %eq3A_327 : vector<16xi32>
    %jit3A_329 = arith.constant 1 : i32
    %jit3A_330 = arith.constant 0 : i32
    %broadcast_in_dim3A_331 = vector.broadcast %jit3A_329 : i32 to vector<16xi32>
    %broadcast_in_dim3A_332 = vector.broadcast %jit3A_330 : i32 to vector<16xi32>
    %select_n3A_333 = arith.select %eq3A_328, %broadcast_in_dim3A_331, %broadcast_in_dim3A_332 : vector<16xi1>, vector<16xi32>
    %broadcast_in_dim3A_334 = arith.constant true
    %broadcast_in_dim3A_335 = vector.broadcast %broadcast_in_dim3A_334 : i1 to vector<16xi1>
    %masked_cumsum3A_336 = tpu.scan <sum>, %select_n3A_333 masked %broadcast_in_dim3A_335 : vector<16xi32>, vector<16xi1> -> vector<16xi32>
    %add3A_337 = arith.addi %add3A_173, %masked_cumsum3A_336 : vector<16xi32>
    %sub3A_338 = arith.constant 1 : i32
    %sub3A_339 = vector.broadcast %sub3A_338 : i32 to vector<16xi32>
    %sub3A_340 = arith.subi %add3A_337, %sub3A_339 : vector<16xi32>
    %jit3A_341 = arith.constant 0 : i32
    %broadcast_in_dim3A_342 = vector.broadcast %jit3A_341 : i32 to vector<16xi32>
    %select_n3A_343 = arith.select %eq3A_328, %sub3A_340, %broadcast_in_dim3A_342 : vector<16xi1>, vector<16xi32>
    %add3A_344 = arith.addi %add3A_323, %select_n3A_343 : vector<16xi32>
    %all_reduce_population_count3A_345 = tpu.all_reduce %eq3A_328 {dim = 0 : i64, kind = #tpu.reduction_kind<sum>} : vector<16xi1> -> vector<16xi32>
    %add3A_346 = arith.addi %add3A_173, %all_reduce_population_count3A_345 : vector<16xi32>
    %eq3A_347 = arith.constant 6 : i32
    %eq3A_348 = vector.broadcast %eq3A_347 : i32 to vector<16xi32>
    %eq3A_349 = arith.cmpi eq, %get3A_220, %eq3A_348 : vector<16xi32>
    %jit3A_350 = arith.constant 1 : i32
    %jit3A_351 = arith.constant 0 : i32
    %broadcast_in_dim3A_352 = vector.broadcast %jit3A_350 : i32 to vector<16xi32>
    %broadcast_in_dim3A_353 = vector.broadcast %jit3A_351 : i32 to vector<16xi32>
    %select_n3A_354 = arith.select %eq3A_349, %broadcast_in_dim3A_352, %broadcast_in_dim3A_353 : vector<16xi1>, vector<16xi32>
    %broadcast_in_dim3A_355 = arith.constant true
    %broadcast_in_dim3A_356 = vector.broadcast %broadcast_in_dim3A_355 : i1 to vector<16xi1>
    %masked_cumsum3A_357 = tpu.scan <sum>, %select_n3A_354 masked %broadcast_in_dim3A_356 : vector<16xi32>, vector<16xi1> -> vector<16xi32>
    %add3A_358 = arith.addi %add3A_194, %masked_cumsum3A_357 : vector<16xi32>
    %sub3A_359 = arith.constant 1 : i32
    %sub3A_360 = vector.broadcast %sub3A_359 : i32 to vector<16xi32>
    %sub3A_361 = arith.subi %add3A_358, %sub3A_360 : vector<16xi32>
    %jit3A_362 = arith.constant 0 : i32
    %broadcast_in_dim3A_363 = vector.broadcast %jit3A_362 : i32 to vector<16xi32>
    %select_n3A_364 = arith.select %eq3A_349, %sub3A_361, %broadcast_in_dim3A_363 : vector<16xi1>, vector<16xi32>
    %add3A_365 = arith.addi %add3A_344, %select_n3A_364 : vector<16xi32>
    %all_reduce_population_count3A_366 = tpu.all_reduce %eq3A_349 {dim = 0 : i64, kind = #tpu.reduction_kind<sum>} : vector<16xi1> -> vector<16xi32>
    %add3A_367 = arith.addi %add3A_194, %all_reduce_population_count3A_366 : vector<16xi32>
    %eq3A_368 = arith.constant 7 : i32
    %eq3A_369 = vector.broadcast %eq3A_368 : i32 to vector<16xi32>
    %eq3A_370 = arith.cmpi eq, %get3A_220, %eq3A_369 : vector<16xi32>
    %jit3A_371 = arith.constant 1 : i32
    %jit3A_372 = arith.constant 0 : i32
    %broadcast_in_dim3A_373 = vector.broadcast %jit3A_371 : i32 to vector<16xi32>
    %broadcast_in_dim3A_374 = vector.broadcast %jit3A_372 : i32 to vector<16xi32>
    %select_n3A_375 = arith.select %eq3A_370, %broadcast_in_dim3A_373, %broadcast_in_dim3A_374 : vector<16xi1>, vector<16xi32>
    %broadcast_in_dim3A_376 = arith.constant true
    %broadcast_in_dim3A_377 = vector.broadcast %broadcast_in_dim3A_376 : i1 to vector<16xi1>
    %masked_cumsum3A_378 = tpu.scan <sum>, %select_n3A_375 masked %broadcast_in_dim3A_377 : vector<16xi32>, vector<16xi1> -> vector<16xi32>
    %add3A_379 = arith.addi %add3A_215, %masked_cumsum3A_378 : vector<16xi32>
    %sub3A_380 = arith.constant 1 : i32
    %sub3A_381 = vector.broadcast %sub3A_380 : i32 to vector<16xi32>
    %sub3A_382 = arith.subi %add3A_379, %sub3A_381 : vector<16xi32>
    %jit3A_383 = arith.constant 0 : i32
    %broadcast_in_dim3A_384 = vector.broadcast %jit3A_383 : i32 to vector<16xi32>
    %select_n3A_385 = arith.select %eq3A_370, %sub3A_382, %broadcast_in_dim3A_384 : vector<16xi1>, vector<16xi32>
    %add3A_386 = arith.addi %add3A_365, %select_n3A_385 : vector<16xi32>
    %all_reduce_population_count3A_387 = tpu.all_reduce %eq3A_370 {dim = 0 : i64, kind = #tpu.reduction_kind<sum>} : vector<16xi1> -> vector<16xi32>
    %add3A_388 = arith.addi %add3A_215, %all_reduce_population_count3A_387 : vector<16xi32>
    %swap3A_389 = arith.constant 0 : i32
    %swap3A_390 = arith.index_cast %swap3A_389 : i32 to index
    %swap3A_391 = arith.constant 16 : index
    %swap3A_392 = tpu.vector_load %arg9[%swap3A_390, %swap3A_391] {strides = array<i32>} : memref<8x32xi32, #tpu.memory_space<vmem>>, vector<16xi32>,
    tpu.vector_store %arg9[%swap3A_390, %swap3A_391], %add3A_386 {strides = array<i32>} : memref<8x32xi32, #tpu.memory_space<vmem>>, vector<16xi32>,
    %get3A_393 = arith.constant 32 : index
    %get3A_394 = tpu.vector_load %arg7[%get3A_393] {strides = array<i32>} : memref<256xi32, #tpu.memory_space<vmem>>, vector<16xi32>,
    %eq3A_395 = arith.constant 0 : i32
    %eq3A_396 = vector.broadcast %eq3A_395 : i32 to vector<16xi32>
    %eq3A_397 = arith.cmpi eq, %get3A_394, %eq3A_396 : vector<16xi32>
    %jit3A_398 = arith.constant 1 : i32
    %jit3A_399 = arith.constant 0 : i32
    %broadcast_in_dim3A_400 = vector.broadcast %jit3A_398 : i32 to vector<16xi32>
    %broadcast_in_dim3A_401 = vector.broadcast %jit3A_399 : i32 to vector<16xi32>
    %select_n3A_402 = arith.select %eq3A_397, %broadcast_in_dim3A_400, %broadcast_in_dim3A_401 : vector<16xi1>, vector<16xi32>
    %broadcast_in_dim3A_403 = arith.constant true
    %broadcast_in_dim3A_404 = vector.broadcast %broadcast_in_dim3A_403 : i1 to vector<16xi1>
    %masked_cumsum3A_405 = tpu.scan <sum>, %select_n3A_402 masked %broadcast_in_dim3A_404 : vector<16xi32>, vector<16xi1> -> vector<16xi32>
    %add3A_406 = arith.addi %add3A_241, %masked_cumsum3A_405 : vector<16xi32>
    %sub3A_407 = arith.constant 1 : i32
    %sub3A_408 = vector.broadcast %sub3A_407 : i32 to vector<16xi32>
    %sub3A_409 = arith.subi %add3A_406, %sub3A_408 : vector<16xi32>
    %jit3A_410 = arith.constant 0 : i32
    %broadcast_in_dim3A_411 = vector.broadcast %jit3A_410 : i32 to vector<16xi32>
    %select_n3A_412 = arith.select %eq3A_397, %sub3A_409, %broadcast_in_dim3A_411 : vector<16xi1>, vector<16xi32>
    %add3A_413 = arith.addi %broadcast_in_dim3A_20, %select_n3A_412 : vector<16xi32>
    %all_reduce_population_count3A_414 = tpu.all_reduce %eq3A_397 {dim = 0 : i64, kind = #tpu.reduction_kind<sum>} : vector<16xi1> -> vector<16xi32>
    %add3A_415 = arith.addi %add3A_241, %all_reduce_population_count3A_414 : vector<16xi32>
    %eq3A_416 = arith.constant 1 : i32
    %eq3A_417 = vector.broadcast %eq3A_416 : i32 to vector<16xi32>
    %eq3A_418 = arith.cmpi eq, %get3A_394, %eq3A_417 : vector<16xi32>
    %jit3A_419 = arith.constant 1 : i32
    %jit3A_420 = arith.constant 0 : i32
    %broadcast_in_dim3A_421 = vector.broadcast %jit3A_419 : i32 to vector<16xi32>
    %broadcast_in_dim3A_422 = vector.broadcast %jit3A_420 : i32 to vector<16xi32>
    %select_n3A_423 = arith.select %eq3A_418, %broadcast_in_dim3A_421, %broadcast_in_dim3A_422 : vector<16xi1>, vector<16xi32>
    %broadcast_in_dim3A_424 = arith.constant true
    %broadcast_in_dim3A_425 = vector.broadcast %broadcast_in_dim3A_424 : i1 to vector<16xi1>
    %masked_cumsum3A_426 = tpu.scan <sum>, %select_n3A_423 masked %broadcast_in_dim3A_425 : vector<16xi32>, vector<16xi1> -> vector<16xi32>
    %add3A_427 = arith.addi %add3A_262, %masked_cumsum3A_426 : vector<16xi32>
    %sub3A_428 = arith.constant 1 : i32
    %sub3A_429 = vector.broadcast %sub3A_428 : i32 to vector<16xi32>
    %sub3A_430 = arith.subi %add3A_427, %sub3A_429 : vector<16xi32>
    %jit3A_431 = arith.constant 0 : i32
    %broadcast_in_dim3A_432 = vector.broadcast %jit3A_431 : i32 to vector<16xi32>
    %select_n3A_433 = arith.select %eq3A_418, %sub3A_430, %broadcast_in_dim3A_432 : vector<16xi1>, vector<16xi32>
    %add3A_434 = arith.addi %add3A_413, %select_n3A_433 : vector<16xi32>
    %all_reduce_population_count3A_435 = tpu.all_reduce %eq3A_418 {dim = 0 : i64, kind = #tpu.reduction_kind<sum>} : vector<16xi1> -> vector<16xi32>
    %add3A_436 = arith.addi %add3A_262, %all_reduce_population_count3A_435 : vector<16xi32>
    %eq3A_437 = arith.constant 2 : i32
    %eq3A_438 = vector.broadcast %eq3A_437 : i32 to vector<16xi32>
    %eq3A_439 = arith.cmpi eq, %get3A_394, %eq3A_438 : vector<16xi32>
    %jit3A_440 = arith.constant 1 : i32
    %jit3A_441 = arith.constant 0 : i32
    %broadcast_in_dim3A_442 = vector.broadcast %jit3A_440 : i32 to vector<16xi32>
    %broadcast_in_dim3A_443 = vector.broadcast %jit3A_441 : i32 to vector<16xi32>
    %select_n3A_444 = arith.select %eq3A_439, %broadcast_in_dim3A_442, %broadcast_in_dim3A_443 : vector<16xi1>, vector<16xi32>
    %broadcast_in_dim3A_445 = arith.constant true
    %broadcast_in_dim3A_446 = vector.broadcast %broadcast_in_dim3A_445 : i1 to vector<16xi1>
    %masked_cumsum3A_447 = tpu.scan <sum>, %select_n3A_444 masked %broadcast_in_dim3A_446 : vector<16xi32>, vector<16xi1> -> vector<16xi32>
    %add3A_448 = arith.addi %add3A_283, %masked_cumsum3A_447 : vector<16xi32>
    %sub3A_449 = arith.constant 1 : i32
    %sub3A_450 = vector.broadcast %sub3A_449 : i32 to vector<16xi32>
    %sub3A_451 = arith.subi %add3A_448, %sub3A_450 : vector<16xi32>
    %jit3A_452 = arith.constant 0 : i32
    %broadcast_in_dim3A_453 = vector.broadcast %jit3A_452 : i32 to vector<16xi32>
    %select_n3A_454 = arith.select %eq3A_439, %sub3A_451, %broadcast_in_dim3A_453 : vector<16xi1>, vector<16xi32>
    %add3A_455 = arith.addi %add3A_434, %select_n3A_454 : vector<16xi32>
    %all_reduce_population_count3A_456 = tpu.all_reduce %eq3A_439 {dim = 0 : i64, kind = #tpu.reduction_kind<sum>} : vector<16xi1> -> vector<16xi32>
    %add3A_457 = arith.addi %add3A_283, %all_reduce_population_count3A_456 : vector<16xi32>
    %eq3A_458 = arith.constant 3 : i32
    %eq3A_459 = vector.broadcast %eq3A_458 : i32 to vector<16xi32>
    %eq3A_460 = arith.cmpi eq, %get3A_394, %eq3A_459 : vector<16xi32>
    %jit3A_461 = arith.constant 1 : i32
    %jit3A_462 = arith.constant 0 : i32
    %broadcast_in_dim3A_463 = vector.broadcast %jit3A_461 : i32 to vector<16xi32>
    %broadcast_in_dim3A_464 = vector.broadcast %jit3A_462 : i32 to vector<16xi32>
    %select_n3A_465 = arith.select %eq3A_460, %broadcast_in_dim3A_463, %broadcast_in_dim3A_464 : vector<16xi1>, vector<16xi32>
    %broadcast_in_dim3A_466 = arith.constant true
    %broadcast_in_dim3A_467 = vector.broadcast %broadcast_in_dim3A_466 : i1 to vector<16xi1>
    %masked_cumsum3A_468 = tpu.scan <sum>, %select_n3A_465 masked %broadcast_in_dim3A_467 : vector<16xi32>, vector<16xi1> -> vector<16xi32>
    %add3A_469 = arith.addi %add3A_304, %masked_cumsum3A_468 : vector<16xi32>
    %sub3A_470 = arith.constant 1 : i32
    %sub3A_471 = vector.broadcast %sub3A_470 : i32 to vector<16xi32>
    %sub3A_472 = arith.subi %add3A_469, %sub3A_471 : vector<16xi32>
    %jit3A_473 = arith.constant 0 : i32
    %broadcast_in_dim3A_474 = vector.broadcast %jit3A_473 : i32 to vector<16xi32>
    %select_n3A_475 = arith.select %eq3A_460, %sub3A_472, %broadcast_in_dim3A_474 : vector<16xi1>, vector<16xi32>
    %add3A_476 = arith.addi %add3A_455, %select_n3A_475 : vector<16xi32>
    %all_reduce_population_count3A_477 = tpu.all_reduce %eq3A_460 {dim = 0 : i64, kind = #tpu.reduction_kind<sum>} : vector<16xi1> -> vector<16xi32>
    %add3A_478 = arith.addi %add3A_304, %all_reduce_population_count3A_477 : vector<16xi32>
    %eq3A_479 = arith.constant 4 : i32
    %eq3A_480 = vector.broadcast %eq3A_479 : i32 to vector<16xi32>
    %eq3A_481 = arith.cmpi eq, %get3A_394, %eq3A_480 : vector<16xi32>
    %jit3A_482 = arith.constant 1 : i32
    %jit3A_483 = arith.constant 0 : i32
    %broadcast_in_dim3A_484 = vector.broadcast %jit3A_482 : i32 to vector<16xi32>
    %broadcast_in_dim3A_485 = vector.broadcast %jit3A_483 : i32 to vector<16xi32>
    %select_n3A_486 = arith.select %eq3A_481, %broadcast_in_dim3A_484, %broadcast_in_dim3A_485 : vector<16xi1>, vector<16xi32>
    %broadcast_in_dim3A_487 = arith.constant true
    %broadcast_in_dim3A_488 = vector.broadcast %broadcast_in_dim3A_487 : i1 to vector<16xi1>
    %masked_cumsum3A_489 = tpu.scan <sum>, %select_n3A_486 masked %broadcast_in_dim3A_488 : vector<16xi32>, vector<16xi1> -> vector<16xi32>
    %add3A_490 = arith.addi %add3A_325, %masked_cumsum3A_489 : vector<16xi32>
    %sub3A_491 = arith.constant 1 : i32
    %sub3A_492 = vector.broadcast %sub3A_491 : i32 to vector<16xi32>
    %sub3A_493 = arith.subi %add3A_490, %sub3A_492 : vector<16xi32>
    %jit3A_494 = arith.constant 0 : i32
    %broadcast_in_dim3A_495 = vector.broadcast %jit3A_494 : i32 to vector<16xi32>
    %select_n3A_496 = arith.select %eq3A_481, %sub3A_493, %broadcast_in_dim3A_495 : vector<16xi1>, vector<16xi32>
    %add3A_497 = arith.addi %add3A_476, %select_n3A_496 : vector<16xi32>
    %all_reduce_population_count3A_498 = tpu.all_reduce %eq3A_481 {dim = 0 : i64, kind = #tpu.reduction_kind<sum>} : vector<16xi1> -> vector<16xi32>
    %add3A_499 = arith.addi %add3A_325, %all_reduce_population_count3A_498 : vector<16xi32>
    %eq3A_500 = arith.constant 5 : i32
    %eq3A_501 = vector.broadcast %eq3A_500 : i32 to vector<16xi32>
    %eq3A_502 = arith.cmpi eq, %get3A_394, %eq3A_501 : vector<16xi32>
    %jit3A_503 = arith.constant 1 : i32
    %jit3A_504 = arith.constant 0 : i32
    %broadcast_in_dim3A_505 = vector.broadcast %jit3A_503 : i32 to vector<16xi32>
    %broadcast_in_dim3A_506 = vector.broadcast %jit3A_504 : i32 to vector<16xi32>
    %select_n3A_507 = arith.select %eq3A_502, %broadcast_in_dim3A_505, %broadcast_in_dim3A_506 : vector<16xi1>, vector<16xi32>
    %broadcast_in_dim3A_508 = arith.constant true
    %broadcast_in_dim3A_509 = vector.broadcast %broadcast_in_dim3A_508 : i1 to vector<16xi1>
    %masked_cumsum3A_510 = tpu.scan <sum>, %select_n3A_507 masked %broadcast_in_dim3A_509 : vector<16xi32>, vector<16xi1> -> vector<16xi32>
    %add3A_511 = arith.addi %add3A_346, %masked_cumsum3A_510 : vector<16xi32>
    %sub3A_512 = arith.constant 1 : i32
    %sub3A_513 = vector.broadcast %sub3A_512 : i32 to vector<16xi32>
    %sub3A_514 = arith.subi %add3A_511, %sub3A_513 : vector<16xi32>
    %jit3A_515 = arith.constant 0 : i32
    %broadcast_in_dim3A_516 = vector.broadcast %jit3A_515 : i32 to vector<16xi32>
    %select_n3A_517 = arith.select %eq3A_502, %sub3A_514, %broadcast_in_dim3A_516 : vector<16xi1>, vector<16xi32>
    %add3A_518 = arith.addi %add3A_497, %select_n3A_517 : vector<16xi32>
    %all_reduce_population_count3A_519 = tpu.all_reduce %eq3A_502 {dim = 0 : i64, kind = #tpu.reduction_kind<sum>} : vector<16xi1> -> vector<16xi32>
    %add3A_520 = arith.addi %add3A_346, %all_reduce_population_count3A_519 : vector<16xi32>
    %eq3A_521 = arith.constant 6 : i32
    %eq3A_522 = vector.broadcast %eq3A_521 : i32 to vector<16xi32>
    %eq3A_523 = arith.cmpi eq, %get3A_394, %eq3A_522 : vector<16xi32>
    %jit3A_524 = arith.constant 1 : i32
    %jit3A_525 = arith.constant 0 : i32
    %broadcast_in_dim3A_526 = vector.broadcast %jit3A_524 : i32 to vector<16xi32>
    %broadcast_in_dim3A_527 = vector.broadcast %jit3A_525 : i32 to vector<16xi32>
    %select_n3A_528 = arith.select %eq3A_523, %broadcast_in_dim3A_526, %broadcast_in_dim3A_527 : vector<16xi1>, vector<16xi32>
    %broadcast_in_dim3A_529 = arith.constant true
    %broadcast_in_dim3A_530 = vector.broadcast %broadcast_in_dim3A_529 : i1 to vector<16xi1>
    %masked_cumsum3A_531 = tpu.scan <sum>, %select_n3A_528 masked %broadcast_in_dim3A_530 : vector<16xi32>, vector<16xi1> -> vector<16xi32>
    %add3A_532 = arith.addi %add3A_367, %masked_cumsum3A_531 : vector<16xi32>
    %sub3A_533 = arith.constant 1 : i32
    %sub3A_534 = vector.broadcast %sub3A_533 : i32 to vector<16xi32>
    %sub3A_535 = arith.subi %add3A_532, %sub3A_534 : vector<16xi32>
    %jit3A_536 = arith.constant 0 : i32
    %broadcast_in_dim3A_537 = vector.broadcast %jit3A_536 : i32 to vector<16xi32>
    %select_n3A_538 = arith.select %eq3A_523, %sub3A_535, %broadcast_in_dim3A_537 : vector<16xi1>, vector<16xi32>
    %add3A_539 = arith.addi %add3A_518, %select_n3A_538 : vector<16xi32>
    %all_reduce_population_count3A_540 = tpu.all_reduce %eq3A_523 {dim = 0 : i64, kind = #tpu.reduction_kind<sum>} : vector<16xi1> -> vector<16xi32>
    %add3A_541 = arith.addi %add3A_367, %all_reduce_population_count3A_540 : vector<16xi32>
    %eq3A_542 = arith.constant 7 : i32
    %eq3A_543 = vector.broadcast %eq3A_542 : i32 to vector<16xi32>
    %eq3A_544 = arith.cmpi eq, %get3A_394, %eq3A_543 : vector<16xi32>
    %jit3A_545 = arith.constant 1 : i32
    %jit3A_546 = arith.constant 0 : i32
    %broadcast_in_dim3A_547 = vector.broadcast %jit3A_545 : i32 to vector<16xi32>
    %broadcast_in_dim3A_548 = vector.broadcast %jit3A_546 : i32 to vector<16xi32>
    %select_n3A_549 = arith.select %eq3A_544, %broadcast_in_dim3A_547, %broadcast_in_dim3A_548 : vector<16xi1>, vector<16xi32>
    %broadcast_in_dim3A_550 = arith.constant true
    %broadcast_in_dim3A_551 = vector.broadcast %broadcast_in_dim3A_550 : i1 to vector<16xi1>
    %masked_cumsum3A_552 = tpu.scan <sum>, %select_n3A_549 masked %broadcast_in_dim3A_551 : vector<16xi32>, vector<16xi1> -> vector<16xi32>
    %add3A_553 = arith.addi %add3A_388, %masked_cumsum3A_552 : vector<16xi32>
    %sub3A_554 = arith.constant 1 : i32
    %sub3A_555 = vector.broadcast %sub3A_554 : i32 to vector<16xi32>
    %sub3A_556 = arith.subi %add3A_553, %sub3A_555 : vector<16xi32>
    %jit3A_557 = arith.constant 0 : i32
    %broadcast_in_dim3A_558 = vector.broadcast %jit3A_557 : i32 to vector<16xi32>
    %select_n3A_559 = arith.select %eq3A_544, %sub3A_556, %broadcast_in_dim3A_558 : vector<16xi1>, vector<16xi32>
    %add3A_560 = arith.addi %add3A_539, %select_n3A_559 : vector<16xi32>
    %all_reduce_population_count3A_561 = tpu.all_reduce %eq3A_544 {dim = 0 : i64, kind = #tpu.reduction_kind<sum>} : vector<16xi1> -> vector<16xi32>
    %add3A_562 = arith.addi %add3A_388, %all_reduce_population_count3A_561 : vector<16xi32>
    %swap3A_563 = arith.constant 1 : i32
    %swap3A_564 = arith.index_cast %swap3A_563 : i32 to index
    %swap3A_565 = arith.constant 0 : index
    %swap3A_566 = tpu.vector_load %arg9[%swap3A_564, %swap3A_565] {strides = array<i32>} : memref<8x32xi32, #tpu.memory_space<vmem>>, vector<16xi32>,
    tpu.vector_store %arg9[%swap3A_564, %swap3A_565], %add3A_560 {strides = array<i32>} : memref<8x32xi32, #tpu.memory_space<vmem>>, vector<16xi32>,
    %get3A_567 = arith.constant 48 : index
    %get3A_568 = tpu.vector_load %arg7[%get3A_567] {strides = array<i32>} : memref<256xi32, #tpu.memory_space<vmem>>, vector<16xi32>,
    %eq3A_569 = arith.constant 0 : i32
    %eq3A_570 = vector.broadcast %eq3A_569 : i32 to vector<16xi32>
    %eq3A_571 = arith.cmpi eq, %get3A_568, %eq3A_570 : vector<16xi32>
    %jit3A_572 = arith.constant 1 : i32
    %jit3A_573 = arith.constant 0 : i32
    %broadcast_in_dim3A_574 = vector.broadcast %jit3A_572 : i32 to vector<16xi32>
    %broadcast_in_dim3A_575 = vector.broadcast %jit3A_573 : i32 to vector<16xi32>
    %select_n3A_576 = arith.select %eq3A_571, %broadcast_in_dim3A_574, %broadcast_in_dim3A_575 : vector<16xi1>, vector<16xi32>
    %broadcast_in_dim3A_577 = arith.constant true
    %broadcast_in_dim3A_578 = vector.broadcast %broadcast_in_dim3A_577 : i1 to vector<16xi1>
    %masked_cumsum3A_579 = tpu.scan <sum>, %select_n3A_576 masked %broadcast_in_dim3A_578 : vector<16xi32>, vector<16xi1> -> vector<16xi32>
    %add3A_580 = arith.addi %add3A_415, %masked_cumsum3A_579 : vector<16xi32>
    %sub3A_581 = arith.constant 1 : i32
    %sub3A_582 = vector.broadcast %sub3A_581 : i32 to vector<16xi32>
    %sub3A_583 = arith.subi %add3A_580, %sub3A_582 : vector<16xi32>
    %jit3A_584 = arith.constant 0 : i32
    %broadcast_in_dim3A_585 = vector.broadcast %jit3A_584 : i32 to vector<16xi32>
    %select_n3A_586 = arith.select %eq3A_571, %sub3A_583, %broadcast_in_dim3A_585 : vector<16xi1>, vector<16xi32>
    %add3A_587 = arith.addi %broadcast_in_dim3A_20, %select_n3A_586 : vector<16xi32>
    %all_reduce_population_count3A_588 = tpu.all_reduce %eq3A_571 {dim = 0 : i64, kind = #tpu.reduction_kind<sum>} : vector<16xi1> -> vector<16xi32>
    %add3A_589 = arith.addi %add3A_415, %all_reduce_population_count3A_588 : vector<16xi32>
    %eq3A_590 = arith.constant 1 : i32
    %eq3A_591 = vector.broadcast %eq3A_590 : i32 to vector<16xi32>
    %eq3A_592 = arith.cmpi eq, %get3A_568, %eq3A_591 : vector<16xi32>
    %jit3A_593 = arith.constant 1 : i32
    %jit3A_594 = arith.constant 0 : i32
    %broadcast_in_dim3A_595 = vector.broadcast %jit3A_593 : i32 to vector<16xi32>
    %broadcast_in_dim3A_596 = vector.broadcast %jit3A_594 : i32 to vector<16xi32>
    %select_n3A_597 = arith.select %eq3A_592, %broadcast_in_dim3A_595, %broadcast_in_dim3A_596 : vector<16xi1>, vector<16xi32>
    %broadcast_in_dim3A_598 = arith.constant true
    %broadcast_in_dim3A_599 = vector.broadcast %broadcast_in_dim3A_598 : i1 to vector<16xi1>
    %masked_cumsum3A_600 = tpu.scan <sum>, %select_n3A_597 masked %broadcast_in_dim3A_599 : vector<16xi32>, vector<16xi1> -> vector<16xi32>
    %add3A_601 = arith.addi %add3A_436, %masked_cumsum3A_600 : vector<16xi32>
    %sub3A_602 = arith.constant 1 : i32
    %sub3A_603 = vector.broadcast %sub3A_602 : i32 to vector<16xi32>
    %sub3A_604 = arith.subi %add3A_601, %sub3A_603 : vector<16xi32>
    %jit3A_605 = arith.constant 0 : i32
    %broadcast_in_dim3A_606 = vector.broadcast %jit3A_605 : i32 to vector<16xi32>
    %select_n3A_607 = arith.select %eq3A_592, %sub3A_604, %broadcast_in_dim3A_606 : vector<16xi1>, vector<16xi32>
    %add3A_608 = arith.addi %add3A_587, %select_n3A_607 : vector<16xi32>
    %all_reduce_population_count3A_609 = tpu.all_reduce %eq3A_592 {dim = 0 : i64, kind = #tpu.reduction_kind<sum>} : vector<16xi1> -> vector<16xi32>
    %add3A_610 = arith.addi %add3A_436, %all_reduce_population_count3A_609 : vector<16xi32>
    %eq3A_611 = arith.constant 2 : i32
    %eq3A_612 = vector.broadcast %eq3A_611 : i32 to vector<16xi32>
    %eq3A_613 = arith.cmpi eq, %get3A_568, %eq3A_612 : vector<16xi32>
    %jit3A_614 = arith.constant 1 : i32
    %jit3A_615 = arith.constant 0 : i32
    %broadcast_in_dim3A_616 = vector.broadcast %jit3A_614 : i32 to vector<16xi32>
    %broadcast_in_dim3A_617 = vector.broadcast %jit3A_615 : i32 to vector<16xi32>
    %select_n3A_618 = arith.select %eq3A_613, %broadcast_in_dim3A_616, %broadcast_in_dim3A_617 : vector<16xi1>, vector<16xi32>
    %broadcast_in_dim3A_619 = arith.constant true
    %broadcast_in_dim3A_620 = vector.broadcast %broadcast_in_dim3A_619 : i1 to vector<16xi1>
    %masked_cumsum3A_621 = tpu.scan <sum>, %select_n3A_618 masked %broadcast_in_dim3A_620 : vector<16xi32>, vector<16xi1> -> vector<16xi32>
    %add3A_622 = arith.addi %add3A_457, %masked_cumsum3A_621 : vector<16xi32>
    %sub3A_623 = arith.constant 1 : i32
    %sub3A_624 = vector.broadcast %sub3A_623 : i32 to vector<16xi32>
    %sub3A_625 = arith.subi %add3A_622, %sub3A_624 : vector<16xi32>
    %jit3A_626 = arith.constant 0 : i32
    %broadcast_in_dim3A_627 = vector.broadcast %jit3A_626 : i32 to vector<16xi32>
    %select_n3A_628 = arith.select %eq3A_613, %sub3A_625, %broadcast_in_dim3A_627 : vector<16xi1>, vector<16xi32>
    %add3A_629 = arith.addi %add3A_608, %select_n3A_628 : vector<16xi32>
    %all_reduce_population_count3A_630 = tpu.all_reduce %eq3A_613 {dim = 0 : i64, kind = #tpu.reduction_kind<sum>} : vector<16xi1> -> vector<16xi32>
    %add3A_631 = arith.addi %add3A_457, %all_reduce_population_count3A_630 : vector<16xi32>
    %eq3A_632 = arith.constant 3 : i32
    %eq3A_633 = vector.broadcast %eq3A_632 : i32 to vector<16xi32>
    %eq3A_634 = arith.cmpi eq, %get3A_568, %eq3A_633 : vector<16xi32>
    %jit3A_635 = arith.constant 1 : i32
    %jit3A_636 = arith.constant 0 : i32
    %broadcast_in_dim3A_637 = vector.broadcast %jit3A_635 : i32 to vector<16xi32>
    %broadcast_in_dim3A_638 = vector.broadcast %jit3A_636 : i32 to vector<16xi32>
    %select_n3A_639 = arith.select %eq3A_634, %broadcast_in_dim3A_637, %broadcast_in_dim3A_638 : vector<16xi1>, vector<16xi32>
    %broadcast_in_dim3A_640 = arith.constant true
    %broadcast_in_dim3A_641 = vector.broadcast %broadcast_in_dim3A_640 : i1 to vector<16xi1>
    %masked_cumsum3A_642 = tpu.scan <sum>, %select_n3A_639 masked %broadcast_in_dim3A_641 : vector<16xi32>, vector<16xi1> -> vector<16xi32>
    %add3A_643 = arith.addi %add3A_478, %masked_cumsum3A_642 : vector<16xi32>
    %sub3A_644 = arith.constant 1 : i32
    %sub3A_645 = vector.broadcast %sub3A_644 : i32 to vector<16xi32>
    %sub3A_646 = arith.subi %add3A_643, %sub3A_645 : vector<16xi32>
    %jit3A_647 = arith.constant 0 : i32
    %broadcast_in_dim3A_648 = vector.broadcast %jit3A_647 : i32 to vector<16xi32>
    %select_n3A_649 = arith.select %eq3A_634, %sub3A_646, %broadcast_in_dim3A_648 : vector<16xi1>, vector<16xi32>
    %add3A_650 = arith.addi %add3A_629, %select_n3A_649 : vector<16xi32>
    %all_reduce_population_count3A_651 = tpu.all_reduce %eq3A_634 {dim = 0 : i64, kind = #tpu.reduction_kind<sum>} : vector<16xi1> -> vector<16xi32>
    %add3A_652 = arith.addi %add3A_478, %all_reduce_population_count3A_651 : vector<16xi32>
    %eq3A_653 = arith.constant 4 : i32
    %eq3A_654 = vector.broadcast %eq3A_653 : i32 to vector<16xi32>
    %eq3A_655 = arith.cmpi eq, %get3A_568, %eq3A_654 : vector<16xi32>
    %jit3A_656 = arith.constant 1 : i32
    %jit3A_657 = arith.constant 0 : i32
    %broadcast_in_dim3A_658 = vector.broadcast %jit3A_656 : i32 to vector<16xi32>
    %broadcast_in_dim3A_659 = vector.broadcast %jit3A_657 : i32 to vector<16xi32>
    %select_n3A_660 = arith.select %eq3A_655, %broadcast_in_dim3A_658, %broadcast_in_dim3A_659 : vector<16xi1>, vector<16xi32>
    %broadcast_in_dim3A_661 = arith.constant true
    %broadcast_in_dim3A_662 = vector.broadcast %broadcast_in_dim3A_661 : i1 to vector<16xi1>
    %masked_cumsum3A_663 = tpu.scan <sum>, %select_n3A_660 masked %broadcast_in_dim3A_662 : vector<16xi32>, vector<16xi1> -> vector<16xi32>
    %add3A_664 = arith.addi %add3A_499, %masked_cumsum3A_663 : vector<16xi32>
    %sub3A_665 = arith.constant 1 : i32
    %sub3A_666 = vector.broadcast %sub3A_665 : i32 to vector<16xi32>
    %sub3A_667 = arith.subi %add3A_664, %sub3A_666 : vector<16xi32>
    %jit3A_668 = arith.constant 0 : i32
    %broadcast_in_dim3A_669 = vector.broadcast %jit3A_668 : i32 to vector<16xi32>
    %select_n3A_670 = arith.select %eq3A_655, %sub3A_667, %broadcast_in_dim3A_669 : vector<16xi1>, vector<16xi32>
    %add3A_671 = arith.addi %add3A_650, %select_n3A_670 : vector<16xi32>
    %all_reduce_population_count3A_672 = tpu.all_reduce %eq3A_655 {dim = 0 : i64, kind = #tpu.reduction_kind<sum>} : vector<16xi1> -> vector<16xi32>
    %add3A_673 = arith.addi %add3A_499, %all_reduce_population_count3A_672 : vector<16xi32>
    %eq3A_674 = arith.constant 5 : i32
    %eq3A_675 = vector.broadcast %eq3A_674 : i32 to vector<16xi32>
    %eq3A_676 = arith.cmpi eq, %get3A_568, %eq3A_675 : vector<16xi32>
    %jit3A_677 = arith.constant 1 : i32
    %jit3A_678 = arith.constant 0 : i32
    %broadcast_in_dim3A_679 = vector.broadcast %jit3A_677 : i32 to vector<16xi32>
    %broadcast_in_dim3A_680 = vector.broadcast %jit3A_678 : i32 to vector<16xi32>
    %select_n3A_681 = arith.select %eq3A_676, %broadcast_in_dim3A_679, %broadcast_in_dim3A_680 : vector<16xi1>, vector<16xi32>
    %broadcast_in_dim3A_682 = arith.constant true
    %broadcast_in_dim3A_683 = vector.broadcast %broadcast_in_dim3A_682 : i1 to vector<16xi1>
    %masked_cumsum3A_684 = tpu.scan <sum>, %select_n3A_681 masked %broadcast_in_dim3A_683 : vector<16xi32>, vector<16xi1> -> vector<16xi32>
    %add3A_685 = arith.addi %add3A_520, %masked_cumsum3A_684 : vector<16xi32>
    %sub3A_686 = arith.constant 1 : i32
    %sub3A_687 = vector.broadcast %sub3A_686 : i32 to vector<16xi32>
    %sub3A_688 = arith.subi %add3A_685, %sub3A_687 : vector<16xi32>
    %jit3A_689 = arith.constant 0 : i32
    %broadcast_in_dim3A_690 = vector.broadcast %jit3A_689 : i32 to vector<16xi32>
    %select_n3A_691 = arith.select %eq3A_676, %sub3A_688, %broadcast_in_dim3A_690 : vector<16xi1>, vector<16xi32>
    %add3A_692 = arith.addi %add3A_671, %select_n3A_691 : vector<16xi32>
    %all_reduce_population_count3A_693 = tpu.all_reduce %eq3A_676 {dim = 0 : i64, kind = #tpu.reduction_kind<sum>} : vector<16xi1> -> vector<16xi32>
    %add3A_694 = arith.addi %add3A_520, %all_reduce_population_count3A_693 : vector<16xi32>
    %eq3A_695 = arith.constant 6 : i32
    %eq3A_696 = vector.broadcast %eq3A_695 : i32 to vector<16xi32>
    %eq3A_697 = arith.cmpi eq, %get3A_568, %eq3A_696 : vector<16xi32>
    %jit3A_698 = arith.constant 1 : i32
    %jit3A_699 = arith.constant 0 : i32
    %broadcast_in_dim3A_700 = vector.broadcast %jit3A_698 : i32 to vector<16xi32>
    %broadcast_in_dim3A_701 = vector.broadcast %jit3A_699 : i32 to vector<16xi32>
    %select_n3A_702 = arith.select %eq3A_697, %broadcast_in_dim3A_700, %broadcast_in_dim3A_701 : vector<16xi1>, vector<16xi32>
    %broadcast_in_dim3A_703 = arith.constant true
    %broadcast_in_dim3A_704 = vector.broadcast %broadcast_in_dim3A_703 : i1 to vector<16xi1>
    %masked_cumsum3A_705 = tpu.scan <sum>, %select_n3A_702 masked %broadcast_in_dim3A_704 : vector<16xi32>, vector<16xi1> -> vector<16xi32>
    %add3A_706 = arith.addi %add3A_541, %masked_cumsum3A_705 : vector<16xi32>
    %sub3A_707 = arith.constant 1 : i32
    %sub3A_708 = vector.broadcast %sub3A_707 : i32 to vector<16xi32>
    %sub3A_709 = arith.subi %add3A_706, %sub3A_708 : vector<16xi32>
    %jit3A_710 = arith.constant 0 : i32
    %broadcast_in_dim3A_711 = vector.broadcast %jit3A_710 : i32 to vector<16xi32>
    %select_n3A_712 = arith.select %eq3A_697, %sub3A_709, %broadcast_in_dim3A_711 : vector<16xi1>, vector<16xi32>
    %add3A_713 = arith.addi %add3A_692, %select_n3A_712 : vector<16xi32>
    %all_reduce_population_count3A_714 = tpu.all_reduce %eq3A_697 {dim = 0 : i64, kind = #tpu.reduction_kind<sum>} : vector<16xi1> -> vector<16xi32>
    %add3A_715 = arith.addi %add3A_541, %all_reduce_population_count3A_714 : vector<16xi32>
    %eq3A_716 = arith.constant 7 : i32
    %eq3A_717 = vector.broadcast %eq3A_716 : i32 to vector<16xi32>
    %eq3A_718 = arith.cmpi eq, %get3A_568, %eq3A_717 : vector<16xi32>
    %jit3A_719 = arith.constant 1 : i32
    %jit3A_720 = arith.constant 0 : i32
    %broadcast_in_dim3A_721 = vector.broadcast %jit3A_719 : i32 to vector<16xi32>
    %broadcast_in_dim3A_722 = vector.broadcast %jit3A_720 : i32 to vector<16xi32>
    %select_n3A_723 = arith.select %eq3A_718, %broadcast_in_dim3A_721, %broadcast_in_dim3A_722 : vector<16xi1>, vector<16xi32>
    %broadcast_in_dim3A_724 = arith.constant true
    %broadcast_in_dim3A_725 = vector.broadcast %broadcast_in_dim3A_724 : i1 to vector<16xi1>
    %masked_cumsum3A_726 = tpu.scan <sum>, %select_n3A_723 masked %broadcast_in_dim3A_725 : vector<16xi32>, vector<16xi1> -> vector<16xi32>
    %add3A_727 = arith.addi %add3A_562, %masked_cumsum3A_726 : vector<16xi32>
    %sub3A_728 = arith.constant 1 : i32
    %sub3A_729 = vector.broadcast %sub3A_728 : i32 to vector<16xi32>
    %sub3A_730 = arith.subi %add3A_727, %sub3A_729 : vector<16xi32>
    %jit3A_731 = arith.constant 0 : i32
    %broadcast_in_dim3A_732 = vector.broadcast %jit3A_731 : i32 to vector<16xi32>
    %select_n3A_733 = arith.select %eq3A_718, %sub3A_730, %broadcast_in_dim3A_732 : vector<16xi1>, vector<16xi32>
    %add3A_734 = arith.addi %add3A_713, %select_n3A_733 : vector<16xi32>
    %all_reduce_population_count3A_735 = tpu.all_reduce %eq3A_718 {dim = 0 : i64, kind = #tpu.reduction_kind<sum>} : vector<16xi1> -> vector<16xi32>
    %add3A_736 = arith.addi %add3A_562, %all_reduce_population_count3A_735 : vector<16xi32>
    %swap3A_737 = arith.constant 1 : i32
    %swap3A_738 = arith.index_cast %swap3A_737 : i32 to index
    %swap3A_739 = arith.constant 16 : index
    %swap3A_740 = tpu.vector_load %arg9[%swap3A_738, %swap3A_739] {strides = array<i32>} : memref<8x32xi32, #tpu.memory_space<vmem>>, vector<16xi32>,
    tpu.vector_store %arg9[%swap3A_738, %swap3A_739], %add3A_734 {strides = array<i32>} : memref<8x32xi32, #tpu.memory_space<vmem>>, vector<16xi32>,
    %get3A_741 = arith.constant 64 : index
    %get3A_742 = tpu.vector_load %arg7[%get3A_741] {strides = array<i32>} : memref<256xi32, #tpu.memory_space<vmem>>, vector<16xi32>,
    %eq3A_743 = arith.constant 0 : i32
    %eq3A_744 = vector.broadcast %eq3A_743 : i32 to vector<16xi32>
    %eq3A_745 = arith.cmpi eq, %get3A_742, %eq3A_744 : vector<16xi32>
    %jit3A_746 = arith.constant 1 : i32
    %jit3A_747 = arith.constant 0 : i32
    %broadcast_in_dim3A_748 = vector.broadcast %jit3A_746 : i32 to vector<16xi32>
    %broadcast_in_dim3A_749 = vector.broadcast %jit3A_747 : i32 to vector<16xi32>
    %select_n3A_750 = arith.select %eq3A_745, %broadcast_in_dim3A_748, %broadcast_in_dim3A_749 : vector<16xi1>, vector<16xi32>
    %broadcast_in_dim3A_751 = arith.constant true
    %broadcast_in_dim3A_752 = vector.broadcast %broadcast_in_dim3A_751 : i1 to vector<16xi1>
    %masked_cumsum3A_753 = tpu.scan <sum>, %select_n3A_750 masked %broadcast_in_dim3A_752 : vector<16xi32>, vector<16xi1> -> vector<16xi32>
    %add3A_754 = arith.addi %add3A_589, %masked_cumsum3A_753 : vector<16xi32>
    %sub3A_755 = arith.constant 1 : i32
    %sub3A_756 = vector.broadcast %sub3A_755 : i32 to vector<16xi32>
    %sub3A_757 = arith.subi %add3A_754, %sub3A_756 : vector<16xi32>
    %jit3A_758 = arith.constant 0 : i32
    %broadcast_in_dim3A_759 = vector.broadcast %jit3A_758 : i32 to vector<16xi32>
    %select_n3A_760 = arith.select %eq3A_745, %sub3A_757, %broadcast_in_dim3A_759 : vector<16xi1>, vector<16xi32>
    %add3A_761 = arith.addi %broadcast_in_dim3A_20, %select_n3A_760 : vector<16xi32>
    %all_reduce_population_count3A_762 = tpu.all_reduce %eq3A_745 {dim = 0 : i64, kind = #tpu.reduction_kind<sum>} : vector<16xi1> -> vector<16xi32>
    %add3A_763 = arith.addi %add3A_589, %all_reduce_population_count3A_762 : vector<16xi32>
    %eq3A_764 = arith.constant 1 : i32
    %eq3A_765 = vector.broadcast %eq3A_764 : i32 to vector<16xi32>
    %eq3A_766 = arith.cmpi eq, %get3A_742, %eq3A_765 : vector<16xi32>
    %jit3A_767 = arith.constant 1 : i32
    %jit3A_768 = arith.constant 0 : i32
    %broadcast_in_dim3A_769 = vector.broadcast %jit3A_767 : i32 to vector<16xi32>
    %broadcast_in_dim3A_770 = vector.broadcast %jit3A_768 : i32 to vector<16xi32>
    %select_n3A_771 = arith.select %eq3A_766, %broadcast_in_dim3A_769, %broadcast_in_dim3A_770 : vector<16xi1>, vector<16xi32>
    %broadcast_in_dim3A_772 = arith.constant true
    %broadcast_in_dim3A_773 = vector.broadcast %broadcast_in_dim3A_772 : i1 to vector<16xi1>
    %masked_cumsum3A_774 = tpu.scan <sum>, %select_n3A_771 masked %broadcast_in_dim3A_773 : vector<16xi32>, vector<16xi1> -> vector<16xi32>
    %add3A_775 = arith.addi %add3A_610, %masked_cumsum3A_774 : vector<16xi32>
    %sub3A_776 = arith.constant 1 : i32
    %sub3A_777 = vector.broadcast %sub3A_776 : i32 to vector<16xi32>
    %sub3A_778 = arith.subi %add3A_775, %sub3A_777 : vector<16xi32>
    %jit3A_779 = arith.constant 0 : i32
    %broadcast_in_dim3A_780 = vector.broadcast %jit3A_779 : i32 to vector<16xi32>
    %select_n3A_781 = arith.select %eq3A_766, %sub3A_778, %broadcast_in_dim3A_780 : vector<16xi1>, vector<16xi32>
    %add3A_782 = arith.addi %add3A_761, %select_n3A_781 : vector<16xi32>
    %all_reduce_population_count3A_783 = tpu.all_reduce %eq3A_766 {dim = 0 : i64, kind = #tpu.reduction_kind<sum>} : vector<16xi1> -> vector<16xi32>
    %add3A_784 = arith.addi %add3A_610, %all_reduce_population_count3A_783 : vector<16xi32>
    %eq3A_785 = arith.constant 2 : i32
    %eq3A_786 = vector.broadcast %eq3A_785 : i32 to vector<16xi32>
    %eq3A_787 = arith.cmpi eq, %get3A_742, %eq3A_786 : vector<16xi32>
    %jit3A_788 = arith.constant 1 : i32
    %jit3A_789 = arith.constant 0 : i32
    %broadcast_in_dim3A_790 = vector.broadcast %jit3A_788 : i32 to vector<16xi32>
    %broadcast_in_dim3A_791 = vector.broadcast %jit3A_789 : i32 to vector<16xi32>
    %select_n3A_792 = arith.select %eq3A_787, %broadcast_in_dim3A_790, %broadcast_in_dim3A_791 : vector<16xi1>, vector<16xi32>
    %broadcast_in_dim3A_793 = arith.constant true
    %broadcast_in_dim3A_794 = vector.broadcast %broadcast_in_dim3A_793 : i1 to vector<16xi1>
    %masked_cumsum3A_795 = tpu.scan <sum>, %select_n3A_792 masked %broadcast_in_dim3A_794 : vector<16xi32>, vector<16xi1> -> vector<16xi32>
    %add3A_796 = arith.addi %add3A_631, %masked_cumsum3A_795 : vector<16xi32>
    %sub3A_797 = arith.constant 1 : i32
    %sub3A_798 = vector.broadcast %sub3A_797 : i32 to vector<16xi32>
    %sub3A_799 = arith.subi %add3A_796, %sub3A_798 : vector<16xi32>
    %jit3A_800 = arith.constant 0 : i32
    %broadcast_in_dim3A_801 = vector.broadcast %jit3A_800 : i32 to vector<16xi32>
    %select_n3A_802 = arith.select %eq3A_787, %sub3A_799, %broadcast_in_dim3A_801 : vector<16xi1>, vector<16xi32>
    %add3A_803 = arith.addi %add3A_782, %select_n3A_802 : vector<16xi32>
    %all_reduce_population_count3A_804 = tpu.all_reduce %eq3A_787 {dim = 0 : i64, kind = #tpu.reduction_kind<sum>} : vector<16xi1> -> vector<16xi32>
    %add3A_805 = arith.addi %add3A_631, %all_reduce_population_count3A_804 : vector<16xi32>
    %eq3A_806 = arith.constant 3 : i32
    %eq3A_807 = vector.broadcast %eq3A_806 : i32 to vector<16xi32>
    %eq3A_808 = arith.cmpi eq, %get3A_742, %eq3A_807 : vector<16xi32>
    %jit3A_809 = arith.constant 1 : i32
    %jit3A_810 = arith.constant 0 : i32
    %broadcast_in_dim3A_811 = vector.broadcast %jit3A_809 : i32 to vector<16xi32>
    %broadcast_in_dim3A_812 = vector.broadcast %jit3A_810 : i32 to vector<16xi32>
    %select_n3A_813 = arith.select %eq3A_808, %broadcast_in_dim3A_811, %broadcast_in_dim3A_812 : vector<16xi1>, vector<16xi32>
    %broadcast_in_dim3A_814 = arith.constant true
    %broadcast_in_dim3A_815 = vector.broadcast %broadcast_in_dim3A_814 : i1 to vector<16xi1>
    %masked_cumsum3A_816 = tpu.scan <sum>, %select_n3A_813 masked %broadcast_in_dim3A_815 : vector<16xi32>, vector<16xi1> -> vector<16xi32>
    %add3A_817 = arith.addi %add3A_652, %masked_cumsum3A_816 : vector<16xi32>
    %sub3A_818 = arith.constant 1 : i32
    %sub3A_819 = vector.broadcast %sub3A_818 : i32 to vector<16xi32>
    %sub3A_820 = arith.subi %add3A_817, %sub3A_819 : vector<16xi32>
    %jit3A_821 = arith.constant 0 : i32
    %broadcast_in_dim3A_822 = vector.broadcast %jit3A_821 : i32 to vector<16xi32>
    %select_n3A_823 = arith.select %eq3A_808, %sub3A_820, %broadcast_in_dim3A_822 : vector<16xi1>, vector<16xi32>
    %add3A_824 = arith.addi %add3A_803, %select_n3A_823 : vector<16xi32>
    %all_reduce_population_count3A_825 = tpu.all_reduce %eq3A_808 {dim = 0 : i64, kind = #tpu.reduction_kind<sum>} : vector<16xi1> -> vector<16xi32>
    %add3A_826 = arith.addi %add3A_652, %all_reduce_population_count3A_825 : vector<16xi32>
    %eq3A_827 = arith.constant 4 : i32
    %eq3A_828 = vector.broadcast %eq3A_827 : i32 to vector<16xi32>
    %eq3A_829 = arith.cmpi eq, %get3A_742, %eq3A_828 : vector<16xi32>
    %jit3A_830 = arith.constant 1 : i32
    %jit3A_831 = arith.constant 0 : i32
    %broadcast_in_dim3A_832 = vector.broadcast %jit3A_830 : i32 to vector<16xi32>
    %broadcast_in_dim3A_833 = vector.broadcast %jit3A_831 : i32 to vector<16xi32>
    %select_n3A_834 = arith.select %eq3A_829, %broadcast_in_dim3A_832, %broadcast_in_dim3A_833 : vector<16xi1>, vector<16xi32>
    %broadcast_in_dim3A_835 = arith.constant true
    %broadcast_in_dim3A_836 = vector.broadcast %broadcast_in_dim3A_835 : i1 to vector<16xi1>
    %masked_cumsum3A_837 = tpu.scan <sum>, %select_n3A_834 masked %broadcast_in_dim3A_836 : vector<16xi32>, vector<16xi1> -> vector<16xi32>
    %add3A_838 = arith.addi %add3A_673, %masked_cumsum3A_837 : vector<16xi32>
    %sub3A_839 = arith.constant 1 : i32
    %sub3A_840 = vector.broadcast %sub3A_839 : i32 to vector<16xi32>
    %sub3A_841 = arith.subi %add3A_838, %sub3A_840 : vector<16xi32>
    %jit3A_842 = arith.constant 0 : i32
    %broadcast_in_dim3A_843 = vector.broadcast %jit3A_842 : i32 to vector<16xi32>
    %select_n3A_844 = arith.select %eq3A_829, %sub3A_841, %broadcast_in_dim3A_843 : vector<16xi1>, vector<16xi32>
    %add3A_845 = arith.addi %add3A_824, %select_n3A_844 : vector<16xi32>
    %all_reduce_population_count3A_846 = tpu.all_reduce %eq3A_829 {dim = 0 : i64, kind = #tpu.reduction_kind<sum>} : vector<16xi1> -> vector<16xi32>
    %add3A_847 = arith.addi %add3A_673, %all_reduce_population_count3A_846 : vector<16xi32>
    %eq3A_848 = arith.constant 5 : i32
    %eq3A_849 = vector.broadcast %eq3A_848 : i32 to vector<16xi32>
    %eq3A_850 = arith.cmpi eq, %get3A_742, %eq3A_849 : vector<16xi32>
    %jit3A_851 = arith.constant 1 : i32
    %jit3A_852 = arith.constant 0 : i32
    %broadcast_in_dim3A_853 = vector.broadcast %jit3A_851 : i32 to vector<16xi32>
    %broadcast_in_dim3A_854 = vector.broadcast %jit3A_852 : i32 to vector<16xi32>
    %select_n3A_855 = arith.select %eq3A_850, %broadcast_in_dim3A_853, %broadcast_in_dim3A_854 : vector<16xi1>, vector<16xi32>
    %broadcast_in_dim3A_856 = arith.constant true
    %broadcast_in_dim3A_857 = vector.broadcast %broadcast_in_dim3A_856 : i1 to vector<16xi1>
    %masked_cumsum3A_858 = tpu.scan <sum>, %select_n3A_855 masked %broadcast_in_dim3A_857 : vector<16xi32>, vector<16xi1> -> vector<16xi32>
    %add3A_859 = arith.addi %add3A_694, %masked_cumsum3A_858 : vector<16xi32>
    %sub3A_860 = arith.constant 1 : i32
    %sub3A_861 = vector.broadcast %sub3A_860 : i32 to vector<16xi32>
    %sub3A_862 = arith.subi %add3A_859, %sub3A_861 : vector<16xi32>
    %jit3A_863 = arith.constant 0 : i32
    %broadcast_in_dim3A_864 = vector.broadcast %jit3A_863 : i32 to vector<16xi32>
    %select_n3A_865 = arith.select %eq3A_850, %sub3A_862, %broadcast_in_dim3A_864 : vector<16xi1>, vector<16xi32>
    %add3A_866 = arith.addi %add3A_845, %select_n3A_865 : vector<16xi32>
    %all_reduce_population_count3A_867 = tpu.all_reduce %eq3A_850 {dim = 0 : i64, kind = #tpu.reduction_kind<sum>} : vector<16xi1> -> vector<16xi32>
    %add3A_868 = arith.addi %add3A_694, %all_reduce_population_count3A_867 : vector<16xi32>
    %eq3A_869 = arith.constant 6 : i32
    %eq3A_870 = vector.broadcast %eq3A_869 : i32 to vector<16xi32>
    %eq3A_871 = arith.cmpi eq, %get3A_742, %eq3A_870 : vector<16xi32>
    %jit3A_872 = arith.constant 1 : i32
    %jit3A_873 = arith.constant 0 : i32
    %broadcast_in_dim3A_874 = vector.broadcast %jit3A_872 : i32 to vector<16xi32>
    %broadcast_in_dim3A_875 = vector.broadcast %jit3A_873 : i32 to vector<16xi32>
    %select_n3A_876 = arith.select %eq3A_871, %broadcast_in_dim3A_874, %broadcast_in_dim3A_875 : vector<16xi1>, vector<16xi32>
    %broadcast_in_dim3A_877 = arith.constant true
    %broadcast_in_dim3A_878 = vector.broadcast %broadcast_in_dim3A_877 : i1 to vector<16xi1>
    %masked_cumsum3A_879 = tpu.scan <sum>, %select_n3A_876 masked %broadcast_in_dim3A_878 : vector<16xi32>, vector<16xi1> -> vector<16xi32>
    %add3A_880 = arith.addi %add3A_715, %masked_cumsum3A_879 : vector<16xi32>
    %sub3A_881 = arith.constant 1 : i32
    %sub3A_882 = vector.broadcast %sub3A_881 : i32 to vector<16xi32>
    %sub3A_883 = arith.subi %add3A_880, %sub3A_882 : vector<16xi32>
    %jit3A_884 = arith.constant 0 : i32
    %broadcast_in_dim3A_885 = vector.broadcast %jit3A_884 : i32 to vector<16xi32>
    %select_n3A_886 = arith.select %eq3A_871, %sub3A_883, %broadcast_in_dim3A_885 : vector<16xi1>, vector<16xi32>
    %add3A_887 = arith.addi %add3A_866, %select_n3A_886 : vector<16xi32>
    %all_reduce_population_count3A_888 = tpu.all_reduce %eq3A_871 {dim = 0 : i64, kind = #tpu.reduction_kind<sum>} : vector<16xi1> -> vector<16xi32>
    %add3A_889 = arith.addi %add3A_715, %all_reduce_population_count3A_888 : vector<16xi32>
    %eq3A_890 = arith.constant 7 : i32
    %eq3A_891 = vector.broadcast %eq3A_890 : i32 to vector<16xi32>
    %eq3A_892 = arith.cmpi eq, %get3A_742, %eq3A_891 : vector<16xi32>
    %jit3A_893 = arith.constant 1 : i32
    %jit3A_894 = arith.constant 0 : i32
    %broadcast_in_dim3A_895 = vector.broadcast %jit3A_893 : i32 to vector<16xi32>
    %broadcast_in_dim3A_896 = vector.broadcast %jit3A_894 : i32 to vector<16xi32>
    %select_n3A_897 = arith.select %eq3A_892, %broadcast_in_dim3A_895, %broadcast_in_dim3A_896 : vector<16xi1>, vector<16xi32>
    %broadcast_in_dim3A_898 = arith.constant true
    %broadcast_in_dim3A_899 = vector.broadcast %broadcast_in_dim3A_898 : i1 to vector<16xi1>
    %masked_cumsum3A_900 = tpu.scan <sum>, %select_n3A_897 masked %broadcast_in_dim3A_899 : vector<16xi32>, vector<16xi1> -> vector<16xi32>
    %add3A_901 = arith.addi %add3A_736, %masked_cumsum3A_900 : vector<16xi32>
    %sub3A_902 = arith.constant 1 : i32
    %sub3A_903 = vector.broadcast %sub3A_902 : i32 to vector<16xi32>
    %sub3A_904 = arith.subi %add3A_901, %sub3A_903 : vector<16xi32>
    %jit3A_905 = arith.constant 0 : i32
    %broadcast_in_dim3A_906 = vector.broadcast %jit3A_905 : i32 to vector<16xi32>
    %select_n3A_907 = arith.select %eq3A_892, %sub3A_904, %broadcast_in_dim3A_906 : vector<16xi1>, vector<16xi32>
    %add3A_908 = arith.addi %add3A_887, %select_n3A_907 : vector<16xi32>
    %all_reduce_population_count3A_909 = tpu.all_reduce %eq3A_892 {dim = 0 : i64, kind = #tpu.reduction_kind<sum>} : vector<16xi1> -> vector<16xi32>
    %add3A_910 = arith.addi %add3A_736, %all_reduce_population_count3A_909 : vector<16xi32>
    %swap3A_911 = arith.constant 2 : i32
    %swap3A_912 = arith.index_cast %swap3A_911 : i32 to index
    %swap3A_913 = arith.constant 0 : index
    %swap3A_914 = tpu.vector_load %arg9[%swap3A_912, %swap3A_913] {strides = array<i32>} : memref<8x32xi32, #tpu.memory_space<vmem>>, vector<16xi32>,
    tpu.vector_store %arg9[%swap3A_912, %swap3A_913], %add3A_908 {strides = array<i32>} : memref<8x32xi32, #tpu.memory_space<vmem>>, vector<16xi32>,
    %get3A_915 = arith.constant 80 : index
    %get3A_916 = tpu.vector_load %arg7[%get3A_915] {strides = array<i32>} : memref<256xi32, #tpu.memory_space<vmem>>, vector<16xi32>,
    %eq3A_917 = arith.constant 0 : i32
    %eq3A_918 = vector.broadcast %eq3A_917 : i32 to vector<16xi32>
    %eq3A_919 = arith.cmpi eq, %get3A_916, %eq3A_918 : vector<16xi32>
    %jit3A_920 = arith.constant 1 : i32
    %jit3A_921 = arith.constant 0 : i32
    %broadcast_in_dim3A_922 = vector.broadcast %jit3A_920 : i32 to vector<16xi32>
    %broadcast_in_dim3A_923 = vector.broadcast %jit3A_921 : i32 to vector<16xi32>
    %select_n3A_924 = arith.select %eq3A_919, %broadcast_in_dim3A_922, %broadcast_in_dim3A_923 : vector<16xi1>, vector<16xi32>
    %broadcast_in_dim3A_925 = arith.constant true
    %broadcast_in_dim3A_926 = vector.broadcast %broadcast_in_dim3A_925 : i1 to vector<16xi1>
    %masked_cumsum3A_927 = tpu.scan <sum>, %select_n3A_924 masked %broadcast_in_dim3A_926 : vector<16xi32>, vector<16xi1> -> vector<16xi32>
    %add3A_928 = arith.addi %add3A_763, %masked_cumsum3A_927 : vector<16xi32>
    %sub3A_929 = arith.constant 1 : i32
    %sub3A_930 = vector.broadcast %sub3A_929 : i32 to vector<16xi32>
    %sub3A_931 = arith.subi %add3A_928, %sub3A_930 : vector<16xi32>
    %jit3A_932 = arith.constant 0 : i32
    %broadcast_in_dim3A_933 = vector.broadcast %jit3A_932 : i32 to vector<16xi32>
    %select_n3A_934 = arith.select %eq3A_919, %sub3A_931, %broadcast_in_dim3A_933 : vector<16xi1>, vector<16xi32>
    %add3A_935 = arith.addi %broadcast_in_dim3A_20, %select_n3A_934 : vector<16xi32>
    %all_reduce_population_count3A_936 = tpu.all_reduce %eq3A_919 {dim = 0 : i64, kind = #tpu.reduction_kind<sum>} : vector<16xi1> -> vector<16xi32>
    %add3A_937 = arith.addi %add3A_763, %all_reduce_population_count3A_936 : vector<16xi32>
    %eq3A_938 = arith.constant 1 : i32
    %eq3A_939 = vector.broadcast %eq3A_938 : i32 to vector<16xi32>
    %eq3A_940 = arith.cmpi eq, %get3A_916, %eq3A_939 : vector<16xi32>
    %jit3A_941 = arith.constant 1 : i32
    %jit3A_942 = arith.constant 0 : i32
    %broadcast_in_dim3A_943 = vector.broadcast %jit3A_941 : i32 to vector<16xi32>
    %broadcast_in_dim3A_944 = vector.broadcast %jit3A_942 : i32 to vector<16xi32>
    %select_n3A_945 = arith.select %eq3A_940, %broadcast_in_dim3A_943, %broadcast_in_dim3A_944 : vector<16xi1>, vector<16xi32>
    %broadcast_in_dim3A_946 = arith.constant true
    %broadcast_in_dim3A_947 = vector.broadcast %broadcast_in_dim3A_946 : i1 to vector<16xi1>
    %masked_cumsum3A_948 = tpu.scan <sum>, %select_n3A_945 masked %broadcast_in_dim3A_947 : vector<16xi32>, vector<16xi1> -> vector<16xi32>
    %add3A_949 = arith.addi %add3A_784, %masked_cumsum3A_948 : vector<16xi32>
    %sub3A_950 = arith.constant 1 : i32
    %sub3A_951 = vector.broadcast %sub3A_950 : i32 to vector<16xi32>
    %sub3A_952 = arith.subi %add3A_949, %sub3A_951 : vector<16xi32>
    %jit3A_953 = arith.constant 0 : i32
    %broadcast_in_dim3A_954 = vector.broadcast %jit3A_953 : i32 to vector<16xi32>
    %select_n3A_955 = arith.select %eq3A_940, %sub3A_952, %broadcast_in_dim3A_954 : vector<16xi1>, vector<16xi32>
    %add3A_956 = arith.addi %add3A_935, %select_n3A_955 : vector<16xi32>
    %all_reduce_population_count3A_957 = tpu.all_reduce %eq3A_940 {dim = 0 : i64, kind = #tpu.reduction_kind<sum>} : vector<16xi1> -> vector<16xi32>
    %add3A_958 = arith.addi %add3A_784, %all_reduce_population_count3A_957 : vector<16xi32>
    %eq3A_959 = arith.constant 2 : i32
    %eq3A_960 = vector.broadcast %eq3A_959 : i32 to vector<16xi32>
    %eq3A_961 = arith.cmpi eq, %get3A_916, %eq3A_960 : vector<16xi32>
    %jit3A_962 = arith.constant 1 : i32
    %jit3A_963 = arith.constant 0 : i32
    %broadcast_in_dim3A_964 = vector.broadcast %jit3A_962 : i32 to vector<16xi32>
    %broadcast_in_dim3A_965 = vector.broadcast %jit3A_963 : i32 to vector<16xi32>
    %select_n3A_966 = arith.select %eq3A_961, %broadcast_in_dim3A_964, %broadcast_in_dim3A_965 : vector<16xi1>, vector<16xi32>
    %broadcast_in_dim3A_967 = arith.constant true
    %broadcast_in_dim3A_968 = vector.broadcast %broadcast_in_dim3A_967 : i1 to vector<16xi1>
    %masked_cumsum3A_969 = tpu.scan <sum>, %select_n3A_966 masked %broadcast_in_dim3A_968 : vector<16xi32>, vector<16xi1> -> vector<16xi32>
    %add3A_970 = arith.addi %add3A_805, %masked_cumsum3A_969 : vector<16xi32>
    %sub3A_971 = arith.constant 1 : i32
    %sub3A_972 = vector.broadcast %sub3A_971 : i32 to vector<16xi32>
    %sub3A_973 = arith.subi %add3A_970, %sub3A_972 : vector<16xi32>
    %jit3A_974 = arith.constant 0 : i32
    %broadcast_in_dim3A_975 = vector.broadcast %jit3A_974 : i32 to vector<16xi32>
    %select_n3A_976 = arith.select %eq3A_961, %sub3A_973, %broadcast_in_dim3A_975 : vector<16xi1>, vector<16xi32>
    %add3A_977 = arith.addi %add3A_956, %select_n3A_976 : vector<16xi32>
    %all_reduce_population_count3A_978 = tpu.all_reduce %eq3A_961 {dim = 0 : i64, kind = #tpu.reduction_kind<sum>} : vector<16xi1> -> vector<16xi32>
    %add3A_979 = arith.addi %add3A_805, %all_reduce_population_count3A_978 : vector<16xi32>
    %eq3A_980 = arith.constant 3 : i32
    %eq3A_981 = vector.broadcast %eq3A_980 : i32 to vector<16xi32>
    %eq3A_982 = arith.cmpi eq, %get3A_916, %eq3A_981 : vector<16xi32>
    %jit3A_983 = arith.constant 1 : i32
    %jit3A_984 = arith.constant 0 : i32
    %broadcast_in_dim3A_985 = vector.broadcast %jit3A_983 : i32 to vector<16xi32>
    %broadcast_in_dim3A_986 = vector.broadcast %jit3A_984 : i32 to vector<16xi32>
    %select_n3A_987 = arith.select %eq3A_982, %broadcast_in_dim3A_985, %broadcast_in_dim3A_986 : vector<16xi1>, vector<16xi32>
    %broadcast_in_dim3A_988 = arith.constant true
    %broadcast_in_dim3A_989 = vector.broadcast %broadcast_in_dim3A_988 : i1 to vector<16xi1>
    %masked_cumsum3A_990 = tpu.scan <sum>, %select_n3A_987 masked %broadcast_in_dim3A_989 : vector<16xi32>, vector<16xi1> -> vector<16xi32>
    %add3A_991 = arith.addi %add3A_826, %masked_cumsum3A_990 : vector<16xi32>
    %sub3A_992 = arith.constant 1 : i32
    %sub3A_993 = vector.broadcast %sub3A_992 : i32 to vector<16xi32>
    %sub3A_994 = arith.subi %add3A_991, %sub3A_993 : vector<16xi32>
    %jit3A_995 = arith.constant 0 : i32
    %broadcast_in_dim3A_996 = vector.broadcast %jit3A_995 : i32 to vector<16xi32>
    %select_n3A_997 = arith.select %eq3A_982, %sub3A_994, %broadcast_in_dim3A_996 : vector<16xi1>, vector<16xi32>
    %add3A_998 = arith.addi %add3A_977, %select_n3A_997 : vector<16xi32>
    %all_reduce_population_count3A_999 = tpu.all_reduce %eq3A_982 {dim = 0 : i64, kind = #tpu.reduction_kind<sum>} : vector<16xi1> -> vector<16xi32>
    %add3A_1000 = arith.addi %add3A_826, %all_reduce_population_count3A_999 : vector<16xi32>
    %eq3A_1001 = arith.constant 4 : i32
    %eq3A_1002 = vector.broadcast %eq3A_1001 : i32 to vector<16xi32>
    %eq3A_1003 = arith.cmpi eq, %get3A_916, %eq3A_1002 : vector<16xi32>
    %jit3A_1004 = arith.constant 1 : i32
    %jit3A_1005 = arith.constant 0 : i32
    %broadcast_in_dim3A_1006 = vector.broadcast %jit3A_1004 : i32 to vector<16xi32>
    %broadcast_in_dim3A_1007 = vector.broadcast %jit3A_1005 : i32 to vector<16xi32>
    %select_n3A_1008 = arith.select %eq3A_1003, %broadcast_in_dim3A_1006, %broadcast_in_dim3A_1007 : vector<16xi1>, vector<16xi32>
    %broadcast_in_dim3A_1009 = arith.constant true
    %broadcast_in_dim3A_1010 = vector.broadcast %broadcast_in_dim3A_1009 : i1 to vector<16xi1>
    %masked_cumsum3A_1011 = tpu.scan <sum>, %select_n3A_1008 masked %broadcast_in_dim3A_1010 : vector<16xi32>, vector<16xi1> -> vector<16xi32>
    %add3A_1012 = arith.addi %add3A_847, %masked_cumsum3A_1011 : vector<16xi32>
    %sub3A_1013 = arith.constant 1 : i32
    %sub3A_1014 = vector.broadcast %sub3A_1013 : i32 to vector<16xi32>
    %sub3A_1015 = arith.subi %add3A_1012, %sub3A_1014 : vector<16xi32>
    %jit3A_1016 = arith.constant 0 : i32
    %broadcast_in_dim3A_1017 = vector.broadcast %jit3A_1016 : i32 to vector<16xi32>
    %select_n3A_1018 = arith.select %eq3A_1003, %sub3A_1015, %broadcast_in_dim3A_1017 : vector<16xi1>, vector<16xi32>
    %add3A_1019 = arith.addi %add3A_998, %select_n3A_1018 : vector<16xi32>
    %all_reduce_population_count3A_1020 = tpu.all_reduce %eq3A_1003 {dim = 0 : i64, kind = #tpu.reduction_kind<sum>} : vector<16xi1> -> vector<16xi32>
    %add3A_1021 = arith.addi %add3A_847, %all_reduce_population_count3A_1020 : vector<16xi32>
    %eq3A_1022 = arith.constant 5 : i32
    %eq3A_1023 = vector.broadcast %eq3A_1022 : i32 to vector<16xi32>
    %eq3A_1024 = arith.cmpi eq, %get3A_916, %eq3A_1023 : vector<16xi32>
    %jit3A_1025 = arith.constant 1 : i32
    %jit3A_1026 = arith.constant 0 : i32
    %broadcast_in_dim3A_1027 = vector.broadcast %jit3A_1025 : i32 to vector<16xi32>
    %broadcast_in_dim3A_1028 = vector.broadcast %jit3A_1026 : i32 to vector<16xi32>
    %select_n3A_1029 = arith.select %eq3A_1024, %broadcast_in_dim3A_1027, %broadcast_in_dim3A_1028 : vector<16xi1>, vector<16xi32>
    %broadcast_in_dim3A_1030 = arith.constant true
    %broadcast_in_dim3A_1031 = vector.broadcast %broadcast_in_dim3A_1030 : i1 to vector<16xi1>
    %masked_cumsum3A_1032 = tpu.scan <sum>, %select_n3A_1029 masked %broadcast_in_dim3A_1031 : vector<16xi32>, vector<16xi1> -> vector<16xi32>
    %add3A_1033 = arith.addi %add3A_868, %masked_cumsum3A_1032 : vector<16xi32>
    %sub3A_1034 = arith.constant 1 : i32
    %sub3A_1035 = vector.broadcast %sub3A_1034 : i32 to vector<16xi32>
    %sub3A_1036 = arith.subi %add3A_1033, %sub3A_1035 : vector<16xi32>
    %jit3A_1037 = arith.constant 0 : i32
    %broadcast_in_dim3A_1038 = vector.broadcast %jit3A_1037 : i32 to vector<16xi32>
    %select_n3A_1039 = arith.select %eq3A_1024, %sub3A_1036, %broadcast_in_dim3A_1038 : vector<16xi1>, vector<16xi32>
    %add3A_1040 = arith.addi %add3A_1019, %select_n3A_1039 : vector<16xi32>
    %all_reduce_population_count3A_1041 = tpu.all_reduce %eq3A_1024 {dim = 0 : i64, kind = #tpu.reduction_kind<sum>} : vector<16xi1> -> vector<16xi32>
    %add3A_1042 = arith.addi %add3A_868, %all_reduce_population_count3A_1041 : vector<16xi32>
    %eq3A_1043 = arith.constant 6 : i32
    %eq3A_1044 = vector.broadcast %eq3A_1043 : i32 to vector<16xi32>
    %eq3A_1045 = arith.cmpi eq, %get3A_916, %eq3A_1044 : vector<16xi32>
    %jit3A_1046 = arith.constant 1 : i32
    %jit3A_1047 = arith.constant 0 : i32
    %broadcast_in_dim3A_1048 = vector.broadcast %jit3A_1046 : i32 to vector<16xi32>
    %broadcast_in_dim3A_1049 = vector.broadcast %jit3A_1047 : i32 to vector<16xi32>
    %select_n3A_1050 = arith.select %eq3A_1045, %broadcast_in_dim3A_1048, %broadcast_in_dim3A_1049 : vector<16xi1>, vector<16xi32>
    %broadcast_in_dim3A_1051 = arith.constant true
    %broadcast_in_dim3A_1052 = vector.broadcast %broadcast_in_dim3A_1051 : i1 to vector<16xi1>
    %masked_cumsum3A_1053 = tpu.scan <sum>, %select_n3A_1050 masked %broadcast_in_dim3A_1052 : vector<16xi32>, vector<16xi1> -> vector<16xi32>
    %add3A_1054 = arith.addi %add3A_889, %masked_cumsum3A_1053 : vector<16xi32>
    %sub3A_1055 = arith.constant 1 : i32
    %sub3A_1056 = vector.broadcast %sub3A_1055 : i32 to vector<16xi32>
    %sub3A_1057 = arith.subi %add3A_1054, %sub3A_1056 : vector<16xi32>
    %jit3A_1058 = arith.constant 0 : i32
    %broadcast_in_dim3A_1059 = vector.broadcast %jit3A_1058 : i32 to vector<16xi32>
    %select_n3A_1060 = arith.select %eq3A_1045, %sub3A_1057, %broadcast_in_dim3A_1059 : vector<16xi1>, vector<16xi32>
    %add3A_1061 = arith.addi %add3A_1040, %select_n3A_1060 : vector<16xi32>
    %all_reduce_population_count3A_1062 = tpu.all_reduce %eq3A_1045 {dim = 0 : i64, kind = #tpu.reduction_kind<sum>} : vector<16xi1> -> vector<16xi32>
    %add3A_1063 = arith.addi %add3A_889, %all_reduce_population_count3A_1062 : vector<16xi32>
    %eq3A_1064 = arith.constant 7 : i32
    %eq3A_1065 = vector.broadcast %eq3A_1064 : i32 to vector<16xi32>
    %eq3A_1066 = arith.cmpi eq, %get3A_916, %eq3A_1065 : vector<16xi32>
    %jit3A_1067 = arith.constant 1 : i32
    %jit3A_1068 = arith.constant 0 : i32
    %broadcast_in_dim3A_1069 = vector.broadcast %jit3A_1067 : i32 to vector<16xi32>
    %broadcast_in_dim3A_1070 = vector.broadcast %jit3A_1068 : i32 to vector<16xi32>
    %select_n3A_1071 = arith.select %eq3A_1066, %broadcast_in_dim3A_1069, %broadcast_in_dim3A_1070 : vector<16xi1>, vector<16xi32>
    %broadcast_in_dim3A_1072 = arith.constant true
    %broadcast_in_dim3A_1073 = vector.broadcast %broadcast_in_dim3A_1072 : i1 to vector<16xi1>
    %masked_cumsum3A_1074 = tpu.scan <sum>, %select_n3A_1071 masked %broadcast_in_dim3A_1073 : vector<16xi32>, vector<16xi1> -> vector<16xi32>
    %add3A_1075 = arith.addi %add3A_910, %masked_cumsum3A_1074 : vector<16xi32>
    %sub3A_1076 = arith.constant 1 : i32
    %sub3A_1077 = vector.broadcast %sub3A_1076 : i32 to vector<16xi32>
    %sub3A_1078 = arith.subi %add3A_1075, %sub3A_1077 : vector<16xi32>
    %jit3A_1079 = arith.constant 0 : i32
    %broadcast_in_dim3A_1080 = vector.broadcast %jit3A_1079 : i32 to vector<16xi32>
    %select_n3A_1081 = arith.select %eq3A_1066, %sub3A_1078, %broadcast_in_dim3A_1080 : vector<16xi1>, vector<16xi32>
    %add3A_1082 = arith.addi %add3A_1061, %select_n3A_1081 : vector<16xi32>
    %all_reduce_population_count3A_1083 = tpu.all_reduce %eq3A_1066 {dim = 0 : i64, kind = #tpu.reduction_kind<sum>} : vector<16xi1> -> vector<16xi32>
    %add3A_1084 = arith.addi %add3A_910, %all_reduce_population_count3A_1083 : vector<16xi32>
    %swap3A_1085 = arith.constant 2 : i32
    %swap3A_1086 = arith.index_cast %swap3A_1085 : i32 to index
    %swap3A_1087 = arith.constant 16 : index
    %swap3A_1088 = tpu.vector_load %arg9[%swap3A_1086, %swap3A_1087] {strides = array<i32>} : memref<8x32xi32, #tpu.memory_space<vmem>>, vector<16xi32>,
    tpu.vector_store %arg9[%swap3A_1086, %swap3A_1087], %add3A_1082 {strides = array<i32>} : memref<8x32xi32, #tpu.memory_space<vmem>>, vector<16xi32>,
    %get3A_1089 = arith.constant 96 : index
    %get3A_1090 = tpu.vector_load %arg7[%get3A_1089] {strides = array<i32>} : memref<256xi32, #tpu.memory_space<vmem>>, vector<16xi32>,
    %eq3A_1091 = arith.constant 0 : i32
    %eq3A_1092 = vector.broadcast %eq3A_1091 : i32 to vector<16xi32>
    %eq3A_1093 = arith.cmpi eq, %get3A_1090, %eq3A_1092 : vector<16xi32>
    %jit3A_1094 = arith.constant 1 : i32
    %jit3A_1095 = arith.constant 0 : i32
    %broadcast_in_dim3A_1096 = vector.broadcast %jit3A_1094 : i32 to vector<16xi32>
    %broadcast_in_dim3A_1097 = vector.broadcast %jit3A_1095 : i32 to vector<16xi32>
    %select_n3A_1098 = arith.select %eq3A_1093, %broadcast_in_dim3A_1096, %broadcast_in_dim3A_1097 : vector<16xi1>, vector<16xi32>
    %broadcast_in_dim3A_1099 = arith.constant true
    %broadcast_in_dim3A_1100 = vector.broadcast %broadcast_in_dim3A_1099 : i1 to vector<16xi1>
    %masked_cumsum3A_1101 = tpu.scan <sum>, %select_n3A_1098 masked %broadcast_in_dim3A_1100 : vector<16xi32>, vector<16xi1> -> vector<16xi32>
    %add3A_1102 = arith.addi %add3A_937, %masked_cumsum3A_1101 : vector<16xi32>
    %sub3A_1103 = arith.constant 1 : i32
    %sub3A_1104 = vector.broadcast %sub3A_1103 : i32 to vector<16xi32>
    %sub3A_1105 = arith.subi %add3A_1102, %sub3A_1104 : vector<16xi32>
    %jit3A_1106 = arith.constant 0 : i32
    %broadcast_in_dim3A_1107 = vector.broadcast %jit3A_1106 : i32 to vector<16xi32>
    %select_n3A_1108 = arith.select %eq3A_1093, %sub3A_1105, %broadcast_in_dim3A_1107 : vector<16xi1>, vector<16xi32>
    %add3A_1109 = arith.addi %broadcast_in_dim3A_20, %select_n3A_1108 : vector<16xi32>
    %all_reduce_population_count3A_1110 = tpu.all_reduce %eq3A_1093 {dim = 0 : i64, kind = #tpu.reduction_kind<sum>} : vector<16xi1> -> vector<16xi32>
    %add3A_1111 = arith.addi %add3A_937, %all_reduce_population_count3A_1110 : vector<16xi32>
    %eq3A_1112 = arith.constant 1 : i32
    %eq3A_1113 = vector.broadcast %eq3A_1112 : i32 to vector<16xi32>
    %eq3A_1114 = arith.cmpi eq, %get3A_1090, %eq3A_1113 : vector<16xi32>
    %jit3A_1115 = arith.constant 1 : i32
    %jit3A_1116 = arith.constant 0 : i32
    %broadcast_in_dim3A_1117 = vector.broadcast %jit3A_1115 : i32 to vector<16xi32>
    %broadcast_in_dim3A_1118 = vector.broadcast %jit3A_1116 : i32 to vector<16xi32>
    %select_n3A_1119 = arith.select %eq3A_1114, %broadcast_in_dim3A_1117, %broadcast_in_dim3A_1118 : vector<16xi1>, vector<16xi32>
    %broadcast_in_dim3A_1120 = arith.constant true
    %broadcast_in_dim3A_1121 = vector.broadcast %broadcast_in_dim3A_1120 : i1 to vector<16xi1>
    %masked_cumsum3A_1122 = tpu.scan <sum>, %select_n3A_1119 masked %broadcast_in_dim3A_1121 : vector<16xi32>, vector<16xi1> -> vector<16xi32>
    %add3A_1123 = arith.addi %add3A_958, %masked_cumsum3A_1122 : vector<16xi32>
    %sub3A_1124 = arith.constant 1 : i32
    %sub3A_1125 = vector.broadcast %sub3A_1124 : i32 to vector<16xi32>
    %sub3A_1126 = arith.subi %add3A_1123, %sub3A_1125 : vector<16xi32>
    %jit3A_1127 = arith.constant 0 : i32
    %broadcast_in_dim3A_1128 = vector.broadcast %jit3A_1127 : i32 to vector<16xi32>
    %select_n3A_1129 = arith.select %eq3A_1114, %sub3A_1126, %broadcast_in_dim3A_1128 : vector<16xi1>, vector<16xi32>
    %add3A_1130 = arith.addi %add3A_1109, %select_n3A_1129 : vector<16xi32>
    %all_reduce_population_count3A_1131 = tpu.all_reduce %eq3A_1114 {dim = 0 : i64, kind = #tpu.reduction_kind<sum>} : vector<16xi1> -> vector<16xi32>
    %add3A_1132 = arith.addi %add3A_958, %all_reduce_population_count3A_1131 : vector<16xi32>
    %eq3A_1133 = arith.constant 2 : i32
    %eq3A_1134 = vector.broadcast %eq3A_1133 : i32 to vector<16xi32>
    %eq3A_1135 = arith.cmpi eq, %get3A_1090, %eq3A_1134 : vector<16xi32>
    %jit3A_1136 = arith.constant 1 : i32
    %jit3A_1137 = arith.constant 0 : i32
    %broadcast_in_dim3A_1138 = vector.broadcast %jit3A_1136 : i32 to vector<16xi32>
    %broadcast_in_dim3A_1139 = vector.broadcast %jit3A_1137 : i32 to vector<16xi32>
    %select_n3A_1140 = arith.select %eq3A_1135, %broadcast_in_dim3A_1138, %broadcast_in_dim3A_1139 : vector<16xi1>, vector<16xi32>
    %broadcast_in_dim3A_1141 = arith.constant true
    %broadcast_in_dim3A_1142 = vector.broadcast %broadcast_in_dim3A_1141 : i1 to vector<16xi1>
    %masked_cumsum3A_1143 = tpu.scan <sum>, %select_n3A_1140 masked %broadcast_in_dim3A_1142 : vector<16xi32>, vector<16xi1> -> vector<16xi32>
    %add3A_1144 = arith.addi %add3A_979, %masked_cumsum3A_1143 : vector<16xi32>
    %sub3A_1145 = arith.constant 1 : i32
    %sub3A_1146 = vector.broadcast %sub3A_1145 : i32 to vector<16xi32>
    %sub3A_1147 = arith.subi %add3A_1144, %sub3A_1146 : vector<16xi32>
    %jit3A_1148 = arith.constant 0 : i32
    %broadcast_in_dim3A_1149 = vector.broadcast %jit3A_1148 : i32 to vector<16xi32>
    %select_n3A_1150 = arith.select %eq3A_1135, %sub3A_1147, %broadcast_in_dim3A_1149 : vector<16xi1>, vector<16xi32>
    %add3A_1151 = arith.addi %add3A_1130, %select_n3A_1150 : vector<16xi32>
    %all_reduce_population_count3A_1152 = tpu.all_reduce %eq3A_1135 {dim = 0 : i64, kind = #tpu.reduction_kind<sum>} : vector<16xi1> -> vector<16xi32>
    %add3A_1153 = arith.addi %add3A_979, %all_reduce_population_count3A_1152 : vector<16xi32>
    %eq3A_1154 = arith.constant 3 : i32
    %eq3A_1155 = vector.broadcast %eq3A_1154 : i32 to vector<16xi32>
    %eq3A_1156 = arith.cmpi eq, %get3A_1090, %eq3A_1155 : vector<16xi32>
    %jit3A_1157 = arith.constant 1 : i32
    %jit3A_1158 = arith.constant 0 : i32
    %broadcast_in_dim3A_1159 = vector.broadcast %jit3A_1157 : i32 to vector<16xi32>
    %broadcast_in_dim3A_1160 = vector.broadcast %jit3A_1158 : i32 to vector<16xi32>
    %select_n3A_1161 = arith.select %eq3A_1156, %broadcast_in_dim3A_1159, %broadcast_in_dim3A_1160 : vector<16xi1>, vector<16xi32>
    %broadcast_in_dim3A_1162 = arith.constant true
    %broadcast_in_dim3A_1163 = vector.broadcast %broadcast_in_dim3A_1162 : i1 to vector<16xi1>
    %masked_cumsum3A_1164 = tpu.scan <sum>, %select_n3A_1161 masked %broadcast_in_dim3A_1163 : vector<16xi32>, vector<16xi1> -> vector<16xi32>
    %add3A_1165 = arith.addi %add3A_1000, %masked_cumsum3A_1164 : vector<16xi32>
    %sub3A_1166 = arith.constant 1 : i32
    %sub3A_1167 = vector.broadcast %sub3A_1166 : i32 to vector<16xi32>
    %sub3A_1168 = arith.subi %add3A_1165, %sub3A_1167 : vector<16xi32>
    %jit3A_1169 = arith.constant 0 : i32
    %broadcast_in_dim3A_1170 = vector.broadcast %jit3A_1169 : i32 to vector<16xi32>
    %select_n3A_1171 = arith.select %eq3A_1156, %sub3A_1168, %broadcast_in_dim3A_1170 : vector<16xi1>, vector<16xi32>
    %add3A_1172 = arith.addi %add3A_1151, %select_n3A_1171 : vector<16xi32>
    %all_reduce_population_count3A_1173 = tpu.all_reduce %eq3A_1156 {dim = 0 : i64, kind = #tpu.reduction_kind<sum>} : vector<16xi1> -> vector<16xi32>
    %add3A_1174 = arith.addi %add3A_1000, %all_reduce_population_count3A_1173 : vector<16xi32>
    %eq3A_1175 = arith.constant 4 : i32
    %eq3A_1176 = vector.broadcast %eq3A_1175 : i32 to vector<16xi32>
    %eq3A_1177 = arith.cmpi eq, %get3A_1090, %eq3A_1176 : vector<16xi32>
    %jit3A_1178 = arith.constant 1 : i32
    %jit3A_1179 = arith.constant 0 : i32
    %broadcast_in_dim3A_1180 = vector.broadcast %jit3A_1178 : i32 to vector<16xi32>
    %broadcast_in_dim3A_1181 = vector.broadcast %jit3A_1179 : i32 to vector<16xi32>
    %select_n3A_1182 = arith.select %eq3A_1177, %broadcast_in_dim3A_1180, %broadcast_in_dim3A_1181 : vector<16xi1>, vector<16xi32>
    %broadcast_in_dim3A_1183 = arith.constant true
    %broadcast_in_dim3A_1184 = vector.broadcast %broadcast_in_dim3A_1183 : i1 to vector<16xi1>
    %masked_cumsum3A_1185 = tpu.scan <sum>, %select_n3A_1182 masked %broadcast_in_dim3A_1184 : vector<16xi32>, vector<16xi1> -> vector<16xi32>
    %add3A_1186 = arith.addi %add3A_1021, %masked_cumsum3A_1185 : vector<16xi32>
    %sub3A_1187 = arith.constant 1 : i32
    %sub3A_1188 = vector.broadcast %sub3A_1187 : i32 to vector<16xi32>
    %sub3A_1189 = arith.subi %add3A_1186, %sub3A_1188 : vector<16xi32>
    %jit3A_1190 = arith.constant 0 : i32
    %broadcast_in_dim3A_1191 = vector.broadcast %jit3A_1190 : i32 to vector<16xi32>
    %select_n3A_1192 = arith.select %eq3A_1177, %sub3A_1189, %broadcast_in_dim3A_1191 : vector<16xi1>, vector<16xi32>
    %add3A_1193 = arith.addi %add3A_1172, %select_n3A_1192 : vector<16xi32>
    %all_reduce_population_count3A_1194 = tpu.all_reduce %eq3A_1177 {dim = 0 : i64, kind = #tpu.reduction_kind<sum>} : vector<16xi1> -> vector<16xi32>
    %add3A_1195 = arith.addi %add3A_1021, %all_reduce_population_count3A_1194 : vector<16xi32>
    %eq3A_1196 = arith.constant 5 : i32
    %eq3A_1197 = vector.broadcast %eq3A_1196 : i32 to vector<16xi32>
    %eq3A_1198 = arith.cmpi eq, %get3A_1090, %eq3A_1197 : vector<16xi32>
    %jit3A_1199 = arith.constant 1 : i32
    %jit3A_1200 = arith.constant 0 : i32
    %broadcast_in_dim3A_1201 = vector.broadcast %jit3A_1199 : i32 to vector<16xi32>
    %broadcast_in_dim3A_1202 = vector.broadcast %jit3A_1200 : i32 to vector<16xi32>
    %select_n3A_1203 = arith.select %eq3A_1198, %broadcast_in_dim3A_1201, %broadcast_in_dim3A_1202 : vector<16xi1>, vector<16xi32>
    %broadcast_in_dim3A_1204 = arith.constant true
    %broadcast_in_dim3A_1205 = vector.broadcast %broadcast_in_dim3A_1204 : i1 to vector<16xi1>
    %masked_cumsum3A_1206 = tpu.scan <sum>, %select_n3A_1203 masked %broadcast_in_dim3A_1205 : vector<16xi32>, vector<16xi1> -> vector<16xi32>
    %add3A_1207 = arith.addi %add3A_1042, %masked_cumsum3A_1206 : vector<16xi32>
    %sub3A_1208 = arith.constant 1 : i32
    %sub3A_1209 = vector.broadcast %sub3A_1208 : i32 to vector<16xi32>
    %sub3A_1210 = arith.subi %add3A_1207, %sub3A_1209 : vector<16xi32>
    %jit3A_1211 = arith.constant 0 : i32
    %broadcast_in_dim3A_1212 = vector.broadcast %jit3A_1211 : i32 to vector<16xi32>
    %select_n3A_1213 = arith.select %eq3A_1198, %sub3A_1210, %broadcast_in_dim3A_1212 : vector<16xi1>, vector<16xi32>
    %add3A_1214 = arith.addi %add3A_1193, %select_n3A_1213 : vector<16xi32>
    %all_reduce_population_count3A_1215 = tpu.all_reduce %eq3A_1198 {dim = 0 : i64, kind = #tpu.reduction_kind<sum>} : vector<16xi1> -> vector<16xi32>
    %add3A_1216 = arith.addi %add3A_1042, %all_reduce_population_count3A_1215 : vector<16xi32>
    %eq3A_1217 = arith.constant 6 : i32
    %eq3A_1218 = vector.broadcast %eq3A_1217 : i32 to vector<16xi32>
    %eq3A_1219 = arith.cmpi eq, %get3A_1090, %eq3A_1218 : vector<16xi32>
    %jit3A_1220 = arith.constant 1 : i32
    %jit3A_1221 = arith.constant 0 : i32
    %broadcast_in_dim3A_1222 = vector.broadcast %jit3A_1220 : i32 to vector<16xi32>
    %broadcast_in_dim3A_1223 = vector.broadcast %jit3A_1221 : i32 to vector<16xi32>
    %select_n3A_1224 = arith.select %eq3A_1219, %broadcast_in_dim3A_1222, %broadcast_in_dim3A_1223 : vector<16xi1>, vector<16xi32>
    %broadcast_in_dim3A_1225 = arith.constant true
    %broadcast_in_dim3A_1226 = vector.broadcast %broadcast_in_dim3A_1225 : i1 to vector<16xi1>
    %masked_cumsum3A_1227 = tpu.scan <sum>, %select_n3A_1224 masked %broadcast_in_dim3A_1226 : vector<16xi32>, vector<16xi1> -> vector<16xi32>
    %add3A_1228 = arith.addi %add3A_1063, %masked_cumsum3A_1227 : vector<16xi32>
    %sub3A_1229 = arith.constant 1 : i32
    %sub3A_1230 = vector.broadcast %sub3A_1229 : i32 to vector<16xi32>
    %sub3A_1231 = arith.subi %add3A_1228, %sub3A_1230 : vector<16xi32>
    %jit3A_1232 = arith.constant 0 : i32
    %broadcast_in_dim3A_1233 = vector.broadcast %jit3A_1232 : i32 to vector<16xi32>
    %select_n3A_1234 = arith.select %eq3A_1219, %sub3A_1231, %broadcast_in_dim3A_1233 : vector<16xi1>, vector<16xi32>
    %add3A_1235 = arith.addi %add3A_1214, %select_n3A_1234 : vector<16xi32>
    %all_reduce_population_count3A_1236 = tpu.all_reduce %eq3A_1219 {dim = 0 : i64, kind = #tpu.reduction_kind<sum>} : vector<16xi1> -> vector<16xi32>
    %add3A_1237 = arith.addi %add3A_1063, %all_reduce_population_count3A_1236 : vector<16xi32>
    %eq3A_1238 = arith.constant 7 : i32
    %eq3A_1239 = vector.broadcast %eq3A_1238 : i32 to vector<16xi32>
    %eq3A_1240 = arith.cmpi eq, %get3A_1090, %eq3A_1239 : vector<16xi32>
    %jit3A_1241 = arith.constant 1 : i32
    %jit3A_1242 = arith.constant 0 : i32
    %broadcast_in_dim3A_1243 = vector.broadcast %jit3A_1241 : i32 to vector<16xi32>
    %broadcast_in_dim3A_1244 = vector.broadcast %jit3A_1242 : i32 to vector<16xi32>
    %select_n3A_1245 = arith.select %eq3A_1240, %broadcast_in_dim3A_1243, %broadcast_in_dim3A_1244 : vector<16xi1>, vector<16xi32>
    %broadcast_in_dim3A_1246 = arith.constant true
    %broadcast_in_dim3A_1247 = vector.broadcast %broadcast_in_dim3A_1246 : i1 to vector<16xi1>
    %masked_cumsum3A_1248 = tpu.scan <sum>, %select_n3A_1245 masked %broadcast_in_dim3A_1247 : vector<16xi32>, vector<16xi1> -> vector<16xi32>
    %add3A_1249 = arith.addi %add3A_1084, %masked_cumsum3A_1248 : vector<16xi32>
    %sub3A_1250 = arith.constant 1 : i32
    %sub3A_1251 = vector.broadcast %sub3A_1250 : i32 to vector<16xi32>
    %sub3A_1252 = arith.subi %add3A_1249, %sub3A_1251 : vector<16xi32>
    %jit3A_1253 = arith.constant 0 : i32
    %broadcast_in_dim3A_1254 = vector.broadcast %jit3A_1253 : i32 to vector<16xi32>
    %select_n3A_1255 = arith.select %eq3A_1240, %sub3A_1252, %broadcast_in_dim3A_1254 : vector<16xi1>, vector<16xi32>
    %add3A_1256 = arith.addi %add3A_1235, %select_n3A_1255 : vector<16xi32>
    %all_reduce_population_count3A_1257 = tpu.all_reduce %eq3A_1240 {dim = 0 : i64, kind = #tpu.reduction_kind<sum>} : vector<16xi1> -> vector<16xi32>
    %add3A_1258 = arith.addi %add3A_1084, %all_reduce_population_count3A_1257 : vector<16xi32>
    %swap3A_1259 = arith.constant 3 : i32
    %swap3A_1260 = arith.index_cast %swap3A_1259 : i32 to index
    %swap3A_1261 = arith.constant 0 : index
    %swap3A_1262 = tpu.vector_load %arg9[%swap3A_1260, %swap3A_1261] {strides = array<i32>} : memref<8x32xi32, #tpu.memory_space<vmem>>, vector<16xi32>,
    tpu.vector_store %arg9[%swap3A_1260, %swap3A_1261], %add3A_1256 {strides = array<i32>} : memref<8x32xi32, #tpu.memory_space<vmem>>, vector<16xi32>,
    %get3A_1263 = arith.constant 112 : index
    %get3A_1264 = tpu.vector_load %arg7[%get3A_1263] {strides = array<i32>} : memref<256xi32, #tpu.memory_space<vmem>>, vector<16xi32>,
    %eq3A_1265 = arith.constant 0 : i32
    %eq3A_1266 = vector.broadcast %eq3A_1265 : i32 to vector<16xi32>
    %eq3A_1267 = arith.cmpi eq, %get3A_1264, %eq3A_1266 : vector<16xi32>
    %jit3A_1268 = arith.constant 1 : i32
    %jit3A_1269 = arith.constant 0 : i32
    %broadcast_in_dim3A_1270 = vector.broadcast %jit3A_1268 : i32 to vector<16xi32>
    %broadcast_in_dim3A_1271 = vector.broadcast %jit3A_1269 : i32 to vector<16xi32>
    %select_n3A_1272 = arith.select %eq3A_1267, %broadcast_in_dim3A_1270, %broadcast_in_dim3A_1271 : vector<16xi1>, vector<16xi32>
    %broadcast_in_dim3A_1273 = arith.constant true
    %broadcast_in_dim3A_1274 = vector.broadcast %broadcast_in_dim3A_1273 : i1 to vector<16xi1>
    %masked_cumsum3A_1275 = tpu.scan <sum>, %select_n3A_1272 masked %broadcast_in_dim3A_1274 : vector<16xi32>, vector<16xi1> -> vector<16xi32>
    %add3A_1276 = arith.addi %add3A_1111, %masked_cumsum3A_1275 : vector<16xi32>
    %sub3A_1277 = arith.constant 1 : i32
    %sub3A_1278 = vector.broadcast %sub3A_1277 : i32 to vector<16xi32>
    %sub3A_1279 = arith.subi %add3A_1276, %sub3A_1278 : vector<16xi32>
    %jit3A_1280 = arith.constant 0 : i32
    %broadcast_in_dim3A_1281 = vector.broadcast %jit3A_1280 : i32 to vector<16xi32>
    %select_n3A_1282 = arith.select %eq3A_1267, %sub3A_1279, %broadcast_in_dim3A_1281 : vector<16xi1>, vector<16xi32>
    %add3A_1283 = arith.addi %broadcast_in_dim3A_20, %select_n3A_1282 : vector<16xi32>
    %all_reduce_population_count3A_1284 = tpu.all_reduce %eq3A_1267 {dim = 0 : i64, kind = #tpu.reduction_kind<sum>} : vector<16xi1> -> vector<16xi32>
    %add3A_1285 = arith.addi %add3A_1111, %all_reduce_population_count3A_1284 : vector<16xi32>
    %eq3A_1286 = arith.constant 1 : i32
    %eq3A_1287 = vector.broadcast %eq3A_1286 : i32 to vector<16xi32>
    %eq3A_1288 = arith.cmpi eq, %get3A_1264, %eq3A_1287 : vector<16xi32>
    %jit3A_1289 = arith.constant 1 : i32
    %jit3A_1290 = arith.constant 0 : i32
    %broadcast_in_dim3A_1291 = vector.broadcast %jit3A_1289 : i32 to vector<16xi32>
    %broadcast_in_dim3A_1292 = vector.broadcast %jit3A_1290 : i32 to vector<16xi32>
    %select_n3A_1293 = arith.select %eq3A_1288, %broadcast_in_dim3A_1291, %broadcast_in_dim3A_1292 : vector<16xi1>, vector<16xi32>
    %broadcast_in_dim3A_1294 = arith.constant true
    %broadcast_in_dim3A_1295 = vector.broadcast %broadcast_in_dim3A_1294 : i1 to vector<16xi1>
    %masked_cumsum3A_1296 = tpu.scan <sum>, %select_n3A_1293 masked %broadcast_in_dim3A_1295 : vector<16xi32>, vector<16xi1> -> vector<16xi32>
    %add3A_1297 = arith.addi %add3A_1132, %masked_cumsum3A_1296 : vector<16xi32>
    %sub3A_1298 = arith.constant 1 : i32
    %sub3A_1299 = vector.broadcast %sub3A_1298 : i32 to vector<16xi32>
    %sub3A_1300 = arith.subi %add3A_1297, %sub3A_1299 : vector<16xi32>
    %jit3A_1301 = arith.constant 0 : i32
    %broadcast_in_dim3A_1302 = vector.broadcast %jit3A_1301 : i32 to vector<16xi32>
    %select_n3A_1303 = arith.select %eq3A_1288, %sub3A_1300, %broadcast_in_dim3A_1302 : vector<16xi1>, vector<16xi32>
    %add3A_1304 = arith.addi %add3A_1283, %select_n3A_1303 : vector<16xi32>
    %all_reduce_population_count3A_1305 = tpu.all_reduce %eq3A_1288 {dim = 0 : i64, kind = #tpu.reduction_kind<sum>} : vector<16xi1> -> vector<16xi32>
    %add3A_1306 = arith.addi %add3A_1132, %all_reduce_population_count3A_1305 : vector<16xi32>
    %eq3A_1307 = arith.constant 2 : i32
    %eq3A_1308 = vector.broadcast %eq3A_1307 : i32 to vector<16xi32>
    %eq3A_1309 = arith.cmpi eq, %get3A_1264, %eq3A_1308 : vector<16xi32>
    %jit3A_1310 = arith.constant 1 : i32
    %jit3A_1311 = arith.constant 0 : i32
    %broadcast_in_dim3A_1312 = vector.broadcast %jit3A_1310 : i32 to vector<16xi32>
    %broadcast_in_dim3A_1313 = vector.broadcast %jit3A_1311 : i32 to vector<16xi32>
    %select_n3A_1314 = arith.select %eq3A_1309, %broadcast_in_dim3A_1312, %broadcast_in_dim3A_1313 : vector<16xi1>, vector<16xi32>
    %broadcast_in_dim3A_1315 = arith.constant true
    %broadcast_in_dim3A_1316 = vector.broadcast %broadcast_in_dim3A_1315 : i1 to vector<16xi1>
    %masked_cumsum3A_1317 = tpu.scan <sum>, %select_n3A_1314 masked %broadcast_in_dim3A_1316 : vector<16xi32>, vector<16xi1> -> vector<16xi32>
    %add3A_1318 = arith.addi %add3A_1153, %masked_cumsum3A_1317 : vector<16xi32>
    %sub3A_1319 = arith.constant 1 : i32
    %sub3A_1320 = vector.broadcast %sub3A_1319 : i32 to vector<16xi32>
    %sub3A_1321 = arith.subi %add3A_1318, %sub3A_1320 : vector<16xi32>
    %jit3A_1322 = arith.constant 0 : i32
    %broadcast_in_dim3A_1323 = vector.broadcast %jit3A_1322 : i32 to vector<16xi32>
    %select_n3A_1324 = arith.select %eq3A_1309, %sub3A_1321, %broadcast_in_dim3A_1323 : vector<16xi1>, vector<16xi32>
    %add3A_1325 = arith.addi %add3A_1304, %select_n3A_1324 : vector<16xi32>
    %all_reduce_population_count3A_1326 = tpu.all_reduce %eq3A_1309 {dim = 0 : i64, kind = #tpu.reduction_kind<sum>} : vector<16xi1> -> vector<16xi32>
    %add3A_1327 = arith.addi %add3A_1153, %all_reduce_population_count3A_1326 : vector<16xi32>
    %eq3A_1328 = arith.constant 3 : i32
    %eq3A_1329 = vector.broadcast %eq3A_1328 : i32 to vector<16xi32>
    %eq3A_1330 = arith.cmpi eq, %get3A_1264, %eq3A_1329 : vector<16xi32>
    %jit3A_1331 = arith.constant 1 : i32
    %jit3A_1332 = arith.constant 0 : i32
    %broadcast_in_dim3A_1333 = vector.broadcast %jit3A_1331 : i32 to vector<16xi32>
    %broadcast_in_dim3A_1334 = vector.broadcast %jit3A_1332 : i32 to vector<16xi32>
    %select_n3A_1335 = arith.select %eq3A_1330, %broadcast_in_dim3A_1333, %broadcast_in_dim3A_1334 : vector<16xi1>, vector<16xi32>
    %broadcast_in_dim3A_1336 = arith.constant true
    %broadcast_in_dim3A_1337 = vector.broadcast %broadcast_in_dim3A_1336 : i1 to vector<16xi1>
    %masked_cumsum3A_1338 = tpu.scan <sum>, %select_n3A_1335 masked %broadcast_in_dim3A_1337 : vector<16xi32>, vector<16xi1> -> vector<16xi32>
    %add3A_1339 = arith.addi %add3A_1174, %masked_cumsum3A_1338 : vector<16xi32>
    %sub3A_1340 = arith.constant 1 : i32
    %sub3A_1341 = vector.broadcast %sub3A_1340 : i32 to vector<16xi32>
    %sub3A_1342 = arith.subi %add3A_1339, %sub3A_1341 : vector<16xi32>
    %jit3A_1343 = arith.constant 0 : i32
    %broadcast_in_dim3A_1344 = vector.broadcast %jit3A_1343 : i32 to vector<16xi32>
    %select_n3A_1345 = arith.select %eq3A_1330, %sub3A_1342, %broadcast_in_dim3A_1344 : vector<16xi1>, vector<16xi32>
    %add3A_1346 = arith.addi %add3A_1325, %select_n3A_1345 : vector<16xi32>
    %all_reduce_population_count3A_1347 = tpu.all_reduce %eq3A_1330 {dim = 0 : i64, kind = #tpu.reduction_kind<sum>} : vector<16xi1> -> vector<16xi32>
    %add3A_1348 = arith.addi %add3A_1174, %all_reduce_population_count3A_1347 : vector<16xi32>
    %eq3A_1349 = arith.constant 4 : i32
    %eq3A_1350 = vector.broadcast %eq3A_1349 : i32 to vector<16xi32>
    %eq3A_1351 = arith.cmpi eq, %get3A_1264, %eq3A_1350 : vector<16xi32>
    %jit3A_1352 = arith.constant 1 : i32
    %jit3A_1353 = arith.constant 0 : i32
    %broadcast_in_dim3A_1354 = vector.broadcast %jit3A_1352 : i32 to vector<16xi32>
    %broadcast_in_dim3A_1355 = vector.broadcast %jit3A_1353 : i32 to vector<16xi32>
    %select_n3A_1356 = arith.select %eq3A_1351, %broadcast_in_dim3A_1354, %broadcast_in_dim3A_1355 : vector<16xi1>, vector<16xi32>
    %broadcast_in_dim3A_1357 = arith.constant true
    %broadcast_in_dim3A_1358 = vector.broadcast %broadcast_in_dim3A_1357 : i1 to vector<16xi1>
    %masked_cumsum3A_1359 = tpu.scan <sum>, %select_n3A_1356 masked %broadcast_in_dim3A_1358 : vector<16xi32>, vector<16xi1> -> vector<16xi32>
    %add3A_1360 = arith.addi %add3A_1195, %masked_cumsum3A_1359 : vector<16xi32>
    %sub3A_1361 = arith.constant 1 : i32
    %sub3A_1362 = vector.broadcast %sub3A_1361 : i32 to vector<16xi32>
    %sub3A_1363 = arith.subi %add3A_1360, %sub3A_1362 : vector<16xi32>
    %jit3A_1364 = arith.constant 0 : i32
    %broadcast_in_dim3A_1365 = vector.broadcast %jit3A_1364 : i32 to vector<16xi32>
    %select_n3A_1366 = arith.select %eq3A_1351, %sub3A_1363, %broadcast_in_dim3A_1365 : vector<16xi1>, vector<16xi32>
    %add3A_1367 = arith.addi %add3A_1346, %select_n3A_1366 : vector<16xi32>
    %all_reduce_population_count3A_1368 = tpu.all_reduce %eq3A_1351 {dim = 0 : i64, kind = #tpu.reduction_kind<sum>} : vector<16xi1> -> vector<16xi32>
    %add3A_1369 = arith.addi %add3A_1195, %all_reduce_population_count3A_1368 : vector<16xi32>
    %eq3A_1370 = arith.constant 5 : i32
    %eq3A_1371 = vector.broadcast %eq3A_1370 : i32 to vector<16xi32>
    %eq3A_1372 = arith.cmpi eq, %get3A_1264, %eq3A_1371 : vector<16xi32>
    %jit3A_1373 = arith.constant 1 : i32
    %jit3A_1374 = arith.constant 0 : i32
    %broadcast_in_dim3A_1375 = vector.broadcast %jit3A_1373 : i32 to vector<16xi32>
    %broadcast_in_dim3A_1376 = vector.broadcast %jit3A_1374 : i32 to vector<16xi32>
    %select_n3A_1377 = arith.select %eq3A_1372, %broadcast_in_dim3A_1375, %broadcast_in_dim3A_1376 : vector<16xi1>, vector<16xi32>
    %broadcast_in_dim3A_1378 = arith.constant true
    %broadcast_in_dim3A_1379 = vector.broadcast %broadcast_in_dim3A_1378 : i1 to vector<16xi1>
    %masked_cumsum3A_1380 = tpu.scan <sum>, %select_n3A_1377 masked %broadcast_in_dim3A_1379 : vector<16xi32>, vector<16xi1> -> vector<16xi32>
    %add3A_1381 = arith.addi %add3A_1216, %masked_cumsum3A_1380 : vector<16xi32>
    %sub3A_1382 = arith.constant 1 : i32
    %sub3A_1383 = vector.broadcast %sub3A_1382 : i32 to vector<16xi32>
    %sub3A_1384 = arith.subi %add3A_1381, %sub3A_1383 : vector<16xi32>
    %jit3A_1385 = arith.constant 0 : i32
    %broadcast_in_dim3A_1386 = vector.broadcast %jit3A_1385 : i32 to vector<16xi32>
    %select_n3A_1387 = arith.select %eq3A_1372, %sub3A_1384, %broadcast_in_dim3A_1386 : vector<16xi1>, vector<16xi32>
    %add3A_1388 = arith.addi %add3A_1367, %select_n3A_1387 : vector<16xi32>
    %all_reduce_population_count3A_1389 = tpu.all_reduce %eq3A_1372 {dim = 0 : i64, kind = #tpu.reduction_kind<sum>} : vector<16xi1> -> vector<16xi32>
    %add3A_1390 = arith.addi %add3A_1216, %all_reduce_population_count3A_1389 : vector<16xi32>
    %eq3A_1391 = arith.constant 6 : i32
    %eq3A_1392 = vector.broadcast %eq3A_1391 : i32 to vector<16xi32>
    %eq3A_1393 = arith.cmpi eq, %get3A_1264, %eq3A_1392 : vector<16xi32>
    %jit3A_1394 = arith.constant 1 : i32
    %jit3A_1395 = arith.constant 0 : i32
    %broadcast_in_dim3A_1396 = vector.broadcast %jit3A_1394 : i32 to vector<16xi32>
    %broadcast_in_dim3A_1397 = vector.broadcast %jit3A_1395 : i32 to vector<16xi32>
    %select_n3A_1398 = arith.select %eq3A_1393, %broadcast_in_dim3A_1396, %broadcast_in_dim3A_1397 : vector<16xi1>, vector<16xi32>
    %broadcast_in_dim3A_1399 = arith.constant true
    %broadcast_in_dim3A_1400 = vector.broadcast %broadcast_in_dim3A_1399 : i1 to vector<16xi1>
    %masked_cumsum3A_1401 = tpu.scan <sum>, %select_n3A_1398 masked %broadcast_in_dim3A_1400 : vector<16xi32>, vector<16xi1> -> vector<16xi32>
    %add3A_1402 = arith.addi %add3A_1237, %masked_cumsum3A_1401 : vector<16xi32>
    %sub3A_1403 = arith.constant 1 : i32
    %sub3A_1404 = vector.broadcast %sub3A_1403 : i32 to vector<16xi32>
    %sub3A_1405 = arith.subi %add3A_1402, %sub3A_1404 : vector<16xi32>
    %jit3A_1406 = arith.constant 0 : i32
    %broadcast_in_dim3A_1407 = vector.broadcast %jit3A_1406 : i32 to vector<16xi32>
    %select_n3A_1408 = arith.select %eq3A_1393, %sub3A_1405, %broadcast_in_dim3A_1407 : vector<16xi1>, vector<16xi32>
    %add3A_1409 = arith.addi %add3A_1388, %select_n3A_1408 : vector<16xi32>
    %all_reduce_population_count3A_1410 = tpu.all_reduce %eq3A_1393 {dim = 0 : i64, kind = #tpu.reduction_kind<sum>} : vector<16xi1> -> vector<16xi32>
    %add3A_1411 = arith.addi %add3A_1237, %all_reduce_population_count3A_1410 : vector<16xi32>
    %eq3A_1412 = arith.constant 7 : i32
    %eq3A_1413 = vector.broadcast %eq3A_1412 : i32 to vector<16xi32>
    %eq3A_1414 = arith.cmpi eq, %get3A_1264, %eq3A_1413 : vector<16xi32>
    %jit3A_1415 = arith.constant 1 : i32
    %jit3A_1416 = arith.constant 0 : i32
    %broadcast_in_dim3A_1417 = vector.broadcast %jit3A_1415 : i32 to vector<16xi32>
    %broadcast_in_dim3A_1418 = vector.broadcast %jit3A_1416 : i32 to vector<16xi32>
    %select_n3A_1419 = arith.select %eq3A_1414, %broadcast_in_dim3A_1417, %broadcast_in_dim3A_1418 : vector<16xi1>, vector<16xi32>
    %broadcast_in_dim3A_1420 = arith.constant true
    %broadcast_in_dim3A_1421 = vector.broadcast %broadcast_in_dim3A_1420 : i1 to vector<16xi1>
    %masked_cumsum3A_1422 = tpu.scan <sum>, %select_n3A_1419 masked %broadcast_in_dim3A_1421 : vector<16xi32>, vector<16xi1> -> vector<16xi32>
    %add3A_1423 = arith.addi %add3A_1258, %masked_cumsum3A_1422 : vector<16xi32>
    %sub3A_1424 = arith.constant 1 : i32
    %sub3A_1425 = vector.broadcast %sub3A_1424 : i32 to vector<16xi32>
    %sub3A_1426 = arith.subi %add3A_1423, %sub3A_1425 : vector<16xi32>
    %jit3A_1427 = arith.constant 0 : i32
    %broadcast_in_dim3A_1428 = vector.broadcast %jit3A_1427 : i32 to vector<16xi32>
    %select_n3A_1429 = arith.select %eq3A_1414, %sub3A_1426, %broadcast_in_dim3A_1428 : vector<16xi1>, vector<16xi32>
    %add3A_1430 = arith.addi %add3A_1409, %select_n3A_1429 : vector<16xi32>
    %all_reduce_population_count3A_1431 = tpu.all_reduce %eq3A_1414 {dim = 0 : i64, kind = #tpu.reduction_kind<sum>} : vector<16xi1> -> vector<16xi32>
    %add3A_1432 = arith.addi %add3A_1258, %all_reduce_population_count3A_1431 : vector<16xi32>
    %swap3A_1433 = arith.constant 3 : i32
    %swap3A_1434 = arith.index_cast %swap3A_1433 : i32 to index
    %swap3A_1435 = arith.constant 16 : index
    %swap3A_1436 = tpu.vector_load %arg9[%swap3A_1434, %swap3A_1435] {strides = array<i32>} : memref<8x32xi32, #tpu.memory_space<vmem>>, vector<16xi32>,
    tpu.vector_store %arg9[%swap3A_1434, %swap3A_1435], %add3A_1430 {strides = array<i32>} : memref<8x32xi32, #tpu.memory_space<vmem>>, vector<16xi32>,
    %get3A_1437 = arith.constant 128 : index
    %get3A_1438 = tpu.vector_load %arg7[%get3A_1437] {strides = array<i32>} : memref<256xi32, #tpu.memory_space<vmem>>, vector<16xi32>,
    %eq3A_1439 = arith.constant 0 : i32
    %eq3A_1440 = vector.broadcast %eq3A_1439 : i32 to vector<16xi32>
    %eq3A_1441 = arith.cmpi eq, %get3A_1438, %eq3A_1440 : vector<16xi32>
    %jit3A_1442 = arith.constant 1 : i32
    %jit3A_1443 = arith.constant 0 : i32
    %broadcast_in_dim3A_1444 = vector.broadcast %jit3A_1442 : i32 to vector<16xi32>
    %broadcast_in_dim3A_1445 = vector.broadcast %jit3A_1443 : i32 to vector<16xi32>
    %select_n3A_1446 = arith.select %eq3A_1441, %broadcast_in_dim3A_1444, %broadcast_in_dim3A_1445 : vector<16xi1>, vector<16xi32>
    %broadcast_in_dim3A_1447 = arith.constant true
    %broadcast_in_dim3A_1448 = vector.broadcast %broadcast_in_dim3A_1447 : i1 to vector<16xi1>
    %masked_cumsum3A_1449 = tpu.scan <sum>, %select_n3A_1446 masked %broadcast_in_dim3A_1448 : vector<16xi32>, vector<16xi1> -> vector<16xi32>
    %add3A_1450 = arith.addi %add3A_1285, %masked_cumsum3A_1449 : vector<16xi32>
    %sub3A_1451 = arith.constant 1 : i32
    %sub3A_1452 = vector.broadcast %sub3A_1451 : i32 to vector<16xi32>
    %sub3A_1453 = arith.subi %add3A_1450, %sub3A_1452 : vector<16xi32>
    %jit3A_1454 = arith.constant 0 : i32
    %broadcast_in_dim3A_1455 = vector.broadcast %jit3A_1454 : i32 to vector<16xi32>
    %select_n3A_1456 = arith.select %eq3A_1441, %sub3A_1453, %broadcast_in_dim3A_1455 : vector<16xi1>, vector<16xi32>
    %add3A_1457 = arith.addi %broadcast_in_dim3A_20, %select_n3A_1456 : vector<16xi32>
    %all_reduce_population_count3A_1458 = tpu.all_reduce %eq3A_1441 {dim = 0 : i64, kind = #tpu.reduction_kind<sum>} : vector<16xi1> -> vector<16xi32>
    %add3A_1459 = arith.addi %add3A_1285, %all_reduce_population_count3A_1458 : vector<16xi32>
    %eq3A_1460 = arith.constant 1 : i32
    %eq3A_1461 = vector.broadcast %eq3A_1460 : i32 to vector<16xi32>
    %eq3A_1462 = arith.cmpi eq, %get3A_1438, %eq3A_1461 : vector<16xi32>
    %jit3A_1463 = arith.constant 1 : i32
    %jit3A_1464 = arith.constant 0 : i32
    %broadcast_in_dim3A_1465 = vector.broadcast %jit3A_1463 : i32 to vector<16xi32>
    %broadcast_in_dim3A_1466 = vector.broadcast %jit3A_1464 : i32 to vector<16xi32>
    %select_n3A_1467 = arith.select %eq3A_1462, %broadcast_in_dim3A_1465, %broadcast_in_dim3A_1466 : vector<16xi1>, vector<16xi32>
    %broadcast_in_dim3A_1468 = arith.constant true
    %broadcast_in_dim3A_1469 = vector.broadcast %broadcast_in_dim3A_1468 : i1 to vector<16xi1>
    %masked_cumsum3A_1470 = tpu.scan <sum>, %select_n3A_1467 masked %broadcast_in_dim3A_1469 : vector<16xi32>, vector<16xi1> -> vector<16xi32>
    %add3A_1471 = arith.addi %add3A_1306, %masked_cumsum3A_1470 : vector<16xi32>
    %sub3A_1472 = arith.constant 1 : i32
    %sub3A_1473 = vector.broadcast %sub3A_1472 : i32 to vector<16xi32>
    %sub3A_1474 = arith.subi %add3A_1471, %sub3A_1473 : vector<16xi32>
    %jit3A_1475 = arith.constant 0 : i32
    %broadcast_in_dim3A_1476 = vector.broadcast %jit3A_1475 : i32 to vector<16xi32>
    %select_n3A_1477 = arith.select %eq3A_1462, %sub3A_1474, %broadcast_in_dim3A_1476 : vector<16xi1>, vector<16xi32>
    %add3A_1478 = arith.addi %add3A_1457, %select_n3A_1477 : vector<16xi32>
    %all_reduce_population_count3A_1479 = tpu.all_reduce %eq3A_1462 {dim = 0 : i64, kind = #tpu.reduction_kind<sum>} : vector<16xi1> -> vector<16xi32>
    %add3A_1480 = arith.addi %add3A_1306, %all_reduce_population_count3A_1479 : vector<16xi32>
    %eq3A_1481 = arith.constant 2 : i32
    %eq3A_1482 = vector.broadcast %eq3A_1481 : i32 to vector<16xi32>
    %eq3A_1483 = arith.cmpi eq, %get3A_1438, %eq3A_1482 : vector<16xi32>
    %jit3A_1484 = arith.constant 1 : i32
    %jit3A_1485 = arith.constant 0 : i32
    %broadcast_in_dim3A_1486 = vector.broadcast %jit3A_1484 : i32 to vector<16xi32>
    %broadcast_in_dim3A_1487 = vector.broadcast %jit3A_1485 : i32 to vector<16xi32>
    %select_n3A_1488 = arith.select %eq3A_1483, %broadcast_in_dim3A_1486, %broadcast_in_dim3A_1487 : vector<16xi1>, vector<16xi32>
    %broadcast_in_dim3A_1489 = arith.constant true
    %broadcast_in_dim3A_1490 = vector.broadcast %broadcast_in_dim3A_1489 : i1 to vector<16xi1>
    %masked_cumsum3A_1491 = tpu.scan <sum>, %select_n3A_1488 masked %broadcast_in_dim3A_1490 : vector<16xi32>, vector<16xi1> -> vector<16xi32>
    %add3A_1492 = arith.addi %add3A_1327, %masked_cumsum3A_1491 : vector<16xi32>
    %sub3A_1493 = arith.constant 1 : i32
    %sub3A_1494 = vector.broadcast %sub3A_1493 : i32 to vector<16xi32>
    %sub3A_1495 = arith.subi %add3A_1492, %sub3A_1494 : vector<16xi32>
    %jit3A_1496 = arith.constant 0 : i32
    %broadcast_in_dim3A_1497 = vector.broadcast %jit3A_1496 : i32 to vector<16xi32>
    %select_n3A_1498 = arith.select %eq3A_1483, %sub3A_1495, %broadcast_in_dim3A_1497 : vector<16xi1>, vector<16xi32>
    %add3A_1499 = arith.addi %add3A_1478, %select_n3A_1498 : vector<16xi32>
    %all_reduce_population_count3A_1500 = tpu.all_reduce %eq3A_1483 {dim = 0 : i64, kind = #tpu.reduction_kind<sum>} : vector<16xi1> -> vector<16xi32>
    %add3A_1501 = arith.addi %add3A_1327, %all_reduce_population_count3A_1500 : vector<16xi32>
    %eq3A_1502 = arith.constant 3 : i32
    %eq3A_1503 = vector.broadcast %eq3A_1502 : i32 to vector<16xi32>
    %eq3A_1504 = arith.cmpi eq, %get3A_1438, %eq3A_1503 : vector<16xi32>
    %jit3A_1505 = arith.constant 1 : i32
    %jit3A_1506 = arith.constant 0 : i32
    %broadcast_in_dim3A_1507 = vector.broadcast %jit3A_1505 : i32 to vector<16xi32>
    %broadcast_in_dim3A_1508 = vector.broadcast %jit3A_1506 : i32 to vector<16xi32>
    %select_n3A_1509 = arith.select %eq3A_1504, %broadcast_in_dim3A_1507, %broadcast_in_dim3A_1508 : vector<16xi1>, vector<16xi32>
    %broadcast_in_dim3A_1510 = arith.constant true
    %broadcast_in_dim3A_1511 = vector.broadcast %broadcast_in_dim3A_1510 : i1 to vector<16xi1>
    %masked_cumsum3A_1512 = tpu.scan <sum>, %select_n3A_1509 masked %broadcast_in_dim3A_1511 : vector<16xi32>, vector<16xi1> -> vector<16xi32>
    %add3A_1513 = arith.addi %add3A_1348, %masked_cumsum3A_1512 : vector<16xi32>
    %sub3A_1514 = arith.constant 1 : i32
    %sub3A_1515 = vector.broadcast %sub3A_1514 : i32 to vector<16xi32>
    %sub3A_1516 = arith.subi %add3A_1513, %sub3A_1515 : vector<16xi32>
    %jit3A_1517 = arith.constant 0 : i32
    %broadcast_in_dim3A_1518 = vector.broadcast %jit3A_1517 : i32 to vector<16xi32>
    %select_n3A_1519 = arith.select %eq3A_1504, %sub3A_1516, %broadcast_in_dim3A_1518 : vector<16xi1>, vector<16xi32>
    %add3A_1520 = arith.addi %add3A_1499, %select_n3A_1519 : vector<16xi32>
    %all_reduce_population_count3A_1521 = tpu.all_reduce %eq3A_1504 {dim = 0 : i64, kind = #tpu.reduction_kind<sum>} : vector<16xi1> -> vector<16xi32>
    %add3A_1522 = arith.addi %add3A_1348, %all_reduce_population_count3A_1521 : vector<16xi32>
    %eq3A_1523 = arith.constant 4 : i32
    %eq3A_1524 = vector.broadcast %eq3A_1523 : i32 to vector<16xi32>
    %eq3A_1525 = arith.cmpi eq, %get3A_1438, %eq3A_1524 : vector<16xi32>
    %jit3A_1526 = arith.constant 1 : i32
    %jit3A_1527 = arith.constant 0 : i32
    %broadcast_in_dim3A_1528 = vector.broadcast %jit3A_1526 : i32 to vector<16xi32>
    %broadcast_in_dim3A_1529 = vector.broadcast %jit3A_1527 : i32 to vector<16xi32>
    %select_n3A_1530 = arith.select %eq3A_1525, %broadcast_in_dim3A_1528, %broadcast_in_dim3A_1529 : vector<16xi1>, vector<16xi32>
    %broadcast_in_dim3A_1531 = arith.constant true
    %broadcast_in_dim3A_1532 = vector.broadcast %broadcast_in_dim3A_1531 : i1 to vector<16xi1>
    %masked_cumsum3A_1533 = tpu.scan <sum>, %select_n3A_1530 masked %broadcast_in_dim3A_1532 : vector<16xi32>, vector<16xi1> -> vector<16xi32>
    %add3A_1534 = arith.addi %add3A_1369, %masked_cumsum3A_1533 : vector<16xi32>
    %sub3A_1535 = arith.constant 1 : i32
    %sub3A_1536 = vector.broadcast %sub3A_1535 : i32 to vector<16xi32>
    %sub3A_1537 = arith.subi %add3A_1534, %sub3A_1536 : vector<16xi32>
    %jit3A_1538 = arith.constant 0 : i32
    %broadcast_in_dim3A_1539 = vector.broadcast %jit3A_1538 : i32 to vector<16xi32>
    %select_n3A_1540 = arith.select %eq3A_1525, %sub3A_1537, %broadcast_in_dim3A_1539 : vector<16xi1>, vector<16xi32>
    %add3A_1541 = arith.addi %add3A_1520, %select_n3A_1540 : vector<16xi32>
    %all_reduce_population_count3A_1542 = tpu.all_reduce %eq3A_1525 {dim = 0 : i64, kind = #tpu.reduction_kind<sum>} : vector<16xi1> -> vector<16xi32>
    %add3A_1543 = arith.addi %add3A_1369, %all_reduce_population_count3A_1542 : vector<16xi32>
    %eq3A_1544 = arith.constant 5 : i32
    %eq3A_1545 = vector.broadcast %eq3A_1544 : i32 to vector<16xi32>
    %eq3A_1546 = arith.cmpi eq, %get3A_1438, %eq3A_1545 : vector<16xi32>
    %jit3A_1547 = arith.constant 1 : i32
    %jit3A_1548 = arith.constant 0 : i32
    %broadcast_in_dim3A_1549 = vector.broadcast %jit3A_1547 : i32 to vector<16xi32>
    %broadcast_in_dim3A_1550 = vector.broadcast %jit3A_1548 : i32 to vector<16xi32>
    %select_n3A_1551 = arith.select %eq3A_1546, %broadcast_in_dim3A_1549, %broadcast_in_dim3A_1550 : vector<16xi1>, vector<16xi32>
    %broadcast_in_dim3A_1552 = arith.constant true
    %broadcast_in_dim3A_1553 = vector.broadcast %broadcast_in_dim3A_1552 : i1 to vector<16xi1>
    %masked_cumsum3A_1554 = tpu.scan <sum>, %select_n3A_1551 masked %broadcast_in_dim3A_1553 : vector<16xi32>, vector<16xi1> -> vector<16xi32>
    %add3A_1555 = arith.addi %add3A_1390, %masked_cumsum3A_1554 : vector<16xi32>
    %sub3A_1556 = arith.constant 1 : i32
    %sub3A_1557 = vector.broadcast %sub3A_1556 : i32 to vector<16xi32>
    %sub3A_1558 = arith.subi %add3A_1555, %sub3A_1557 : vector<16xi32>
    %jit3A_1559 = arith.constant 0 : i32
    %broadcast_in_dim3A_1560 = vector.broadcast %jit3A_1559 : i32 to vector<16xi32>
    %select_n3A_1561 = arith.select %eq3A_1546, %sub3A_1558, %broadcast_in_dim3A_1560 : vector<16xi1>, vector<16xi32>
    %add3A_1562 = arith.addi %add3A_1541, %select_n3A_1561 : vector<16xi32>
    %all_reduce_population_count3A_1563 = tpu.all_reduce %eq3A_1546 {dim = 0 : i64, kind = #tpu.reduction_kind<sum>} : vector<16xi1> -> vector<16xi32>
    %add3A_1564 = arith.addi %add3A_1390, %all_reduce_population_count3A_1563 : vector<16xi32>
    %eq3A_1565 = arith.constant 6 : i32
    %eq3A_1566 = vector.broadcast %eq3A_1565 : i32 to vector<16xi32>
    %eq3A_1567 = arith.cmpi eq, %get3A_1438, %eq3A_1566 : vector<16xi32>
    %jit3A_1568 = arith.constant 1 : i32
    %jit3A_1569 = arith.constant 0 : i32
    %broadcast_in_dim3A_1570 = vector.broadcast %jit3A_1568 : i32 to vector<16xi32>
    %broadcast_in_dim3A_1571 = vector.broadcast %jit3A_1569 : i32 to vector<16xi32>
    %select_n3A_1572 = arith.select %eq3A_1567, %broadcast_in_dim3A_1570, %broadcast_in_dim3A_1571 : vector<16xi1>, vector<16xi32>
    %broadcast_in_dim3A_1573 = arith.constant true
    %broadcast_in_dim3A_1574 = vector.broadcast %broadcast_in_dim3A_1573 : i1 to vector<16xi1>
    %masked_cumsum3A_1575 = tpu.scan <sum>, %select_n3A_1572 masked %broadcast_in_dim3A_1574 : vector<16xi32>, vector<16xi1> -> vector<16xi32>
    %add3A_1576 = arith.addi %add3A_1411, %masked_cumsum3A_1575 : vector<16xi32>
    %sub3A_1577 = arith.constant 1 : i32
    %sub3A_1578 = vector.broadcast %sub3A_1577 : i32 to vector<16xi32>
    %sub3A_1579 = arith.subi %add3A_1576, %sub3A_1578 : vector<16xi32>
    %jit3A_1580 = arith.constant 0 : i32
    %broadcast_in_dim3A_1581 = vector.broadcast %jit3A_1580 : i32 to vector<16xi32>
    %select_n3A_1582 = arith.select %eq3A_1567, %sub3A_1579, %broadcast_in_dim3A_1581 : vector<16xi1>, vector<16xi32>
    %add3A_1583 = arith.addi %add3A_1562, %select_n3A_1582 : vector<16xi32>
    %all_reduce_population_count3A_1584 = tpu.all_reduce %eq3A_1567 {dim = 0 : i64, kind = #tpu.reduction_kind<sum>} : vector<16xi1> -> vector<16xi32>
    %add3A_1585 = arith.addi %add3A_1411, %all_reduce_population_count3A_1584 : vector<16xi32>
    %eq3A_1586 = arith.constant 7 : i32
    %eq3A_1587 = vector.broadcast %eq3A_1586 : i32 to vector<16xi32>
    %eq3A_1588 = arith.cmpi eq, %get3A_1438, %eq3A_1587 : vector<16xi32>
    %jit3A_1589 = arith.constant 1 : i32
    %jit3A_1590 = arith.constant 0 : i32
    %broadcast_in_dim3A_1591 = vector.broadcast %jit3A_1589 : i32 to vector<16xi32>
    %broadcast_in_dim3A_1592 = vector.broadcast %jit3A_1590 : i32 to vector<16xi32>
    %select_n3A_1593 = arith.select %eq3A_1588, %broadcast_in_dim3A_1591, %broadcast_in_dim3A_1592 : vector<16xi1>, vector<16xi32>
    %broadcast_in_dim3A_1594 = arith.constant true
    %broadcast_in_dim3A_1595 = vector.broadcast %broadcast_in_dim3A_1594 : i1 to vector<16xi1>
    %masked_cumsum3A_1596 = tpu.scan <sum>, %select_n3A_1593 masked %broadcast_in_dim3A_1595 : vector<16xi32>, vector<16xi1> -> vector<16xi32>
    %add3A_1597 = arith.addi %add3A_1432, %masked_cumsum3A_1596 : vector<16xi32>
    %sub3A_1598 = arith.constant 1 : i32
    %sub3A_1599 = vector.broadcast %sub3A_1598 : i32 to vector<16xi32>
    %sub3A_1600 = arith.subi %add3A_1597, %sub3A_1599 : vector<16xi32>
    %jit3A_1601 = arith.constant 0 : i32
    %broadcast_in_dim3A_1602 = vector.broadcast %jit3A_1601 : i32 to vector<16xi32>
    %select_n3A_1603 = arith.select %eq3A_1588, %sub3A_1600, %broadcast_in_dim3A_1602 : vector<16xi1>, vector<16xi32>
    %add3A_1604 = arith.addi %add3A_1583, %select_n3A_1603 : vector<16xi32>
    %all_reduce_population_count3A_1605 = tpu.all_reduce %eq3A_1588 {dim = 0 : i64, kind = #tpu.reduction_kind<sum>} : vector<16xi1> -> vector<16xi32>
    %add3A_1606 = arith.addi %add3A_1432, %all_reduce_population_count3A_1605 : vector<16xi32>
    %swap3A_1607 = arith.constant 4 : i32
    %swap3A_1608 = arith.index_cast %swap3A_1607 : i32 to index
    %swap3A_1609 = arith.constant 0 : index
    %swap3A_1610 = tpu.vector_load %arg9[%swap3A_1608, %swap3A_1609] {strides = array<i32>} : memref<8x32xi32, #tpu.memory_space<vmem>>, vector<16xi32>,
    tpu.vector_store %arg9[%swap3A_1608, %swap3A_1609], %add3A_1604 {strides = array<i32>} : memref<8x32xi32, #tpu.memory_space<vmem>>, vector<16xi32>,
    %get3A_1611 = arith.constant 144 : index
    %get3A_1612 = tpu.vector_load %arg7[%get3A_1611] {strides = array<i32>} : memref<256xi32, #tpu.memory_space<vmem>>, vector<16xi32>,
    %eq3A_1613 = arith.constant 0 : i32
    %eq3A_1614 = vector.broadcast %eq3A_1613 : i32 to vector<16xi32>
    %eq3A_1615 = arith.cmpi eq, %get3A_1612, %eq3A_1614 : vector<16xi32>
    %jit3A_1616 = arith.constant 1 : i32
    %jit3A_1617 = arith.constant 0 : i32
    %broadcast_in_dim3A_1618 = vector.broadcast %jit3A_1616 : i32 to vector<16xi32>
    %broadcast_in_dim3A_1619 = vector.broadcast %jit3A_1617 : i32 to vector<16xi32>
    %select_n3A_1620 = arith.select %eq3A_1615, %broadcast_in_dim3A_1618, %broadcast_in_dim3A_1619 : vector<16xi1>, vector<16xi32>
    %broadcast_in_dim3A_1621 = arith.constant true
    %broadcast_in_dim3A_1622 = vector.broadcast %broadcast_in_dim3A_1621 : i1 to vector<16xi1>
    %masked_cumsum3A_1623 = tpu.scan <sum>, %select_n3A_1620 masked %broadcast_in_dim3A_1622 : vector<16xi32>, vector<16xi1> -> vector<16xi32>
    %add3A_1624 = arith.addi %add3A_1459, %masked_cumsum3A_1623 : vector<16xi32>
    %sub3A_1625 = arith.constant 1 : i32
    %sub3A_1626 = vector.broadcast %sub3A_1625 : i32 to vector<16xi32>
    %sub3A_1627 = arith.subi %add3A_1624, %sub3A_1626 : vector<16xi32>
    %jit3A_1628 = arith.constant 0 : i32
    %broadcast_in_dim3A_1629 = vector.broadcast %jit3A_1628 : i32 to vector<16xi32>
    %select_n3A_1630 = arith.select %eq3A_1615, %sub3A_1627, %broadcast_in_dim3A_1629 : vector<16xi1>, vector<16xi32>
    %add3A_1631 = arith.addi %broadcast_in_dim3A_20, %select_n3A_1630 : vector<16xi32>
    %all_reduce_population_count3A_1632 = tpu.all_reduce %eq3A_1615 {dim = 0 : i64, kind = #tpu.reduction_kind<sum>} : vector<16xi1> -> vector<16xi32>
    %add3A_1633 = arith.addi %add3A_1459, %all_reduce_population_count3A_1632 : vector<16xi32>
    %eq3A_1634 = arith.constant 1 : i32
    %eq3A_1635 = vector.broadcast %eq3A_1634 : i32 to vector<16xi32>
    %eq3A_1636 = arith.cmpi eq, %get3A_1612, %eq3A_1635 : vector<16xi32>
    %jit3A_1637 = arith.constant 1 : i32
    %jit3A_1638 = arith.constant 0 : i32
    %broadcast_in_dim3A_1639 = vector.broadcast %jit3A_1637 : i32 to vector<16xi32>
    %broadcast_in_dim3A_1640 = vector.broadcast %jit3A_1638 : i32 to vector<16xi32>
    %select_n3A_1641 = arith.select %eq3A_1636, %broadcast_in_dim3A_1639, %broadcast_in_dim3A_1640 : vector<16xi1>, vector<16xi32>
    %broadcast_in_dim3A_1642 = arith.constant true
    %broadcast_in_dim3A_1643 = vector.broadcast %broadcast_in_dim3A_1642 : i1 to vector<16xi1>
    %masked_cumsum3A_1644 = tpu.scan <sum>, %select_n3A_1641 masked %broadcast_in_dim3A_1643 : vector<16xi32>, vector<16xi1> -> vector<16xi32>
    %add3A_1645 = arith.addi %add3A_1480, %masked_cumsum3A_1644 : vector<16xi32>
    %sub3A_1646 = arith.constant 1 : i32
    %sub3A_1647 = vector.broadcast %sub3A_1646 : i32 to vector<16xi32>
    %sub3A_1648 = arith.subi %add3A_1645, %sub3A_1647 : vector<16xi32>
    %jit3A_1649 = arith.constant 0 : i32
    %broadcast_in_dim3A_1650 = vector.broadcast %jit3A_1649 : i32 to vector<16xi32>
    %select_n3A_1651 = arith.select %eq3A_1636, %sub3A_1648, %broadcast_in_dim3A_1650 : vector<16xi1>, vector<16xi32>
    %add3A_1652 = arith.addi %add3A_1631, %select_n3A_1651 : vector<16xi32>
    %all_reduce_population_count3A_1653 = tpu.all_reduce %eq3A_1636 {dim = 0 : i64, kind = #tpu.reduction_kind<sum>} : vector<16xi1> -> vector<16xi32>
    %add3A_1654 = arith.addi %add3A_1480, %all_reduce_population_count3A_1653 : vector<16xi32>
    %eq3A_1655 = arith.constant 2 : i32
    %eq3A_1656 = vector.broadcast %eq3A_1655 : i32 to vector<16xi32>
    %eq3A_1657 = arith.cmpi eq, %get3A_1612, %eq3A_1656 : vector<16xi32>
    %jit3A_1658 = arith.constant 1 : i32
    %jit3A_1659 = arith.constant 0 : i32
    %broadcast_in_dim3A_1660 = vector.broadcast %jit3A_1658 : i32 to vector<16xi32>
    %broadcast_in_dim3A_1661 = vector.broadcast %jit3A_1659 : i32 to vector<16xi32>
    %select_n3A_1662 = arith.select %eq3A_1657, %broadcast_in_dim3A_1660, %broadcast_in_dim3A_1661 : vector<16xi1>, vector<16xi32>
    %broadcast_in_dim3A_1663 = arith.constant true
    %broadcast_in_dim3A_1664 = vector.broadcast %broadcast_in_dim3A_1663 : i1 to vector<16xi1>
    %masked_cumsum3A_1665 = tpu.scan <sum>, %select_n3A_1662 masked %broadcast_in_dim3A_1664 : vector<16xi32>, vector<16xi1> -> vector<16xi32>
    %add3A_1666 = arith.addi %add3A_1501, %masked_cumsum3A_1665 : vector<16xi32>
    %sub3A_1667 = arith.constant 1 : i32
    %sub3A_1668 = vector.broadcast %sub3A_1667 : i32 to vector<16xi32>
    %sub3A_1669 = arith.subi %add3A_1666, %sub3A_1668 : vector<16xi32>
    %jit3A_1670 = arith.constant 0 : i32
    %broadcast_in_dim3A_1671 = vector.broadcast %jit3A_1670 : i32 to vector<16xi32>
    %select_n3A_1672 = arith.select %eq3A_1657, %sub3A_1669, %broadcast_in_dim3A_1671 : vector<16xi1>, vector<16xi32>
    %add3A_1673 = arith.addi %add3A_1652, %select_n3A_1672 : vector<16xi32>
    %all_reduce_population_count3A_1674 = tpu.all_reduce %eq3A_1657 {dim = 0 : i64, kind = #tpu.reduction_kind<sum>} : vector<16xi1> -> vector<16xi32>
    %add3A_1675 = arith.addi %add3A_1501, %all_reduce_population_count3A_1674 : vector<16xi32>
    %eq3A_1676 = arith.constant 3 : i32
    %eq3A_1677 = vector.broadcast %eq3A_1676 : i32 to vector<16xi32>
    %eq3A_1678 = arith.cmpi eq, %get3A_1612, %eq3A_1677 : vector<16xi32>
    %jit3A_1679 = arith.constant 1 : i32
    %jit3A_1680 = arith.constant 0 : i32
    %broadcast_in_dim3A_1681 = vector.broadcast %jit3A_1679 : i32 to vector<16xi32>
    %broadcast_in_dim3A_1682 = vector.broadcast %jit3A_1680 : i32 to vector<16xi32>
    %select_n3A_1683 = arith.select %eq3A_1678, %broadcast_in_dim3A_1681, %broadcast_in_dim3A_1682 : vector<16xi1>, vector<16xi32>
    %broadcast_in_dim3A_1684 = arith.constant true
    %broadcast_in_dim3A_1685 = vector.broadcast %broadcast_in_dim3A_1684 : i1 to vector<16xi1>
    %masked_cumsum3A_1686 = tpu.scan <sum>, %select_n3A_1683 masked %broadcast_in_dim3A_1685 : vector<16xi32>, vector<16xi1> -> vector<16xi32>
    %add3A_1687 = arith.addi %add3A_1522, %masked_cumsum3A_1686 : vector<16xi32>
    %sub3A_1688 = arith.constant 1 : i32
    %sub3A_1689 = vector.broadcast %sub3A_1688 : i32 to vector<16xi32>
    %sub3A_1690 = arith.subi %add3A_1687, %sub3A_1689 : vector<16xi32>
    %jit3A_1691 = arith.constant 0 : i32
    %broadcast_in_dim3A_1692 = vector.broadcast %jit3A_1691 : i32 to vector<16xi32>
    %select_n3A_1693 = arith.select %eq3A_1678, %sub3A_1690, %broadcast_in_dim3A_1692 : vector<16xi1>, vector<16xi32>
    %add3A_1694 = arith.addi %add3A_1673, %select_n3A_1693 : vector<16xi32>
    %all_reduce_population_count3A_1695 = tpu.all_reduce %eq3A_1678 {dim = 0 : i64, kind = #tpu.reduction_kind<sum>} : vector<16xi1> -> vector<16xi32>
    %add3A_1696 = arith.addi %add3A_1522, %all_reduce_population_count3A_1695 : vector<16xi32>
    %eq3A_1697 = arith.constant 4 : i32
    %eq3A_1698 = vector.broadcast %eq3A_1697 : i32 to vector<16xi32>
    %eq3A_1699 = arith.cmpi eq, %get3A_1612, %eq3A_1698 : vector<16xi32>
    %jit3A_1700 = arith.constant 1 : i32
    %jit3A_1701 = arith.constant 0 : i32
    %broadcast_in_dim3A_1702 = vector.broadcast %jit3A_1700 : i32 to vector<16xi32>
    %broadcast_in_dim3A_1703 = vector.broadcast %jit3A_1701 : i32 to vector<16xi32>
    %select_n3A_1704 = arith.select %eq3A_1699, %broadcast_in_dim3A_1702, %broadcast_in_dim3A_1703 : vector<16xi1>, vector<16xi32>
    %broadcast_in_dim3A_1705 = arith.constant true
    %broadcast_in_dim3A_1706 = vector.broadcast %broadcast_in_dim3A_1705 : i1 to vector<16xi1>
    %masked_cumsum3A_1707 = tpu.scan <sum>, %select_n3A_1704 masked %broadcast_in_dim3A_1706 : vector<16xi32>, vector<16xi1> -> vector<16xi32>
    %add3A_1708 = arith.addi %add3A_1543, %masked_cumsum3A_1707 : vector<16xi32>
    %sub3A_1709 = arith.constant 1 : i32
    %sub3A_1710 = vector.broadcast %sub3A_1709 : i32 to vector<16xi32>
    %sub3A_1711 = arith.subi %add3A_1708, %sub3A_1710 : vector<16xi32>
    %jit3A_1712 = arith.constant 0 : i32
    %broadcast_in_dim3A_1713 = vector.broadcast %jit3A_1712 : i32 to vector<16xi32>
    %select_n3A_1714 = arith.select %eq3A_1699, %sub3A_1711, %broadcast_in_dim3A_1713 : vector<16xi1>, vector<16xi32>
    %add3A_1715 = arith.addi %add3A_1694, %select_n3A_1714 : vector<16xi32>
    %all_reduce_population_count3A_1716 = tpu.all_reduce %eq3A_1699 {dim = 0 : i64, kind = #tpu.reduction_kind<sum>} : vector<16xi1> -> vector<16xi32>
    %add3A_1717 = arith.addi %add3A_1543, %all_reduce_population_count3A_1716 : vector<16xi32>
    %eq3A_1718 = arith.constant 5 : i32
    %eq3A_1719 = vector.broadcast %eq3A_1718 : i32 to vector<16xi32>
    %eq3A_1720 = arith.cmpi eq, %get3A_1612, %eq3A_1719 : vector<16xi32>
    %jit3A_1721 = arith.constant 1 : i32
    %jit3A_1722 = arith.constant 0 : i32
    %broadcast_in_dim3A_1723 = vector.broadcast %jit3A_1721 : i32 to vector<16xi32>
    %broadcast_in_dim3A_1724 = vector.broadcast %jit3A_1722 : i32 to vector<16xi32>
    %select_n3A_1725 = arith.select %eq3A_1720, %broadcast_in_dim3A_1723, %broadcast_in_dim3A_1724 : vector<16xi1>, vector<16xi32>
    %broadcast_in_dim3A_1726 = arith.constant true
    %broadcast_in_dim3A_1727 = vector.broadcast %broadcast_in_dim3A_1726 : i1 to vector<16xi1>
    %masked_cumsum3A_1728 = tpu.scan <sum>, %select_n3A_1725 masked %broadcast_in_dim3A_1727 : vector<16xi32>, vector<16xi1> -> vector<16xi32>
    %add3A_1729 = arith.addi %add3A_1564, %masked_cumsum3A_1728 : vector<16xi32>
    %sub3A_1730 = arith.constant 1 : i32
    %sub3A_1731 = vector.broadcast %sub3A_1730 : i32 to vector<16xi32>
    %sub3A_1732 = arith.subi %add3A_1729, %sub3A_1731 : vector<16xi32>
    %jit3A_1733 = arith.constant 0 : i32
    %broadcast_in_dim3A_1734 = vector.broadcast %jit3A_1733 : i32 to vector<16xi32>
    %select_n3A_1735 = arith.select %eq3A_1720, %sub3A_1732, %broadcast_in_dim3A_1734 : vector<16xi1>, vector<16xi32>
    %add3A_1736 = arith.addi %add3A_1715, %select_n3A_1735 : vector<16xi32>
    %all_reduce_population_count3A_1737 = tpu.all_reduce %eq3A_1720 {dim = 0 : i64, kind = #tpu.reduction_kind<sum>} : vector<16xi1> -> vector<16xi32>
    %add3A_1738 = arith.addi %add3A_1564, %all_reduce_population_count3A_1737 : vector<16xi32>
    %eq3A_1739 = arith.constant 6 : i32
    %eq3A_1740 = vector.broadcast %eq3A_1739 : i32 to vector<16xi32>
    %eq3A_1741 = arith.cmpi eq, %get3A_1612, %eq3A_1740 : vector<16xi32>
    %jit3A_1742 = arith.constant 1 : i32
    %jit3A_1743 = arith.constant 0 : i32
    %broadcast_in_dim3A_1744 = vector.broadcast %jit3A_1742 : i32 to vector<16xi32>
    %broadcast_in_dim3A_1745 = vector.broadcast %jit3A_1743 : i32 to vector<16xi32>
    %select_n3A_1746 = arith.select %eq3A_1741, %broadcast_in_dim3A_1744, %broadcast_in_dim3A_1745 : vector<16xi1>, vector<16xi32>
    %broadcast_in_dim3A_1747 = arith.constant true
    %broadcast_in_dim3A_1748 = vector.broadcast %broadcast_in_dim3A_1747 : i1 to vector<16xi1>
    %masked_cumsum3A_1749 = tpu.scan <sum>, %select_n3A_1746 masked %broadcast_in_dim3A_1748 : vector<16xi32>, vector<16xi1> -> vector<16xi32>
    %add3A_1750 = arith.addi %add3A_1585, %masked_cumsum3A_1749 : vector<16xi32>
    %sub3A_1751 = arith.constant 1 : i32
    %sub3A_1752 = vector.broadcast %sub3A_1751 : i32 to vector<16xi32>
    %sub3A_1753 = arith.subi %add3A_1750, %sub3A_1752 : vector<16xi32>
    %jit3A_1754 = arith.constant 0 : i32
    %broadcast_in_dim3A_1755 = vector.broadcast %jit3A_1754 : i32 to vector<16xi32>
    %select_n3A_1756 = arith.select %eq3A_1741, %sub3A_1753, %broadcast_in_dim3A_1755 : vector<16xi1>, vector<16xi32>
    %add3A_1757 = arith.addi %add3A_1736, %select_n3A_1756 : vector<16xi32>
    %all_reduce_population_count3A_1758 = tpu.all_reduce %eq3A_1741 {dim = 0 : i64, kind = #tpu.reduction_kind<sum>} : vector<16xi1> -> vector<16xi32>
    %add3A_1759 = arith.addi %add3A_1585, %all_reduce_population_count3A_1758 : vector<16xi32>
    %eq3A_1760 = arith.constant 7 : i32
    %eq3A_1761 = vector.broadcast %eq3A_1760 : i32 to vector<16xi32>
    %eq3A_1762 = arith.cmpi eq, %get3A_1612, %eq3A_1761 : vector<16xi32>
    %jit3A_1763 = arith.constant 1 : i32
    %jit3A_1764 = arith.constant 0 : i32
    %broadcast_in_dim3A_1765 = vector.broadcast %jit3A_1763 : i32 to vector<16xi32>
    %broadcast_in_dim3A_1766 = vector.broadcast %jit3A_1764 : i32 to vector<16xi32>
    %select_n3A_1767 = arith.select %eq3A_1762, %broadcast_in_dim3A_1765, %broadcast_in_dim3A_1766 : vector<16xi1>, vector<16xi32>
    %broadcast_in_dim3A_1768 = arith.constant true
    %broadcast_in_dim3A_1769 = vector.broadcast %broadcast_in_dim3A_1768 : i1 to vector<16xi1>
    %masked_cumsum3A_1770 = tpu.scan <sum>, %select_n3A_1767 masked %broadcast_in_dim3A_1769 : vector<16xi32>, vector<16xi1> -> vector<16xi32>
    %add3A_1771 = arith.addi %add3A_1606, %masked_cumsum3A_1770 : vector<16xi32>
    %sub3A_1772 = arith.constant 1 : i32
    %sub3A_1773 = vector.broadcast %sub3A_1772 : i32 to vector<16xi32>
    %sub3A_1774 = arith.subi %add3A_1771, %sub3A_1773 : vector<16xi32>
    %jit3A_1775 = arith.constant 0 : i32
    %broadcast_in_dim3A_1776 = vector.broadcast %jit3A_1775 : i32 to vector<16xi32>
    %select_n3A_1777 = arith.select %eq3A_1762, %sub3A_1774, %broadcast_in_dim3A_1776 : vector<16xi1>, vector<16xi32>
    %add3A_1778 = arith.addi %add3A_1757, %select_n3A_1777 : vector<16xi32>
    %all_reduce_population_count3A_1779 = tpu.all_reduce %eq3A_1762 {dim = 0 : i64, kind = #tpu.reduction_kind<sum>} : vector<16xi1> -> vector<16xi32>
    %add3A_1780 = arith.addi %add3A_1606, %all_reduce_population_count3A_1779 : vector<16xi32>
    %swap3A_1781 = arith.constant 4 : i32
    %swap3A_1782 = arith.index_cast %swap3A_1781 : i32 to index
    %swap3A_1783 = arith.constant 16 : index
    %swap3A_1784 = tpu.vector_load %arg9[%swap3A_1782, %swap3A_1783] {strides = array<i32>} : memref<8x32xi32, #tpu.memory_space<vmem>>, vector<16xi32>,
    tpu.vector_store %arg9[%swap3A_1782, %swap3A_1783], %add3A_1778 {strides = array<i32>} : memref<8x32xi32, #tpu.memory_space<vmem>>, vector<16xi32>,
    %get3A_1785 = arith.constant 160 : index
    %get3A_1786 = tpu.vector_load %arg7[%get3A_1785] {strides = array<i32>} : memref<256xi32, #tpu.memory_space<vmem>>, vector<16xi32>,
    %eq3A_1787 = arith.constant 0 : i32
    %eq3A_1788 = vector.broadcast %eq3A_1787 : i32 to vector<16xi32>
    %eq3A_1789 = arith.cmpi eq, %get3A_1786, %eq3A_1788 : vector<16xi32>
    %jit3A_1790 = arith.constant 1 : i32
    %jit3A_1791 = arith.constant 0 : i32
    %broadcast_in_dim3A_1792 = vector.broadcast %jit3A_1790 : i32 to vector<16xi32>
    %broadcast_in_dim3A_1793 = vector.broadcast %jit3A_1791 : i32 to vector<16xi32>
    %select_n3A_1794 = arith.select %eq3A_1789, %broadcast_in_dim3A_1792, %broadcast_in_dim3A_1793 : vector<16xi1>, vector<16xi32>
    %broadcast_in_dim3A_1795 = arith.constant true
    %broadcast_in_dim3A_1796 = vector.broadcast %broadcast_in_dim3A_1795 : i1 to vector<16xi1>
    %masked_cumsum3A_1797 = tpu.scan <sum>, %select_n3A_1794 masked %broadcast_in_dim3A_1796 : vector<16xi32>, vector<16xi1> -> vector<16xi32>
    %add3A_1798 = arith.addi %add3A_1633, %masked_cumsum3A_1797 : vector<16xi32>
    %sub3A_1799 = arith.constant 1 : i32
    %sub3A_1800 = vector.broadcast %sub3A_1799 : i32 to vector<16xi32>
    %sub3A_1801 = arith.subi %add3A_1798, %sub3A_1800 : vector<16xi32>
    %jit3A_1802 = arith.constant 0 : i32
    %broadcast_in_dim3A_1803 = vector.broadcast %jit3A_1802 : i32 to vector<16xi32>
    %select_n3A_1804 = arith.select %eq3A_1789, %sub3A_1801, %broadcast_in_dim3A_1803 : vector<16xi1>, vector<16xi32>
    %add3A_1805 = arith.addi %broadcast_in_dim3A_20, %select_n3A_1804 : vector<16xi32>
    %all_reduce_population_count3A_1806 = tpu.all_reduce %eq3A_1789 {dim = 0 : i64, kind = #tpu.reduction_kind<sum>} : vector<16xi1> -> vector<16xi32>
    %add3A_1807 = arith.addi %add3A_1633, %all_reduce_population_count3A_1806 : vector<16xi32>
    %eq3A_1808 = arith.constant 1 : i32
    %eq3A_1809 = vector.broadcast %eq3A_1808 : i32 to vector<16xi32>
    %eq3A_1810 = arith.cmpi eq, %get3A_1786, %eq3A_1809 : vector<16xi32>
    %jit3A_1811 = arith.constant 1 : i32
    %jit3A_1812 = arith.constant 0 : i32
    %broadcast_in_dim3A_1813 = vector.broadcast %jit3A_1811 : i32 to vector<16xi32>
    %broadcast_in_dim3A_1814 = vector.broadcast %jit3A_1812 : i32 to vector<16xi32>
    %select_n3A_1815 = arith.select %eq3A_1810, %broadcast_in_dim3A_1813, %broadcast_in_dim3A_1814 : vector<16xi1>, vector<16xi32>
    %broadcast_in_dim3A_1816 = arith.constant true
    %broadcast_in_dim3A_1817 = vector.broadcast %broadcast_in_dim3A_1816 : i1 to vector<16xi1>
    %masked_cumsum3A_1818 = tpu.scan <sum>, %select_n3A_1815 masked %broadcast_in_dim3A_1817 : vector<16xi32>, vector<16xi1> -> vector<16xi32>
    %add3A_1819 = arith.addi %add3A_1654, %masked_cumsum3A_1818 : vector<16xi32>
    %sub3A_1820 = arith.constant 1 : i32
    %sub3A_1821 = vector.broadcast %sub3A_1820 : i32 to vector<16xi32>
    %sub3A_1822 = arith.subi %add3A_1819, %sub3A_1821 : vector<16xi32>
    %jit3A_1823 = arith.constant 0 : i32
    %broadcast_in_dim3A_1824 = vector.broadcast %jit3A_1823 : i32 to vector<16xi32>
    %select_n3A_1825 = arith.select %eq3A_1810, %sub3A_1822, %broadcast_in_dim3A_1824 : vector<16xi1>, vector<16xi32>
    %add3A_1826 = arith.addi %add3A_1805, %select_n3A_1825 : vector<16xi32>
    %all_reduce_population_count3A_1827 = tpu.all_reduce %eq3A_1810 {dim = 0 : i64, kind = #tpu.reduction_kind<sum>} : vector<16xi1> -> vector<16xi32>
    %add3A_1828 = arith.addi %add3A_1654, %all_reduce_population_count3A_1827 : vector<16xi32>
    %eq3A_1829 = arith.constant 2 : i32
    %eq3A_1830 = vector.broadcast %eq3A_1829 : i32 to vector<16xi32>
    %eq3A_1831 = arith.cmpi eq, %get3A_1786, %eq3A_1830 : vector<16xi32>
    %jit3A_1832 = arith.constant 1 : i32
    %jit3A_1833 = arith.constant 0 : i32
    %broadcast_in_dim3A_1834 = vector.broadcast %jit3A_1832 : i32 to vector<16xi32>
    %broadcast_in_dim3A_1835 = vector.broadcast %jit3A_1833 : i32 to vector<16xi32>
    %select_n3A_1836 = arith.select %eq3A_1831, %broadcast_in_dim3A_1834, %broadcast_in_dim3A_1835 : vector<16xi1>, vector<16xi32>
    %broadcast_in_dim3A_1837 = arith.constant true
    %broadcast_in_dim3A_1838 = vector.broadcast %broadcast_in_dim3A_1837 : i1 to vector<16xi1>
    %masked_cumsum3A_1839 = tpu.scan <sum>, %select_n3A_1836 masked %broadcast_in_dim3A_1838 : vector<16xi32>, vector<16xi1> -> vector<16xi32>
    %add3A_1840 = arith.addi %add3A_1675, %masked_cumsum3A_1839 : vector<16xi32>
    %sub3A_1841 = arith.constant 1 : i32
    %sub3A_1842 = vector.broadcast %sub3A_1841 : i32 to vector<16xi32>
    %sub3A_1843 = arith.subi %add3A_1840, %sub3A_1842 : vector<16xi32>
    %jit3A_1844 = arith.constant 0 : i32
    %broadcast_in_dim3A_1845 = vector.broadcast %jit3A_1844 : i32 to vector<16xi32>
    %select_n3A_1846 = arith.select %eq3A_1831, %sub3A_1843, %broadcast_in_dim3A_1845 : vector<16xi1>, vector<16xi32>
    %add3A_1847 = arith.addi %add3A_1826, %select_n3A_1846 : vector<16xi32>
    %all_reduce_population_count3A_1848 = tpu.all_reduce %eq3A_1831 {dim = 0 : i64, kind = #tpu.reduction_kind<sum>} : vector<16xi1> -> vector<16xi32>
    %add3A_1849 = arith.addi %add3A_1675, %all_reduce_population_count3A_1848 : vector<16xi32>
    %eq3A_1850 = arith.constant 3 : i32
    %eq3A_1851 = vector.broadcast %eq3A_1850 : i32 to vector<16xi32>
    %eq3A_1852 = arith.cmpi eq, %get3A_1786, %eq3A_1851 : vector<16xi32>
    %jit3A_1853 = arith.constant 1 : i32
    %jit3A_1854 = arith.constant 0 : i32
    %broadcast_in_dim3A_1855 = vector.broadcast %jit3A_1853 : i32 to vector<16xi32>
    %broadcast_in_dim3A_1856 = vector.broadcast %jit3A_1854 : i32 to vector<16xi32>
    %select_n3A_1857 = arith.select %eq3A_1852, %broadcast_in_dim3A_1855, %broadcast_in_dim3A_1856 : vector<16xi1>, vector<16xi32>
    %broadcast_in_dim3A_1858 = arith.constant true
    %broadcast_in_dim3A_1859 = vector.broadcast %broadcast_in_dim3A_1858 : i1 to vector<16xi1>
    %masked_cumsum3A_1860 = tpu.scan <sum>, %select_n3A_1857 masked %broadcast_in_dim3A_1859 : vector<16xi32>, vector<16xi1> -> vector<16xi32>
    %add3A_1861 = arith.addi %add3A_1696, %masked_cumsum3A_1860 : vector<16xi32>
    %sub3A_1862 = arith.constant 1 : i32
    %sub3A_1863 = vector.broadcast %sub3A_1862 : i32 to vector<16xi32>
    %sub3A_1864 = arith.subi %add3A_1861, %sub3A_1863 : vector<16xi32>
    %jit3A_1865 = arith.constant 0 : i32
    %broadcast_in_dim3A_1866 = vector.broadcast %jit3A_1865 : i32 to vector<16xi32>
    %select_n3A_1867 = arith.select %eq3A_1852, %sub3A_1864, %broadcast_in_dim3A_1866 : vector<16xi1>, vector<16xi32>
    %add3A_1868 = arith.addi %add3A_1847, %select_n3A_1867 : vector<16xi32>
    %all_reduce_population_count3A_1869 = tpu.all_reduce %eq3A_1852 {dim = 0 : i64, kind = #tpu.reduction_kind<sum>} : vector<16xi1> -> vector<16xi32>
    %add3A_1870 = arith.addi %add3A_1696, %all_reduce_population_count3A_1869 : vector<16xi32>
    %eq3A_1871 = arith.constant 4 : i32
    %eq3A_1872 = vector.broadcast %eq3A_1871 : i32 to vector<16xi32>
    %eq3A_1873 = arith.cmpi eq, %get3A_1786, %eq3A_1872 : vector<16xi32>
    %jit3A_1874 = arith.constant 1 : i32
    %jit3A_1875 = arith.constant 0 : i32
    %broadcast_in_dim3A_1876 = vector.broadcast %jit3A_1874 : i32 to vector<16xi32>
    %broadcast_in_dim3A_1877 = vector.broadcast %jit3A_1875 : i32 to vector<16xi32>
    %select_n3A_1878 = arith.select %eq3A_1873, %broadcast_in_dim3A_1876, %broadcast_in_dim3A_1877 : vector<16xi1>, vector<16xi32>
    %broadcast_in_dim3A_1879 = arith.constant true
    %broadcast_in_dim3A_1880 = vector.broadcast %broadcast_in_dim3A_1879 : i1 to vector<16xi1>
    %masked_cumsum3A_1881 = tpu.scan <sum>, %select_n3A_1878 masked %broadcast_in_dim3A_1880 : vector<16xi32>, vector<16xi1> -> vector<16xi32>
    %add3A_1882 = arith.addi %add3A_1717, %masked_cumsum3A_1881 : vector<16xi32>
    %sub3A_1883 = arith.constant 1 : i32
    %sub3A_1884 = vector.broadcast %sub3A_1883 : i32 to vector<16xi32>
    %sub3A_1885 = arith.subi %add3A_1882, %sub3A_1884 : vector<16xi32>
    %jit3A_1886 = arith.constant 0 : i32
    %broadcast_in_dim3A_1887 = vector.broadcast %jit3A_1886 : i32 to vector<16xi32>
    %select_n3A_1888 = arith.select %eq3A_1873, %sub3A_1885, %broadcast_in_dim3A_1887 : vector<16xi1>, vector<16xi32>
    %add3A_1889 = arith.addi %add3A_1868, %select_n3A_1888 : vector<16xi32>
    %all_reduce_population_count3A_1890 = tpu.all_reduce %eq3A_1873 {dim = 0 : i64, kind = #tpu.reduction_kind<sum>} : vector<16xi1> -> vector<16xi32>
    %add3A_1891 = arith.addi %add3A_1717, %all_reduce_population_count3A_1890 : vector<16xi32>
    %eq3A_1892 = arith.constant 5 : i32
    %eq3A_1893 = vector.broadcast %eq3A_1892 : i32 to vector<16xi32>
    %eq3A_1894 = arith.cmpi eq, %get3A_1786, %eq3A_1893 : vector<16xi32>
    %jit3A_1895 = arith.constant 1 : i32
    %jit3A_1896 = arith.constant 0 : i32
    %broadcast_in_dim3A_1897 = vector.broadcast %jit3A_1895 : i32 to vector<16xi32>
    %broadcast_in_dim3A_1898 = vector.broadcast %jit3A_1896 : i32 to vector<16xi32>
    %select_n3A_1899 = arith.select %eq3A_1894, %broadcast_in_dim3A_1897, %broadcast_in_dim3A_1898 : vector<16xi1>, vector<16xi32>
    %broadcast_in_dim3A_1900 = arith.constant true
    %broadcast_in_dim3A_1901 = vector.broadcast %broadcast_in_dim3A_1900 : i1 to vector<16xi1>
    %masked_cumsum3A_1902 = tpu.scan <sum>, %select_n3A_1899 masked %broadcast_in_dim3A_1901 : vector<16xi32>, vector<16xi1> -> vector<16xi32>
    %add3A_1903 = arith.addi %add3A_1738, %masked_cumsum3A_1902 : vector<16xi32>
    %sub3A_1904 = arith.constant 1 : i32
    %sub3A_1905 = vector.broadcast %sub3A_1904 : i32 to vector<16xi32>
    %sub3A_1906 = arith.subi %add3A_1903, %sub3A_1905 : vector<16xi32>
    %jit3A_1907 = arith.constant 0 : i32
    %broadcast_in_dim3A_1908 = vector.broadcast %jit3A_1907 : i32 to vector<16xi32>
    %select_n3A_1909 = arith.select %eq3A_1894, %sub3A_1906, %broadcast_in_dim3A_1908 : vector<16xi1>, vector<16xi32>
    %add3A_1910 = arith.addi %add3A_1889, %select_n3A_1909 : vector<16xi32>
    %all_reduce_population_count3A_1911 = tpu.all_reduce %eq3A_1894 {dim = 0 : i64, kind = #tpu.reduction_kind<sum>} : vector<16xi1> -> vector<16xi32>
    %add3A_1912 = arith.addi %add3A_1738, %all_reduce_population_count3A_1911 : vector<16xi32>
    %eq3A_1913 = arith.constant 6 : i32
    %eq3A_1914 = vector.broadcast %eq3A_1913 : i32 to vector<16xi32>
    %eq3A_1915 = arith.cmpi eq, %get3A_1786, %eq3A_1914 : vector<16xi32>
    %jit3A_1916 = arith.constant 1 : i32
    %jit3A_1917 = arith.constant 0 : i32
    %broadcast_in_dim3A_1918 = vector.broadcast %jit3A_1916 : i32 to vector<16xi32>
    %broadcast_in_dim3A_1919 = vector.broadcast %jit3A_1917 : i32 to vector<16xi32>
    %select_n3A_1920 = arith.select %eq3A_1915, %broadcast_in_dim3A_1918, %broadcast_in_dim3A_1919 : vector<16xi1>, vector<16xi32>
    %broadcast_in_dim3A_1921 = arith.constant true
    %broadcast_in_dim3A_1922 = vector.broadcast %broadcast_in_dim3A_1921 : i1 to vector<16xi1>
    %masked_cumsum3A_1923 = tpu.scan <sum>, %select_n3A_1920 masked %broadcast_in_dim3A_1922 : vector<16xi32>, vector<16xi1> -> vector<16xi32>
    %add3A_1924 = arith.addi %add3A_1759, %masked_cumsum3A_1923 : vector<16xi32>
    %sub3A_1925 = arith.constant 1 : i32
    %sub3A_1926 = vector.broadcast %sub3A_1925 : i32 to vector<16xi32>
    %sub3A_1927 = arith.subi %add3A_1924, %sub3A_1926 : vector<16xi32>
    %jit3A_1928 = arith.constant 0 : i32
    %broadcast_in_dim3A_1929 = vector.broadcast %jit3A_1928 : i32 to vector<16xi32>
    %select_n3A_1930 = arith.select %eq3A_1915, %sub3A_1927, %broadcast_in_dim3A_1929 : vector<16xi1>, vector<16xi32>
    %add3A_1931 = arith.addi %add3A_1910, %select_n3A_1930 : vector<16xi32>
    %all_reduce_population_count3A_1932 = tpu.all_reduce %eq3A_1915 {dim = 0 : i64, kind = #tpu.reduction_kind<sum>} : vector<16xi1> -> vector<16xi32>
    %add3A_1933 = arith.addi %add3A_1759, %all_reduce_population_count3A_1932 : vector<16xi32>
    %eq3A_1934 = arith.constant 7 : i32
    %eq3A_1935 = vector.broadcast %eq3A_1934 : i32 to vector<16xi32>
    %eq3A_1936 = arith.cmpi eq, %get3A_1786, %eq3A_1935 : vector<16xi32>
    %jit3A_1937 = arith.constant 1 : i32
    %jit3A_1938 = arith.constant 0 : i32
    %broadcast_in_dim3A_1939 = vector.broadcast %jit3A_1937 : i32 to vector<16xi32>
    %broadcast_in_dim3A_1940 = vector.broadcast %jit3A_1938 : i32 to vector<16xi32>
    %select_n3A_1941 = arith.select %eq3A_1936, %broadcast_in_dim3A_1939, %broadcast_in_dim3A_1940 : vector<16xi1>, vector<16xi32>
    %broadcast_in_dim3A_1942 = arith.constant true
    %broadcast_in_dim3A_1943 = vector.broadcast %broadcast_in_dim3A_1942 : i1 to vector<16xi1>
    %masked_cumsum3A_1944 = tpu.scan <sum>, %select_n3A_1941 masked %broadcast_in_dim3A_1943 : vector<16xi32>, vector<16xi1> -> vector<16xi32>
    %add3A_1945 = arith.addi %add3A_1780, %masked_cumsum3A_1944 : vector<16xi32>
    %sub3A_1946 = arith.constant 1 : i32
    %sub3A_1947 = vector.broadcast %sub3A_1946 : i32 to vector<16xi32>
    %sub3A_1948 = arith.subi %add3A_1945, %sub3A_1947 : vector<16xi32>
    %jit3A_1949 = arith.constant 0 : i32
    %broadcast_in_dim3A_1950 = vector.broadcast %jit3A_1949 : i32 to vector<16xi32>
    %select_n3A_1951 = arith.select %eq3A_1936, %sub3A_1948, %broadcast_in_dim3A_1950 : vector<16xi1>, vector<16xi32>
    %add3A_1952 = arith.addi %add3A_1931, %select_n3A_1951 : vector<16xi32>
    %all_reduce_population_count3A_1953 = tpu.all_reduce %eq3A_1936 {dim = 0 : i64, kind = #tpu.reduction_kind<sum>} : vector<16xi1> -> vector<16xi32>
    %add3A_1954 = arith.addi %add3A_1780, %all_reduce_population_count3A_1953 : vector<16xi32>
    %swap3A_1955 = arith.constant 5 : i32
    %swap3A_1956 = arith.index_cast %swap3A_1955 : i32 to index
    %swap3A_1957 = arith.constant 0 : index
    %swap3A_1958 = tpu.vector_load %arg9[%swap3A_1956, %swap3A_1957] {strides = array<i32>} : memref<8x32xi32, #tpu.memory_space<vmem>>, vector<16xi32>,
    tpu.vector_store %arg9[%swap3A_1956, %swap3A_1957], %add3A_1952 {strides = array<i32>} : memref<8x32xi32, #tpu.memory_space<vmem>>, vector<16xi32>,
    %get3A_1959 = arith.constant 176 : index
    %get3A_1960 = tpu.vector_load %arg7[%get3A_1959] {strides = array<i32>} : memref<256xi32, #tpu.memory_space<vmem>>, vector<16xi32>,
    %eq3A_1961 = arith.constant 0 : i32
    %eq3A_1962 = vector.broadcast %eq3A_1961 : i32 to vector<16xi32>
    %eq3A_1963 = arith.cmpi eq, %get3A_1960, %eq3A_1962 : vector<16xi32>
    %jit3A_1964 = arith.constant 1 : i32
    %jit3A_1965 = arith.constant 0 : i32
    %broadcast_in_dim3A_1966 = vector.broadcast %jit3A_1964 : i32 to vector<16xi32>
    %broadcast_in_dim3A_1967 = vector.broadcast %jit3A_1965 : i32 to vector<16xi32>
    %select_n3A_1968 = arith.select %eq3A_1963, %broadcast_in_dim3A_1966, %broadcast_in_dim3A_1967 : vector<16xi1>, vector<16xi32>
    %broadcast_in_dim3A_1969 = arith.constant true
    %broadcast_in_dim3A_1970 = vector.broadcast %broadcast_in_dim3A_1969 : i1 to vector<16xi1>
    %masked_cumsum3A_1971 = tpu.scan <sum>, %select_n3A_1968 masked %broadcast_in_dim3A_1970 : vector<16xi32>, vector<16xi1> -> vector<16xi32>
    %add3A_1972 = arith.addi %add3A_1807, %masked_cumsum3A_1971 : vector<16xi32>
    %sub3A_1973 = arith.constant 1 : i32
    %sub3A_1974 = vector.broadcast %sub3A_1973 : i32 to vector<16xi32>
    %sub3A_1975 = arith.subi %add3A_1972, %sub3A_1974 : vector<16xi32>
    %jit3A_1976 = arith.constant 0 : i32
    %broadcast_in_dim3A_1977 = vector.broadcast %jit3A_1976 : i32 to vector<16xi32>
    %select_n3A_1978 = arith.select %eq3A_1963, %sub3A_1975, %broadcast_in_dim3A_1977 : vector<16xi1>, vector<16xi32>
    %add3A_1979 = arith.addi %broadcast_in_dim3A_20, %select_n3A_1978 : vector<16xi32>
    %all_reduce_population_count3A_1980 = tpu.all_reduce %eq3A_1963 {dim = 0 : i64, kind = #tpu.reduction_kind<sum>} : vector<16xi1> -> vector<16xi32>
    %add3A_1981 = arith.addi %add3A_1807, %all_reduce_population_count3A_1980 : vector<16xi32>
    %eq3A_1982 = arith.constant 1 : i32
    %eq3A_1983 = vector.broadcast %eq3A_1982 : i32 to vector<16xi32>
    %eq3A_1984 = arith.cmpi eq, %get3A_1960, %eq3A_1983 : vector<16xi32>
    %jit3A_1985 = arith.constant 1 : i32
    %jit3A_1986 = arith.constant 0 : i32
    %broadcast_in_dim3A_1987 = vector.broadcast %jit3A_1985 : i32 to vector<16xi32>
    %broadcast_in_dim3A_1988 = vector.broadcast %jit3A_1986 : i32 to vector<16xi32>
    %select_n3A_1989 = arith.select %eq3A_1984, %broadcast_in_dim3A_1987, %broadcast_in_dim3A_1988 : vector<16xi1>, vector<16xi32>
    %broadcast_in_dim3A_1990 = arith.constant true
    %broadcast_in_dim3A_1991 = vector.broadcast %broadcast_in_dim3A_1990 : i1 to vector<16xi1>
    %masked_cumsum3A_1992 = tpu.scan <sum>, %select_n3A_1989 masked %broadcast_in_dim3A_1991 : vector<16xi32>, vector<16xi1> -> vector<16xi32>
    %add3A_1993 = arith.addi %add3A_1828, %masked_cumsum3A_1992 : vector<16xi32>
    %sub3A_1994 = arith.constant 1 : i32
    %sub3A_1995 = vector.broadcast %sub3A_1994 : i32 to vector<16xi32>
    %sub3A_1996 = arith.subi %add3A_1993, %sub3A_1995 : vector<16xi32>
    %jit3A_1997 = arith.constant 0 : i32
    %broadcast_in_dim3A_1998 = vector.broadcast %jit3A_1997 : i32 to vector<16xi32>
    %select_n3A_1999 = arith.select %eq3A_1984, %sub3A_1996, %broadcast_in_dim3A_1998 : vector<16xi1>, vector<16xi32>
    %add3A_2000 = arith.addi %add3A_1979, %select_n3A_1999 : vector<16xi32>
    %all_reduce_population_count3A_2001 = tpu.all_reduce %eq3A_1984 {dim = 0 : i64, kind = #tpu.reduction_kind<sum>} : vector<16xi1> -> vector<16xi32>
    %add3A_2002 = arith.addi %add3A_1828, %all_reduce_population_count3A_2001 : vector<16xi32>
    %eq3A_2003 = arith.constant 2 : i32
    %eq3A_2004 = vector.broadcast %eq3A_2003 : i32 to vector<16xi32>
    %eq3A_2005 = arith.cmpi eq, %get3A_1960, %eq3A_2004 : vector<16xi32>
    %jit3A_2006 = arith.constant 1 : i32
    %jit3A_2007 = arith.constant 0 : i32
    %broadcast_in_dim3A_2008 = vector.broadcast %jit3A_2006 : i32 to vector<16xi32>
    %broadcast_in_dim3A_2009 = vector.broadcast %jit3A_2007 : i32 to vector<16xi32>
    %select_n3A_2010 = arith.select %eq3A_2005, %broadcast_in_dim3A_2008, %broadcast_in_dim3A_2009 : vector<16xi1>, vector<16xi32>
    %broadcast_in_dim3A_2011 = arith.constant true
    %broadcast_in_dim3A_2012 = vector.broadcast %broadcast_in_dim3A_2011 : i1 to vector<16xi1>
    %masked_cumsum3A_2013 = tpu.scan <sum>, %select_n3A_2010 masked %broadcast_in_dim3A_2012 : vector<16xi32>, vector<16xi1> -> vector<16xi32>
    %add3A_2014 = arith.addi %add3A_1849, %masked_cumsum3A_2013 : vector<16xi32>
    %sub3A_2015 = arith.constant 1 : i32
    %sub3A_2016 = vector.broadcast %sub3A_2015 : i32 to vector<16xi32>
    %sub3A_2017 = arith.subi %add3A_2014, %sub3A_2016 : vector<16xi32>
    %jit3A_2018 = arith.constant 0 : i32
    %broadcast_in_dim3A_2019 = vector.broadcast %jit3A_2018 : i32 to vector<16xi32>
    %select_n3A_2020 = arith.select %eq3A_2005, %sub3A_2017, %broadcast_in_dim3A_2019 : vector<16xi1>, vector<16xi32>
    %add3A_2021 = arith.addi %add3A_2000, %select_n3A_2020 : vector<16xi32>
    %all_reduce_population_count3A_2022 = tpu.all_reduce %eq3A_2005 {dim = 0 : i64, kind = #tpu.reduction_kind<sum>} : vector<16xi1> -> vector<16xi32>
    %add3A_2023 = arith.addi %add3A_1849, %all_reduce_population_count3A_2022 : vector<16xi32>
    %eq3A_2024 = arith.constant 3 : i32
    %eq3A_2025 = vector.broadcast %eq3A_2024 : i32 to vector<16xi32>
    %eq3A_2026 = arith.cmpi eq, %get3A_1960, %eq3A_2025 : vector<16xi32>
    %jit3A_2027 = arith.constant 1 : i32
    %jit3A_2028 = arith.constant 0 : i32
    %broadcast_in_dim3A_2029 = vector.broadcast %jit3A_2027 : i32 to vector<16xi32>
    %broadcast_in_dim3A_2030 = vector.broadcast %jit3A_2028 : i32 to vector<16xi32>
    %select_n3A_2031 = arith.select %eq3A_2026, %broadcast_in_dim3A_2029, %broadcast_in_dim3A_2030 : vector<16xi1>, vector<16xi32>
    %broadcast_in_dim3A_2032 = arith.constant true
    %broadcast_in_dim3A_2033 = vector.broadcast %broadcast_in_dim3A_2032 : i1 to vector<16xi1>
    %masked_cumsum3A_2034 = tpu.scan <sum>, %select_n3A_2031 masked %broadcast_in_dim3A_2033 : vector<16xi32>, vector<16xi1> -> vector<16xi32>
    %add3A_2035 = arith.addi %add3A_1870, %masked_cumsum3A_2034 : vector<16xi32>
    %sub3A_2036 = arith.constant 1 : i32
    %sub3A_2037 = vector.broadcast %sub3A_2036 : i32 to vector<16xi32>
    %sub3A_2038 = arith.subi %add3A_2035, %sub3A_2037 : vector<16xi32>
    %jit3A_2039 = arith.constant 0 : i32
    %broadcast_in_dim3A_2040 = vector.broadcast %jit3A_2039 : i32 to vector<16xi32>
    %select_n3A_2041 = arith.select %eq3A_2026, %sub3A_2038, %broadcast_in_dim3A_2040 : vector<16xi1>, vector<16xi32>
    %add3A_2042 = arith.addi %add3A_2021, %select_n3A_2041 : vector<16xi32>
    %all_reduce_population_count3A_2043 = tpu.all_reduce %eq3A_2026 {dim = 0 : i64, kind = #tpu.reduction_kind<sum>} : vector<16xi1> -> vector<16xi32>
    %add3A_2044 = arith.addi %add3A_1870, %all_reduce_population_count3A_2043 : vector<16xi32>
    %eq3A_2045 = arith.constant 4 : i32
    %eq3A_2046 = vector.broadcast %eq3A_2045 : i32 to vector<16xi32>
    %eq3A_2047 = arith.cmpi eq, %get3A_1960, %eq3A_2046 : vector<16xi32>
    %jit3A_2048 = arith.constant 1 : i32
    %jit3A_2049 = arith.constant 0 : i32
    %broadcast_in_dim3A_2050 = vector.broadcast %jit3A_2048 : i32 to vector<16xi32>
    %broadcast_in_dim3A_2051 = vector.broadcast %jit3A_2049 : i32 to vector<16xi32>
    %select_n3A_2052 = arith.select %eq3A_2047, %broadcast_in_dim3A_2050, %broadcast_in_dim3A_2051 : vector<16xi1>, vector<16xi32>
    %broadcast_in_dim3A_2053 = arith.constant true
    %broadcast_in_dim3A_2054 = vector.broadcast %broadcast_in_dim3A_2053 : i1 to vector<16xi1>
    %masked_cumsum3A_2055 = tpu.scan <sum>, %select_n3A_2052 masked %broadcast_in_dim3A_2054 : vector<16xi32>, vector<16xi1> -> vector<16xi32>
    %add3A_2056 = arith.addi %add3A_1891, %masked_cumsum3A_2055 : vector<16xi32>
    %sub3A_2057 = arith.constant 1 : i32
    %sub3A_2058 = vector.broadcast %sub3A_2057 : i32 to vector<16xi32>
    %sub3A_2059 = arith.subi %add3A_2056, %sub3A_2058 : vector<16xi32>
    %jit3A_2060 = arith.constant 0 : i32
    %broadcast_in_dim3A_2061 = vector.broadcast %jit3A_2060 : i32 to vector<16xi32>
    %select_n3A_2062 = arith.select %eq3A_2047, %sub3A_2059, %broadcast_in_dim3A_2061 : vector<16xi1>, vector<16xi32>
    %add3A_2063 = arith.addi %add3A_2042, %select_n3A_2062 : vector<16xi32>
    %all_reduce_population_count3A_2064 = tpu.all_reduce %eq3A_2047 {dim = 0 : i64, kind = #tpu.reduction_kind<sum>} : vector<16xi1> -> vector<16xi32>
    %add3A_2065 = arith.addi %add3A_1891, %all_reduce_population_count3A_2064 : vector<16xi32>
    %eq3A_2066 = arith.constant 5 : i32
    %eq3A_2067 = vector.broadcast %eq3A_2066 : i32 to vector<16xi32>
    %eq3A_2068 = arith.cmpi eq, %get3A_1960, %eq3A_2067 : vector<16xi32>
    %jit3A_2069 = arith.constant 1 : i32
    %jit3A_2070 = arith.constant 0 : i32
    %broadcast_in_dim3A_2071 = vector.broadcast %jit3A_2069 : i32 to vector<16xi32>
    %broadcast_in_dim3A_2072 = vector.broadcast %jit3A_2070 : i32 to vector<16xi32>
    %select_n3A_2073 = arith.select %eq3A_2068, %broadcast_in_dim3A_2071, %broadcast_in_dim3A_2072 : vector<16xi1>, vector<16xi32>
    %broadcast_in_dim3A_2074 = arith.constant true
    %broadcast_in_dim3A_2075 = vector.broadcast %broadcast_in_dim3A_2074 : i1 to vector<16xi1>
    %masked_cumsum3A_2076 = tpu.scan <sum>, %select_n3A_2073 masked %broadcast_in_dim3A_2075 : vector<16xi32>, vector<16xi1> -> vector<16xi32>
    %add3A_2077 = arith.addi %add3A_1912, %masked_cumsum3A_2076 : vector<16xi32>
    %sub3A_2078 = arith.constant 1 : i32
    %sub3A_2079 = vector.broadcast %sub3A_2078 : i32 to vector<16xi32>
    %sub3A_2080 = arith.subi %add3A_2077, %sub3A_2079 : vector<16xi32>
    %jit3A_2081 = arith.constant 0 : i32
    %broadcast_in_dim3A_2082 = vector.broadcast %jit3A_2081 : i32 to vector<16xi32>
    %select_n3A_2083 = arith.select %eq3A_2068, %sub3A_2080, %broadcast_in_dim3A_2082 : vector<16xi1>, vector<16xi32>
    %add3A_2084 = arith.addi %add3A_2063, %select_n3A_2083 : vector<16xi32>
    %all_reduce_population_count3A_2085 = tpu.all_reduce %eq3A_2068 {dim = 0 : i64, kind = #tpu.reduction_kind<sum>} : vector<16xi1> -> vector<16xi32>
    %add3A_2086 = arith.addi %add3A_1912, %all_reduce_population_count3A_2085 : vector<16xi32>
    %eq3A_2087 = arith.constant 6 : i32
    %eq3A_2088 = vector.broadcast %eq3A_2087 : i32 to vector<16xi32>
    %eq3A_2089 = arith.cmpi eq, %get3A_1960, %eq3A_2088 : vector<16xi32>
    %jit3A_2090 = arith.constant 1 : i32
    %jit3A_2091 = arith.constant 0 : i32
    %broadcast_in_dim3A_2092 = vector.broadcast %jit3A_2090 : i32 to vector<16xi32>
    %broadcast_in_dim3A_2093 = vector.broadcast %jit3A_2091 : i32 to vector<16xi32>
    %select_n3A_2094 = arith.select %eq3A_2089, %broadcast_in_dim3A_2092, %broadcast_in_dim3A_2093 : vector<16xi1>, vector<16xi32>
    %broadcast_in_dim3A_2095 = arith.constant true
    %broadcast_in_dim3A_2096 = vector.broadcast %broadcast_in_dim3A_2095 : i1 to vector<16xi1>
    %masked_cumsum3A_2097 = tpu.scan <sum>, %select_n3A_2094 masked %broadcast_in_dim3A_2096 : vector<16xi32>, vector<16xi1> -> vector<16xi32>
    %add3A_2098 = arith.addi %add3A_1933, %masked_cumsum3A_2097 : vector<16xi32>
    %sub3A_2099 = arith.constant 1 : i32
    %sub3A_2100 = vector.broadcast %sub3A_2099 : i32 to vector<16xi32>
    %sub3A_2101 = arith.subi %add3A_2098, %sub3A_2100 : vector<16xi32>
    %jit3A_2102 = arith.constant 0 : i32
    %broadcast_in_dim3A_2103 = vector.broadcast %jit3A_2102 : i32 to vector<16xi32>
    %select_n3A_2104 = arith.select %eq3A_2089, %sub3A_2101, %broadcast_in_dim3A_2103 : vector<16xi1>, vector<16xi32>
    %add3A_2105 = arith.addi %add3A_2084, %select_n3A_2104 : vector<16xi32>
    %all_reduce_population_count3A_2106 = tpu.all_reduce %eq3A_2089 {dim = 0 : i64, kind = #tpu.reduction_kind<sum>} : vector<16xi1> -> vector<16xi32>
    %add3A_2107 = arith.addi %add3A_1933, %all_reduce_population_count3A_2106 : vector<16xi32>
    %eq3A_2108 = arith.constant 7 : i32
    %eq3A_2109 = vector.broadcast %eq3A_2108 : i32 to vector<16xi32>
    %eq3A_2110 = arith.cmpi eq, %get3A_1960, %eq3A_2109 : vector<16xi32>
    %jit3A_2111 = arith.constant 1 : i32
    %jit3A_2112 = arith.constant 0 : i32
    %broadcast_in_dim3A_2113 = vector.broadcast %jit3A_2111 : i32 to vector<16xi32>
    %broadcast_in_dim3A_2114 = vector.broadcast %jit3A_2112 : i32 to vector<16xi32>
    %select_n3A_2115 = arith.select %eq3A_2110, %broadcast_in_dim3A_2113, %broadcast_in_dim3A_2114 : vector<16xi1>, vector<16xi32>
    %broadcast_in_dim3A_2116 = arith.constant true
    %broadcast_in_dim3A_2117 = vector.broadcast %broadcast_in_dim3A_2116 : i1 to vector<16xi1>
    %masked_cumsum3A_2118 = tpu.scan <sum>, %select_n3A_2115 masked %broadcast_in_dim3A_2117 : vector<16xi32>, vector<16xi1> -> vector<16xi32>
    %add3A_2119 = arith.addi %add3A_1954, %masked_cumsum3A_2118 : vector<16xi32>
    %sub3A_2120 = arith.constant 1 : i32
    %sub3A_2121 = vector.broadcast %sub3A_2120 : i32 to vector<16xi32>
    %sub3A_2122 = arith.subi %add3A_2119, %sub3A_2121 : vector<16xi32>
    %jit3A_2123 = arith.constant 0 : i32
    %broadcast_in_dim3A_2124 = vector.broadcast %jit3A_2123 : i32 to vector<16xi32>
    %select_n3A_2125 = arith.select %eq3A_2110, %sub3A_2122, %broadcast_in_dim3A_2124 : vector<16xi1>, vector<16xi32>
    %add3A_2126 = arith.addi %add3A_2105, %select_n3A_2125 : vector<16xi32>
    %all_reduce_population_count3A_2127 = tpu.all_reduce %eq3A_2110 {dim = 0 : i64, kind = #tpu.reduction_kind<sum>} : vector<16xi1> -> vector<16xi32>
    %add3A_2128 = arith.addi %add3A_1954, %all_reduce_population_count3A_2127 : vector<16xi32>
    %swap3A_2129 = arith.constant 5 : i32
    %swap3A_2130 = arith.index_cast %swap3A_2129 : i32 to index
    %swap3A_2131 = arith.constant 16 : index
    %swap3A_2132 = tpu.vector_load %arg9[%swap3A_2130, %swap3A_2131] {strides = array<i32>} : memref<8x32xi32, #tpu.memory_space<vmem>>, vector<16xi32>,
    tpu.vector_store %arg9[%swap3A_2130, %swap3A_2131], %add3A_2126 {strides = array<i32>} : memref<8x32xi32, #tpu.memory_space<vmem>>, vector<16xi32>,
    %get3A_2133 = arith.constant 192 : index
    %get3A_2134 = tpu.vector_load %arg7[%get3A_2133] {strides = array<i32>} : memref<256xi32, #tpu.memory_space<vmem>>, vector<16xi32>,
    %eq3A_2135 = arith.constant 0 : i32
    %eq3A_2136 = vector.broadcast %eq3A_2135 : i32 to vector<16xi32>
    %eq3A_2137 = arith.cmpi eq, %get3A_2134, %eq3A_2136 : vector<16xi32>
    %jit3A_2138 = arith.constant 1 : i32
    %jit3A_2139 = arith.constant 0 : i32
    %broadcast_in_dim3A_2140 = vector.broadcast %jit3A_2138 : i32 to vector<16xi32>
    %broadcast_in_dim3A_2141 = vector.broadcast %jit3A_2139 : i32 to vector<16xi32>
    %select_n3A_2142 = arith.select %eq3A_2137, %broadcast_in_dim3A_2140, %broadcast_in_dim3A_2141 : vector<16xi1>, vector<16xi32>
    %broadcast_in_dim3A_2143 = arith.constant true
    %broadcast_in_dim3A_2144 = vector.broadcast %broadcast_in_dim3A_2143 : i1 to vector<16xi1>
    %masked_cumsum3A_2145 = tpu.scan <sum>, %select_n3A_2142 masked %broadcast_in_dim3A_2144 : vector<16xi32>, vector<16xi1> -> vector<16xi32>
    %add3A_2146 = arith.addi %add3A_1981, %masked_cumsum3A_2145 : vector<16xi32>
    %sub3A_2147 = arith.constant 1 : i32
    %sub3A_2148 = vector.broadcast %sub3A_2147 : i32 to vector<16xi32>
    %sub3A_2149 = arith.subi %add3A_2146, %sub3A_2148 : vector<16xi32>
    %jit3A_2150 = arith.constant 0 : i32
    %broadcast_in_dim3A_2151 = vector.broadcast %jit3A_2150 : i32 to vector<16xi32>
    %select_n3A_2152 = arith.select %eq3A_2137, %sub3A_2149, %broadcast_in_dim3A_2151 : vector<16xi1>, vector<16xi32>
    %add3A_2153 = arith.addi %broadcast_in_dim3A_20, %select_n3A_2152 : vector<16xi32>
    %all_reduce_population_count3A_2154 = tpu.all_reduce %eq3A_2137 {dim = 0 : i64, kind = #tpu.reduction_kind<sum>} : vector<16xi1> -> vector<16xi32>
    %add3A_2155 = arith.addi %add3A_1981, %all_reduce_population_count3A_2154 : vector<16xi32>
    %eq3A_2156 = arith.constant 1 : i32
    %eq3A_2157 = vector.broadcast %eq3A_2156 : i32 to vector<16xi32>
    %eq3A_2158 = arith.cmpi eq, %get3A_2134, %eq3A_2157 : vector<16xi32>
    %jit3A_2159 = arith.constant 1 : i32
    %jit3A_2160 = arith.constant 0 : i32
    %broadcast_in_dim3A_2161 = vector.broadcast %jit3A_2159 : i32 to vector<16xi32>
    %broadcast_in_dim3A_2162 = vector.broadcast %jit3A_2160 : i32 to vector<16xi32>
    %select_n3A_2163 = arith.select %eq3A_2158, %broadcast_in_dim3A_2161, %broadcast_in_dim3A_2162 : vector<16xi1>, vector<16xi32>
    %broadcast_in_dim3A_2164 = arith.constant true
    %broadcast_in_dim3A_2165 = vector.broadcast %broadcast_in_dim3A_2164 : i1 to vector<16xi1>
    %masked_cumsum3A_2166 = tpu.scan <sum>, %select_n3A_2163 masked %broadcast_in_dim3A_2165 : vector<16xi32>, vector<16xi1> -> vector<16xi32>
    %add3A_2167 = arith.addi %add3A_2002, %masked_cumsum3A_2166 : vector<16xi32>
    %sub3A_2168 = arith.constant 1 : i32
    %sub3A_2169 = vector.broadcast %sub3A_2168 : i32 to vector<16xi32>
    %sub3A_2170 = arith.subi %add3A_2167, %sub3A_2169 : vector<16xi32>
    %jit3A_2171 = arith.constant 0 : i32
    %broadcast_in_dim3A_2172 = vector.broadcast %jit3A_2171 : i32 to vector<16xi32>
    %select_n3A_2173 = arith.select %eq3A_2158, %sub3A_2170, %broadcast_in_dim3A_2172 : vector<16xi1>, vector<16xi32>
    %add3A_2174 = arith.addi %add3A_2153, %select_n3A_2173 : vector<16xi32>
    %all_reduce_population_count3A_2175 = tpu.all_reduce %eq3A_2158 {dim = 0 : i64, kind = #tpu.reduction_kind<sum>} : vector<16xi1> -> vector<16xi32>
    %add3A_2176 = arith.addi %add3A_2002, %all_reduce_population_count3A_2175 : vector<16xi32>
    %eq3A_2177 = arith.constant 2 : i32
    %eq3A_2178 = vector.broadcast %eq3A_2177 : i32 to vector<16xi32>
    %eq3A_2179 = arith.cmpi eq, %get3A_2134, %eq3A_2178 : vector<16xi32>
    %jit3A_2180 = arith.constant 1 : i32
    %jit3A_2181 = arith.constant 0 : i32
    %broadcast_in_dim3A_2182 = vector.broadcast %jit3A_2180 : i32 to vector<16xi32>
    %broadcast_in_dim3A_2183 = vector.broadcast %jit3A_2181 : i32 to vector<16xi32>
    %select_n3A_2184 = arith.select %eq3A_2179, %broadcast_in_dim3A_2182, %broadcast_in_dim3A_2183 : vector<16xi1>, vector<16xi32>
    %broadcast_in_dim3A_2185 = arith.constant true
    %broadcast_in_dim3A_2186 = vector.broadcast %broadcast_in_dim3A_2185 : i1 to vector<16xi1>
    %masked_cumsum3A_2187 = tpu.scan <sum>, %select_n3A_2184 masked %broadcast_in_dim3A_2186 : vector<16xi32>, vector<16xi1> -> vector<16xi32>
    %add3A_2188 = arith.addi %add3A_2023, %masked_cumsum3A_2187 : vector<16xi32>
    %sub3A_2189 = arith.constant 1 : i32
    %sub3A_2190 = vector.broadcast %sub3A_2189 : i32 to vector<16xi32>
    %sub3A_2191 = arith.subi %add3A_2188, %sub3A_2190 : vector<16xi32>
    %jit3A_2192 = arith.constant 0 : i32
    %broadcast_in_dim3A_2193 = vector.broadcast %jit3A_2192 : i32 to vector<16xi32>
    %select_n3A_2194 = arith.select %eq3A_2179, %sub3A_2191, %broadcast_in_dim3A_2193 : vector<16xi1>, vector<16xi32>
    %add3A_2195 = arith.addi %add3A_2174, %select_n3A_2194 : vector<16xi32>
    %all_reduce_population_count3A_2196 = tpu.all_reduce %eq3A_2179 {dim = 0 : i64, kind = #tpu.reduction_kind<sum>} : vector<16xi1> -> vector<16xi32>
    %add3A_2197 = arith.addi %add3A_2023, %all_reduce_population_count3A_2196 : vector<16xi32>
    %eq3A_2198 = arith.constant 3 : i32
    %eq3A_2199 = vector.broadcast %eq3A_2198 : i32 to vector<16xi32>
    %eq3A_2200 = arith.cmpi eq, %get3A_2134, %eq3A_2199 : vector<16xi32>
    %jit3A_2201 = arith.constant 1 : i32
    %jit3A_2202 = arith.constant 0 : i32
    %broadcast_in_dim3A_2203 = vector.broadcast %jit3A_2201 : i32 to vector<16xi32>
    %broadcast_in_dim3A_2204 = vector.broadcast %jit3A_2202 : i32 to vector<16xi32>
    %select_n3A_2205 = arith.select %eq3A_2200, %broadcast_in_dim3A_2203, %broadcast_in_dim3A_2204 : vector<16xi1>, vector<16xi32>
    %broadcast_in_dim3A_2206 = arith.constant true
    %broadcast_in_dim3A_2207 = vector.broadcast %broadcast_in_dim3A_2206 : i1 to vector<16xi1>
    %masked_cumsum3A_2208 = tpu.scan <sum>, %select_n3A_2205 masked %broadcast_in_dim3A_2207 : vector<16xi32>, vector<16xi1> -> vector<16xi32>
    %add3A_2209 = arith.addi %add3A_2044, %masked_cumsum3A_2208 : vector<16xi32>
    %sub3A_2210 = arith.constant 1 : i32
    %sub3A_2211 = vector.broadcast %sub3A_2210 : i32 to vector<16xi32>
    %sub3A_2212 = arith.subi %add3A_2209, %sub3A_2211 : vector<16xi32>
    %jit3A_2213 = arith.constant 0 : i32
    %broadcast_in_dim3A_2214 = vector.broadcast %jit3A_2213 : i32 to vector<16xi32>
    %select_n3A_2215 = arith.select %eq3A_2200, %sub3A_2212, %broadcast_in_dim3A_2214 : vector<16xi1>, vector<16xi32>
    %add3A_2216 = arith.addi %add3A_2195, %select_n3A_2215 : vector<16xi32>
    %all_reduce_population_count3A_2217 = tpu.all_reduce %eq3A_2200 {dim = 0 : i64, kind = #tpu.reduction_kind<sum>} : vector<16xi1> -> vector<16xi32>
    %add3A_2218 = arith.addi %add3A_2044, %all_reduce_population_count3A_2217 : vector<16xi32>
    %eq3A_2219 = arith.constant 4 : i32
    %eq3A_2220 = vector.broadcast %eq3A_2219 : i32 to vector<16xi32>
    %eq3A_2221 = arith.cmpi eq, %get3A_2134, %eq3A_2220 : vector<16xi32>
    %jit3A_2222 = arith.constant 1 : i32
    %jit3A_2223 = arith.constant 0 : i32
    %broadcast_in_dim3A_2224 = vector.broadcast %jit3A_2222 : i32 to vector<16xi32>
    %broadcast_in_dim3A_2225 = vector.broadcast %jit3A_2223 : i32 to vector<16xi32>
    %select_n3A_2226 = arith.select %eq3A_2221, %broadcast_in_dim3A_2224, %broadcast_in_dim3A_2225 : vector<16xi1>, vector<16xi32>
    %broadcast_in_dim3A_2227 = arith.constant true
    %broadcast_in_dim3A_2228 = vector.broadcast %broadcast_in_dim3A_2227 : i1 to vector<16xi1>
    %masked_cumsum3A_2229 = tpu.scan <sum>, %select_n3A_2226 masked %broadcast_in_dim3A_2228 : vector<16xi32>, vector<16xi1> -> vector<16xi32>
    %add3A_2230 = arith.addi %add3A_2065, %masked_cumsum3A_2229 : vector<16xi32>
    %sub3A_2231 = arith.constant 1 : i32
    %sub3A_2232 = vector.broadcast %sub3A_2231 : i32 to vector<16xi32>
    %sub3A_2233 = arith.subi %add3A_2230, %sub3A_2232 : vector<16xi32>
    %jit3A_2234 = arith.constant 0 : i32
    %broadcast_in_dim3A_2235 = vector.broadcast %jit3A_2234 : i32 to vector<16xi32>
    %select_n3A_2236 = arith.select %eq3A_2221, %sub3A_2233, %broadcast_in_dim3A_2235 : vector<16xi1>, vector<16xi32>
    %add3A_2237 = arith.addi %add3A_2216, %select_n3A_2236 : vector<16xi32>
    %all_reduce_population_count3A_2238 = tpu.all_reduce %eq3A_2221 {dim = 0 : i64, kind = #tpu.reduction_kind<sum>} : vector<16xi1> -> vector<16xi32>
    %add3A_2239 = arith.addi %add3A_2065, %all_reduce_population_count3A_2238 : vector<16xi32>
    %eq3A_2240 = arith.constant 5 : i32
    %eq3A_2241 = vector.broadcast %eq3A_2240 : i32 to vector<16xi32>
    %eq3A_2242 = arith.cmpi eq, %get3A_2134, %eq3A_2241 : vector<16xi32>
    %jit3A_2243 = arith.constant 1 : i32
    %jit3A_2244 = arith.constant 0 : i32
    %broadcast_in_dim3A_2245 = vector.broadcast %jit3A_2243 : i32 to vector<16xi32>
    %broadcast_in_dim3A_2246 = vector.broadcast %jit3A_2244 : i32 to vector<16xi32>
    %select_n3A_2247 = arith.select %eq3A_2242, %broadcast_in_dim3A_2245, %broadcast_in_dim3A_2246 : vector<16xi1>, vector<16xi32>
    %broadcast_in_dim3A_2248 = arith.constant true
    %broadcast_in_dim3A_2249 = vector.broadcast %broadcast_in_dim3A_2248 : i1 to vector<16xi1>
    %masked_cumsum3A_2250 = tpu.scan <sum>, %select_n3A_2247 masked %broadcast_in_dim3A_2249 : vector<16xi32>, vector<16xi1> -> vector<16xi32>
    %add3A_2251 = arith.addi %add3A_2086, %masked_cumsum3A_2250 : vector<16xi32>
    %sub3A_2252 = arith.constant 1 : i32
    %sub3A_2253 = vector.broadcast %sub3A_2252 : i32 to vector<16xi32>
    %sub3A_2254 = arith.subi %add3A_2251, %sub3A_2253 : vector<16xi32>
    %jit3A_2255 = arith.constant 0 : i32
    %broadcast_in_dim3A_2256 = vector.broadcast %jit3A_2255 : i32 to vector<16xi32>
    %select_n3A_2257 = arith.select %eq3A_2242, %sub3A_2254, %broadcast_in_dim3A_2256 : vector<16xi1>, vector<16xi32>
    %add3A_2258 = arith.addi %add3A_2237, %select_n3A_2257 : vector<16xi32>
    %all_reduce_population_count3A_2259 = tpu.all_reduce %eq3A_2242 {dim = 0 : i64, kind = #tpu.reduction_kind<sum>} : vector<16xi1> -> vector<16xi32>
    %add3A_2260 = arith.addi %add3A_2086, %all_reduce_population_count3A_2259 : vector<16xi32>
    %eq3A_2261 = arith.constant 6 : i32
    %eq3A_2262 = vector.broadcast %eq3A_2261 : i32 to vector<16xi32>
    %eq3A_2263 = arith.cmpi eq, %get3A_2134, %eq3A_2262 : vector<16xi32>
    %jit3A_2264 = arith.constant 1 : i32
    %jit3A_2265 = arith.constant 0 : i32
    %broadcast_in_dim3A_2266 = vector.broadcast %jit3A_2264 : i32 to vector<16xi32>
    %broadcast_in_dim3A_2267 = vector.broadcast %jit3A_2265 : i32 to vector<16xi32>
    %select_n3A_2268 = arith.select %eq3A_2263, %broadcast_in_dim3A_2266, %broadcast_in_dim3A_2267 : vector<16xi1>, vector<16xi32>
    %broadcast_in_dim3A_2269 = arith.constant true
    %broadcast_in_dim3A_2270 = vector.broadcast %broadcast_in_dim3A_2269 : i1 to vector<16xi1>
    %masked_cumsum3A_2271 = tpu.scan <sum>, %select_n3A_2268 masked %broadcast_in_dim3A_2270 : vector<16xi32>, vector<16xi1> -> vector<16xi32>
    %add3A_2272 = arith.addi %add3A_2107, %masked_cumsum3A_2271 : vector<16xi32>
    %sub3A_2273 = arith.constant 1 : i32
    %sub3A_2274 = vector.broadcast %sub3A_2273 : i32 to vector<16xi32>
    %sub3A_2275 = arith.subi %add3A_2272, %sub3A_2274 : vector<16xi32>
    %jit3A_2276 = arith.constant 0 : i32
    %broadcast_in_dim3A_2277 = vector.broadcast %jit3A_2276 : i32 to vector<16xi32>
    %select_n3A_2278 = arith.select %eq3A_2263, %sub3A_2275, %broadcast_in_dim3A_2277 : vector<16xi1>, vector<16xi32>
    %add3A_2279 = arith.addi %add3A_2258, %select_n3A_2278 : vector<16xi32>
    %all_reduce_population_count3A_2280 = tpu.all_reduce %eq3A_2263 {dim = 0 : i64, kind = #tpu.reduction_kind<sum>} : vector<16xi1> -> vector<16xi32>
    %add3A_2281 = arith.addi %add3A_2107, %all_reduce_population_count3A_2280 : vector<16xi32>
    %eq3A_2282 = arith.constant 7 : i32
    %eq3A_2283 = vector.broadcast %eq3A_2282 : i32 to vector<16xi32>
    %eq3A_2284 = arith.cmpi eq, %get3A_2134, %eq3A_2283 : vector<16xi32>
    %jit3A_2285 = arith.constant 1 : i32
    %jit3A_2286 = arith.constant 0 : i32
    %broadcast_in_dim3A_2287 = vector.broadcast %jit3A_2285 : i32 to vector<16xi32>
    %broadcast_in_dim3A_2288 = vector.broadcast %jit3A_2286 : i32 to vector<16xi32>
    %select_n3A_2289 = arith.select %eq3A_2284, %broadcast_in_dim3A_2287, %broadcast_in_dim3A_2288 : vector<16xi1>, vector<16xi32>
    %broadcast_in_dim3A_2290 = arith.constant true
    %broadcast_in_dim3A_2291 = vector.broadcast %broadcast_in_dim3A_2290 : i1 to vector<16xi1>
    %masked_cumsum3A_2292 = tpu.scan <sum>, %select_n3A_2289 masked %broadcast_in_dim3A_2291 : vector<16xi32>, vector<16xi1> -> vector<16xi32>
    %add3A_2293 = arith.addi %add3A_2128, %masked_cumsum3A_2292 : vector<16xi32>
    %sub3A_2294 = arith.constant 1 : i32
    %sub3A_2295 = vector.broadcast %sub3A_2294 : i32 to vector<16xi32>
    %sub3A_2296 = arith.subi %add3A_2293, %sub3A_2295 : vector<16xi32>
    %jit3A_2297 = arith.constant 0 : i32
    %broadcast_in_dim3A_2298 = vector.broadcast %jit3A_2297 : i32 to vector<16xi32>
    %select_n3A_2299 = arith.select %eq3A_2284, %sub3A_2296, %broadcast_in_dim3A_2298 : vector<16xi1>, vector<16xi32>
    %add3A_2300 = arith.addi %add3A_2279, %select_n3A_2299 : vector<16xi32>
    %all_reduce_population_count3A_2301 = tpu.all_reduce %eq3A_2284 {dim = 0 : i64, kind = #tpu.reduction_kind<sum>} : vector<16xi1> -> vector<16xi32>
    %add3A_2302 = arith.addi %add3A_2128, %all_reduce_population_count3A_2301 : vector<16xi32>
    %swap3A_2303 = arith.constant 6 : i32
    %swap3A_2304 = arith.index_cast %swap3A_2303 : i32 to index
    %swap3A_2305 = arith.constant 0 : index
    %swap3A_2306 = tpu.vector_load %arg9[%swap3A_2304, %swap3A_2305] {strides = array<i32>} : memref<8x32xi32, #tpu.memory_space<vmem>>, vector<16xi32>,
    tpu.vector_store %arg9[%swap3A_2304, %swap3A_2305], %add3A_2300 {strides = array<i32>} : memref<8x32xi32, #tpu.memory_space<vmem>>, vector<16xi32>,
    %get3A_2307 = arith.constant 208 : index
    %get3A_2308 = tpu.vector_load %arg7[%get3A_2307] {strides = array<i32>} : memref<256xi32, #tpu.memory_space<vmem>>, vector<16xi32>,
    %eq3A_2309 = arith.constant 0 : i32
    %eq3A_2310 = vector.broadcast %eq3A_2309 : i32 to vector<16xi32>
    %eq3A_2311 = arith.cmpi eq, %get3A_2308, %eq3A_2310 : vector<16xi32>
    %jit3A_2312 = arith.constant 1 : i32
    %jit3A_2313 = arith.constant 0 : i32
    %broadcast_in_dim3A_2314 = vector.broadcast %jit3A_2312 : i32 to vector<16xi32>
    %broadcast_in_dim3A_2315 = vector.broadcast %jit3A_2313 : i32 to vector<16xi32>
    %select_n3A_2316 = arith.select %eq3A_2311, %broadcast_in_dim3A_2314, %broadcast_in_dim3A_2315 : vector<16xi1>, vector<16xi32>
    %broadcast_in_dim3A_2317 = arith.constant true
    %broadcast_in_dim3A_2318 = vector.broadcast %broadcast_in_dim3A_2317 : i1 to vector<16xi1>
    %masked_cumsum3A_2319 = tpu.scan <sum>, %select_n3A_2316 masked %broadcast_in_dim3A_2318 : vector<16xi32>, vector<16xi1> -> vector<16xi32>
    %add3A_2320 = arith.addi %add3A_2155, %masked_cumsum3A_2319 : vector<16xi32>
    %sub3A_2321 = arith.constant 1 : i32
    %sub3A_2322 = vector.broadcast %sub3A_2321 : i32 to vector<16xi32>
    %sub3A_2323 = arith.subi %add3A_2320, %sub3A_2322 : vector<16xi32>
    %jit3A_2324 = arith.constant 0 : i32
    %broadcast_in_dim3A_2325 = vector.broadcast %jit3A_2324 : i32 to vector<16xi32>
    %select_n3A_2326 = arith.select %eq3A_2311, %sub3A_2323, %broadcast_in_dim3A_2325 : vector<16xi1>, vector<16xi32>
    %add3A_2327 = arith.addi %broadcast_in_dim3A_20, %select_n3A_2326 : vector<16xi32>
    %all_reduce_population_count3A_2328 = tpu.all_reduce %eq3A_2311 {dim = 0 : i64, kind = #tpu.reduction_kind<sum>} : vector<16xi1> -> vector<16xi32>
    %add3A_2329 = arith.addi %add3A_2155, %all_reduce_population_count3A_2328 : vector<16xi32>
    %eq3A_2330 = arith.constant 1 : i32
    %eq3A_2331 = vector.broadcast %eq3A_2330 : i32 to vector<16xi32>
    %eq3A_2332 = arith.cmpi eq, %get3A_2308, %eq3A_2331 : vector<16xi32>
    %jit3A_2333 = arith.constant 1 : i32
    %jit3A_2334 = arith.constant 0 : i32
    %broadcast_in_dim3A_2335 = vector.broadcast %jit3A_2333 : i32 to vector<16xi32>
    %broadcast_in_dim3A_2336 = vector.broadcast %jit3A_2334 : i32 to vector<16xi32>
    %select_n3A_2337 = arith.select %eq3A_2332, %broadcast_in_dim3A_2335, %broadcast_in_dim3A_2336 : vector<16xi1>, vector<16xi32>
    %broadcast_in_dim3A_2338 = arith.constant true
    %broadcast_in_dim3A_2339 = vector.broadcast %broadcast_in_dim3A_2338 : i1 to vector<16xi1>
    %masked_cumsum3A_2340 = tpu.scan <sum>, %select_n3A_2337 masked %broadcast_in_dim3A_2339 : vector<16xi32>, vector<16xi1> -> vector<16xi32>
    %add3A_2341 = arith.addi %add3A_2176, %masked_cumsum3A_2340 : vector<16xi32>
    %sub3A_2342 = arith.constant 1 : i32
    %sub3A_2343 = vector.broadcast %sub3A_2342 : i32 to vector<16xi32>
    %sub3A_2344 = arith.subi %add3A_2341, %sub3A_2343 : vector<16xi32>
    %jit3A_2345 = arith.constant 0 : i32
    %broadcast_in_dim3A_2346 = vector.broadcast %jit3A_2345 : i32 to vector<16xi32>
    %select_n3A_2347 = arith.select %eq3A_2332, %sub3A_2344, %broadcast_in_dim3A_2346 : vector<16xi1>, vector<16xi32>
    %add3A_2348 = arith.addi %add3A_2327, %select_n3A_2347 : vector<16xi32>
    %all_reduce_population_count3A_2349 = tpu.all_reduce %eq3A_2332 {dim = 0 : i64, kind = #tpu.reduction_kind<sum>} : vector<16xi1> -> vector<16xi32>
    %add3A_2350 = arith.addi %add3A_2176, %all_reduce_population_count3A_2349 : vector<16xi32>
    %eq3A_2351 = arith.constant 2 : i32
    %eq3A_2352 = vector.broadcast %eq3A_2351 : i32 to vector<16xi32>
    %eq3A_2353 = arith.cmpi eq, %get3A_2308, %eq3A_2352 : vector<16xi32>
    %jit3A_2354 = arith.constant 1 : i32
    %jit3A_2355 = arith.constant 0 : i32
    %broadcast_in_dim3A_2356 = vector.broadcast %jit3A_2354 : i32 to vector<16xi32>
    %broadcast_in_dim3A_2357 = vector.broadcast %jit3A_2355 : i32 to vector<16xi32>
    %select_n3A_2358 = arith.select %eq3A_2353, %broadcast_in_dim3A_2356, %broadcast_in_dim3A_2357 : vector<16xi1>, vector<16xi32>
    %broadcast_in_dim3A_2359 = arith.constant true
    %broadcast_in_dim3A_2360 = vector.broadcast %broadcast_in_dim3A_2359 : i1 to vector<16xi1>
    %masked_cumsum3A_2361 = tpu.scan <sum>, %select_n3A_2358 masked %broadcast_in_dim3A_2360 : vector<16xi32>, vector<16xi1> -> vector<16xi32>
    %add3A_2362 = arith.addi %add3A_2197, %masked_cumsum3A_2361 : vector<16xi32>
    %sub3A_2363 = arith.constant 1 : i32
    %sub3A_2364 = vector.broadcast %sub3A_2363 : i32 to vector<16xi32>
    %sub3A_2365 = arith.subi %add3A_2362, %sub3A_2364 : vector<16xi32>
    %jit3A_2366 = arith.constant 0 : i32
    %broadcast_in_dim3A_2367 = vector.broadcast %jit3A_2366 : i32 to vector<16xi32>
    %select_n3A_2368 = arith.select %eq3A_2353, %sub3A_2365, %broadcast_in_dim3A_2367 : vector<16xi1>, vector<16xi32>
    %add3A_2369 = arith.addi %add3A_2348, %select_n3A_2368 : vector<16xi32>
    %all_reduce_population_count3A_2370 = tpu.all_reduce %eq3A_2353 {dim = 0 : i64, kind = #tpu.reduction_kind<sum>} : vector<16xi1> -> vector<16xi32>
    %add3A_2371 = arith.addi %add3A_2197, %all_reduce_population_count3A_2370 : vector<16xi32>
    %eq3A_2372 = arith.constant 3 : i32
    %eq3A_2373 = vector.broadcast %eq3A_2372 : i32 to vector<16xi32>
    %eq3A_2374 = arith.cmpi eq, %get3A_2308, %eq3A_2373 : vector<16xi32>
    %jit3A_2375 = arith.constant 1 : i32
    %jit3A_2376 = arith.constant 0 : i32
    %broadcast_in_dim3A_2377 = vector.broadcast %jit3A_2375 : i32 to vector<16xi32>
    %broadcast_in_dim3A_2378 = vector.broadcast %jit3A_2376 : i32 to vector<16xi32>
    %select_n3A_2379 = arith.select %eq3A_2374, %broadcast_in_dim3A_2377, %broadcast_in_dim3A_2378 : vector<16xi1>, vector<16xi32>
    %broadcast_in_dim3A_2380 = arith.constant true
    %broadcast_in_dim3A_2381 = vector.broadcast %broadcast_in_dim3A_2380 : i1 to vector<16xi1>
    %masked_cumsum3A_2382 = tpu.scan <sum>, %select_n3A_2379 masked %broadcast_in_dim3A_2381 : vector<16xi32>, vector<16xi1> -> vector<16xi32>
    %add3A_2383 = arith.addi %add3A_2218, %masked_cumsum3A_2382 : vector<16xi32>
    %sub3A_2384 = arith.constant 1 : i32
    %sub3A_2385 = vector.broadcast %sub3A_2384 : i32 to vector<16xi32>
    %sub3A_2386 = arith.subi %add3A_2383, %sub3A_2385 : vector<16xi32>
    %jit3A_2387 = arith.constant 0 : i32
    %broadcast_in_dim3A_2388 = vector.broadcast %jit3A_2387 : i32 to vector<16xi32>
    %select_n3A_2389 = arith.select %eq3A_2374, %sub3A_2386, %broadcast_in_dim3A_2388 : vector<16xi1>, vector<16xi32>
    %add3A_2390 = arith.addi %add3A_2369, %select_n3A_2389 : vector<16xi32>
    %all_reduce_population_count3A_2391 = tpu.all_reduce %eq3A_2374 {dim = 0 : i64, kind = #tpu.reduction_kind<sum>} : vector<16xi1> -> vector<16xi32>
    %add3A_2392 = arith.addi %add3A_2218, %all_reduce_population_count3A_2391 : vector<16xi32>
    %eq3A_2393 = arith.constant 4 : i32
    %eq3A_2394 = vector.broadcast %eq3A_2393 : i32 to vector<16xi32>
    %eq3A_2395 = arith.cmpi eq, %get3A_2308, %eq3A_2394 : vector<16xi32>
    %jit3A_2396 = arith.constant 1 : i32
    %jit3A_2397 = arith.constant 0 : i32
    %broadcast_in_dim3A_2398 = vector.broadcast %jit3A_2396 : i32 to vector<16xi32>
    %broadcast_in_dim3A_2399 = vector.broadcast %jit3A_2397 : i32 to vector<16xi32>
    %select_n3A_2400 = arith.select %eq3A_2395, %broadcast_in_dim3A_2398, %broadcast_in_dim3A_2399 : vector<16xi1>, vector<16xi32>
    %broadcast_in_dim3A_2401 = arith.constant true
    %broadcast_in_dim3A_2402 = vector.broadcast %broadcast_in_dim3A_2401 : i1 to vector<16xi1>
    %masked_cumsum3A_2403 = tpu.scan <sum>, %select_n3A_2400 masked %broadcast_in_dim3A_2402 : vector<16xi32>, vector<16xi1> -> vector<16xi32>
    %add3A_2404 = arith.addi %add3A_2239, %masked_cumsum3A_2403 : vector<16xi32>
    %sub3A_2405 = arith.constant 1 : i32
    %sub3A_2406 = vector.broadcast %sub3A_2405 : i32 to vector<16xi32>
    %sub3A_2407 = arith.subi %add3A_2404, %sub3A_2406 : vector<16xi32>
    %jit3A_2408 = arith.constant 0 : i32
    %broadcast_in_dim3A_2409 = vector.broadcast %jit3A_2408 : i32 to vector<16xi32>
    %select_n3A_2410 = arith.select %eq3A_2395, %sub3A_2407, %broadcast_in_dim3A_2409 : vector<16xi1>, vector<16xi32>
    %add3A_2411 = arith.addi %add3A_2390, %select_n3A_2410 : vector<16xi32>
    %all_reduce_population_count3A_2412 = tpu.all_reduce %eq3A_2395 {dim = 0 : i64, kind = #tpu.reduction_kind<sum>} : vector<16xi1> -> vector<16xi32>
    %add3A_2413 = arith.addi %add3A_2239, %all_reduce_population_count3A_2412 : vector<16xi32>
    %eq3A_2414 = arith.constant 5 : i32
    %eq3A_2415 = vector.broadcast %eq3A_2414 : i32 to vector<16xi32>
    %eq3A_2416 = arith.cmpi eq, %get3A_2308, %eq3A_2415 : vector<16xi32>
    %jit3A_2417 = arith.constant 1 : i32
    %jit3A_2418 = arith.constant 0 : i32
    %broadcast_in_dim3A_2419 = vector.broadcast %jit3A_2417 : i32 to vector<16xi32>
    %broadcast_in_dim3A_2420 = vector.broadcast %jit3A_2418 : i32 to vector<16xi32>
    %select_n3A_2421 = arith.select %eq3A_2416, %broadcast_in_dim3A_2419, %broadcast_in_dim3A_2420 : vector<16xi1>, vector<16xi32>
    %broadcast_in_dim3A_2422 = arith.constant true
    %broadcast_in_dim3A_2423 = vector.broadcast %broadcast_in_dim3A_2422 : i1 to vector<16xi1>
    %masked_cumsum3A_2424 = tpu.scan <sum>, %select_n3A_2421 masked %broadcast_in_dim3A_2423 : vector<16xi32>, vector<16xi1> -> vector<16xi32>
    %add3A_2425 = arith.addi %add3A_2260, %masked_cumsum3A_2424 : vector<16xi32>
    %sub3A_2426 = arith.constant 1 : i32
    %sub3A_2427 = vector.broadcast %sub3A_2426 : i32 to vector<16xi32>
    %sub3A_2428 = arith.subi %add3A_2425, %sub3A_2427 : vector<16xi32>
    %jit3A_2429 = arith.constant 0 : i32
    %broadcast_in_dim3A_2430 = vector.broadcast %jit3A_2429 : i32 to vector<16xi32>
    %select_n3A_2431 = arith.select %eq3A_2416, %sub3A_2428, %broadcast_in_dim3A_2430 : vector<16xi1>, vector<16xi32>
    %add3A_2432 = arith.addi %add3A_2411, %select_n3A_2431 : vector<16xi32>
    %all_reduce_population_count3A_2433 = tpu.all_reduce %eq3A_2416 {dim = 0 : i64, kind = #tpu.reduction_kind<sum>} : vector<16xi1> -> vector<16xi32>
    %add3A_2434 = arith.addi %add3A_2260, %all_reduce_population_count3A_2433 : vector<16xi32>
    %eq3A_2435 = arith.constant 6 : i32
    %eq3A_2436 = vector.broadcast %eq3A_2435 : i32 to vector<16xi32>
    %eq3A_2437 = arith.cmpi eq, %get3A_2308, %eq3A_2436 : vector<16xi32>
    %jit3A_2438 = arith.constant 1 : i32
    %jit3A_2439 = arith.constant 0 : i32
    %broadcast_in_dim3A_2440 = vector.broadcast %jit3A_2438 : i32 to vector<16xi32>
    %broadcast_in_dim3A_2441 = vector.broadcast %jit3A_2439 : i32 to vector<16xi32>
    %select_n3A_2442 = arith.select %eq3A_2437, %broadcast_in_dim3A_2440, %broadcast_in_dim3A_2441 : vector<16xi1>, vector<16xi32>
    %broadcast_in_dim3A_2443 = arith.constant true
    %broadcast_in_dim3A_2444 = vector.broadcast %broadcast_in_dim3A_2443 : i1 to vector<16xi1>
    %masked_cumsum3A_2445 = tpu.scan <sum>, %select_n3A_2442 masked %broadcast_in_dim3A_2444 : vector<16xi32>, vector<16xi1> -> vector<16xi32>
    %add3A_2446 = arith.addi %add3A_2281, %masked_cumsum3A_2445 : vector<16xi32>
    %sub3A_2447 = arith.constant 1 : i32
    %sub3A_2448 = vector.broadcast %sub3A_2447 : i32 to vector<16xi32>
    %sub3A_2449 = arith.subi %add3A_2446, %sub3A_2448 : vector<16xi32>
    %jit3A_2450 = arith.constant 0 : i32
    %broadcast_in_dim3A_2451 = vector.broadcast %jit3A_2450 : i32 to vector<16xi32>
    %select_n3A_2452 = arith.select %eq3A_2437, %sub3A_2449, %broadcast_in_dim3A_2451 : vector<16xi1>, vector<16xi32>
    %add3A_2453 = arith.addi %add3A_2432, %select_n3A_2452 : vector<16xi32>
    %all_reduce_population_count3A_2454 = tpu.all_reduce %eq3A_2437 {dim = 0 : i64, kind = #tpu.reduction_kind<sum>} : vector<16xi1> -> vector<16xi32>
    %add3A_2455 = arith.addi %add3A_2281, %all_reduce_population_count3A_2454 : vector<16xi32>
    %eq3A_2456 = arith.constant 7 : i32
    %eq3A_2457 = vector.broadcast %eq3A_2456 : i32 to vector<16xi32>
    %eq3A_2458 = arith.cmpi eq, %get3A_2308, %eq3A_2457 : vector<16xi32>
    %jit3A_2459 = arith.constant 1 : i32
    %jit3A_2460 = arith.constant 0 : i32
    %broadcast_in_dim3A_2461 = vector.broadcast %jit3A_2459 : i32 to vector<16xi32>
    %broadcast_in_dim3A_2462 = vector.broadcast %jit3A_2460 : i32 to vector<16xi32>
    %select_n3A_2463 = arith.select %eq3A_2458, %broadcast_in_dim3A_2461, %broadcast_in_dim3A_2462 : vector<16xi1>, vector<16xi32>
    %broadcast_in_dim3A_2464 = arith.constant true
    %broadcast_in_dim3A_2465 = vector.broadcast %broadcast_in_dim3A_2464 : i1 to vector<16xi1>
    %masked_cumsum3A_2466 = tpu.scan <sum>, %select_n3A_2463 masked %broadcast_in_dim3A_2465 : vector<16xi32>, vector<16xi1> -> vector<16xi32>
    %add3A_2467 = arith.addi %add3A_2302, %masked_cumsum3A_2466 : vector<16xi32>
    %sub3A_2468 = arith.constant 1 : i32
    %sub3A_2469 = vector.broadcast %sub3A_2468 : i32 to vector<16xi32>
    %sub3A_2470 = arith.subi %add3A_2467, %sub3A_2469 : vector<16xi32>
    %jit3A_2471 = arith.constant 0 : i32
    %broadcast_in_dim3A_2472 = vector.broadcast %jit3A_2471 : i32 to vector<16xi32>
    %select_n3A_2473 = arith.select %eq3A_2458, %sub3A_2470, %broadcast_in_dim3A_2472 : vector<16xi1>, vector<16xi32>
    %add3A_2474 = arith.addi %add3A_2453, %select_n3A_2473 : vector<16xi32>
    %all_reduce_population_count3A_2475 = tpu.all_reduce %eq3A_2458 {dim = 0 : i64, kind = #tpu.reduction_kind<sum>} : vector<16xi1> -> vector<16xi32>
    %add3A_2476 = arith.addi %add3A_2302, %all_reduce_population_count3A_2475 : vector<16xi32>
    %swap3A_2477 = arith.constant 6 : i32
    %swap3A_2478 = arith.index_cast %swap3A_2477 : i32 to index
    %swap3A_2479 = arith.constant 16 : index
    %swap3A_2480 = tpu.vector_load %arg9[%swap3A_2478, %swap3A_2479] {strides = array<i32>} : memref<8x32xi32, #tpu.memory_space<vmem>>, vector<16xi32>,
    tpu.vector_store %arg9[%swap3A_2478, %swap3A_2479], %add3A_2474 {strides = array<i32>} : memref<8x32xi32, #tpu.memory_space<vmem>>, vector<16xi32>,
    %get3A_2481 = arith.constant 224 : index
    %get3A_2482 = tpu.vector_load %arg7[%get3A_2481] {strides = array<i32>} : memref<256xi32, #tpu.memory_space<vmem>>, vector<16xi32>,
    %eq3A_2483 = arith.constant 0 : i32
    %eq3A_2484 = vector.broadcast %eq3A_2483 : i32 to vector<16xi32>
    %eq3A_2485 = arith.cmpi eq, %get3A_2482, %eq3A_2484 : vector<16xi32>
    %jit3A_2486 = arith.constant 1 : i32
    %jit3A_2487 = arith.constant 0 : i32
    %broadcast_in_dim3A_2488 = vector.broadcast %jit3A_2486 : i32 to vector<16xi32>
    %broadcast_in_dim3A_2489 = vector.broadcast %jit3A_2487 : i32 to vector<16xi32>
    %select_n3A_2490 = arith.select %eq3A_2485, %broadcast_in_dim3A_2488, %broadcast_in_dim3A_2489 : vector<16xi1>, vector<16xi32>
    %broadcast_in_dim3A_2491 = arith.constant true
    %broadcast_in_dim3A_2492 = vector.broadcast %broadcast_in_dim3A_2491 : i1 to vector<16xi1>
    %masked_cumsum3A_2493 = tpu.scan <sum>, %select_n3A_2490 masked %broadcast_in_dim3A_2492 : vector<16xi32>, vector<16xi1> -> vector<16xi32>
    %add3A_2494 = arith.addi %add3A_2329, %masked_cumsum3A_2493 : vector<16xi32>
    %sub3A_2495 = arith.constant 1 : i32
    %sub3A_2496 = vector.broadcast %sub3A_2495 : i32 to vector<16xi32>
    %sub3A_2497 = arith.subi %add3A_2494, %sub3A_2496 : vector<16xi32>
    %jit3A_2498 = arith.constant 0 : i32
    %broadcast_in_dim3A_2499 = vector.broadcast %jit3A_2498 : i32 to vector<16xi32>
    %select_n3A_2500 = arith.select %eq3A_2485, %sub3A_2497, %broadcast_in_dim3A_2499 : vector<16xi1>, vector<16xi32>
    %add3A_2501 = arith.addi %broadcast_in_dim3A_20, %select_n3A_2500 : vector<16xi32>
    %all_reduce_population_count3A_2502 = tpu.all_reduce %eq3A_2485 {dim = 0 : i64, kind = #tpu.reduction_kind<sum>} : vector<16xi1> -> vector<16xi32>
    %add3A_2503 = arith.addi %add3A_2329, %all_reduce_population_count3A_2502 : vector<16xi32>
    %eq3A_2504 = arith.constant 1 : i32
    %eq3A_2505 = vector.broadcast %eq3A_2504 : i32 to vector<16xi32>
    %eq3A_2506 = arith.cmpi eq, %get3A_2482, %eq3A_2505 : vector<16xi32>
    %jit3A_2507 = arith.constant 1 : i32
    %jit3A_2508 = arith.constant 0 : i32
    %broadcast_in_dim3A_2509 = vector.broadcast %jit3A_2507 : i32 to vector<16xi32>
    %broadcast_in_dim3A_2510 = vector.broadcast %jit3A_2508 : i32 to vector<16xi32>
    %select_n3A_2511 = arith.select %eq3A_2506, %broadcast_in_dim3A_2509, %broadcast_in_dim3A_2510 : vector<16xi1>, vector<16xi32>
    %broadcast_in_dim3A_2512 = arith.constant true
    %broadcast_in_dim3A_2513 = vector.broadcast %broadcast_in_dim3A_2512 : i1 to vector<16xi1>
    %masked_cumsum3A_2514 = tpu.scan <sum>, %select_n3A_2511 masked %broadcast_in_dim3A_2513 : vector<16xi32>, vector<16xi1> -> vector<16xi32>
    %add3A_2515 = arith.addi %add3A_2350, %masked_cumsum3A_2514 : vector<16xi32>
    %sub3A_2516 = arith.constant 1 : i32
    %sub3A_2517 = vector.broadcast %sub3A_2516 : i32 to vector<16xi32>
    %sub3A_2518 = arith.subi %add3A_2515, %sub3A_2517 : vector<16xi32>
    %jit3A_2519 = arith.constant 0 : i32
    %broadcast_in_dim3A_2520 = vector.broadcast %jit3A_2519 : i32 to vector<16xi32>
    %select_n3A_2521 = arith.select %eq3A_2506, %sub3A_2518, %broadcast_in_dim3A_2520 : vector<16xi1>, vector<16xi32>
    %add3A_2522 = arith.addi %add3A_2501, %select_n3A_2521 : vector<16xi32>
    %all_reduce_population_count3A_2523 = tpu.all_reduce %eq3A_2506 {dim = 0 : i64, kind = #tpu.reduction_kind<sum>} : vector<16xi1> -> vector<16xi32>
    %add3A_2524 = arith.addi %add3A_2350, %all_reduce_population_count3A_2523 : vector<16xi32>
    %eq3A_2525 = arith.constant 2 : i32
    %eq3A_2526 = vector.broadcast %eq3A_2525 : i32 to vector<16xi32>
    %eq3A_2527 = arith.cmpi eq, %get3A_2482, %eq3A_2526 : vector<16xi32>
    %jit3A_2528 = arith.constant 1 : i32
    %jit3A_2529 = arith.constant 0 : i32
    %broadcast_in_dim3A_2530 = vector.broadcast %jit3A_2528 : i32 to vector<16xi32>
    %broadcast_in_dim3A_2531 = vector.broadcast %jit3A_2529 : i32 to vector<16xi32>
    %select_n3A_2532 = arith.select %eq3A_2527, %broadcast_in_dim3A_2530, %broadcast_in_dim3A_2531 : vector<16xi1>, vector<16xi32>
    %broadcast_in_dim3A_2533 = arith.constant true
    %broadcast_in_dim3A_2534 = vector.broadcast %broadcast_in_dim3A_2533 : i1 to vector<16xi1>
    %masked_cumsum3A_2535 = tpu.scan <sum>, %select_n3A_2532 masked %broadcast_in_dim3A_2534 : vector<16xi32>, vector<16xi1> -> vector<16xi32>
    %add3A_2536 = arith.addi %add3A_2371, %masked_cumsum3A_2535 : vector<16xi32>
    %sub3A_2537 = arith.constant 1 : i32
    %sub3A_2538 = vector.broadcast %sub3A_2537 : i32 to vector<16xi32>
    %sub3A_2539 = arith.subi %add3A_2536, %sub3A_2538 : vector<16xi32>
    %jit3A_2540 = arith.constant 0 : i32
    %broadcast_in_dim3A_2541 = vector.broadcast %jit3A_2540 : i32 to vector<16xi32>
    %select_n3A_2542 = arith.select %eq3A_2527, %sub3A_2539, %broadcast_in_dim3A_2541 : vector<16xi1>, vector<16xi32>
    %add3A_2543 = arith.addi %add3A_2522, %select_n3A_2542 : vector<16xi32>
    %all_reduce_population_count3A_2544 = tpu.all_reduce %eq3A_2527 {dim = 0 : i64, kind = #tpu.reduction_kind<sum>} : vector<16xi1> -> vector<16xi32>
    %add3A_2545 = arith.addi %add3A_2371, %all_reduce_population_count3A_2544 : vector<16xi32>
    %eq3A_2546 = arith.constant 3 : i32
    %eq3A_2547 = vector.broadcast %eq3A_2546 : i32 to vector<16xi32>
    %eq3A_2548 = arith.cmpi eq, %get3A_2482, %eq3A_2547 : vector<16xi32>
    %jit3A_2549 = arith.constant 1 : i32
    %jit3A_2550 = arith.constant 0 : i32
    %broadcast_in_dim3A_2551 = vector.broadcast %jit3A_2549 : i32 to vector<16xi32>
    %broadcast_in_dim3A_2552 = vector.broadcast %jit3A_2550 : i32 to vector<16xi32>
    %select_n3A_2553 = arith.select %eq3A_2548, %broadcast_in_dim3A_2551, %broadcast_in_dim3A_2552 : vector<16xi1>, vector<16xi32>
    %broadcast_in_dim3A_2554 = arith.constant true
    %broadcast_in_dim3A_2555 = vector.broadcast %broadcast_in_dim3A_2554 : i1 to vector<16xi1>
    %masked_cumsum3A_2556 = tpu.scan <sum>, %select_n3A_2553 masked %broadcast_in_dim3A_2555 : vector<16xi32>, vector<16xi1> -> vector<16xi32>
    %add3A_2557 = arith.addi %add3A_2392, %masked_cumsum3A_2556 : vector<16xi32>
    %sub3A_2558 = arith.constant 1 : i32
    %sub3A_2559 = vector.broadcast %sub3A_2558 : i32 to vector<16xi32>
    %sub3A_2560 = arith.subi %add3A_2557, %sub3A_2559 : vector<16xi32>
    %jit3A_2561 = arith.constant 0 : i32
    %broadcast_in_dim3A_2562 = vector.broadcast %jit3A_2561 : i32 to vector<16xi32>
    %select_n3A_2563 = arith.select %eq3A_2548, %sub3A_2560, %broadcast_in_dim3A_2562 : vector<16xi1>, vector<16xi32>
    %add3A_2564 = arith.addi %add3A_2543, %select_n3A_2563 : vector<16xi32>
    %all_reduce_population_count3A_2565 = tpu.all_reduce %eq3A_2548 {dim = 0 : i64, kind = #tpu.reduction_kind<sum>} : vector<16xi1> -> vector<16xi32>
    %add3A_2566 = arith.addi %add3A_2392, %all_reduce_population_count3A_2565 : vector<16xi32>
    %eq3A_2567 = arith.constant 4 : i32
    %eq3A_2568 = vector.broadcast %eq3A_2567 : i32 to vector<16xi32>
    %eq3A_2569 = arith.cmpi eq, %get3A_2482, %eq3A_2568 : vector<16xi32>
    %jit3A_2570 = arith.constant 1 : i32
    %jit3A_2571 = arith.constant 0 : i32
    %broadcast_in_dim3A_2572 = vector.broadcast %jit3A_2570 : i32 to vector<16xi32>
    %broadcast_in_dim3A_2573 = vector.broadcast %jit3A_2571 : i32 to vector<16xi32>
    %select_n3A_2574 = arith.select %eq3A_2569, %broadcast_in_dim3A_2572, %broadcast_in_dim3A_2573 : vector<16xi1>, vector<16xi32>
    %broadcast_in_dim3A_2575 = arith.constant true
    %broadcast_in_dim3A_2576 = vector.broadcast %broadcast_in_dim3A_2575 : i1 to vector<16xi1>
    %masked_cumsum3A_2577 = tpu.scan <sum>, %select_n3A_2574 masked %broadcast_in_dim3A_2576 : vector<16xi32>, vector<16xi1> -> vector<16xi32>
    %add3A_2578 = arith.addi %add3A_2413, %masked_cumsum3A_2577 : vector<16xi32>
    %sub3A_2579 = arith.constant 1 : i32
    %sub3A_2580 = vector.broadcast %sub3A_2579 : i32 to vector<16xi32>
    %sub3A_2581 = arith.subi %add3A_2578, %sub3A_2580 : vector<16xi32>
    %jit3A_2582 = arith.constant 0 : i32
    %broadcast_in_dim3A_2583 = vector.broadcast %jit3A_2582 : i32 to vector<16xi32>
    %select_n3A_2584 = arith.select %eq3A_2569, %sub3A_2581, %broadcast_in_dim3A_2583 : vector<16xi1>, vector<16xi32>
    %add3A_2585 = arith.addi %add3A_2564, %select_n3A_2584 : vector<16xi32>
    %all_reduce_population_count3A_2586 = tpu.all_reduce %eq3A_2569 {dim = 0 : i64, kind = #tpu.reduction_kind<sum>} : vector<16xi1> -> vector<16xi32>
    %add3A_2587 = arith.addi %add3A_2413, %all_reduce_population_count3A_2586 : vector<16xi32>
    %eq3A_2588 = arith.constant 5 : i32
    %eq3A_2589 = vector.broadcast %eq3A_2588 : i32 to vector<16xi32>
    %eq3A_2590 = arith.cmpi eq, %get3A_2482, %eq3A_2589 : vector<16xi32>
    %jit3A_2591 = arith.constant 1 : i32
    %jit3A_2592 = arith.constant 0 : i32
    %broadcast_in_dim3A_2593 = vector.broadcast %jit3A_2591 : i32 to vector<16xi32>
    %broadcast_in_dim3A_2594 = vector.broadcast %jit3A_2592 : i32 to vector<16xi32>
    %select_n3A_2595 = arith.select %eq3A_2590, %broadcast_in_dim3A_2593, %broadcast_in_dim3A_2594 : vector<16xi1>, vector<16xi32>
    %broadcast_in_dim3A_2596 = arith.constant true
    %broadcast_in_dim3A_2597 = vector.broadcast %broadcast_in_dim3A_2596 : i1 to vector<16xi1>
    %masked_cumsum3A_2598 = tpu.scan <sum>, %select_n3A_2595 masked %broadcast_in_dim3A_2597 : vector<16xi32>, vector<16xi1> -> vector<16xi32>
    %add3A_2599 = arith.addi %add3A_2434, %masked_cumsum3A_2598 : vector<16xi32>
    %sub3A_2600 = arith.constant 1 : i32
    %sub3A_2601 = vector.broadcast %sub3A_2600 : i32 to vector<16xi32>
    %sub3A_2602 = arith.subi %add3A_2599, %sub3A_2601 : vector<16xi32>
    %jit3A_2603 = arith.constant 0 : i32
    %broadcast_in_dim3A_2604 = vector.broadcast %jit3A_2603 : i32 to vector<16xi32>
    %select_n3A_2605 = arith.select %eq3A_2590, %sub3A_2602, %broadcast_in_dim3A_2604 : vector<16xi1>, vector<16xi32>
    %add3A_2606 = arith.addi %add3A_2585, %select_n3A_2605 : vector<16xi32>
    %all_reduce_population_count3A_2607 = tpu.all_reduce %eq3A_2590 {dim = 0 : i64, kind = #tpu.reduction_kind<sum>} : vector<16xi1> -> vector<16xi32>
    %add3A_2608 = arith.addi %add3A_2434, %all_reduce_population_count3A_2607 : vector<16xi32>
    %eq3A_2609 = arith.constant 6 : i32
    %eq3A_2610 = vector.broadcast %eq3A_2609 : i32 to vector<16xi32>
    %eq3A_2611 = arith.cmpi eq, %get3A_2482, %eq3A_2610 : vector<16xi32>
    %jit3A_2612 = arith.constant 1 : i32
    %jit3A_2613 = arith.constant 0 : i32
    %broadcast_in_dim3A_2614 = vector.broadcast %jit3A_2612 : i32 to vector<16xi32>
    %broadcast_in_dim3A_2615 = vector.broadcast %jit3A_2613 : i32 to vector<16xi32>
    %select_n3A_2616 = arith.select %eq3A_2611, %broadcast_in_dim3A_2614, %broadcast_in_dim3A_2615 : vector<16xi1>, vector<16xi32>
    %broadcast_in_dim3A_2617 = arith.constant true
    %broadcast_in_dim3A_2618 = vector.broadcast %broadcast_in_dim3A_2617 : i1 to vector<16xi1>
    %masked_cumsum3A_2619 = tpu.scan <sum>, %select_n3A_2616 masked %broadcast_in_dim3A_2618 : vector<16xi32>, vector<16xi1> -> vector<16xi32>
    %add3A_2620 = arith.addi %add3A_2455, %masked_cumsum3A_2619 : vector<16xi32>
    %sub3A_2621 = arith.constant 1 : i32
    %sub3A_2622 = vector.broadcast %sub3A_2621 : i32 to vector<16xi32>
    %sub3A_2623 = arith.subi %add3A_2620, %sub3A_2622 : vector<16xi32>
    %jit3A_2624 = arith.constant 0 : i32
    %broadcast_in_dim3A_2625 = vector.broadcast %jit3A_2624 : i32 to vector<16xi32>
    %select_n3A_2626 = arith.select %eq3A_2611, %sub3A_2623, %broadcast_in_dim3A_2625 : vector<16xi1>, vector<16xi32>
    %add3A_2627 = arith.addi %add3A_2606, %select_n3A_2626 : vector<16xi32>
    %all_reduce_population_count3A_2628 = tpu.all_reduce %eq3A_2611 {dim = 0 : i64, kind = #tpu.reduction_kind<sum>} : vector<16xi1> -> vector<16xi32>
    %add3A_2629 = arith.addi %add3A_2455, %all_reduce_population_count3A_2628 : vector<16xi32>
    %eq3A_2630 = arith.constant 7 : i32
    %eq3A_2631 = vector.broadcast %eq3A_2630 : i32 to vector<16xi32>
    %eq3A_2632 = arith.cmpi eq, %get3A_2482, %eq3A_2631 : vector<16xi32>
    %jit3A_2633 = arith.constant 1 : i32
    %jit3A_2634 = arith.constant 0 : i32
    %broadcast_in_dim3A_2635 = vector.broadcast %jit3A_2633 : i32 to vector<16xi32>
    %broadcast_in_dim3A_2636 = vector.broadcast %jit3A_2634 : i32 to vector<16xi32>
    %select_n3A_2637 = arith.select %eq3A_2632, %broadcast_in_dim3A_2635, %broadcast_in_dim3A_2636 : vector<16xi1>, vector<16xi32>
    %broadcast_in_dim3A_2638 = arith.constant true
    %broadcast_in_dim3A_2639 = vector.broadcast %broadcast_in_dim3A_2638 : i1 to vector<16xi1>
    %masked_cumsum3A_2640 = tpu.scan <sum>, %select_n3A_2637 masked %broadcast_in_dim3A_2639 : vector<16xi32>, vector<16xi1> -> vector<16xi32>
    %add3A_2641 = arith.addi %add3A_2476, %masked_cumsum3A_2640 : vector<16xi32>
    %sub3A_2642 = arith.constant 1 : i32
    %sub3A_2643 = vector.broadcast %sub3A_2642 : i32 to vector<16xi32>
    %sub3A_2644 = arith.subi %add3A_2641, %sub3A_2643 : vector<16xi32>
    %jit3A_2645 = arith.constant 0 : i32
    %broadcast_in_dim3A_2646 = vector.broadcast %jit3A_2645 : i32 to vector<16xi32>
    %select_n3A_2647 = arith.select %eq3A_2632, %sub3A_2644, %broadcast_in_dim3A_2646 : vector<16xi1>, vector<16xi32>
    %add3A_2648 = arith.addi %add3A_2627, %select_n3A_2647 : vector<16xi32>
    %all_reduce_population_count3A_2649 = tpu.all_reduce %eq3A_2632 {dim = 0 : i64, kind = #tpu.reduction_kind<sum>} : vector<16xi1> -> vector<16xi32>
    %add3A_2650 = arith.addi %add3A_2476, %all_reduce_population_count3A_2649 : vector<16xi32>
    %swap3A_2651 = arith.constant 7 : i32
    %swap3A_2652 = arith.index_cast %swap3A_2651 : i32 to index
    %swap3A_2653 = arith.constant 0 : index
    %swap3A_2654 = tpu.vector_load %arg9[%swap3A_2652, %swap3A_2653] {strides = array<i32>} : memref<8x32xi32, #tpu.memory_space<vmem>>, vector<16xi32>,
    tpu.vector_store %arg9[%swap3A_2652, %swap3A_2653], %add3A_2648 {strides = array<i32>} : memref<8x32xi32, #tpu.memory_space<vmem>>, vector<16xi32>,
    %get3A_2655 = arith.constant 240 : index
    %get3A_2656 = tpu.vector_load %arg7[%get3A_2655] {strides = array<i32>} : memref<256xi32, #tpu.memory_space<vmem>>, vector<16xi32>,
    %eq3A_2657 = arith.constant 0 : i32
    %eq3A_2658 = vector.broadcast %eq3A_2657 : i32 to vector<16xi32>
    %eq3A_2659 = arith.cmpi eq, %get3A_2656, %eq3A_2658 : vector<16xi32>
    %jit3A_2660 = arith.constant 1 : i32
    %jit3A_2661 = arith.constant 0 : i32
    %broadcast_in_dim3A_2662 = vector.broadcast %jit3A_2660 : i32 to vector<16xi32>
    %broadcast_in_dim3A_2663 = vector.broadcast %jit3A_2661 : i32 to vector<16xi32>
    %select_n3A_2664 = arith.select %eq3A_2659, %broadcast_in_dim3A_2662, %broadcast_in_dim3A_2663 : vector<16xi1>, vector<16xi32>
    %broadcast_in_dim3A_2665 = arith.constant true
    %broadcast_in_dim3A_2666 = vector.broadcast %broadcast_in_dim3A_2665 : i1 to vector<16xi1>
    %masked_cumsum3A_2667 = tpu.scan <sum>, %select_n3A_2664 masked %broadcast_in_dim3A_2666 : vector<16xi32>, vector<16xi1> -> vector<16xi32>
    %add3A_2668 = arith.addi %add3A_2503, %masked_cumsum3A_2667 : vector<16xi32>
    %sub3A_2669 = arith.constant 1 : i32
    %sub3A_2670 = vector.broadcast %sub3A_2669 : i32 to vector<16xi32>
    %sub3A_2671 = arith.subi %add3A_2668, %sub3A_2670 : vector<16xi32>
    %jit3A_2672 = arith.constant 0 : i32
    %broadcast_in_dim3A_2673 = vector.broadcast %jit3A_2672 : i32 to vector<16xi32>
    %select_n3A_2674 = arith.select %eq3A_2659, %sub3A_2671, %broadcast_in_dim3A_2673 : vector<16xi1>, vector<16xi32>
    %add3A_2675 = arith.addi %broadcast_in_dim3A_20, %select_n3A_2674 : vector<16xi32>
    %all_reduce_population_count3A_2676 = tpu.all_reduce %eq3A_2659 {dim = 0 : i64, kind = #tpu.reduction_kind<sum>} : vector<16xi1> -> vector<16xi32>
    %add3A_2677 = arith.addi %add3A_2503, %all_reduce_population_count3A_2676 : vector<16xi32>
    %eq3A_2678 = arith.constant 1 : i32
    %eq3A_2679 = vector.broadcast %eq3A_2678 : i32 to vector<16xi32>
    %eq3A_2680 = arith.cmpi eq, %get3A_2656, %eq3A_2679 : vector<16xi32>
    %jit3A_2681 = arith.constant 1 : i32
    %jit3A_2682 = arith.constant 0 : i32
    %broadcast_in_dim3A_2683 = vector.broadcast %jit3A_2681 : i32 to vector<16xi32>
    %broadcast_in_dim3A_2684 = vector.broadcast %jit3A_2682 : i32 to vector<16xi32>
    %select_n3A_2685 = arith.select %eq3A_2680, %broadcast_in_dim3A_2683, %broadcast_in_dim3A_2684 : vector<16xi1>, vector<16xi32>
    %broadcast_in_dim3A_2686 = arith.constant true
    %broadcast_in_dim3A_2687 = vector.broadcast %broadcast_in_dim3A_2686 : i1 to vector<16xi1>
    %masked_cumsum3A_2688 = tpu.scan <sum>, %select_n3A_2685 masked %broadcast_in_dim3A_2687 : vector<16xi32>, vector<16xi1> -> vector<16xi32>
    %add3A_2689 = arith.addi %add3A_2524, %masked_cumsum3A_2688 : vector<16xi32>
    %sub3A_2690 = arith.constant 1 : i32
    %sub3A_2691 = vector.broadcast %sub3A_2690 : i32 to vector<16xi32>
    %sub3A_2692 = arith.subi %add3A_2689, %sub3A_2691 : vector<16xi32>
    %jit3A_2693 = arith.constant 0 : i32
    %broadcast_in_dim3A_2694 = vector.broadcast %jit3A_2693 : i32 to vector<16xi32>
    %select_n3A_2695 = arith.select %eq3A_2680, %sub3A_2692, %broadcast_in_dim3A_2694 : vector<16xi1>, vector<16xi32>
    %add3A_2696 = arith.addi %add3A_2675, %select_n3A_2695 : vector<16xi32>
    %all_reduce_population_count3A_2697 = tpu.all_reduce %eq3A_2680 {dim = 0 : i64, kind = #tpu.reduction_kind<sum>} : vector<16xi1> -> vector<16xi32>
    %add3A_2698 = arith.addi %add3A_2524, %all_reduce_population_count3A_2697 : vector<16xi32>
    %eq3A_2699 = arith.constant 2 : i32
    %eq3A_2700 = vector.broadcast %eq3A_2699 : i32 to vector<16xi32>
    %eq3A_2701 = arith.cmpi eq, %get3A_2656, %eq3A_2700 : vector<16xi32>
    %jit3A_2702 = arith.constant 1 : i32
    %jit3A_2703 = arith.constant 0 : i32
    %broadcast_in_dim3A_2704 = vector.broadcast %jit3A_2702 : i32 to vector<16xi32>
    %broadcast_in_dim3A_2705 = vector.broadcast %jit3A_2703 : i32 to vector<16xi32>
    %select_n3A_2706 = arith.select %eq3A_2701, %broadcast_in_dim3A_2704, %broadcast_in_dim3A_2705 : vector<16xi1>, vector<16xi32>
    %broadcast_in_dim3A_2707 = arith.constant true
    %broadcast_in_dim3A_2708 = vector.broadcast %broadcast_in_dim3A_2707 : i1 to vector<16xi1>
    %masked_cumsum3A_2709 = tpu.scan <sum>, %select_n3A_2706 masked %broadcast_in_dim3A_2708 : vector<16xi32>, vector<16xi1> -> vector<16xi32>
    %add3A_2710 = arith.addi %add3A_2545, %masked_cumsum3A_2709 : vector<16xi32>
    %sub3A_2711 = arith.constant 1 : i32
    %sub3A_2712 = vector.broadcast %sub3A_2711 : i32 to vector<16xi32>
    %sub3A_2713 = arith.subi %add3A_2710, %sub3A_2712 : vector<16xi32>
    %jit3A_2714 = arith.constant 0 : i32
    %broadcast_in_dim3A_2715 = vector.broadcast %jit3A_2714 : i32 to vector<16xi32>
    %select_n3A_2716 = arith.select %eq3A_2701, %sub3A_2713, %broadcast_in_dim3A_2715 : vector<16xi1>, vector<16xi32>
    %add3A_2717 = arith.addi %add3A_2696, %select_n3A_2716 : vector<16xi32>
    %all_reduce_population_count3A_2718 = tpu.all_reduce %eq3A_2701 {dim = 0 : i64, kind = #tpu.reduction_kind<sum>} : vector<16xi1> -> vector<16xi32>
    %add3A_2719 = arith.addi %add3A_2545, %all_reduce_population_count3A_2718 : vector<16xi32>
    %eq3A_2720 = arith.constant 3 : i32
    %eq3A_2721 = vector.broadcast %eq3A_2720 : i32 to vector<16xi32>
    %eq3A_2722 = arith.cmpi eq, %get3A_2656, %eq3A_2721 : vector<16xi32>
    %jit3A_2723 = arith.constant 1 : i32
    %jit3A_2724 = arith.constant 0 : i32
    %broadcast_in_dim3A_2725 = vector.broadcast %jit3A_2723 : i32 to vector<16xi32>
    %broadcast_in_dim3A_2726 = vector.broadcast %jit3A_2724 : i32 to vector<16xi32>
    %select_n3A_2727 = arith.select %eq3A_2722, %broadcast_in_dim3A_2725, %broadcast_in_dim3A_2726 : vector<16xi1>, vector<16xi32>
    %broadcast_in_dim3A_2728 = arith.constant true
    %broadcast_in_dim3A_2729 = vector.broadcast %broadcast_in_dim3A_2728 : i1 to vector<16xi1>
    %masked_cumsum3A_2730 = tpu.scan <sum>, %select_n3A_2727 masked %broadcast_in_dim3A_2729 : vector<16xi32>, vector<16xi1> -> vector<16xi32>
    %add3A_2731 = arith.addi %add3A_2566, %masked_cumsum3A_2730 : vector<16xi32>
    %sub3A_2732 = arith.constant 1 : i32
    %sub3A_2733 = vector.broadcast %sub3A_2732 : i32 to vector<16xi32>
    %sub3A_2734 = arith.subi %add3A_2731, %sub3A_2733 : vector<16xi32>
    %jit3A_2735 = arith.constant 0 : i32
    %broadcast_in_dim3A_2736 = vector.broadcast %jit3A_2735 : i32 to vector<16xi32>
    %select_n3A_2737 = arith.select %eq3A_2722, %sub3A_2734, %broadcast_in_dim3A_2736 : vector<16xi1>, vector<16xi32>
    %add3A_2738 = arith.addi %add3A_2717, %select_n3A_2737 : vector<16xi32>
    %all_reduce_population_count3A_2739 = tpu.all_reduce %eq3A_2722 {dim = 0 : i64, kind = #tpu.reduction_kind<sum>} : vector<16xi1> -> vector<16xi32>
    %add3A_2740 = arith.addi %add3A_2566, %all_reduce_population_count3A_2739 : vector<16xi32>
    %eq3A_2741 = arith.constant 4 : i32
    %eq3A_2742 = vector.broadcast %eq3A_2741 : i32 to vector<16xi32>
    %eq3A_2743 = arith.cmpi eq, %get3A_2656, %eq3A_2742 : vector<16xi32>
    %jit3A_2744 = arith.constant 1 : i32
    %jit3A_2745 = arith.constant 0 : i32
    %broadcast_in_dim3A_2746 = vector.broadcast %jit3A_2744 : i32 to vector<16xi32>
    %broadcast_in_dim3A_2747 = vector.broadcast %jit3A_2745 : i32 to vector<16xi32>
    %select_n3A_2748 = arith.select %eq3A_2743, %broadcast_in_dim3A_2746, %broadcast_in_dim3A_2747 : vector<16xi1>, vector<16xi32>
    %broadcast_in_dim3A_2749 = arith.constant true
    %broadcast_in_dim3A_2750 = vector.broadcast %broadcast_in_dim3A_2749 : i1 to vector<16xi1>
    %masked_cumsum3A_2751 = tpu.scan <sum>, %select_n3A_2748 masked %broadcast_in_dim3A_2750 : vector<16xi32>, vector<16xi1> -> vector<16xi32>
    %add3A_2752 = arith.addi %add3A_2587, %masked_cumsum3A_2751 : vector<16xi32>
    %sub3A_2753 = arith.constant 1 : i32
    %sub3A_2754 = vector.broadcast %sub3A_2753 : i32 to vector<16xi32>
    %sub3A_2755 = arith.subi %add3A_2752, %sub3A_2754 : vector<16xi32>
    %jit3A_2756 = arith.constant 0 : i32
    %broadcast_in_dim3A_2757 = vector.broadcast %jit3A_2756 : i32 to vector<16xi32>
    %select_n3A_2758 = arith.select %eq3A_2743, %sub3A_2755, %broadcast_in_dim3A_2757 : vector<16xi1>, vector<16xi32>
    %add3A_2759 = arith.addi %add3A_2738, %select_n3A_2758 : vector<16xi32>
    %all_reduce_population_count3A_2760 = tpu.all_reduce %eq3A_2743 {dim = 0 : i64, kind = #tpu.reduction_kind<sum>} : vector<16xi1> -> vector<16xi32>
    %add3A_2761 = arith.addi %add3A_2587, %all_reduce_population_count3A_2760 : vector<16xi32>
    %eq3A_2762 = arith.constant 5 : i32
    %eq3A_2763 = vector.broadcast %eq3A_2762 : i32 to vector<16xi32>
    %eq3A_2764 = arith.cmpi eq, %get3A_2656, %eq3A_2763 : vector<16xi32>
    %jit3A_2765 = arith.constant 1 : i32
    %jit3A_2766 = arith.constant 0 : i32
    %broadcast_in_dim3A_2767 = vector.broadcast %jit3A_2765 : i32 to vector<16xi32>
    %broadcast_in_dim3A_2768 = vector.broadcast %jit3A_2766 : i32 to vector<16xi32>
    %select_n3A_2769 = arith.select %eq3A_2764, %broadcast_in_dim3A_2767, %broadcast_in_dim3A_2768 : vector<16xi1>, vector<16xi32>
    %broadcast_in_dim3A_2770 = arith.constant true
    %broadcast_in_dim3A_2771 = vector.broadcast %broadcast_in_dim3A_2770 : i1 to vector<16xi1>
    %masked_cumsum3A_2772 = tpu.scan <sum>, %select_n3A_2769 masked %broadcast_in_dim3A_2771 : vector<16xi32>, vector<16xi1> -> vector<16xi32>
    %add3A_2773 = arith.addi %add3A_2608, %masked_cumsum3A_2772 : vector<16xi32>
    %sub3A_2774 = arith.constant 1 : i32
    %sub3A_2775 = vector.broadcast %sub3A_2774 : i32 to vector<16xi32>
    %sub3A_2776 = arith.subi %add3A_2773, %sub3A_2775 : vector<16xi32>
    %jit3A_2777 = arith.constant 0 : i32
    %broadcast_in_dim3A_2778 = vector.broadcast %jit3A_2777 : i32 to vector<16xi32>
    %select_n3A_2779 = arith.select %eq3A_2764, %sub3A_2776, %broadcast_in_dim3A_2778 : vector<16xi1>, vector<16xi32>
    %add3A_2780 = arith.addi %add3A_2759, %select_n3A_2779 : vector<16xi32>
    %all_reduce_population_count3A_2781 = tpu.all_reduce %eq3A_2764 {dim = 0 : i64, kind = #tpu.reduction_kind<sum>} : vector<16xi1> -> vector<16xi32>
    %add3A_2782 = arith.addi %add3A_2608, %all_reduce_population_count3A_2781 : vector<16xi32>
    %eq3A_2783 = arith.constant 6 : i32
    %eq3A_2784 = vector.broadcast %eq3A_2783 : i32 to vector<16xi32>
    %eq3A_2785 = arith.cmpi eq, %get3A_2656, %eq3A_2784 : vector<16xi32>
    %jit3A_2786 = arith.constant 1 : i32
    %jit3A_2787 = arith.constant 0 : i32
    %broadcast_in_dim3A_2788 = vector.broadcast %jit3A_2786 : i32 to vector<16xi32>
    %broadcast_in_dim3A_2789 = vector.broadcast %jit3A_2787 : i32 to vector<16xi32>
    %select_n3A_2790 = arith.select %eq3A_2785, %broadcast_in_dim3A_2788, %broadcast_in_dim3A_2789 : vector<16xi1>, vector<16xi32>
    %broadcast_in_dim3A_2791 = arith.constant true
    %broadcast_in_dim3A_2792 = vector.broadcast %broadcast_in_dim3A_2791 : i1 to vector<16xi1>
    %masked_cumsum3A_2793 = tpu.scan <sum>, %select_n3A_2790 masked %broadcast_in_dim3A_2792 : vector<16xi32>, vector<16xi1> -> vector<16xi32>
    %add3A_2794 = arith.addi %add3A_2629, %masked_cumsum3A_2793 : vector<16xi32>
    %sub3A_2795 = arith.constant 1 : i32
    %sub3A_2796 = vector.broadcast %sub3A_2795 : i32 to vector<16xi32>
    %sub3A_2797 = arith.subi %add3A_2794, %sub3A_2796 : vector<16xi32>
    %jit3A_2798 = arith.constant 0 : i32
    %broadcast_in_dim3A_2799 = vector.broadcast %jit3A_2798 : i32 to vector<16xi32>
    %select_n3A_2800 = arith.select %eq3A_2785, %sub3A_2797, %broadcast_in_dim3A_2799 : vector<16xi1>, vector<16xi32>
    %add3A_2801 = arith.addi %add3A_2780, %select_n3A_2800 : vector<16xi32>
    %all_reduce_population_count3A_2802 = tpu.all_reduce %eq3A_2785 {dim = 0 : i64, kind = #tpu.reduction_kind<sum>} : vector<16xi1> -> vector<16xi32>
    %add3A_2803 = arith.addi %add3A_2629, %all_reduce_population_count3A_2802 : vector<16xi32>
    %eq3A_2804 = arith.constant 7 : i32
    %eq3A_2805 = vector.broadcast %eq3A_2804 : i32 to vector<16xi32>
    %eq3A_2806 = arith.cmpi eq, %get3A_2656, %eq3A_2805 : vector<16xi32>
    %jit3A_2807 = arith.constant 1 : i32
    %jit3A_2808 = arith.constant 0 : i32
    %broadcast_in_dim3A_2809 = vector.broadcast %jit3A_2807 : i32 to vector<16xi32>
    %broadcast_in_dim3A_2810 = vector.broadcast %jit3A_2808 : i32 to vector<16xi32>
    %select_n3A_2811 = arith.select %eq3A_2806, %broadcast_in_dim3A_2809, %broadcast_in_dim3A_2810 : vector<16xi1>, vector<16xi32>
    %broadcast_in_dim3A_2812 = arith.constant true
    %broadcast_in_dim3A_2813 = vector.broadcast %broadcast_in_dim3A_2812 : i1 to vector<16xi1>
    %masked_cumsum3A_2814 = tpu.scan <sum>, %select_n3A_2811 masked %broadcast_in_dim3A_2813 : vector<16xi32>, vector<16xi1> -> vector<16xi32>
    %add3A_2815 = arith.addi %add3A_2650, %masked_cumsum3A_2814 : vector<16xi32>
    %sub3A_2816 = arith.constant 1 : i32
    %sub3A_2817 = vector.broadcast %sub3A_2816 : i32 to vector<16xi32>
    %sub3A_2818 = arith.subi %add3A_2815, %sub3A_2817 : vector<16xi32>
    %jit3A_2819 = arith.constant 0 : i32
    %broadcast_in_dim3A_2820 = vector.broadcast %jit3A_2819 : i32 to vector<16xi32>
    %select_n3A_2821 = arith.select %eq3A_2806, %sub3A_2818, %broadcast_in_dim3A_2820 : vector<16xi1>, vector<16xi32>
    %add3A_2822 = arith.addi %add3A_2801, %select_n3A_2821 : vector<16xi32>
    %all_reduce_population_count3A_2823 = tpu.all_reduce %eq3A_2806 {dim = 0 : i64, kind = #tpu.reduction_kind<sum>} : vector<16xi1> -> vector<16xi32>
    %add3A_2824 = arith.addi %add3A_2650, %all_reduce_population_count3A_2823 : vector<16xi32>
    %swap3A_2825 = arith.constant 7 : i32
    %swap3A_2826 = arith.index_cast %swap3A_2825 : i32 to index
    %swap3A_2827 = arith.constant 16 : index
    %swap3A_2828 = tpu.vector_load %arg9[%swap3A_2826, %swap3A_2827] {strides = array<i32>} : memref<8x32xi32, #tpu.memory_space<vmem>>, vector<16xi32>,
    tpu.vector_store %arg9[%swap3A_2826, %swap3A_2827], %add3A_2822 {strides = array<i32>} : memref<8x32xi32, #tpu.memory_space<vmem>>, vector<16xi32>,
    %dma_start3A_2829 = arith.constant 0 : i32
    %dma_start3A_2830 = arith.constant 0 : i32
    %dma_start3A_2831 = tpu.memref_slice %arg6[%add3A, %dma_start3A_2829, %dma_start3A_2830] : memref<32x8x32xi32, #tpu.memory_space<hbm>> -> memref<1x8x32xi32, #tpu.memory_space<hbm>>
    %dma_start3A_2832 = tpu.memref_squeeze %dma_start3A_2831 : memref<1x8x32xi32, #tpu.memory_space<hbm>> -> memref<8x32xi32, #tpu.memory_space<hbm>>
    %dma_start3A_2833 = arith.constant 0 : i32
    %dma_start3A_2834 = arith.constant 0 : i32
    %dma_start3A_2835 = tpu.memref_slice %arg6[%add3A, %dma_start3A_2833, %dma_start3A_2834] : memref<32x8x32xi32, #tpu.memory_space<hbm>> -> memref<1x8x32xi32, #tpu.memory_space<hbm>>
    %dma_start3A_2836 = tpu.memref_squeeze %dma_start3A_2835 : memref<1x8x32xi32, #tpu.memory_space<hbm>> -> memref<8x32xi32, #tpu.memory_space<hbm>>
    tpu.enqueue_dma source(%arg9 : memref<8x32xi32, #tpu.memory_space<vmem>>) target(%dma_start3A_2836 : memref<8x32xi32, #tpu.memory_space<hbm>>) target_semaphore(%arg19 : memref<!tpu.dma_semaphore, #tpu.memory_space<semaphore_mem>>)
    %dma_wait3A = arith.constant 0 : i32
    %dma_wait3A_2837 = tpu.memref_slice %arg2[%add3A_4, %dma_wait3A] : memref<8192x1024xf32, #tpu.memory_space<hbm>> -> memref<32x1024xf32, #tpu.memory_space<hbm>>
    %dma_wait3A_2838 = arith.constant 0 : i32
    %dma_wait3A_2839 = tpu.memref_slice %arg2[%add3A_4, %dma_wait3A_2838] : memref<8192x1024xf32, #tpu.memory_space<hbm>> -> memref<32x1024xf32, #tpu.memory_space<hbm>>
    tpu.wait_dma2 semaphore(%arg13 : memref<!tpu.dma_semaphore, #tpu.memory_space<semaphore_mem>>) src(%dma_wait3A_2839 : memref<32x1024xf32, #tpu.memory_space<hbm>>) dst(%arg10 : memref<32x1024xf32, #tpu.memory_space<vmem>>)
    %dma_start3A_2840 = arith.constant 0 : i32
    %dma_start3A_2841 = arith.constant 0 : i32
    %dma_start3A_2842 = tpu.memref_slice %arg9[%dma_start3A_2840, %dma_start3A_2841] : memref<8x32xi32, #tpu.memory_space<vmem>> -> memref<1x32xi32, #tpu.memory_space<vmem>>
    %dma_start3A_2843 = tpu.memref_squeeze %dma_start3A_2842 : memref<1x32xi32, #tpu.memory_space<vmem>> -> memref<32xi32, #tpu.memory_space<vmem>>
    %dma_start3A_2844 = arith.constant 0 : i32
    %dma_start3A_2845 = arith.constant 0 : i32
    %dma_start3A_2846 = tpu.memref_slice %arg5[%dma_start3A_2844, %dma_start3A_2845] : memref<11776x1024xf32, #tpu.memory_space<hbm>> -> memref<11776x1024xf32, #tpu.memory_space<hbm>>
    tpu.enqueue_indirect_dma source(%arg10 : memref<32x1024xf32, #tpu.memory_space<vmem>>) target(%dma_start3A_2846 : memref<11776x1024xf32, #tpu.memory_space<hbm>>) offsets(%dma_start3A_2843 : memref<32xi32, #tpu.memory_space<vmem>>) semaphore(%arg16 : memref<!tpu.dma_semaphore, #tpu.memory_space<semaphore_mem>>)
    %dma_wait3A_2847 = arith.constant 0 : i32
    %dma_wait3A_2848 = arith.constant 0 : i32
    %dma_wait3A_2849 = tpu.memref_slice %arg9[%dma_wait3A_2847, %dma_wait3A_2848] : memref<8x32xi32, #tpu.memory_space<vmem>> -> memref<1x32xi32, #tpu.memory_space<vmem>>
    %dma_wait3A_2850 = tpu.memref_squeeze %dma_wait3A_2849 : memref<1x32xi32, #tpu.memory_space<vmem>> -> memref<32xi32, #tpu.memory_space<vmem>>
    %dma_wait3A_2851 = arith.constant 0 : i32
    %dma_wait3A_2852 = arith.constant 0 : i32
    %dma_wait3A_2853 = tpu.memref_slice %arg5[%dma_wait3A_2851, %dma_wait3A_2852] : memref<11776x1024xf32, #tpu.memory_space<hbm>> -> memref<11776x1024xf32, #tpu.memory_space<hbm>>
    tpu.wait_indirect_dma semaphore(%arg16 : memref<!tpu.dma_semaphore, #tpu.memory_space<semaphore_mem>>) src(%arg10 : memref<32x1024xf32, #tpu.memory_space<vmem>>) dst(%dma_wait3A_2853 : memref<11776x1024xf32, #tpu.memory_space<hbm>>)
    %add3A_2854 = arith.constant 96 : i32
    %add3A_2855 = arith.addi %mul3A_2, %add3A_2854 : i32
    %dma_start3A_2856 = arith.constant 0 : i32
    %dma_start3A_2857 = tpu.memref_slice %arg2[%add3A_2855, %dma_start3A_2856] : memref<8192x1024xf32, #tpu.memory_space<hbm>> -> memref<32x1024xf32, #tpu.memory_space<hbm>>
    %dma_start3A_2858 = arith.constant 0 : i32
    %dma_start3A_2859 = tpu.memref_slice %arg2[%add3A_2855, %dma_start3A_2858] : memref<8192x1024xf32, #tpu.memory_space<hbm>> -> memref<32x1024xf32, #tpu.memory_space<hbm>>
    tpu.enqueue_dma source(%dma_start3A_2859 : memref<32x1024xf32, #tpu.memory_space<hbm>>) target(%arg10 : memref<32x1024xf32, #tpu.memory_space<vmem>>) target_semaphore(%arg13 : memref<!tpu.dma_semaphore, #tpu.memory_space<semaphore_mem>>)
    %dma_wait3A_2860 = arith.constant 0 : i32
    %dma_wait3A_2861 = tpu.memref_slice %arg2[%add3A_9, %dma_wait3A_2860] : memref<8192x1024xf32, #tpu.memory_space<hbm>> -> memref<32x1024xf32, #tpu.memory_space<hbm>>
    %dma_wait3A_2862 = arith.constant 0 : i32
    %dma_wait3A_2863 = tpu.memref_slice %arg2[%add3A_9, %dma_wait3A_2862] : memref<8192x1024xf32, #tpu.memory_space<hbm>> -> memref<32x1024xf32, #tpu.memory_space<hbm>>
    tpu.wait_dma2 semaphore(%arg14 : memref<!tpu.dma_semaphore, #tpu.memory_space<semaphore_mem>>) src(%dma_wait3A_2863 : memref<32x1024xf32, #tpu.memory_space<hbm>>) dst(%arg11 : memref<32x1024xf32, #tpu.memory_space<vmem>>)
    %dma_start3A_2864 = arith.constant 1 : i32
    %dma_start3A_2865 = arith.constant 0 : i32
    %dma_start3A_2866 = tpu.memref_slice %arg9[%dma_start3A_2864, %dma_start3A_2865] : memref<8x32xi32, #tpu.memory_space<vmem>> -> memref<1x32xi32, #tpu.memory_space<vmem>>
    %dma_start3A_2867 = tpu.memref_squeeze %dma_start3A_2866 : memref<1x32xi32, #tpu.memory_space<vmem>> -> memref<32xi32, #tpu.memory_space<vmem>>
    %dma_start3A_2868 = arith.constant 0 : i32
    %dma_start3A_2869 = arith.constant 0 : i32
    %dma_start3A_2870 = tpu.memref_slice %arg5[%dma_start3A_2868, %dma_start3A_2869] : memref<11776x1024xf32, #tpu.memory_space<hbm>> -> memref<11776x1024xf32, #tpu.memory_space<hbm>>
    tpu.enqueue_indirect_dma source(%arg11 : memref<32x1024xf32, #tpu.memory_space<vmem>>) target(%dma_start3A_2870 : memref<11776x1024xf32, #tpu.memory_space<hbm>>) offsets(%dma_start3A_2867 : memref<32xi32, #tpu.memory_space<vmem>>) semaphore(%arg17 : memref<!tpu.dma_semaphore, #tpu.memory_space<semaphore_mem>>)
    %dma_wait3A_2871 = arith.constant 1 : i32
    %dma_wait3A_2872 = arith.constant 0 : i32
    %dma_wait3A_2873 = tpu.memref_slice %arg9[%dma_wait3A_2871, %dma_wait3A_2872] : memref<8x32xi32, #tpu.memory_space<vmem>> -> memref<1x32xi32, #tpu.memory_space<vmem>>
    %dma_wait3A_2874 = tpu.memref_squeeze %dma_wait3A_2873 : memref<1x32xi32, #tpu.memory_space<vmem>> -> memref<32xi32, #tpu.memory_space<vmem>>
    %dma_wait3A_2875 = arith.constant 0 : i32
    %dma_wait3A_2876 = arith.constant 0 : i32
    %dma_wait3A_2877 = tpu.memref_slice %arg5[%dma_wait3A_2875, %dma_wait3A_2876] : memref<11776x1024xf32, #tpu.memory_space<hbm>> -> memref<11776x1024xf32, #tpu.memory_space<hbm>>
    tpu.wait_indirect_dma semaphore(%arg17 : memref<!tpu.dma_semaphore, #tpu.memory_space<semaphore_mem>>) src(%arg11 : memref<32x1024xf32, #tpu.memory_space<vmem>>) dst(%dma_wait3A_2877 : memref<11776x1024xf32, #tpu.memory_space<hbm>>)
    %add3A_2878 = arith.constant 128 : i32
    %add3A_2879 = arith.addi %mul3A_2, %add3A_2878 : i32
    %dma_start3A_2880 = arith.constant 0 : i32
    %dma_start3A_2881 = tpu.memref_slice %arg2[%add3A_2879, %dma_start3A_2880] : memref<8192x1024xf32, #tpu.memory_space<hbm>> -> memref<32x1024xf32, #tpu.memory_space<hbm>>
    %dma_start3A_2882 = arith.constant 0 : i32
    %dma_start3A_2883 = tpu.memref_slice %arg2[%add3A_2879, %dma_start3A_2882] : memref<8192x1024xf32, #tpu.memory_space<hbm>> -> memref<32x1024xf32, #tpu.memory_space<hbm>>
    tpu.enqueue_dma source(%dma_start3A_2883 : memref<32x1024xf32, #tpu.memory_space<hbm>>) target(%arg11 : memref<32x1024xf32, #tpu.memory_space<vmem>>) target_semaphore(%arg14 : memref<!tpu.dma_semaphore, #tpu.memory_space<semaphore_mem>>)
    %dma_wait3A_2884 = arith.constant 0 : i32
    %dma_wait3A_2885 = tpu.memref_slice %arg2[%add3A_15, %dma_wait3A_2884] : memref<8192x1024xf32, #tpu.memory_space<hbm>> -> memref<32x1024xf32, #tpu.memory_space<hbm>>
    %dma_wait3A_2886 = arith.constant 0 : i32
    %dma_wait3A_2887 = tpu.memref_slice %arg2[%add3A_15, %dma_wait3A_2886] : memref<8192x1024xf32, #tpu.memory_space<hbm>> -> memref<32x1024xf32, #tpu.memory_space<hbm>>
    tpu.wait_dma2 semaphore(%arg15 : memref<!tpu.dma_semaphore, #tpu.memory_space<semaphore_mem>>) src(%dma_wait3A_2887 : memref<32x1024xf32, #tpu.memory_space<hbm>>) dst(%arg12 : memref<32x1024xf32, #tpu.memory_space<vmem>>)
    %dma_start3A_2888 = arith.constant 2 : i32
    %dma_start3A_2889 = arith.constant 0 : i32
    %dma_start3A_2890 = tpu.memref_slice %arg9[%dma_start3A_2888, %dma_start3A_2889] : memref<8x32xi32, #tpu.memory_space<vmem>> -> memref<1x32xi32, #tpu.memory_space<vmem>>
    %dma_start3A_2891 = tpu.memref_squeeze %dma_start3A_2890 : memref<1x32xi32, #tpu.memory_space<vmem>> -> memref<32xi32, #tpu.memory_space<vmem>>
    %dma_start3A_2892 = arith.constant 0 : i32
    %dma_start3A_2893 = arith.constant 0 : i32
    %dma_start3A_2894 = tpu.memref_slice %arg5[%dma_start3A_2892, %dma_start3A_2893] : memref<11776x1024xf32, #tpu.memory_space<hbm>> -> memref<11776x1024xf32, #tpu.memory_space<hbm>>
    tpu.enqueue_indirect_dma source(%arg12 : memref<32x1024xf32, #tpu.memory_space<vmem>>) target(%dma_start3A_2894 : memref<11776x1024xf32, #tpu.memory_space<hbm>>) offsets(%dma_start3A_2891 : memref<32xi32, #tpu.memory_space<vmem>>) semaphore(%arg18 : memref<!tpu.dma_semaphore, #tpu.memory_space<semaphore_mem>>)
    %dma_wait3A_2895 = arith.constant 2 : i32
    %dma_wait3A_2896 = arith.constant 0 : i32
    %dma_wait3A_2897 = tpu.memref_slice %arg9[%dma_wait3A_2895, %dma_wait3A_2896] : memref<8x32xi32, #tpu.memory_space<vmem>> -> memref<1x32xi32, #tpu.memory_space<vmem>>
    %dma_wait3A_2898 = tpu.memref_squeeze %dma_wait3A_2897 : memref<1x32xi32, #tpu.memory_space<vmem>> -> memref<32xi32, #tpu.memory_space<vmem>>
    %dma_wait3A_2899 = arith.constant 0 : i32
    %dma_wait3A_2900 = arith.constant 0 : i32
    %dma_wait3A_2901 = tpu.memref_slice %arg5[%dma_wait3A_2899, %dma_wait3A_2900] : memref<11776x1024xf32, #tpu.memory_space<hbm>> -> memref<11776x1024xf32, #tpu.memory_space<hbm>>
    tpu.wait_indirect_dma semaphore(%arg18 : memref<!tpu.dma_semaphore, #tpu.memory_space<semaphore_mem>>) src(%arg12 : memref<32x1024xf32, #tpu.memory_space<vmem>>) dst(%dma_wait3A_2901 : memref<11776x1024xf32, #tpu.memory_space<hbm>>)
    %add3A_2902 = arith.constant 160 : i32
    %add3A_2903 = arith.addi %mul3A_2, %add3A_2902 : i32
    %dma_start3A_2904 = arith.constant 0 : i32
    %dma_start3A_2905 = tpu.memref_slice %arg2[%add3A_2903, %dma_start3A_2904] : memref<8192x1024xf32, #tpu.memory_space<hbm>> -> memref<32x1024xf32, #tpu.memory_space<hbm>>
    %dma_start3A_2906 = arith.constant 0 : i32
    %dma_start3A_2907 = tpu.memref_slice %arg2[%add3A_2903, %dma_start3A_2906] : memref<8192x1024xf32, #tpu.memory_space<hbm>> -> memref<32x1024xf32, #tpu.memory_space<hbm>>
    tpu.enqueue_dma source(%dma_start3A_2907 : memref<32x1024xf32, #tpu.memory_space<hbm>>) target(%arg12 : memref<32x1024xf32, #tpu.memory_space<vmem>>) target_semaphore(%arg15 : memref<!tpu.dma_semaphore, #tpu.memory_space<semaphore_mem>>)
    %dma_wait3A_2908 = arith.constant 0 : i32
    %dma_wait3A_2909 = tpu.memref_slice %arg2[%add3A_2855, %dma_wait3A_2908] : memref<8192x1024xf32, #tpu.memory_space<hbm>> -> memref<32x1024xf32, #tpu.memory_space<hbm>>
    %dma_wait3A_2910 = arith.constant 0 : i32
    %dma_wait3A_2911 = tpu.memref_slice %arg2[%add3A_2855, %dma_wait3A_2910] : memref<8192x1024xf32, #tpu.memory_space<hbm>> -> memref<32x1024xf32, #tpu.memory_space<hbm>>
    tpu.wait_dma2 semaphore(%arg13 : memref<!tpu.dma_semaphore, #tpu.memory_space<semaphore_mem>>) src(%dma_wait3A_2911 : memref<32x1024xf32, #tpu.memory_space<hbm>>) dst(%arg10 : memref<32x1024xf32, #tpu.memory_space<vmem>>)
    %dma_start3A_2912 = arith.constant 3 : i32
    %dma_start3A_2913 = arith.constant 0 : i32
    %dma_start3A_2914 = tpu.memref_slice %arg9[%dma_start3A_2912, %dma_start3A_2913] : memref<8x32xi32, #tpu.memory_space<vmem>> -> memref<1x32xi32, #tpu.memory_space<vmem>>
    %dma_start3A_2915 = tpu.memref_squeeze %dma_start3A_2914 : memref<1x32xi32, #tpu.memory_space<vmem>> -> memref<32xi32, #tpu.memory_space<vmem>>
    %dma_start3A_2916 = arith.constant 0 : i32
    %dma_start3A_2917 = arith.constant 0 : i32
    %dma_start3A_2918 = tpu.memref_slice %arg5[%dma_start3A_2916, %dma_start3A_2917] : memref<11776x1024xf32, #tpu.memory_space<hbm>> -> memref<11776x1024xf32, #tpu.memory_space<hbm>>
    tpu.enqueue_indirect_dma source(%arg10 : memref<32x1024xf32, #tpu.memory_space<vmem>>) target(%dma_start3A_2918 : memref<11776x1024xf32, #tpu.memory_space<hbm>>) offsets(%dma_start3A_2915 : memref<32xi32, #tpu.memory_space<vmem>>) semaphore(%arg16 : memref<!tpu.dma_semaphore, #tpu.memory_space<semaphore_mem>>)
    %dma_wait3A_2919 = arith.constant 3 : i32
    %dma_wait3A_2920 = arith.constant 0 : i32
    %dma_wait3A_2921 = tpu.memref_slice %arg9[%dma_wait3A_2919, %dma_wait3A_2920] : memref<8x32xi32, #tpu.memory_space<vmem>> -> memref<1x32xi32, #tpu.memory_space<vmem>>
    %dma_wait3A_2922 = tpu.memref_squeeze %dma_wait3A_2921 : memref<1x32xi32, #tpu.memory_space<vmem>> -> memref<32xi32, #tpu.memory_space<vmem>>
    %dma_wait3A_2923 = arith.constant 0 : i32
    %dma_wait3A_2924 = arith.constant 0 : i32
    %dma_wait3A_2925 = tpu.memref_slice %arg5[%dma_wait3A_2923, %dma_wait3A_2924] : memref<11776x1024xf32, #tpu.memory_space<hbm>> -> memref<11776x1024xf32, #tpu.memory_space<hbm>>
    tpu.wait_indirect_dma semaphore(%arg16 : memref<!tpu.dma_semaphore, #tpu.memory_space<semaphore_mem>>) src(%arg10 : memref<32x1024xf32, #tpu.memory_space<vmem>>) dst(%dma_wait3A_2925 : memref<11776x1024xf32, #tpu.memory_space<hbm>>)
    %add3A_2926 = arith.constant 192 : i32
    %add3A_2927 = arith.addi %mul3A_2, %add3A_2926 : i32
    %dma_start3A_2928 = arith.constant 0 : i32
    %dma_start3A_2929 = tpu.memref_slice %arg2[%add3A_2927, %dma_start3A_2928] : memref<8192x1024xf32, #tpu.memory_space<hbm>> -> memref<32x1024xf32, #tpu.memory_space<hbm>>
    %dma_start3A_2930 = arith.constant 0 : i32
    %dma_start3A_2931 = tpu.memref_slice %arg2[%add3A_2927, %dma_start3A_2930] : memref<8192x1024xf32, #tpu.memory_space<hbm>> -> memref<32x1024xf32, #tpu.memory_space<hbm>>
    tpu.enqueue_dma source(%dma_start3A_2931 : memref<32x1024xf32, #tpu.memory_space<hbm>>) target(%arg10 : memref<32x1024xf32, #tpu.memory_space<vmem>>) target_semaphore(%arg13 : memref<!tpu.dma_semaphore, #tpu.memory_space<semaphore_mem>>)
    %dma_wait3A_2932 = arith.constant 0 : i32
    %dma_wait3A_2933 = tpu.memref_slice %arg2[%add3A_2879, %dma_wait3A_2932] : memref<8192x1024xf32, #tpu.memory_space<hbm>> -> memref<32x1024xf32, #tpu.memory_space<hbm>>
    %dma_wait3A_2934 = arith.constant 0 : i32
    %dma_wait3A_2935 = tpu.memref_slice %arg2[%add3A_2879, %dma_wait3A_2934] : memref<8192x1024xf32, #tpu.memory_space<hbm>> -> memref<32x1024xf32, #tpu.memory_space<hbm>>
    tpu.wait_dma2 semaphore(%arg14 : memref<!tpu.dma_semaphore, #tpu.memory_space<semaphore_mem>>) src(%dma_wait3A_2935 : memref<32x1024xf32, #tpu.memory_space<hbm>>) dst(%arg11 : memref<32x1024xf32, #tpu.memory_space<vmem>>)
    %dma_start3A_2936 = arith.constant 4 : i32
    %dma_start3A_2937 = arith.constant 0 : i32
    %dma_start3A_2938 = tpu.memref_slice %arg9[%dma_start3A_2936, %dma_start3A_2937] : memref<8x32xi32, #tpu.memory_space<vmem>> -> memref<1x32xi32, #tpu.memory_space<vmem>>
    %dma_start3A_2939 = tpu.memref_squeeze %dma_start3A_2938 : memref<1x32xi32, #tpu.memory_space<vmem>> -> memref<32xi32, #tpu.memory_space<vmem>>
    %dma_start3A_2940 = arith.constant 0 : i32
    %dma_start3A_2941 = arith.constant 0 : i32
    %dma_start3A_2942 = tpu.memref_slice %arg5[%dma_start3A_2940, %dma_start3A_2941] : memref<11776x1024xf32, #tpu.memory_space<hbm>> -> memref<11776x1024xf32, #tpu.memory_space<hbm>>
    tpu.enqueue_indirect_dma source(%arg11 : memref<32x1024xf32, #tpu.memory_space<vmem>>) target(%dma_start3A_2942 : memref<11776x1024xf32, #tpu.memory_space<hbm>>) offsets(%dma_start3A_2939 : memref<32xi32, #tpu.memory_space<vmem>>) semaphore(%arg17 : memref<!tpu.dma_semaphore, #tpu.memory_space<semaphore_mem>>)
    %dma_wait3A_2943 = arith.constant 4 : i32
    %dma_wait3A_2944 = arith.constant 0 : i32
    %dma_wait3A_2945 = tpu.memref_slice %arg9[%dma_wait3A_2943, %dma_wait3A_2944] : memref<8x32xi32, #tpu.memory_space<vmem>> -> memref<1x32xi32, #tpu.memory_space<vmem>>
    %dma_wait3A_2946 = tpu.memref_squeeze %dma_wait3A_2945 : memref<1x32xi32, #tpu.memory_space<vmem>> -> memref<32xi32, #tpu.memory_space<vmem>>
    %dma_wait3A_2947 = arith.constant 0 : i32
    %dma_wait3A_2948 = arith.constant 0 : i32
    %dma_wait3A_2949 = tpu.memref_slice %arg5[%dma_wait3A_2947, %dma_wait3A_2948] : memref<11776x1024xf32, #tpu.memory_space<hbm>> -> memref<11776x1024xf32, #tpu.memory_space<hbm>>
    tpu.wait_indirect_dma semaphore(%arg17 : memref<!tpu.dma_semaphore, #tpu.memory_space<semaphore_mem>>) src(%arg11 : memref<32x1024xf32, #tpu.memory_space<vmem>>) dst(%dma_wait3A_2949 : memref<11776x1024xf32, #tpu.memory_space<hbm>>)
    %add3A_2950 = arith.constant 224 : i32
    %add3A_2951 = arith.addi %mul3A_2, %add3A_2950 : i32
    %dma_start3A_2952 = arith.constant 0 : i32
    %dma_start3A_2953 = tpu.memref_slice %arg2[%add3A_2951, %dma_start3A_2952] : memref<8192x1024xf32, #tpu.memory_space<hbm>> -> memref<32x1024xf32, #tpu.memory_space<hbm>>
    %dma_start3A_2954 = arith.constant 0 : i32
    %dma_start3A_2955 = tpu.memref_slice %arg2[%add3A_2951, %dma_start3A_2954] : memref<8192x1024xf32, #tpu.memory_space<hbm>> -> memref<32x1024xf32, #tpu.memory_space<hbm>>
    tpu.enqueue_dma source(%dma_start3A_2955 : memref<32x1024xf32, #tpu.memory_space<hbm>>) target(%arg11 : memref<32x1024xf32, #tpu.memory_space<vmem>>) target_semaphore(%arg14 : memref<!tpu.dma_semaphore, #tpu.memory_space<semaphore_mem>>)
    %dma_wait3A_2956 = arith.constant 0 : i32
    %dma_wait3A_2957 = tpu.memref_slice %arg2[%add3A_2903, %dma_wait3A_2956] : memref<8192x1024xf32, #tpu.memory_space<hbm>> -> memref<32x1024xf32, #tpu.memory_space<hbm>>
    %dma_wait3A_2958 = arith.constant 0 : i32
    %dma_wait3A_2959 = tpu.memref_slice %arg2[%add3A_2903, %dma_wait3A_2958] : memref<8192x1024xf32, #tpu.memory_space<hbm>> -> memref<32x1024xf32, #tpu.memory_space<hbm>>
    tpu.wait_dma2 semaphore(%arg15 : memref<!tpu.dma_semaphore, #tpu.memory_space<semaphore_mem>>) src(%dma_wait3A_2959 : memref<32x1024xf32, #tpu.memory_space<hbm>>) dst(%arg12 : memref<32x1024xf32, #tpu.memory_space<vmem>>)
    %dma_start3A_2960 = arith.constant 5 : i32
    %dma_start3A_2961 = arith.constant 0 : i32
    %dma_start3A_2962 = tpu.memref_slice %arg9[%dma_start3A_2960, %dma_start3A_2961] : memref<8x32xi32, #tpu.memory_space<vmem>> -> memref<1x32xi32, #tpu.memory_space<vmem>>
    %dma_start3A_2963 = tpu.memref_squeeze %dma_start3A_2962 : memref<1x32xi32, #tpu.memory_space<vmem>> -> memref<32xi32, #tpu.memory_space<vmem>>
    %dma_start3A_2964 = arith.constant 0 : i32
    %dma_start3A_2965 = arith.constant 0 : i32
    %dma_start3A_2966 = tpu.memref_slice %arg5[%dma_start3A_2964, %dma_start3A_2965] : memref<11776x1024xf32, #tpu.memory_space<hbm>> -> memref<11776x1024xf32, #tpu.memory_space<hbm>>
    tpu.enqueue_indirect_dma source(%arg12 : memref<32x1024xf32, #tpu.memory_space<vmem>>) target(%dma_start3A_2966 : memref<11776x1024xf32, #tpu.memory_space<hbm>>) offsets(%dma_start3A_2963 : memref<32xi32, #tpu.memory_space<vmem>>) semaphore(%arg18 : memref<!tpu.dma_semaphore, #tpu.memory_space<semaphore_mem>>)
    %dma_wait3A_2967 = arith.constant 0 : i32
    %dma_wait3A_2968 = tpu.memref_slice %arg2[%add3A_2927, %dma_wait3A_2967] : memref<8192x1024xf32, #tpu.memory_space<hbm>> -> memref<32x1024xf32, #tpu.memory_space<hbm>>
    %dma_wait3A_2969 = arith.constant 0 : i32
    %dma_wait3A_2970 = tpu.memref_slice %arg2[%add3A_2927, %dma_wait3A_2969] : memref<8192x1024xf32, #tpu.memory_space<hbm>> -> memref<32x1024xf32, #tpu.memory_space<hbm>>
    tpu.wait_dma2 semaphore(%arg13 : memref<!tpu.dma_semaphore, #tpu.memory_space<semaphore_mem>>) src(%dma_wait3A_2970 : memref<32x1024xf32, #tpu.memory_space<hbm>>) dst(%arg10 : memref<32x1024xf32, #tpu.memory_space<vmem>>)
    %dma_start3A_2971 = arith.constant 6 : i32
    %dma_start3A_2972 = arith.constant 0 : i32
    %dma_start3A_2973 = tpu.memref_slice %arg9[%dma_start3A_2971, %dma_start3A_2972] : memref<8x32xi32, #tpu.memory_space<vmem>> -> memref<1x32xi32, #tpu.memory_space<vmem>>
    %dma_start3A_2974 = tpu.memref_squeeze %dma_start3A_2973 : memref<1x32xi32, #tpu.memory_space<vmem>> -> memref<32xi32, #tpu.memory_space<vmem>>
    %dma_start3A_2975 = arith.constant 0 : i32
    %dma_start3A_2976 = arith.constant 0 : i32
    %dma_start3A_2977 = tpu.memref_slice %arg5[%dma_start3A_2975, %dma_start3A_2976] : memref<11776x1024xf32, #tpu.memory_space<hbm>> -> memref<11776x1024xf32, #tpu.memory_space<hbm>>
    tpu.enqueue_indirect_dma source(%arg10 : memref<32x1024xf32, #tpu.memory_space<vmem>>) target(%dma_start3A_2977 : memref<11776x1024xf32, #tpu.memory_space<hbm>>) offsets(%dma_start3A_2974 : memref<32xi32, #tpu.memory_space<vmem>>) semaphore(%arg16 : memref<!tpu.dma_semaphore, #tpu.memory_space<semaphore_mem>>)
    %dma_wait3A_2978 = arith.constant 0 : i32
    %dma_wait3A_2979 = tpu.memref_slice %arg2[%add3A_2951, %dma_wait3A_2978] : memref<8192x1024xf32, #tpu.memory_space<hbm>> -> memref<32x1024xf32, #tpu.memory_space<hbm>>
    %dma_wait3A_2980 = arith.constant 0 : i32
    %dma_wait3A_2981 = tpu.memref_slice %arg2[%add3A_2951, %dma_wait3A_2980] : memref<8192x1024xf32, #tpu.memory_space<hbm>> -> memref<32x1024xf32, #tpu.memory_space<hbm>>
    tpu.wait_dma2 semaphore(%arg14 : memref<!tpu.dma_semaphore, #tpu.memory_space<semaphore_mem>>) src(%dma_wait3A_2981 : memref<32x1024xf32, #tpu.memory_space<hbm>>) dst(%arg11 : memref<32x1024xf32, #tpu.memory_space<vmem>>)
    %dma_start3A_2982 = arith.constant 7 : i32
    %dma_start3A_2983 = arith.constant 0 : i32
    %dma_start3A_2984 = tpu.memref_slice %arg9[%dma_start3A_2982, %dma_start3A_2983] : memref<8x32xi32, #tpu.memory_space<vmem>> -> memref<1x32xi32, #tpu.memory_space<vmem>>
    %dma_start3A_2985 = tpu.memref_squeeze %dma_start3A_2984 : memref<1x32xi32, #tpu.memory_space<vmem>> -> memref<32xi32, #tpu.memory_space<vmem>>
    %dma_start3A_2986 = arith.constant 0 : i32
    %dma_start3A_2987 = arith.constant 0 : i32
    %dma_start3A_2988 = tpu.memref_slice %arg5[%dma_start3A_2986, %dma_start3A_2987] : memref<11776x1024xf32, #tpu.memory_space<hbm>> -> memref<11776x1024xf32, #tpu.memory_space<hbm>>
    tpu.enqueue_indirect_dma source(%arg11 : memref<32x1024xf32, #tpu.memory_space<vmem>>) target(%dma_start3A_2988 : memref<11776x1024xf32, #tpu.memory_space<hbm>>) offsets(%dma_start3A_2985 : memref<32xi32, #tpu.memory_space<vmem>>) semaphore(%arg17 : memref<!tpu.dma_semaphore, #tpu.memory_space<semaphore_mem>>)
    %dma_wait3A_2989 = arith.constant 6 : i32
    %dma_wait3A_2990 = arith.constant 0 : i32
    %dma_wait3A_2991 = tpu.memref_slice %arg9[%dma_wait3A_2989, %dma_wait3A_2990] : memref<8x32xi32, #tpu.memory_space<vmem>> -> memref<1x32xi32, #tpu.memory_space<vmem>>
    %dma_wait3A_2992 = tpu.memref_squeeze %dma_wait3A_2991 : memref<1x32xi32, #tpu.memory_space<vmem>> -> memref<32xi32, #tpu.memory_space<vmem>>
    %dma_wait3A_2993 = arith.constant 0 : i32
    %dma_wait3A_2994 = arith.constant 0 : i32
    %dma_wait3A_2995 = tpu.memref_slice %arg5[%dma_wait3A_2993, %dma_wait3A_2994] : memref<11776x1024xf32, #tpu.memory_space<hbm>> -> memref<11776x1024xf32, #tpu.memory_space<hbm>>
    tpu.wait_indirect_dma semaphore(%arg16 : memref<!tpu.dma_semaphore, #tpu.memory_space<semaphore_mem>>) src(%arg10 : memref<32x1024xf32, #tpu.memory_space<vmem>>) dst(%dma_wait3A_2995 : memref<11776x1024xf32, #tpu.memory_space<hbm>>)
    %dma_wait3A_2996 = arith.constant 7 : i32
    %dma_wait3A_2997 = arith.constant 0 : i32
    %dma_wait3A_2998 = tpu.memref_slice %arg9[%dma_wait3A_2996, %dma_wait3A_2997] : memref<8x32xi32, #tpu.memory_space<vmem>> -> memref<1x32xi32, #tpu.memory_space<vmem>>
    %dma_wait3A_2999 = tpu.memref_squeeze %dma_wait3A_2998 : memref<1x32xi32, #tpu.memory_space<vmem>> -> memref<32xi32, #tpu.memory_space<vmem>>
    %dma_wait3A_3000 = arith.constant 0 : i32
    %dma_wait3A_3001 = arith.constant 0 : i32
    %dma_wait3A_3002 = tpu.memref_slice %arg5[%dma_wait3A_3000, %dma_wait3A_3001] : memref<11776x1024xf32, #tpu.memory_space<hbm>> -> memref<11776x1024xf32, #tpu.memory_space<hbm>>
    tpu.wait_indirect_dma semaphore(%arg17 : memref<!tpu.dma_semaphore, #tpu.memory_space<semaphore_mem>>) src(%arg11 : memref<32x1024xf32, #tpu.memory_space<vmem>>) dst(%dma_wait3A_3002 : memref<11776x1024xf32, #tpu.memory_space<hbm>>)
    %dma_wait3A_3003 = arith.constant 5 : i32
    %dma_wait3A_3004 = arith.constant 0 : i32
    %dma_wait3A_3005 = tpu.memref_slice %arg9[%dma_wait3A_3003, %dma_wait3A_3004] : memref<8x32xi32, #tpu.memory_space<vmem>> -> memref<1x32xi32, #tpu.memory_space<vmem>>
    %dma_wait3A_3006 = tpu.memref_squeeze %dma_wait3A_3005 : memref<1x32xi32, #tpu.memory_space<vmem>> -> memref<32xi32, #tpu.memory_space<vmem>>
    %dma_wait3A_3007 = arith.constant 0 : i32
    %dma_wait3A_3008 = arith.constant 0 : i32
    %dma_wait3A_3009 = tpu.memref_slice %arg5[%dma_wait3A_3007, %dma_wait3A_3008] : memref<11776x1024xf32, #tpu.memory_space<hbm>> -> memref<11776x1024xf32, #tpu.memory_space<hbm>>
    tpu.wait_indirect_dma semaphore(%arg18 : memref<!tpu.dma_semaphore, #tpu.memory_space<semaphore_mem>>) src(%arg12 : memref<32x1024xf32, #tpu.memory_space<vmem>>) dst(%dma_wait3A_3009 : memref<11776x1024xf32, #tpu.memory_space<hbm>>)
    %dma_wait3A_3010 = arith.constant 0 : i32
    %dma_wait3A_3011 = arith.constant 0 : i32
    %dma_wait3A_3012 = tpu.memref_slice %arg6[%add3A, %dma_wait3A_3010, %dma_wait3A_3011] : memref<32x8x32xi32, #tpu.memory_space<hbm>> -> memref<1x8x32xi32, #tpu.memory_space<hbm>>
    %dma_wait3A_3013 = tpu.memref_squeeze %dma_wait3A_3012 : memref<1x8x32xi32, #tpu.memory_space<hbm>> -> memref<8x32xi32, #tpu.memory_space<hbm>>
    %dma_wait3A_3014 = arith.constant 0 : i32
    %dma_wait3A_3015 = arith.constant 0 : i32
    %dma_wait3A_3016 = tpu.memref_slice %arg6[%add3A, %dma_wait3A_3014, %dma_wait3A_3015] : memref<32x8x32xi32, #tpu.memory_space<hbm>> -> memref<1x8x32xi32, #tpu.memory_space<hbm>>
    %dma_wait3A_3017 = tpu.memref_squeeze %dma_wait3A_3016 : memref<1x8x32xi32, #tpu.memory_space<hbm>> -> memref<8x32xi32, #tpu.memory_space<hbm>>
    tpu.wait_dma2 semaphore(%arg19 : memref<!tpu.dma_semaphore, #tpu.memory_space<semaphore_mem>>) src(%arg9 : memref<8x32xi32, #tpu.memory_space<vmem>>) dst(%dma_wait3A_3017 : memref<8x32xi32, #tpu.memory_space<hbm>>)
    return
  }
}

module attributes {stable_mosaic.version = 14 : i64} {
  func.func @_mm_body(%arg0: i32, %arg1: memref<23xi32, #tpu.memory_space<smem>>, %arg2: memref<23xi32, #tpu.memory_space<smem>>, %arg3: memref<23xi32, #tpu.memory_space<smem>>, %arg4: memref<512x1024xf32, #tpu.memory_space<vmem>>, %arg5: memref<8x1024x256xbf16, #tpu.memory_space<vmem>>, %arg6: memref<8x1x256xf32, #tpu.memory_space<vmem>>, %arg7: memref<512x256xf32, #tpu.memory_space<vmem>>) attributes {dimension_semantics = [#tpu.dimension_semantics<arbitrary>], iteration_bounds = array<i64: 23>, scalar_prefetch = 3 : i64, scratch_operands = 0 : i64, tpu.core_type = #tpu.core_type<tc>, window_params = [{transform_indices = @transform_0, window_bounds = array<i64: 512, 1024>}, {pipeline_mode = #tpu.pipeline_mode<synchronous>, transform_indices = @transform_1, window_bounds = array<i64: 8, 1024, 256>}, {pipeline_mode = #tpu.pipeline_mode<synchronous>, transform_indices = @transform_2, window_bounds = array<i64: 8, 1, 256>}, {transform_indices = @transform_3, window_bounds = array<i64: 512, 256>}]} {
    %get3A = arith.index_cast %arg0 : i32 to index
    %get3A_0 = memref.load %arg3[%get3A] : memref<23xi32, #tpu.memory_space<smem>>
    %eq3A = arith.constant 1 : i32
    %eq3A_1 = arith.cmpi eq, %get3A_0, %eq3A : i32
    %convert_element_type3A = arith.extui %eq3A_1 : i1 to i32
    %cond3A = arith.constant 0 : i32
    %cond3A_2 = arith.cmpi ne, %convert_element_type3A, %cond3A : i32
    scf.if %cond3A_2 {
      %get3A_3 = arith.index_cast %arg0 : i32 to index
      %get3A_4 = memref.load %arg1[%get3A_3] : memref<23xi32, #tpu.memory_space<smem>>
      %get3A_5 = arith.constant 0 : index
      %get3A_6 = arith.constant 0 : index
      %get3A_7 = vector.load %arg4[%get3A_5, %get3A_6] : memref<512x1024xf32, #tpu.memory_space<vmem>>, vector<512x1024xf32>
      %convert_element_type3A_8 = arith.truncf %get3A_7 : vector<512x1024xf32> to vector<512x1024xbf16>
      %get3A_9 = arith.index_cast %get3A_4 : i32 to index
      %get3A_10 = arith.constant 0 : index
      %get3A_11 = arith.constant 0 : index
      %get3A_12 = vector.load %arg5[%get3A_9, %get3A_10, %get3A_11] : memref<8x1024x256xbf16, #tpu.memory_space<vmem>>, vector<1x1024x256xbf16>
      %get3A_13 = vector.shape_cast %get3A_12 : vector<1x1024x256xbf16> to vector<1024x256xbf16>
      %dot_general3A = arith.constant dense<0.000000e+00> : vector<512x256xf32>
      %dot_general3A_14 = tpu.matmul %convert_element_type3A_8, %get3A_13, %dot_general3A {dimension_numbers = #tpu.dot_dimension_numbers<[1], [0], [0], [1], [0, 0, 1, 1], [], []>, transpose_lhs_hint = false} : vector<512x1024xbf16>, vector<1024x256xbf16>, vector<512x256xf32> -> vector<512x256xf32>
      %get3A_15 = arith.index_cast %get3A_4 : i32 to index
      %get3A_16 = arith.constant 0 : index
      %get3A_17 = arith.constant 0 : index
      %get3A_18 = vector.load %arg6[%get3A_15, %get3A_16, %get3A_17] : memref<8x1x256xf32, #tpu.memory_space<vmem>>, vector<1x1x256xf32>
      %get3A_19 = vector.shape_cast %get3A_18 : vector<1x1x256xf32> to vector<1x256xf32>
      %add3A = vector.broadcast %get3A_19 : vector<1x256xf32> to vector<512x256xf32>
      %add3A_20 = arith.addf %dot_general3A_14, %add3A : vector<512x256xf32>
      %swap3A = arith.constant 0 : index
      %swap3A_21 = arith.constant 0 : index
      %swap3A_22 = vector.load %arg7[%swap3A, %swap3A_21] : memref<512x256xf32, #tpu.memory_space<vmem>>, vector<512x256xf32>
      tpu.vector_store %arg7[%swap3A, %swap3A_21], %add3A_20 {strides = array<i32>} : memref<512x256xf32, #tpu.memory_space<vmem>>, vector<512x256xf32>,
    } else {
    }
    return
  }
  func.func @transform_0(%arg0: i32, %arg1: memref<23xi32, #tpu.memory_space<smem>>, %arg2: memref<23xi32, #tpu.memory_space<smem>>, %arg3: memref<23xi32, #tpu.memory_space<smem>>) -> (i32, i32) {
    %get3A = arith.index_cast %arg0 : i32 to index
    %get3A_0 = memref.load %arg2[%get3A] : memref<23xi32, #tpu.memory_space<smem>>
    %c0_i32 = arith.constant 0 : i32
    %c0_i32_1 = arith.constant 0 : i32
    return %get3A_0, %c0_i32 : i32, i32
  }
  func.func @transform_1(%arg0: i32, %arg1: memref<23xi32, #tpu.memory_space<smem>>, %arg2: memref<23xi32, #tpu.memory_space<smem>>, %arg3: memref<23xi32, #tpu.memory_space<smem>>) -> (i32, i32, i32) {
    %c0_i32 = arith.constant 0 : i32
    %c0_i32_0 = arith.constant 0 : i32
    %c0_i32_1 = arith.constant 0 : i32
    %c0_i32_2 = arith.constant 0 : i32
    return %c0_i32, %c0_i32_0, %c0_i32_1 : i32, i32, i32
  }
  func.func @transform_2(%arg0: i32, %arg1: memref<23xi32, #tpu.memory_space<smem>>, %arg2: memref<23xi32, #tpu.memory_space<smem>>, %arg3: memref<23xi32, #tpu.memory_space<smem>>) -> (i32, i32, i32) {
    %c0_i32 = arith.constant 0 : i32
    %c0_i32_0 = arith.constant 0 : i32
    %c0_i32_1 = arith.constant 0 : i32
    %c0_i32_2 = arith.constant 0 : i32
    return %c0_i32, %c0_i32_0, %c0_i32_1 : i32, i32, i32
  }
  func.func @transform_3(%arg0: i32, %arg1: memref<23xi32, #tpu.memory_space<smem>>, %arg2: memref<23xi32, #tpu.memory_space<smem>>, %arg3: memref<23xi32, #tpu.memory_space<smem>>) -> (i32, i32) {
    %get3A = arith.index_cast %arg0 : i32 to index
    %get3A_0 = memref.load %arg2[%get3A] : memref<23xi32, #tpu.memory_space<smem>>
    %c0_i32 = arith.constant 0 : i32
    %c0_i32_1 = arith.constant 0 : i32
    return %get3A_0, %c0_i32 : i32, i32
  }
}

</mosaic_0001>

<sc_bundles>
// kernel: kernel.5.cloned.1.call-start
scs
__scs_entry_jumppad:
0x0: {  	(pc) =	sbr.rel $0x88, $3  }
0x1: {  	(tag) =	ssettag $0x0;
	lr =	simm.s32 $0x1  }
0x2: {  	[smem:$0x3F9D] =	sst lr;
	_ =	strace $0xD0000000  }
0x3: {  	_ = 	snop  }
0x4: {  	_ = 	snop  }
0x5: {  	_ = 	snop  }
0x6: {  	_ = 	snop  }
0x7: {  	_ = 	snop  }
__scs_overlays_trampoline_lowered:
0x8: {  	[smem:$0x3FAC] =	sst s0  }
0x9: {  	[smem:$0x3FAD] =	sst s1  }
0xa: {  	[smem:$0x3FAE] =	sst s2  }
0xb: {  	[smem:$0x3FAF] =	sst s3  }
0xc: {  	[smem:$0x3FB0] =	sst s4  }
0xd: {  	[smem:$0x3FB1] =	sst s5  }
0xe: {  	[smem:$0x3FB2] =	sst s6  }
0xf: {  	[smem:$0x3FB3] =	sst s7  }
0x10: {  	[smem:$0x3FB4] =	sst s8  }
0x11: {  	[smem:$0x3FB5] =	sst s9;
	s0 =	simm.s32 @!p0 $0x0  }
0x12: {  	s1 =	sld [smem:$0x3F9B];
	s0 =	simm.s32 @p0 $0x1  }
0x13: {  	[smem:$0x3FB6] =	sst s0;
	s0 =	simm.s32 @!p1 $0x0  }
0x14: {  	s2 =	sld [smem:$0x3F9A];
	s0 =	simm.s32 @p1 $0x1  }
0x15: {  	[smem:$0x3FB7] =	sst s0;
	s0 =	simm.s32 @!p2 $0x0  }
0x16: {  	s3 =	sld [smem:$0x3FDB];
	s0 =	simm.s32 @p2 $0x1  }
0x17: {  	s4 =	simm.s32 $0x1BF5;
	[smem:$0x3FB9] =	sst s0  }
0x18: {  	s0 =	sld [smem:$0x3F9C];
	_ =	swait.ge [sflag:s4], $0x0  }
0x19: {  	s7 =	sld [smem:$0x3F9D]  }
0x1a: {  	s8 =	sadd.s32 $0xFFFFE003, lr  }
0x1b: {  	s9 =	sadd.s32 $0xFFFFFEF7, lr;
	s5 =	simm.s32 $0xFFFFFFFF;
	p2 =	slt.u32 s8, $0xFFFFF086  }
0x1c: {  	p1 =	slt.u32 s9, $0xF7A;
	s5 =	simm.s32 @!p2 $0x0  }
0x1d: {  	s5 =	simm.s32 @p1 $0x1;
	p0 =	seq.s32 s7, s2  }
0x1e: {  	s7 =	smul.u32 @!p0 $0xF7A, s2;
	p2 =	seq.s32 @!p0 s5, $0x0  }
0x1f: {  	s9 =	smul.u32 $0xF7A, s1;
	s8 =	simm.s32 @!p0 $0x1BF5;
	p2 =	por !p2, p0  }
0x20: {  	[sflag:s8] =	ssyncset.s32 @!p0 $0xFFFFF086;
	s6 =	sadd.s32 @!p0 s3, s7;
	s7 =	simm.s32 @!p0 $0x108  }
0x21: {  	s3 =	sadd.s32 s3, s9;
	s6 =	sadd.s32 @!p0 $0x88, s6;
	s7 =	simm.s32 @p2 $0x1082  }
0x22: {  	[simem:s7], [sflag:s8] =	dma.local @!p0 [hbm:s6], $0xF7A  }
0x23: {  	s9 =	sor.u32 $0xD0000000, s2;
	s6 =	simm.s32 $0x108;
	_ =	swait.ge @!p0 [sflag:s8], $0x0  }
0x24: {  	s3 =	sadd.s32 $0x88, s3;
	s6 =	simm.s32 @!p1 $0x1082;
	[sflag:s4] =	ssyncset.s32 $0xFFFFF086  }
0x25: {  	[simem:s6], [sflag:s4] =	dma.local [hbm:s3], $0xF7A  }
0x26: {  	[smem:$0x3F9D] =	sst s1;
	(tag) =	ssettag s2;
	_ =	strace s9  }
0x27: {  	s1 =	sld [smem:$0x3FAD]  }
0x28: {  	s2 =	sld [smem:$0x3FAE]  }
0x29: {  	s4 =	sld [smem:$0x3FB0]  }
0x2a: {  	p0 =	seq.s32 s5, $0x0;
	s5 =	sld [smem:$0x3FB1]  }
0x2b: {  	s6 =	sld [smem:$0x3FB2]  }
0x2c: {  	s7 =	sld [smem:$0x3FB3]  }
0x2d: {  	s3 =	simm.s32 $0x108;
	s8 =	sld [smem:$0x3FB4]  }
0x2e: {  	s3 =	simm.s32 @!p0 $0x1082;
	s9 =	sld [smem:$0x3FB5]  }
0x2f: {  	lr =	sadd.s32 s0, s3;
	s0 =	sld [smem:$0x3FAC]  }
0x30: {  	s3 =	sld [smem:$0x3FAF]  }
0x31: {  	[smem:$0x3FB8] =	sst s10  }
0x32: {  	s10 =	sld [smem:$0x3FB6];
	_ =	sdelay $0x3  }
0x33: {  	p0 =	seq.s32 s10, $0x1;
	s10 =	sld [smem:$0x3FB8];
	_ =	sdelay $0x3  }
0x34: {  	[smem:$0x3FB8] =	sst s10  }
0x35: {  	s10 =	sld [smem:$0x3FB7];
	_ =	sdelay $0x3  }
0x36: {  	p1 =	seq.s32 s10, $0x1;
	s10 =	sld [smem:$0x3FB8];
	_ =	sdelay $0x3  }
0x37: {  	[smem:$0x3FB8] =	sst s10  }
0x38: {  	s10 =	sld [smem:$0x3FB9]  }
0x39: {  	_ = 	snop;
	(pc) =	sbr.ind lr, $3  }
0x3a: {  	_ = 	snop  }
0x3b: {  	_ = 	snop  }
0x3c: {  	p2 =	seq.s32 s10, $0x1;
	s10 =	sld [smem:$0x3FB8]  }
0x3d: {  	_ =	shalt  }
0x3e: {  	_ =	shalt  }
0x3f: {  	_ =	shalt  }
0x40: {  	_ =	shalt  }
0x41: {  	_ =	shalt  }
0x42: {  	_ =	shalt  }
0x43: {  	_ =	shalt  }
0x44: {  	_ =	shalt  }
0x45: {  	_ =	shalt  }
0x46: {  	_ =	shalt  }
0x47: {  	_ =	shalt  }
0x48: {  	_ =	shalt  }
0x49: {  	_ =	shalt  }
0x4a: {  	_ =	shalt  }
0x4b: {  	_ =	shalt  }
0x4c: {  	_ =	shalt  }
0x4d: {  	_ =	shalt  }
0x4e: {  	_ =	shalt  }
0x4f: {  	_ =	shalt  }
0x50: {  	_ =	shalt  }
0x51: {  	_ =	shalt  }
0x52: {  	_ =	shalt  }
0x53: {  	_ =	shalt  }
0x54: {  	_ =	shalt  }
0x55: {  	_ =	shalt  }
0x56: {  	_ =	shalt  }
0x57: {  	_ =	shalt  }
0x58: {  	_ =	shalt  }
0x59: {  	_ =	shalt  }
0x5a: {  	_ =	shalt  }
0x5b: {  	_ =	shalt  }
0x5c: {  	_ =	shalt  }
0x5d: {  	_ =	shalt  }
0x5e: {  	_ =	shalt  }
0x5f: {  	_ =	shalt  }
0x60: {  	_ =	shalt  }
0x61: {  	_ =	shalt  }
0x62: {  	_ =	shalt  }
0x63: {  	_ =	shalt  }
0x64: {  	_ =	shalt  }
0x65: {  	_ =	shalt  }
0x66: {  	_ =	shalt  }
0x67: {  	_ =	shalt  }
0x68: {  	_ =	shalt  }
0x69: {  	_ =	shalt  }
0x6a: {  	_ =	shalt  }
0x6b: {  	_ =	shalt  }
0x6c: {  	_ =	shalt  }
0x6d: {  	_ =	shalt  }
0x6e: {  	_ =	shalt  }
0x6f: {  	_ =	shalt  }
0x70: {  	_ =	shalt  }
0x71: {  	_ =	shalt  }
0x72: {  	_ =	shalt  }
0x73: {  	_ =	shalt  }
0x74: {  	_ =	shalt  }
0x75: {  	_ =	shalt  }
0x76: {  	_ =	shalt  }
0x77: {  	_ =	shalt  }
0x78: {  	_ =	shalt  }
0x79: {  	_ =	shalt  }
0x7a: {  	_ =	shalt  }
0x7b: {  	_ =	shalt  }
0x7c: {  	_ =	shalt  }
0x7d: {  	_ =	shalt  }
0x7e: {  	_ =	shalt  }
0x7f: {  	_ =	shalt  }
0x80: {  	_ =	shalt  }
0x81: {  	_ =	shalt  }
0x82: {  	_ =	shalt  }
0x83: {  	_ =	shalt  }
0x84: {  	_ =	shalt  }
0x85: {  	_ =	shalt  }
0x86: {  	_ =	shalt  }
0x87: {  	_ =	shalt  }
.Lfunc_end0:
.L_simem_size_0:
called_computation_lowered:
.L_overlay_start_0:
0x88: {  	s2 =	sld [smem:$0x3FD9]  }
0x89: {  	s3 =	sld [smem:$0x3FFE];
	_ =	sdelay $0x1  }
0x8a: {  	s1 =	srdreg.scid  }
0x8b: {  	s0 =	sand.u32 $0x1, s1  }
0x8c: {  	s17 =	sshll.u32 s0, $0xA;
	s2 =	sadd.s32 s3, s2  }
0x8d: {  	s2 =	sadd.s32 s2, s17  }
0x8e: {  	[smem:$0x3FC4] =	sst s2  }
0x8f: {  	_ = 	snop  }
0x90: {  	s2 =	sld [smem:$0x3FC9]  }
0x91: {  	s18 =	sld [smem:$0x3FD0];
	(tm) =	ssettm $0x1  }
0x92: {  	s4 =	sld [smem:$0x3FFB];
	_ =	sdelay $0x3  }
0x93: {  	_ =	strace s4  }
0x94: {  	s4 =	sld [smem:$0x3FFC];
	_ =	sdelay $0x3  }
0x95: {  	_ =	strace s4  }
0x96: {  	s4 =	sld [smem:$0x3FFD];
	_ =	sdelay $0x3  }
0x97: {  	_ =	strace s4  }
0x98: {  	_ =	strace $0x8FFFFFFF  }
0x99: {  	s19 =	sld [smem:$0x3FDB];
	_ =	sdelay $0x1  }
0x9a: {  	s5 =	simm.s32 $_scs_section_size  }
0x9b: {  	s6 =	simm.s32 $_size__tile_overlayer_lowered;
	s7 =	simm.s32 $_tile_overlayer_lowered  }
0x9c: {  	s22 =	simm.s32 $0x1BFF;
	s21 =	sshll.u32 s7, $0x1;
	s4 =	sadd.s32 s5, s19  }
0x9d: {  	s8 =	simm.s32 $0x0;
	s20 =	sshll.u32 s6, $0x1;
	s6 =	sadd.s32 s21, s4  }
0x9e: {  	[timem:s8], [sflag:s22] =	dma.local [hbm:s6], s20  }
0x9f: {  	_ =	swait.ge [sflag:s22], s20  }
0xa0: {  	s5 =	ssub.s32 $0x0, s20;
	[sflag:s22] =	ssyncset.done $0x0  }
0xa1: {  	[sflag:s22] =	ssyncadd.s32 s5;
	_ =	sdelay $0x1  }
0xa2: {  	s23 =	simm.s32 $0x1B8B  }
0xa3: {  	_ =	swait.ge [sflag:s23], $0x1  }
0xa4: {  	[sflag:s23] =	ssyncset.done $0x0  }
0xa5: {  	s25 =	simm.s32 $0x1B8E;
	s24 =	sld [smem:$0x3FFE];
	[sflag:s23] =	ssyncadd.s32 $0xFFFFFFFF  }
0xa6: {  	s26 =	simm.s32 $execute0_lowered;
	[smem:$0x3FD2] =	sst s25  }
0xa7: {  	s6 =	sshll.u32 s26, $0x1;
	_ =	strace $0x80000046;
	[dreg:$0x1] =	wrdreg $0xFFFFFFFF  }
0xa8: {  	s28 =	simm.s32 $_size_execute0_lowered;
	s4 =	sadd.s32 s4, s6;
	[dreg:$0x0] =	wrdreg $0x0  }
0xa9: {  	s6 =	sshll.u32 s28, $0x1;
	[dreg:$0x2] =	wrdreg s4  }
0xaa: {  	[dreg:$0x3] =	wrdreg s6  }
0xab: {  	[dreg:$0x4] =	wrdreg $0xC0  }
0xac: {  	_ =	task [dreg:s8], $0x5FFFF  }
0xad: {  	[dreg:$0x1] =	wrdreg $0xFFFFFFFF  }
0xae: {  	[dreg:$0x0] =	wrdreg $0x60  }
0xaf: {  	[dreg:$0x2] =	wrdreg s2  }
0xb0: {  	[dreg:$0x3] =	wrdreg s24  }
0xb1: {  	[dreg:$0x4] =	wrdreg s18  }
0xb2: {  	[dreg:$0x5] =	wrdreg $0x9  }
0xb3: {  	_ =	task.clear_ibuf [dreg:s8], $0x6FFFF;
	_ =	strace $0x90000046  }
0xb4: {  	s29 =	simm.s32 $0x9;
	_ =	strace $0x80000048  }
0xb5: {  	_ =	swait.ge [sflag:s29], $0x1  }
0xb6: {  	[sflag:s29] =	ssyncadd.s32 $0xFFFFFFFF  }
0xb7: {  	_ =	strace $0x90000048  }
0xb8: {  	_ =	sfence  }
0xb9: {  	s30 =	sld [smem:$0x0];
	_ =	sdelay $0x2  }
0xba: {  	s31 =	sshll.u32 s1, $0xD;
	s1 =	sshrl.u32 s1, $0x2  }
0xbb: {  	s3 =	sand.u32 $0x4000, s31;
	s1 =	sadd.s32 s1, s30  }
0xbc: {  	s0 =	sor.u32 s3, s0;
	s1 =	sshll.u32 s1, $0x11  }
0xbd: {  	s0 =	sor.u32 s1, s0  }
0xbe: {  	s0 =	sadd.s32 $0x8F2B, s0  }
0xbf: {  	[sflag:s0] =	ssyncadd.remote.s32 $0x1  }
0xc0: {  	_ =	sfence.sel $0xFFFF  }
0xc1: {  	[dreg:$0x0] =	wrdreg $0xFFFFFFFF;
	(pc) =	sbr.abs _section_cstart, $3  }
0xc2: {  	[dreg:$0x1] =	wrdreg $0xFFFFFFFF  }
0xc3: {  	_ =	task.clear_ibuf [dreg:s8], $0x2FFFF;
	_ =	strace $0x9FFFFFFF  }
0xc4: {  	(tm) =	ssettm $0x7FFFFFFF  }
0xc5: {  	_ =	shalt  }
tec
execute0_lowered:
.L_overlay_start_1:
0x0: {  	(tag) =	ssettag $0x1  }
0x1: {  	s0 =	rddreg [dreg:$0x0]  }
0x2: {  	s1 =	rddreg [dreg:$0x1]  }
0x3: {  	s3 =	rddreg [dreg:$0x2];
	s4 =	srdreg.scid  }
0x4: {  	s7 =	stileid.u32;
	s2 =	simm.s32 $0x0;
	s23 =	simm.s32 $0x80  }
0x5: {  	s24 =	simm.s32 $0x400;
	s25 =	simm.s32 $0x100;
	s26 =	simm.s32 $0x500  }
0x6: {  	s30 =	simm.s32 $0x1;
	s31 =	simm.s32 $0x4;
	s28 =	simm.s32 $0x12100  }
0x7: {  	s29 =	simm.s32 $0x12900;
	s5 =	sand.u32 $0x1, s4;
	[smem:$0x7FF] =	sst s2  }
0x8: {  	s9 =	sshll.u32 s7, $0x1;
	_ =	strace $0x80000047;
	[dreg:$0xe] =	wrdreg s23  }
0x9: {  	s7 =	sshll.u32 s7, $0x9;
	s4 =	sor.u32 s5, s9;
	[dreg:$0xf] =	wrdreg s24  }
0xa: {  	s10 =	sand.u32 $0x1800, s7;
	s16 =	ssub.s32 $0x2, s5;
	[dreg:$0x10] =	wrdreg s25  }
0xb: {  	s7 =	sadd.s32 $0x700, s1;
	[dreg:$0x11] =	wrdreg s26;
	s26 =	simm.s32 $0x2  }
0xc: {  	s23 =	simm.s32 $0x11100;
	s24 =	simm.s32 $0x11900;
	s6 =	sshll.u32 s4, $0x7  }
0xd: {  	s4 =	sshll.u32 s4, $0xF;
	s5 =	sshrl.u32 s16, $0x1;
	s15 =	sadd.s32 s3, s6  }
0xe: {  	s8 =	sadd.s32 s0, s4;
	s11 =	sand.u32 $0x380, s6;
	[dreg:$0x7] =	wrdreg s15  }
0xf: {  	s4 =	sadd.s32 $0x400, s1;
	s12 =	sadd.s32 $0x1000, s8;
	[dreg:$0x12] =	wrdreg s8  }
0x10: {  	s14 =	sadd.s32 s6, s1;
	s13 =	sadd.s32 $0x2000, s8;
	[dreg:$0x4] =	wrdreg s12  }
0x11: {  	s3 =	ssub.s32 s16, s5;
	s17 =	sadd.s32 $0x170400, s14;
	[dreg:$0x5] =	wrdreg s13  }
0x12: {  	s5 =	sadd.s32 $0x500, s1;
	s18 =	sadd.s32 $0x3000, s8;
	[dreg:$0x8] =	wrdreg s17  }
0x13: {  	s6 =	sadd.s32 $0x600, s1;
	s19 =	sadd.s32 $0x4000, s8;
	[dreg:$0x9] =	wrdreg s18  }
0x14: {  	s16 =	simm.s32 $0xF100;
	s20 =	sadd.s32 $0x5000, s8;
	[dreg:$0xa] =	wrdreg s19  }
0x15: {  	s0 =	sor.u32 s10, s11;
	s21 =	sadd.s32 $0x6000, s8;
	[dreg:$0xb] =	wrdreg s20  }
0x16: {  	v3 =	vlaneseq.u32;
	s22 =	sadd.s32 $0x7000, s8;
	s8 =	simm.s32 $0x6;
	[dreg:$0xc] =	wrdreg s21  }
0x17: {  	v2 =	vshrl.u32 v3, $0x3;
	v0 =	vand.u32 $0x7, v3;
	s0 =	sshrl.u32 s0, $0x3;
	[dreg:$0xd] =	wrdreg s22;
	s19 =	simm.s32 $0x16900  }
0x18: {  	v63 =	vor.u32 $0x8, v3;
	[tilespmem:$0x1FFD0] =	vst v0;
	v62 =	vmul.u32 $0x8, v2;
	s20 =	simm.s32 $0x17100;
	s21 =	simm.s32 $0x17900;
	s22 =	simm.s32 $0x18100  }
0x19: {  	[tilespmem:$0x1FFF0] =	vst v63;
	s12 =	simm.s32 $0xB900;
	s17 =	simm.s32 $0xF900;
	s0 =	sadd.s32 s1, s0  }
0x1a: {  	v60 =	vimm.s32 $0x0;
	vm0 =	vmmov $0xffff;
	[tilespmem:$0x1FFE0] =	vst v62;
	s18 =	simm.s32 $0x10100;
	s1 =	smax.u32 s3, $0x1;
	[dreg:$0x6] =	wrdreg s0  }
.LBB2_1:
0x1b: {  	[dreg:$0x13] =	wrdreg s1  }
0x1c: {  	s25 =	rddreg [dreg:$0x4]  }
0x1d: {  	s3 =	rddreg [dreg:$0x12]  }
0x1e: {  	s0 =	simm.s32 $0x900;
	s10 =	rddreg [dreg:$0x5]  }
0x1f: {  	[tilespmem:s0], [sflag:$0x1] =	stream.linear.gather [hbm4b:s3+s2], $0x8000, $0x38;
	[tilespmem:$0x18900] =	vst v63  }
0x20: {  	s9 =	simm.s32 $0x8900;
	s11 =	rddreg [dreg:$0x6]  }
0x21: {  	[tilespmem:s9], [sflag:$0x2] =	stream.linear.gather [hbm4b:s25+s2], $0x8000, $0x38;
	[tilespmem:$0x18900] =	vst v63  }
0x22: {  	s14 =	rddreg [dreg:$0xe];
	s13 =	simm.s32 $0x10900  }
0x23: {  	[tilespmem:s13], [sflag:$0x3] =	stream.linear.gather [hbm4b:s10+s2], $0x8000, $0x38;
	[tilespmem:$0x18900] =	vst v63  }
0x24: {  	s15 =	rddreg [dreg:$0xf];
	s25 =	simm.s32 $0x8  }
0x25: {  	[tilespmem:s2], [sflag:$0x8] =	stream.strided.gather [hbm4b:s11+s14], $0x100, s15, s14, $0x38;
	[tilespmem:$0x18900] =	vst v63  }
0x26: {  	_ =	swait.ge [sflag:s25], $0x100  }
0x27: {  	s3 =	rddreg [dreg:$0x7];
	[sflag:s25] =	ssyncset.done $0x0  }
0x28: {  	s9 =	rddreg [dreg:$0x10];
	[sflag:s25] =	ssyncadd.s32 $0xFFFFFF00  }
0x29: {  	[tilespmem:s9], [sflag:$0x8] =	stream.linear.gather [hbm4b:s3+s2], $0x400, $0x38;
	[tilespmem:$0x18900] =	vst v63  }
0x2a: {  	_ =	swait.ge [sflag:s25], $0x400  }
0x2b: {  	[sflag:s25] =	ssyncset.done $0x0  }
0x2c: {  	[sflag:s25] =	ssyncadd.s32 $0xFFFFFC00  }
0x2d: {  	v4 =	vld [tilespmem:$0x0]  }
0x2e: {  	v6 =	vld [tilespmem:$0x100]  }
0x2f: {  	v14 =	vld [tilespmem:$0x380]  }
0x30: {  	v46 =	vld [tilespmem:$0x10]  }
0x31: {  	v48 =	vld [tilespmem:$0x400]  }
0x32: {  	v28 =	vld [tilespmem:$0x20];
	vm6 =	veq.s32 v4, $0x0  }
0x33: {  	vm4 =	veq.s32 v4, $0x1;
	vm2 =	veq.s32 v4, $0x2;
	vm5 =	veq.s32 v4, $0x3  }
0x34: {  	v6 =	vadd.s32 $0xFFFFFFFF, v6;
	vm1 =	veq.s32 v4, $0x4;
	vm3 =	veq.s32 v4, $0x5  }
0x35: {  	vm13 =	veq.s32 v4, $0x6;
	v14 =	vadd.s32 $0xFFFFFFFF, v14;
	vm7 =	veq.s32 v46, $0x0  }
0x36: {  	vm14 =	veq.s32 v46, $0x1;
	v21 =	vadd.s32 $0xFFFFFFFF, v48;
	vm15 =	veq.s32 v46, $0x4  }
0x37: {  	vm9 =	veq.s32 v46, $0x6;
	vm10 =	veq.s32 v46, $0x7;
	vm11 =	veq.s32 v28, $0x1  }
0x38: {  	v40 =	vld [tilespmem:$0x180];
	vm12 =	veq.s32 v28, $0x3;
	v5 =	vsel vm6, $0x1, v60;
	v39 =	vsel vm4, $0x1, v60  }
0x39: {  	v41 =	vld [tilespmem:$0x200];
	v7 =	vsel vm2, $0x1, v60;
	v8 =	vsel vm5, $0x1, v60;
	v11 =	vsel vm1, $0x1, v60;
	(xrf0) =	vadd.scan.msk.s32 $0xffff, v5  }
0x3a: {  	v42 =	vld [tilespmem:$0x280];
	v13 =	vsel vm3, $0x1, v60;
	v15 =	vmpcnt.ones.xlane vm6;
	v45 =	vmpcnt.ones.xlane vm4;
	(xrf0) =	vadd.scan.msk.s32 $0xffff, v39  }
0x3b: {  	v43 =	vld [tilespmem:$0x300];
	v16 =	vsel vm13, $0x1, v60;
	v17 =	vmpcnt.ones.xlane vm2;
	v50 =	vmpcnt.ones.xlane vm5;
	(xrf0) =	vadd.scan.msk.s32 $0xffff, v7  }
0x3c: {  	v20 =	vsel vm7, $0x1, v60;
	v54 =	vmpcnt.ones.xlane vm1;
	v56 =	vmpcnt.ones.xlane vm3  }
0x3d: {  	v53 =	vsel vm14, $0x1, v60;
	v59 =	vmpcnt.ones.xlane vm13;
	v2 =	vmpcnt.ones.xlane vm7;
	(xrf0) =	vadd.scan.msk.s32 $0xffff, v8  }
0x3e: {  	v23 =	vmpcnt.ones.xlane vm14;
	v29 =	vsel vm9, $0x1, v60;
	v33 =	vsel vm10, $0x1, v60;
	(xrf0) =	vadd.scan.msk.s32 $0xffff, v11  }
0x3f: {  	v5 =	vadd.s32 $0xFFFFFFFF, v40;
	v39 =	vmpcnt.ones.xlane vm15;
	v7 =	vadd.s32 $0xFFFFFFFF, v41;
	v9, _, _ =	vpop (xrf0)  }
0x40: {  	v41 =	vsel vm11, $0x1, v60;
	v8 =	vadd.s32 $0xFFFFFFFF, v42;
	v11 =	vadd.s32 $0xFFFFFFFF, v43;
	v10, _, _ =	vpop (xrf0)  }
0x41: {  	v9 =	vadd.s32 v9, v6;
	v6 =	vadd.s32 v15, v6;
	v10 =	vadd.s32 v10, v5;
	v12, _, _ =	vpop (xrf0)  }
0x42: {  	(xrf0) =	vadd.scan.msk.s32 $0xffff, v13;
	v9 =	vnsel vm6, $0x0, v9;
	v10 =	vnsel vm4, $0x0, v10;
	v44 =	vadd.s32 v12, v7  }
0x43: {  	v47, _, _ =	vpop (xrf0);
	v12 =	vadd.s32 v45, v5;
	v9 =	vadd.s32 v10, v9;
	v10 =	vnsel vm2, $0x0, v44  }
0x44: {  	v51 =	vld [tilespmem:$0x480];
	v7 =	vadd.s32 v17, v7;
	vm2 =	veq.s32 v4, $0x7;
	v49, _, _ =	vpop (xrf0);
	v9 =	vadd.s32 v10, v9  }
0x45: {  	(xrf0) =	vadd.scan.msk.s32 $0xffff, v16;
	v10 =	vadd.s32 v47, v8;
	v18 =	vsel vm2, $0x1, v60;
	v16 =	vadd.s32 v49, v11  }
0x46: {  	v1 =	vmpcnt.ones.xlane vm2;
	v8 =	vadd.s32 v50, v8;
	v11 =	vadd.s32 v54, v11  }
0x47: {  	v47 =	vmpcnt.ones.xlane vm9;
	v49 =	vadd.s32 v2, v6;
	v50 =	vsel vm12, $0x1, v60;
	(xrf0) =	vadd.scan.msk.s32 $0xffff, v18  }
0x48: {  	v19, _, _ =	vpop (xrf0);
	v54 =	vmpcnt.ones.xlane vm10;
	v10 =	vnsel vm5, $0x0, v10;
	v16 =	vnsel vm1, $0x0, v16;
	(xrf0) =	vadd.scan.msk.s32 $0xffff, v20  }
0x49: {  	v19 =	vadd.s32 v19, v14;
	vm1 =	veq.s32 v46, $0x2;
	v18 =	vadd.s32 $0xFFFFFFFF, v51  }
0x4a: {  	v14 =	vadd.s32 v56, v14;
	v9 =	vadd.s32 v10, v9;
	v52 =	vnsel vm3, $0x0, v19  }
0x4b: {  	v22 =	vsel vm1, $0x1, v60;
	vm3 =	veq.s32 v46, $0x3;
	v34 =	vmpcnt.ones.xlane vm1;
	v55, _, _ =	vpop (xrf0);
	(xrf0) =	vadd.scan.msk.s32 $0xffff, v53  }
0x4c: {  	v9 =	vadd.s32 v16, v9;
	v61 =	vsel vm3, $0x1, v60;
	v36 =	vmpcnt.ones.xlane vm3  }
0x4d: {  	v16 =	vadd.s32 v59, v21;
	v9 =	vadd.s32 v52, v9;
	v4 =	vadd.s32 v55, v21;
	v57, _, _ =	vpop (xrf0);
	(xrf0) =	vadd.scan.msk.s32 $0xffff, v22  }
0x4e: {  	v4 =	vnsel vm13, $0x0, v4;
	vm13 =	veq.s32 v28, $0x5;
	v58 =	vadd.s32 v57, v18;
	v62, _, _ =	vpop (xrf0);
	(xrf0) =	vadd.scan.msk.s32 $0xffff, v61  }
0x4f: {  	v4 =	vadd.s32 v4, v9;
	v18 =	vadd.s32 v1, v18;
	v9 =	vnsel vm2, $0x0, v58  }
0x50: {  	vm2 =	veq.s32 v46, $0x5;
	v58 =	vsel vm13, $0x1, v60;
	v0 =	vadd.s32 v9, v4  }
0x51: {  	v9 =	vadd.s32 v62, v6;
	v63, _, _ =	vpop (xrf0);
	v27 =	vsel vm2, $0x1, v60;
	v45 =	vmpcnt.ones.xlane vm2  }
0x52: {  	v62 =	vmpcnt.ones.xlane vm11;
	[tilespmem:$0x1FF90] =	vst v0;
	v0 =	vsel vm15, $0x1, v60;
	v15 =	vadd.s32 v63, v12  }
0x53: {  	v9 =	vnsel vm7, $0x0, v9;
	v12 =	vadd.s32 v23, v12;
	v63 =	vld [tilespmem:$0x30];
	(xrf0) =	vadd.scan.msk.s32 $0xffff, v0;
	v15 =	vnsel vm14, $0x0, v15;
	v26, _, _ =	vpop (xrf0)  }
0x54: {  	vm14 =	veq.s32 v28, $0x7;
	v9 =	vadd.s32 v15, v9;
	(xrf0) =	vadd.scan.msk.s32 $0xffff, v27;
	v15 =	vadd.s32 v26, v7;
	v24, _, _ =	vpop (xrf0)  }
0x55: {  	v7 =	vadd.s32 v34, v7;
	v15 =	vnsel vm1, $0x0, v15;
	v30 =	vadd.s32 v24, v8  }
0x56: {  	(xrf0) =	vadd.scan.msk.s32 $0xffff, v29;
	vm1 =	veq.s32 v28, $0x2;
	v8 =	vadd.s32 v36, v8;
	v9 =	vadd.s32 v15, v9  }
0x57: {  	v31 =	vnsel vm3, $0x0, v30;
	vm3 =	veq.s32 v28, $0x0;
	v42 =	vsel vm1, $0x1, v60  }
0x58: {  	v29 =	vmpcnt.ones.xlane vm1;
	v30 =	vmpcnt.ones.xlane vm12;
	vm8 =	veq.s32 v63, $0x3  }
0x59: {  	v9 =	vadd.s32 v31, v9;
	v38 =	vsel vm3, $0x1, v60;
	v59 =	vmpcnt.ones.xlane vm3;
	v32, _, _ =	vpop (xrf0);
	(xrf0) =	vadd.scan.msk.s32 $0xffff, v33  }
0x5a: {  	v19 =	vadd.s32 v29, v7;
	v35 =	vadd.s32 v32, v11;
	v37, _, _ =	vpop (xrf0);
	(xrf0) =	vadd.scan.msk.s32 $0xffff, v38;
	v11 =	vadd.s32 v39, v11  }
0x5b: {  	v39 =	vmpcnt.ones.xlane vm13;
	v23 =	vadd.s32 v59, v49;
	v10 =	vnsel vm15, $0x0, v35  }
0x5c: {  	v40, _, _ =	vpop (xrf0);
	(xrf0) =	vadd.scan.msk.s32 $0xffff, v41;
	vm15 =	veq.s32 v63, $0x0;
	v9 =	vadd.s32 v10, v9;
	v10 =	vadd.s32 v37, v14  }
0x5d: {  	v15 =	vadd.s32 v40, v16;
	v14 =	vadd.s32 v45, v14;
	v33 =	vsel vm15, $0x1, v60  }
0x5e: {  	v10 =	vnsel vm2, $0x0, v10;
	v43 =	vnsel vm9, $0x0, v15;
	vm2 =	veq.s32 v28, $0x4  }
0x5f: {  	v15 =	vadd.s32 v47, v16;
	v9 =	vadd.s32 v10, v9;
	v53 =	vsel vm2, $0x1, v60;
	v44, _, _ =	vpop (xrf0);
	(xrf0) =	vadd.scan.msk.s32 $0xffff, v42  }
0x60: {  	v34 =	vmpcnt.ones.xlane vm2;
	v9 =	vadd.s32 v43, v9;
	v46 =	vadd.s32 v44, v18;
	v48, _, _ =	vpop (xrf0);
	(xrf0) =	vadd.scan.msk.s32 $0xffff, v50  }
0x61: {  	v43 =	vsel vm8, $0x1, v60;
	v10 =	vnsel vm10, $0x0, v46;
	v52 =	vadd.s32 v48, v49  }
0x62: {  	v44 =	vmpcnt.ones.xlane vm14;
	v55, _, _ =	vpop (xrf0);
	v51 =	vadd.s32 v10, v9;
	v9 =	vnsel vm3, $0x0, v52  }
0x63: {  	(xrf0) =	vadd.scan.msk.s32 $0xffff, v53;
	v56 =	vadd.s32 v55, v12;
	vm3 =	veq.s32 v28, $0x6;
	v28 =	vsel vm14, $0x1, v60;
	v55 =	vld [tilespmem:$0x40]  }
0x64: {  	v10 =	vadd.s32 v54, v18;
	v12 =	vadd.s32 v62, v12;
	v62 =	vmpcnt.ones.xlane vm8  }
0x65: {  	v6 =	vnsel vm11, $0x0, v56;
	v25 =	vsel vm3, $0x1, v60;
	v41 =	vmpcnt.ones.xlane vm3;
	v57, _, _ =	vpop (xrf0)  }
0x66: {  	[tilespmem:$0x1FFA0] =	vst v51;
	v51 =	vmpcnt.ones.xlane vm15;
	v6 =	vadd.s32 v6, v9;
	v20 =	vadd.s32 v57, v7;
	v5, _, _ =	vpop (xrf0)  }
0x67: {  	v61 =	vnsel vm1, $0x0, v20;
	v26 =	vadd.s32 v5, v8;
	vm1 =	veq.s32 v63, $0x4  }
0x68: {  	(xrf0) =	vadd.scan.msk.s32 $0xffff, v58;
	v8 =	vadd.s32 v30, v8;
	vm9 =	veq.s32 v55, $0x4;
	vm10 =	veq.s32 v55, $0x6  }
0x69: {  	(xrf0) =	vadd.scan.msk.s32 $0xffff, v25;
	v27, _, _ =	vpop (xrf0);
	vm11 =	veq.s32 v55, $0x7;
	v6 =	vadd.s32 v61, v6;
	v17 =	vnsel vm12, $0x0, v26  }
0x6a: {  	v22 =	vadd.s32 v27, v11;
	vm12 =	veq.s32 v63, $0x1;
	v47 =	vsel vm1, $0x1, v60  }
0x6b: {  	(xrf0) =	vadd.scan.msk.s32 $0xffff, v28;
	v11 =	vadd.s32 v34, v11;
	v3 =	vmpcnt.ones.xlane vm1;
	v9 =	vadd.s32 v62, v8  }
0x6c: {  	v20 =	vsel vm11, $0x1, v60;
	v5 =	vmpcnt.ones.xlane vm11;
	v6 =	vadd.s32 v17, v6  }
0x6d: {  	v31 =	vnsel vm2, $0x0, v22;
	v35 =	vsel vm12, $0x1, v60;
	vm2 =	veq.s32 v63, $0x2  }
0x6e: {  	v53 =	vmpcnt.ones.xlane vm12;
	v6 =	vadd.s32 v31, v6;
	v38 =	vsel vm2, $0x1, v60;
	v32, _, _ =	vpop (xrf0)  }
0x6f: {  	v26 =	vmpcnt.ones.xlane vm2;
	(xrf0) =	vadd.scan.msk.s32 $0xffff, v33;
	v17 =	vadd.s32 v32, v14;
	v36, _, _ =	vpop (xrf0);
	v14 =	vadd.s32 v39, v14  }
0x70: {  	v39 =	vsel vm9, $0x1, v60;
	v17 =	vnsel vm13, $0x0, v17;
	v16 =	vadd.s32 v36, v15  }
0x71: {  	(xrf0) =	vadd.scan.msk.s32 $0xffff, v35;
	v37, _, _ =	vpop (xrf0);
	vm13 =	veq.s32 v63, $0x6;
	v15 =	vadd.s32 v41, v15;
	v6 =	vadd.s32 v17, v6  }
0x72: {  	(xrf0) =	vadd.scan.msk.s32 $0xffff, v38;
	v16 =	vnsel vm3, $0x0, v16;
	v17 =	vadd.s32 v37, v10;
	vm3 =	veq.s32 v63, $0x5  }
0x73: {  	v57 =	vsel vm13, $0x1, v60;
	v10 =	vadd.s32 v44, v10;
	v34 =	vmpcnt.ones.xlane vm13  }
0x74: {  	v37 =	vadd.s32 v51, v23;
	v40 =	vnsel vm14, $0x0, v17;
	vm14 =	veq.s32 v55, $0x0  }
0x75: {  	v6 =	vadd.s32 v16, v6;
	v50 =	vsel vm3, $0x1, v60;
	v41 =	vmpcnt.ones.xlane vm14;
	v25, _, _ =	vpop (xrf0);
	(xrf0) =	vadd.scan.msk.s32 $0xffff, v43  }
0x76: {  	v30 =	vmpcnt.ones.xlane vm3;
	v42 =	vadd.s32 v40, v6;
	v45 =	vadd.s32 v25, v23  }
0x77: {  	v0 =	vsel vm14, $0x1, v60;
	v46, _, _ =	vpop (xrf0);
	(xrf0) =	vadd.scan.msk.s32 $0xffff, v47;
	v22 =	vadd.s32 v41, v37;
	v16 =	vnsel vm15, $0x0, v45  }
0x78: {  	v24 =	vadd.s32 v46, v12;
	v49, _, _ =	vpop (xrf0);
	vm15 =	veq.s32 v55, $0x1;
	v12 =	vadd.s32 v53, v12;
	v45 =	vld [tilespmem:$0x50]  }
0x79: {  	(xrf0) =	vadd.scan.msk.s32 $0xffff, v50;
	v46 =	vsel vm10, $0x1, v60;
	v48 =	vnsel vm12, $0x0, v24;
	v52 =	vadd.s32 v49, v19  }
0x7a: {  	v2 =	vsel vm15, $0x1, v60;
	v19 =	vadd.s32 v26, v19;
	v44 =	vmpcnt.ones.xlane vm15  }
0x7b: {  	v16 =	vadd.s32 v48, v16;
	v54 =	vnsel vm2, $0x0, v52;
	vm2 =	veq.s32 v63, $0x7;
	v56, _, _ =	vpop (xrf0)  }
0x7c: {  	v7 =	vadd.s32 v54, v16;
	v61 =	vsel vm2, $0x1, v60;
	(xrf0) =	vadd.scan.msk.s32 $0xffff, v57;
	v16 =	vadd.s32 v56, v8  }
0x7d: {  	v40 =	vmpcnt.ones.xlane vm2;
	v59, _, _ =	vpop (xrf0);
	(xrf0) =	vadd.scan.msk.s32 $0xffff, v61;
	vm12 =	veq.s32 v45, $0x1;
	v58 =	vnsel vm8, $0x0, v16  }
0x7e: {  	v13 =	vadd.s32 v59, v11;
	v11 =	vadd.s32 v3, v11;
	v57 =	vsel vm12, $0x1, v60  }
0x7f: {  	v63, _, _ =	vpop (xrf0);
	(xrf0) =	vadd.scan.msk.s32 $0xffff, v0;
	v0 =	vmpcnt.ones.xlane vm10;
	v7 =	vadd.s32 v58, v7;
	v13 =	vnsel vm1, $0x0, v13  }
0x80: {  	v16 =	vadd.s32 v63, v14;
	vm1 =	veq.s32 v55, $0x2;
	v14 =	vadd.s32 v30, v14  }
0x81: {  	v7 =	vadd.s32 v13, v7;
	v1 =	vnsel vm3, $0x0, v16;
	v32 =	vsel vm1, $0x1, v60  }
0x82: {  	vm3 =	veq.s32 v55, $0x3;
	v50 =	vmpcnt.ones.xlane vm1;
	v7 =	vadd.s32 v1, v7;
	v29, _, _ =	vpop (xrf0);
	(xrf0) =	vadd.scan.msk.s32 $0xffff, v2  }
0x83: {  	v35 =	vsel vm3, $0x1, v60;
	v52 =	vmpcnt.ones.xlane vm3;
	v13 =	vadd.s32 v29, v15;
	v31, _, _ =	vpop (xrf0)  }
0x84: {  	(xrf0) =	vadd.scan.msk.s32 $0xffff, v32;
	v15 =	vadd.s32 v34, v15;
	v13 =	vnsel vm13, $0x0, v13;
	v33 =	vadd.s32 v31, v10  }
0x85: {  	v36, _, _ =	vpop (xrf0);
	(xrf0) =	vadd.scan.msk.s32 $0xffff, v35;
	v10 =	vadd.s32 v40, v10;
	vm13 =	veq.s32 v45, $0x3;
	v35 =	vmpcnt.ones.xlane vm12  }
0x86: {  	v7 =	vadd.s32 v13, v7;
	v13 =	vnsel vm2, $0x0, v33;
	vm2 =	veq.s32 v55, $0x5  }
0x87: {  	v55 =	vmpcnt.ones.xlane vm9;
	v2 =	vsel vm13, $0x1, v60;
	v7 =	vadd.s32 v13, v7  }
0x88: {  	[tilespmem:$0x1FFB0] =	vst v42;
	v13 =	vadd.s32 v36, v37;
	v43 =	vsel vm2, $0x1, v60;
	v62 =	vmpcnt.ones.xlane vm2;
	v38, _, _ =	vpop (xrf0)  }
0x89: {  	v13 =	vnsel vm14, $0x0, v13;
	vm14 =	veq.s32 v45, $0x5;
	(xrf0) =	vadd.scan.msk.s32 $0xffff, v39;
	v18 =	vadd.s32 v38, v12  }
0x8a: {  	v32 =	vsel vm14, $0x1, v60;
	v42, _, _ =	vpop (xrf0);
	(xrf0) =	vadd.scan.msk.s32 $0xffff, v43;
	v12 =	vadd.s32 v44, v12;
	v18 =	vnsel vm15, $0x0, v18  }
0x8b: {  	v44 =	vmpcnt.ones.xlane vm13;
	v27, _, _ =	vpop (xrf0);
	vm15 =	veq.s32 v45, $0x7;
	v13 =	vadd.s32 v18, v13  }
0x8c: {  	(xrf0) =	vadd.scan.msk.s32 $0xffff, v46;
	v18 =	vadd.s32 v42, v19;
	v47 =	vadd.s32 v27, v9;
	v19 =	vadd.s32 v50, v19  }
0x8d: {  	v41 =	vsel vm15, $0x1, v60;
	v18 =	vnsel vm1, $0x0, v18;
	v48 =	vnsel vm3, $0x0, v47  }
0x8e: {  	vm3 =	veq.s32 v45, $0x0;
	vm1 =	veq.s32 v45, $0x2;
	v13 =	vadd.s32 v18, v13  }
0x8f: {  	v54 =	vsel vm3, $0x1, v60;
	v58 =	vsel vm1, $0x1, v60;
	v33 =	vmpcnt.ones.xlane vm3;
	v49, _, _ =	vpop (xrf0);
	(xrf0) =	vadd.scan.msk.s32 $0xffff, v20  }
0x90: {  	v18 =	vadd.s32 v52, v9;
	v42 =	vmpcnt.ones.xlane vm1;
	v51 =	vadd.s32 v49, v11;
	v53, _, _ =	vpop (xrf0);
	(xrf0) =	vadd.scan.msk.s32 $0xffff, v54  }
0x91: {  	v8 =	vadd.s32 v48, v13;
	v11 =	vadd.s32 v55, v11;
	v13 =	vnsel vm9, $0x0, v51  }
0x92: {  	v56, _, _ =	vpop (xrf0);
	(xrf0) =	vadd.scan.msk.s32 $0xffff, v57;
	v57 =	vmpcnt.ones.xlane vm15;
	v8 =	vadd.s32 v13, v8;
	v13 =	vadd.s32 v53, v14  }
0x93: {  	v16 =	vadd.s32 v56, v15;
	v14 =	vadd.s32 v62, v14;
	v15 =	vadd.s32 v0, v15  }
0x94: {  	v53 =	vmpcnt.ones.xlane vm14;
	v13 =	vnsel vm2, $0x0, v13;
	vm2 =	veq.s32 v45, $0x4  }
0x95: {  	v59 =	vnsel vm10, $0x0, v16;
	v8 =	vadd.s32 v13, v8;
	v4 =	vsel vm2, $0x1, v60;
	v61, _, _ =	vpop (xrf0);
	(xrf0) =	vadd.scan.msk.s32 $0xffff, v58  }
0x96: {  	v36 =	vld [tilespmem:$0x60];
	v48 =	vmpcnt.ones.xlane vm2;
	v8 =	vadd.s32 v59, v8;
	v63 =	vadd.s32 v61, v10;
	v1, _, _ =	vpop (xrf0)  }
0x97: {  	(xrf0) =	vadd.scan.msk.s32 $0xffff, v2;
	v10 =	vadd.s32 v5, v10;
	v13 =	vnsel vm11, $0x0, v63;
	v3 =	vadd.s32 v1, v22  }
0x98: {  	v6, _, _ =	vpop (xrf0);
	(xrf0) =	vadd.scan.msk.s32 $0xffff, v4;
	v22 =	vadd.s32 v33, v22;
	v4 =	vld [tilespmem:$0x70];
	v24 =	vadd.s32 v57, v10;
	v8 =	vadd.s32 v13, v8  }
0x99: {  	v13 =	vnsel vm3, $0x0, v3;
	v28 =	vadd.s32 v6, v12;
	vm3 =	veq.s32 v45, $0x6  }
0x9a: {  	v12 =	vadd.s32 v35, v12;
	v30 =	vnsel vm12, $0x0, v28;
	v38 =	vsel vm3, $0x1, v60  }
0x9b: {  	vm12 =	veq.s32 v36, $0x0;
	v55 =	vmpcnt.ones.xlane vm3;
	v13 =	vadd.s32 v30, v13;
	v29, _, _ =	vpop (xrf0)  }
0x9c: {  	v47 =	vsel vm12, $0x1, v60;
	v1 =	vmpcnt.ones.xlane vm12;
	v31 =	vadd.s32 v29, v19  }
0x9d: {  	v37, _, _ =	vpop (xrf0);
	v19 =	vadd.s32 v42, v19;
	vm9 =	veq.s32 v4, $0x0;
	vm10 =	veq.s32 v4, $0x1  }
0x9e: {  	vm11 =	veq.s32 v4, $0x2;
	v34 =	vnsel vm1, $0x0, v31;
	v39 =	vadd.s32 v37, v18  }
0x9f: {  	(xrf0) =	vadd.scan.msk.s32 $0xffff, v32;
	v40, _, _ =	vpop (xrf0);
	vm1 =	veq.s32 v36, $0x4;
	v37 =	vsel vm9, $0x1, v60;
	v30 =	vmpcnt.ones.xlane vm10  }
0xa0: {  	(xrf0) =	vadd.scan.msk.s32 $0xffff, v38;
	v13 =	vadd.s32 v34, v13;
	v25 =	vnsel vm13, $0x0, v39;
	v26 =	vadd.s32 v40, v11  }
0xa1: {  	vm13 =	veq.s32 v36, $0x1;
	v61 =	vsel vm1, $0x1, v60;
	v11 =	vadd.s32 v48, v11  }
0xa2: {  	(xrf0) =	vadd.scan.msk.s32 $0xffff, v41;
	v39 =	vsel vm10, $0x1, v60;
	v40 =	vmpcnt.ones.xlane vm1;
	v43 =	vadd.s32 v25, v13  }
0xa3: {  	v45 =	vnsel vm2, $0x0, v26;
	v49 =	vsel vm13, $0x1, v60;
	vm2 =	veq.s32 v36, $0x2  }
0xa4: {  	(xrf0) =	vadd.scan.msk.s32 $0xffff, v47;
	v3 =	vmpcnt.ones.xlane vm13;
	v13 =	vadd.s32 v44, v18;
	v44 =	vsel vm11, $0x1, v60  }
0xa5: {  	v9 =	vadd.s32 v45, v43;
	v52 =	vsel vm2, $0x1, v60;
	v29 =	vmpcnt.ones.xlane vm2;
	v46, _, _ =	vpop (xrf0)  }
0xa6: {  	v25 =	vadd.s32 v40, v11;
	v17 =	vadd.s32 v46, v14;
	v50, _, _ =	vpop (xrf0);
	v14 =	vadd.s32 v53, v14  }
0xa7: {  	v53 =	vmpcnt.ones.xlane vm9;
	v17 =	vnsel vm14, $0x0, v17;
	v16 =	vadd.s32 v50, v15  }
0xa8: {  	(xrf0) =	vadd.scan.msk.s32 $0xffff, v49;
	v51, _, _ =	vpop (xrf0);
	vm14 =	veq.s32 v36, $0x3;
	v15 =	vadd.s32 v55, v15;
	v9 =	vadd.s32 v17, v9  }
0xa9: {  	v16 =	vnsel vm3, $0x0, v16;
	v17 =	vadd.s32 v51, v10;
	v56 =	vsel vm14, $0x1, v60  }
0xaa: {  	(xrf0) =	vadd.scan.msk.s32 $0xffff, v52;
	v28, _, _ =	vpop (xrf0);
	vm3 =	veq.s32 v36, $0x5;
	v35 =	vmpcnt.ones.xlane vm14;
	v9 =	vadd.s32 v16, v9  }
0xab: {  	v54 =	vnsel vm15, $0x0, v17;
	v58 =	vadd.s32 v28, v22;
	v0 =	vsel vm3, $0x1, v60  }
0xac: {  	vm15 =	veq.s32 v36, $0x6;
	v42 =	vmpcnt.ones.xlane vm3;
	v22 =	vadd.s32 v1, v22  }
0xad: {  	(xrf0) =	vadd.scan.msk.s32 $0xffff, v56;
	v9 =	vadd.s32 v54, v9;
	v16 =	vnsel vm12, $0x0, v58;
	v6 =	vsel vm15, $0x1, v60  }
0xae: {  	v46 =	vmpcnt.ones.xlane vm15;
	vm12 =	veq.s32 v4, $0x5;
	v20 =	vadd.s32 v53, v22;
	v59, _, _ =	vpop (xrf0)  }
0xaf: {  	(xrf0) =	vadd.scan.msk.s32 $0xffff, v61;
	v55 =	vsel vm12, $0x1, v60;
	v27 =	vadd.s32 v59, v12;
	v12 =	vadd.s32 v3, v12  }
0xb0: {  	v59 =	vmpcnt.ones.xlane vm11;
	v62 =	vnsel vm13, $0x0, v27;
	v63, _, _ =	vpop (xrf0);
	vm13 =	veq.s32 v4, $0x7  }
0xb1: {  	v56 =	vld [tilespmem:$0x80];
	(xrf0) =	vadd.scan.msk.s32 $0xffff, v0;
	v30 =	vadd.s32 v30, v12;
	v16 =	vadd.s32 v62, v16;
	v2 =	vadd.s32 v63, v19  }
0xb2: {  	v19 =	vadd.s32 v29, v19;
	v27 =	vsel vm13, $0x1, v60;
	v23 =	vnsel vm2, $0x0, v2  }
0xb3: {  	v5, _, _ =	vpop (xrf0);
	(xrf0) =	vadd.scan.msk.s32 $0xffff, v6;
	vm2 =	veq.s32 v36, $0x7;
	v6 =	vmpcnt.ones.xlane vm12;
	v16 =	vadd.s32 v23, v16  }
0xb4: {  	v23 =	vadd.s32 v5, v13;
	v34 =	vsel vm2, $0x1, v60;
	v52 =	vmpcnt.ones.xlane vm2  }
0xb5: {  	v13 =	vadd.s32 v35, v13;
	v35 =	vmpcnt.ones.xlane vm13;
	v32 =	vnsel vm14, $0x0, v23;
	v33, _, _ =	vpop (xrf0)  }
0xb6: {  	(xrf0) =	vadd.scan.msk.s32 $0xffff, v34;
	vm14 =	veq.s32 v56, $0x0;
	v16 =	vadd.s32 v32, v16;
	v21 =	vadd.s32 v33, v11  }
0xb7: {  	v63 =	vsel vm14, $0x1, v60;
	v21 =	vnsel vm1, $0x0, v21;
	v36, _, _ =	vpop (xrf0);
	vm1 =	veq.s32 v4, $0x3  }
0xb8: {  	(xrf0) =	vadd.scan.msk.s32 $0xffff, v37;
	v37 =	vmpcnt.ones.xlane vm14;
	v23 =	vadd.s32 v36, v14;
	v16 =	vadd.s32 v21, v16  }
0xb9: {  	v48 =	vsel vm1, $0x1, v60;
	v0 =	vmpcnt.ones.xlane vm1;
	v14 =	vadd.s32 v42, v14  }
0xba: {  	v38 =	vnsel vm3, $0x0, v23;
	v41, _, _ =	vpop (xrf0);
	(xrf0) =	vadd.scan.msk.s32 $0xffff, v39;
	vm3 =	veq.s32 v4, $0x4;
	v18 =	vadd.s32 v6, v14  }
0xbb: {  	v16 =	vadd.s32 v38, v16;
	v21 =	vadd.s32 v41, v15;
	v51 =	vsel vm3, $0x1, v60  }
0xbc: {  	v2 =	vmpcnt.ones.xlane vm3;
	v15 =	vadd.s32 v46, v15;
	v21 =	vnsel vm15, $0x0, v21;
	v43, _, _ =	vpop (xrf0)  }
0xbd: {  	(xrf0) =	vadd.scan.msk.s32 $0xffff, v44;
	vm15 =	veq.s32 v56, $0x1;
	v16 =	vadd.s32 v21, v16;
	v45 =	vadd.s32 v43, v24  }
0xbe: {  	v24 =	vadd.s32 v52, v24;
	v42 =	vmpcnt.ones.xlane vm15;
	v17 =	vadd.s32 v2, v25  }
0xbf: {  	v47 =	vnsel vm2, $0x0, v45;
	v49, _, _ =	vpop (xrf0);
	(xrf0) =	vadd.scan.msk.s32 $0xffff, v48;
	vm2 =	veq.s32 v4, $0x6;
	v4 =	vsel vm15, $0x1, v60  }
0xc0: {  	v10 =	vadd.s32 v47, v16;
	v16 =	vadd.s32 v49, v22;
	v58 =	vsel vm2, $0x1, v60;
	v50, _, _ =	vpop (xrf0)  }
0xc1: {  	v34 =	vmpcnt.ones.xlane vm2;
	v22 =	vadd.s32 v42, v30;
	(xrf0) =	vadd.scan.msk.s32 $0xffff, v51;
	v21 =	vadd.s32 v50, v12  }
0xc2: {  	v16 =	vnsel vm9, $0x0, v16;
	vm9 =	veq.s32 v56, $0x2;
	v21 =	vnsel vm10, $0x0, v21  }
0xc3: {  	v46 =	vmpcnt.ones.xlane vm9;
	v54, _, _ =	vpop (xrf0);
	vm10 =	veq.s32 v56, $0x4;
	v16 =	vadd.s32 v21, v16  }
0xc4: {  	(xrf0) =	vadd.scan.msk.s32 $0xffff, v55;
	v21 =	vadd.s32 v54, v19;
	v39 =	vsel vm10, $0x1, v60;
	v19 =	vadd.s32 v59, v19  }
0xc5: {  	v55 =	vmpcnt.ones.xlane vm10;
	v21 =	vnsel vm11, $0x0, v21;
	v57, _, _ =	vpop (xrf0);
	vm11 =	veq.s32 v56, $0x6  }
0xc6: {  	(xrf0) =	vadd.scan.msk.s32 $0xffff, v58;
	v58 =	vadd.s32 v34, v15;
	v16 =	vadd.s32 v21, v16;
	v28 =	vadd.s32 v57, v13  }
0xc7: {  	v34 =	vld [tilespmem:$0xA0];
	v45 =	vsel vm11, $0x1, v60;
	v61 =	vnsel vm1, $0x0, v28;
	v62, _, _ =	vpop (xrf0);
	v28 =	vsel vm9, $0x1, v60  }
0xc8: {  	v41 =	vld [tilespmem:$0x90];
	(xrf0) =	vadd.scan.msk.s32 $0xffff, v27;
	vm1 =	veq.s32 v56, $0x3;
	v27 =	vadd.s32 v0, v13;
	v11 =	vadd.s32 v62, v25  }
0xc9: {  	v16 =	vadd.s32 v61, v16;
	v33 =	vsel vm1, $0x1, v60;
	v52 =	vmpcnt.ones.xlane vm1  }
0xca: {  	v25 =	vadd.s32 v55, v17;
	v11 =	vnsel vm3, $0x0, v11;
	v1, _, _ =	vpop (xrf0);
	vm3 =	veq.s32 v56, $0x5  }
0xcb: {  	(xrf0) =	vadd.scan.msk.s32 $0xffff, v63;
	v11 =	vadd.s32 v11, v16;
	v16 =	vadd.s32 v1, v14;
	v40 =	vsel vm3, $0x1, v60  }
0xcc: {  	v59 =	vmpcnt.ones.xlane vm3;
	vm5 =	veq.s32 v34, $0x3;
	v16 =	vnsel vm12, $0x0, v16;
	v3, _, _ =	vpop (xrf0)  }
0xcd: {  	vm12 =	veq.s32 v41, $0x0;
	v11 =	vadd.s32 v16, v11;
	v5 =	vadd.s32 v3, v15  }
0xce: {  	(xrf0) =	vadd.scan.msk.s32 $0xffff, v4;
	v49 =	vsel vm12, $0x1, v60;
	v26 =	vadd.s32 v59, v18;
	v16 =	vnsel vm2, $0x0, v5;
	v31, _, _ =	vpop (xrf0)  }
0xcf: {  	vm2 =	veq.s32 v56, $0x7;
	v11 =	vadd.s32 v16, v11;
	v16 =	vadd.s32 v31, v24  }
0xd0: {  	(xrf0) =	vadd.scan.msk.s32 $0xffff, v28;
	v47 =	vsel vm2, $0x1, v60;
	v24 =	vadd.s32 v35, v24;
	v5 =	vmpcnt.ones.xlane vm2  }
0xd1: {  	v32, _, _ =	vpop (xrf0);
	v16 =	vnsel vm13, $0x0, v16;
	(xrf0) =	vadd.scan.msk.s32 $0xffff, v33;
	vm13 =	veq.s32 v41, $0x1;
	v33 =	vmpcnt.ones.xlane vm12  }
0xd2: {  	v23 =	vadd.s32 v32, v20;
	v11 =	vadd.s32 v16, v11;
	v51 =	vsel vm13, $0x1, v60  }
0xd3: {  	v32 =	vmpcnt.ones.xlane vm11;
	v20 =	vadd.s32 v37, v20;
	v6 =	vmpcnt.ones.xlane vm13  }
0xd4: {  	(xrf0) =	vadd.scan.msk.s32 $0xffff, v39;
	v36 =	vnsel vm14, $0x0, v23;
	v38, _, _ =	vpop (xrf0);
	vm14 =	veq.s32 v41, $0x3;
	v33 =	vadd.s32 v33, v20  }
0xd5: {  	(xrf0) =	vadd.scan.msk.s32 $0xffff, v40;
	v12 =	vadd.s32 v38, v30;
	v1 =	vsel vm14, $0x1, v60;
	v32 =	vadd.s32 v32, v58  }
0xd6: {  	v30 =	vadd.s32 v5, v24;
	v12 =	vnsel vm15, $0x0, v12;
	v31, _, _ =	vpop (xrf0);
	vm15 =	veq.s32 v41, $0x4  }
0xd7: {  	(xrf0) =	vadd.scan.msk.s32 $0xffff, v45;
	v12 =	vadd.s32 v12, v36;
	v31 =	vadd.s32 v31, v19;
	v4 =	vsel vm15, $0x1, v60  }
0xd8: {  	v43 =	vnsel vm9, $0x0, v31;
	v44, _, _ =	vpop (xrf0);
	v31 =	vadd.s32 v46, v19;
	vm9 =	veq.s32 v41, $0x5  }
0xd9: {  	v46 =	vmpcnt.ones.xlane vm14;
	v12 =	vadd.s32 v43, v12;
	v13 =	vadd.s32 v44, v27  }
0xda: {  	(xrf0) =	vadd.scan.msk.s32 $0xffff, v47;
	v48, _, _ =	vpop (xrf0);
	v38 =	vsel vm9, $0x1, v60;
	v27 =	vadd.s32 v52, v27;
	v13 =	vnsel vm1, $0x0, v13  }
0xdb: {  	v21 =	vadd.s32 v48, v17;
	v50, _, _ =	vpop (xrf0);
	vm1 =	veq.s32 v41, $0x2;
	v48 =	vmpcnt.ones.xlane vm15  }
0xdc: {  	v12 =	vadd.s32 v13, v12;
	v53 =	vnsel vm10, $0x0, v21;
	v54 =	vadd.s32 v50, v18  }
0xdd: {  	(xrf0) =	vadd.scan.msk.s32 $0xffff, v49;
	v57, _, _ =	vpop (xrf0);
	v61 =	vsel vm1, $0x1, v60;
	vm10 =	veq.s32 v41, $0x6;
	v42 =	vmpcnt.ones.xlane vm1  }
0xde: {  	(xrf0) =	vadd.scan.msk.s32 $0xffff, v51;
	v12 =	vadd.s32 v53, v12;
	v56 =	vnsel vm3, $0x0, v54;
	v13 =	vadd.s32 v57, v58  }
0xdf: {  	v39 =	vsel vm10, $0x1, v60;
	vm3 =	veq.s32 v41, $0x7;
	v54 =	vmpcnt.ones.xlane vm9  }
0xe0: {  	v62, _, _ =	vpop (xrf0);
	v36 =	vmpcnt.ones.xlane vm10;
	v57 =	vsel vm5, $0x1, v60;
	v12 =	vadd.s32 v56, v12  }
0xe1: {  	(xrf0) =	vadd.scan.msk.s32 $0xffff, v61;
	v13 =	vnsel vm11, $0x0, v13;
	v63 =	vadd.s32 v62, v24;
	v41 =	vsel vm3, $0x1, v60  }
0xe2: {  	vm11 =	veq.s32 v34, $0x2;
	v29 =	vadd.s32 v42, v31;
	v42 =	vadd.s32 v46, v27  }
0xe3: {  	v0, _, _ =	vpop (xrf0);
	v14 =	vnsel vm2, $0x0, v63;
	vm2 =	veq.s32 v34, $0x1;
	v52 =	vsel vm11, $0x1, v60  }
0xe4: {  	v12 =	vadd.s32 v13, v12;
	v15 =	vadd.s32 v0, v20;
	v47 =	vsel vm2, $0x1, v60;
	v2, _, _ =	vpop (xrf0);
	(xrf0) =	vadd.scan.msk.s32 $0xffff, v1  }
0xe5: {  	v15 =	vnsel vm12, $0x0, v15;
	vm12 =	veq.s32 v34, $0x4;
	v3 =	vadd.s32 v2, v22;
	(xrf0) =	vadd.scan.msk.s32 $0xffff, v4  }
0xe6: {  	v12 =	vadd.s32 v14, v12;
	v58 =	vsel vm12, $0x1, v60;
	v16 =	vnsel vm13, $0x0, v3  }
0xe7: {  	v37, _, _ =	vpop (xrf0);
	(xrf0) =	vadd.scan.msk.s32 $0xffff, v38;
	v38 =	vadd.s32 v6, v22;
	vm13 =	veq.s32 v34, $0x6;
	v6 =	vmpcnt.ones.xlane vm5  }
0xe8: {  	v15 =	vadd.s32 v16, v15;
	v16 =	vadd.s32 v37, v31;
	(xrf0) =	vadd.scan.msk.s32 $0xffff, v39;
	v39 =	vmpcnt.ones.xlane vm3  }
0xe9: {  	v0 =	vsel vm13, $0x1, v60;
	v16 =	vnsel vm1, $0x0, v16;
	vm1 =	veq.s32 v34, $0x0  }
0xea: {  	v31 =	vld [tilespmem:$0xB0];
	v15 =	vadd.s32 v16, v15;
	v45 =	vsel vm1, $0x1, v60;
	v1 =	vmpcnt.ones.xlane vm1;
	v35, _, _ =	vpop (xrf0)  }
0xeb: {  	v39 =	vadd.s32 v39, v30;
	(xrf0) =	vadd.scan.msk.s32 $0xffff, v41;
	v41 =	vmpcnt.ones.xlane vm11;
	v40 =	vadd.s32 v35, v27;
	v44, _, _ =	vpop (xrf0)  }
0xec: {  	(xrf0) =	vadd.scan.msk.s32 $0xffff, v45;
	v45 =	vmpcnt.ones.xlane vm13;
	v43 =	vnsel vm14, $0x0, v40;
	v16 =	vadd.s32 v44, v25  }
0xed: {  	v40 =	vmpcnt.ones.xlane vm2;
	vm14 =	veq.s32 v34, $0x7;
	v44 =	vadd.s32 v54, v26  }
0xee: {  	v49, _, _ =	vpop (xrf0);
	(xrf0) =	vadd.scan.msk.s32 $0xffff, v47;
	v41 =	vadd.s32 v41, v29;
	v15 =	vadd.s32 v43, v15;
	v16 =	vnsel vm15, $0x0, v16  }
0xef: {  	v50 =	vadd.s32 v49, v26;
	v51, _, _ =	vpop (xrf0);
	v4 =	vsel vm14, $0x1, v60;
	vm15 =	veq.s32 v31, $0x0  }
0xf0: {  	v43 =	vmpcnt.ones.xlane vm12;
	v17 =	vnsel vm9, $0x0, v50;
	v18 =	vadd.s32 v51, v32  }
0xf1: {  	v5 =	vsel vm15, $0x1, v60;
	v32 =	vadd.s32 v36, v32;
	v46 =	vmpcnt.ones.xlane vm15;
	v53, _, _ =	vpop (xrf0)  }
0xf2: {  	v19 =	vnsel vm10, $0x0, v18;
	v45 =	vadd.s32 v45, v32;
	(xrf0) =	vadd.scan.msk.s32 $0xffff, v52;
	v55 =	vadd.s32 v53, v30;
	v56, _, _ =	vpop (xrf0)  }
0xf3: {  	(xrf0) =	vadd.scan.msk.s32 $0xffff, v57;
	v18 =	vnsel vm3, $0x0, v55;
	v21 =	vadd.s32 v56, v33;
	vm3 =	veq.s32 v34, $0x5  }
0xf4: {  	v37, _, _ =	vpop (xrf0);
	v34 =	vadd.s32 v48, v25;
	v33 =	vadd.s32 v1, v33;
	v21 =	vnsel vm1, $0x0, v21  }
0xf5: {  	(xrf0) =	vadd.scan.msk.s32 $0xffff, v58;
	v22 =	vadd.s32 v37, v38;
	v62 =	vsel vm3, $0x1, v60;
	vm1 =	veq.s32 v31, $0x1  }
0xf6: {  	v57 =	vmpcnt.ones.xlane vm3;
	v38 =	vadd.s32 v40, v38;
	v40 =	vld [tilespmem:$0xC0];
	v43 =	vadd.s32 v43, v34  }
0xf7: {  	v46 =	vadd.s32 v46, v33;
	v59 =	vnsel vm2, $0x0, v22;
	(xrf0) =	vadd.scan.msk.s32 $0xffff, v62;
	v47 =	vmpcnt.ones.xlane vm1  }
0xf8: {  	v54 =	vsel vm1, $0x1, v60;
	vm2 =	veq.s32 v31, $0x3;
	v20 =	vadd.s32 v59, v21;
	v61, _, _ =	vpop (xrf0)  }
0xf9: {  	v49 =	vmpcnt.ones.xlane vm2;
	(xrf0) =	vadd.scan.msk.s32 $0xffff, v0;
	v47 =	vadd.s32 v47, v38;
	v22 =	vadd.s32 v61, v29;
	v2, _, _ =	vpop (xrf0)  }
0xfa: {  	v61 =	vsel vm2, $0x1, v60;
	v63 =	vnsel vm11, $0x0, v22;
	v21 =	vadd.s32 v2, v42  }
0xfb: {  	(xrf0) =	vadd.scan.msk.s32 $0xffff, v4;
	v3, _, _ =	vpop (xrf0);
	v42 =	vadd.s32 v6, v42;
	vm9 =	veq.s32 v40, $0x2;
	v20 =	vadd.s32 v63, v20  }
0xfc: {  	(xrf0) =	vadd.scan.msk.s32 $0xffff, v5;
	v25 =	vadd.s32 v3, v34;
	v22 =	vnsel vm5, $0x0, v21;
	v63 =	vmpcnt.ones.xlane vm14  }
0xfd: {  	v49 =	vadd.s32 v49, v42;
	v21 =	vnsel vm12, $0x0, v25;
	v52, _, _ =	vpop (xrf0);
	vm12 =	veq.s32 v31, $0x2  }
0xfe: {  	v20 =	vadd.s32 v22, v20;
	v23 =	vadd.s32 v52, v44;
	v56 =	vsel vm12, $0x1, v60  }
0xff: {  	v48 =	vmpcnt.ones.xlane vm12;
	v44 =	vadd.s32 v57, v44;
	v22 =	vadd.s32 v21, v20;
	v53, _, _ =	vpop (xrf0)  }
0x100: {  	(xrf0) =	vadd.scan.msk.s32 $0xffff, v54;
	v24 =	vnsel vm3, $0x0, v23;
	vm3 =	veq.s32 v31, $0x5;
	v55 =	vadd.s32 v53, v32  }
0x101: {  	(xrf0) =	vadd.scan.msk.s32 $0xffff, v56;
	v58, _, _ =	vpop (xrf0);
	v2 =	vsel vm3, $0x1, v60;
	v51 =	vmpcnt.ones.xlane vm3;
	v48 =	vadd.s32 v48, v41  }
0x102: {  	v14 =	vadd.s32 v24, v22;
	v23 =	vnsel vm13, $0x0, v55;
	v59, _, _ =	vpop (xrf0);
	vm13 =	veq.s32 v31, $0x4  }
0x103: {  	(xrf0) =	vadd.scan.msk.s32 $0xffff, v61;
	v25 =	vadd.s32 v58, v39;
	v55 =	vsel vm9, $0x1, v60;
	v26 =	vadd.s32 v59, v33  }
0x104: {  	v62 =	vsel vm13, $0x1, v60;
	v25 =	vnsel vm14, $0x0, v25;
	vm14 =	veq.s32 v31, $0x6  }
0x105: {  	v50 =	vmpcnt.ones.xlane vm13;
	v51 =	vadd.s32 v51, v44;
	v14 =	vadd.s32 v23, v14;
	(xrf0) =	vadd.scan.msk.s32 $0xffff, v62  }
0x106: {  	v26 =	vnsel vm15, $0x0, v26;
	v0, _, _ =	vpop (xrf0);
	v4 =	vsel vm14, $0x1, v60;
	vm15 =	veq.s32 v40, $0x0;
	(xrf0) =	vadd.scan.msk.s32 $0xffff, v2  }
0x107: {  	v14 =	vadd.s32 v25, v14;
	v27 =	vadd.s32 v0, v38;
	v35 =	vsel vm15, $0x1, v60;
	v1, _, _ =	vpop (xrf0);
	(xrf0) =	vadd.scan.msk.s32 $0xffff, v4  }
0x108: {  	v50 =	vadd.s32 v50, v43;
	v28 =	vnsel vm1, $0x0, v27;
	vm1 =	veq.s32 v31, $0x7  }
0x109: {  	v3 =	vadd.s32 v1, v41;
	v5, _, _ =	vpop (xrf0);
	v31 =	vsel vm1, $0x1, v60;
	v24 =	vadd.s32 v28, v26  }
0x10a: {  	v27 =	vnsel vm12, $0x0, v3;
	v29 =	vadd.s32 v5, v42;
	(xrf0) =	vadd.scan.msk.s32 $0xffff, v31;
	vm12 =	veq.s32 v40, $0x1  }
0x10b: {  	v30 =	vnsel vm2, $0x0, v29;
	v54 =	vsel vm12, $0x1, v60;
	vm2 =	veq.s32 v40, $0x3;
	v6, _, _ =	vpop (xrf0);
	(xrf0) =	vadd.scan.msk.s32 $0xffff, v35  }
0x10c: {  	v58 =	vsel vm2, $0x1, v60;
	v34 =	vadd.s32 v6, v43;
	v52, _, _ =	vpop (xrf0);
	(xrf0) =	vadd.scan.msk.s32 $0xffff, v54;
	v54 =	vmpcnt.ones.xlane vm1  }
0x10d: {  	v29 =	vnsel vm13, $0x0, v34;
	v53, _, _ =	vpop (xrf0);
	v31 =	vadd.s32 v52, v44;
	v52 =	vmpcnt.ones.xlane vm14  }
0x10e: {  	(xrf0) =	vadd.scan.msk.s32 $0xffff, v55;
	vm13 =	veq.s32 v40, $0x4;
	v55 =	vmpcnt.ones.xlane vm15;
	v34 =	vadd.s32 v53, v45  }
0x10f: {  	v32 =	vnsel vm3, $0x0, v31;
	v53 =	vadd.s32 v63, v39;
	v59 =	vsel vm13, $0x1, v60  }
0x110: {  	vm3 =	veq.s32 v40, $0x7;
	v31 =	vnsel vm14, $0x0, v34;
	vm14 =	veq.s32 v40, $0x5  }
0x111: {  	v56, _, _ =	vpop (xrf0);
	(xrf0) =	vadd.scan.msk.s32 $0xffff, v58;
	v58 =	vmpcnt.ones.xlane vm9;
	v3 =	vsel vm3, $0x1, v60;
	v52 =	vadd.s32 v52, v45  }
0x112: {  	v34 =	vadd.s32 v56, v53;
	v63 =	vsel vm14, $0x1, v60;
	v53 =	vadd.s32 v54, v53  }
0x113: {  	v56 =	vld [tilespmem:$0xD0];
	v54 =	vadd.s32 v55, v46;
	v57, _, _ =	vpop (xrf0);
	v33 =	vnsel vm1, $0x0, v34;
	vm1 =	veq.s32 v40, $0x6  }
0x114: {  	(xrf0) =	vadd.scan.msk.s32 $0xffff, v59;
	v59 =	vmpcnt.ones.xlane vm2;
	v58 =	vadd.s32 v58, v48;
	v35 =	vadd.s32 v57, v46  }
0x115: {  	v61, _, _ =	vpop (xrf0);
	v57 =	vmpcnt.ones.xlane vm12;
	v0 =	vsel vm1, $0x1, v60;
	v55 =	vmpcnt.ones.xlane vm1  }
0x116: {  	v34 =	vnsel vm15, $0x0, v35;
	v35 =	vadd.s32 v61, v47;
	v62, _, _ =	vpop (xrf0);
	v61 =	vmpcnt.ones.xlane vm14  }
0x117: {  	(xrf0) =	vadd.scan.msk.s32 $0xffff, v63;
	v59 =	vadd.s32 v59, v49;
	v35 =	vnsel vm12, $0x0, v35;
	v36 =	vadd.s32 v62, v48  }
0x118: {  	v57 =	vadd.s32 v57, v47;
	v36 =	vnsel vm9, $0x0, v36;
	v1, _, _ =	vpop (xrf0);
	(xrf0) =	vadd.scan.msk.s32 $0xffff, v0;
	vm15 =	veq.s32 v56, $0x0  }
0x119: {  	v0 =	vmpcnt.ones.xlane vm13;
	vm12 =	veq.s32 v56, $0x1;
	v34 =	vadd.s32 v35, v34;
	(xrf0) =	vadd.scan.msk.s32 $0xffff, v3  }
0x11a: {  	v38 =	vadd.s32 v1, v49;
	v4 =	vsel vm15, $0x1, v60;
	v6 =	vsel vm12, $0x1, v60;
	v2, _, _ =	vpop (xrf0)  }
0x11b: {  	v46 =	vmpcnt.ones.xlane vm12;
	v49 =	vld [tilespmem:$0xF0];
	v38 =	vnsel vm2, $0x0, v38;
	(xrf0) =	vadd.scan.msk.s32 $0xffff, v4;
	v37 =	vadd.s32 v2, v50  }
0x11c: {  	vm2 =	veq.s32 v56, $0x3;
	v37 =	vnsel vm13, $0x0, v37;
	vm13 =	veq.s32 v56, $0x2  }
0x11d: {  	v4 =	vmpcnt.ones.xlane vm15;
	v5, _, _ =	vpop (xrf0);
	(xrf0) =	vadd.scan.msk.s32 $0xffff, v6;
	v63 =	vsel vm2, $0x1, v60;
	v45 =	vsel vm13, $0x1, v60  }
0x11e: {  	v46 =	vadd.s32 v46, v57;
	v39 =	vadd.s32 v5, v51;
	v51 =	vadd.s32 v61, v51;
	v44, _, _ =	vpop (xrf0);
	(xrf0) =	vadd.scan.msk.s32 $0xffff, v45  }
0x11f: {  	v4 =	vadd.s32 v4, v54;
	v39 =	vnsel vm14, $0x0, v39;
	vm14 =	veq.s32 v56, $0x4;
	v62, _, _ =	vpop (xrf0);
	(xrf0) =	vadd.scan.msk.s32 $0xffff, v63  }
0x120: {  	v2 =	vsel vm14, $0x1, v60;
	vm11 =	veq.s32 v49, $0x1;
	v41 =	vadd.s32 v44, v52  }
0x121: {  	v45 =	vld [tilespmem:$0xE0];
	v52 =	vadd.s32 v55, v52;
	v40 =	vnsel vm1, $0x0, v41;
	v1, _, _ =	vpop (xrf0);
	v41 =	vadd.s32 v62, v53;
	(xrf0) =	vadd.scan.msk.s32 $0xffff, v2  }
0x122: {  	v62 =	vmpcnt.ones.xlane vm3;
	vm1 =	veq.s32 v56, $0x6;
	v43 =	vadd.s32 v1, v54  }
0x123: {  	v26 =	vld [tilespmem:$0x1FF90];
	v2 =	vmpcnt.ones.xlane vm2;
	v3, _, _ =	vpop (xrf0);
	v42 =	vnsel vm15, $0x0, v43;
	vm15 =	veq.s32 v56, $0x5  }
0x124: {  	v41 =	vnsel vm3, $0x0, v41;
	v1 =	vmpcnt.ones.xlane vm13;
	v6 =	vsel vm15, $0x1, v60;
	v5, _, _ =	vpop (xrf0)  }
0x125: {  	v43 =	vadd.s32 v3, v57;
	v3 =	vadd.s32 v0, v50;
	v2 =	vadd.s32 v2, v59;
	(xrf0) =	vadd.scan.msk.s32 $0xffff, v6;
	v48, _, _ =	vpop (xrf0)  }
0x126: {  	v43 =	vnsel vm12, $0x0, v43;
	vm3 =	veq.s32 v45, $0x0;
	v47 =	vadd.s32 v48, v59  }
0x127: {  	vm4 =	veq.s32 v45, $0x1;
	v44 =	vadd.s32 v5, v58;
	v63, _, _ =	vpop (xrf0);
	v6 =	vnsel vm2, $0x0, v47  }
0x128: {  	[tilespmem:$0x500] =	vst v26;
	v5 =	vadd.s32 v63, v3;
	v63 =	vsel vm1, $0x1, v60;
	vm2 =	veq.s32 v56, $0x7  }
0x129: {  	vm5 =	veq.s32 v45, $0x2;
	vm6 =	veq.s32 v45, $0x3;
	(xrf0) =	vadd.scan.msk.s32 $0xffff, v63;
	v0 =	vsel vm2, $0x1, v60  }
0x12a: {  	v61 =	vmpcnt.ones.xlane vm15;
	vm7 =	veq.s32 v45, $0x4;
	v63 =	vsel vm3, $0x1, v60;
	(xrf0) =	vadd.scan.msk.s32 $0xffff, v0  }
0x12b: {  	vm8 =	veq.s32 v45, $0x5;
	v50 =	vnsel vm14, $0x0, v5;
	v0 =	vsel vm4, $0x1, v60;
	v5, _, _ =	vpop (xrf0);
	(xrf0) =	vadd.scan.msk.s32 $0xffff, v63  }
0x12c: {  	vm9 =	veq.s32 v45, $0x6;
	v48 =	vadd.s32 v5, v51;
	(xrf0) =	vadd.scan.msk.s32 $0xffff, v0;
	v5 =	vsel vm5, $0x1, v60  }
0x12d: {  	vm10 =	veq.s32 v45, $0x7;
	v45 =	vadd.s32 v62, v53;
	v63 =	vsel vm6, $0x1, v60;
	(xrf0) =	vadd.scan.msk.s32 $0xffff, v5  }
0x12e: {  	v62 =	vmpcnt.ones.xlane vm1;
	v1 =	vadd.s32 v1, v58;
	v55 =	vsel vm7, $0x1, v60;
	(xrf0) =	vadd.scan.msk.s32 $0xffff, v63  }
0x12f: {  	vm12 =	veq.s32 v49, $0x2;
	v26 =	vadd.s32 v43, v42;
	v63 =	vsel vm8, $0x1, v60;
	v5, _, _ =	vpop (xrf0);
	(xrf0) =	vadd.scan.msk.s32 $0xffff, v55  }
0x130: {  	v55 =	vsel vm9, $0x1, v60;
	v0 =	vadd.s32 v5, v52;
	v5, _, _ =	vpop (xrf0);
	(xrf0) =	vadd.scan.msk.s32 $0xffff, v63;
	v63 =	vimm.s32 $0x0  }
0x131: {  	v47 =	vnsel vm15, $0x0, v48;
	v48 =	vnsel vm1, $0x0, v0;
	v0 =	vsel vm10, $0xFFFFFFFF, v63;
	v53, _, _ =	vpop (xrf0);
	(xrf0) =	vadd.scan.msk.s32 $0xffff, v55  }
0x132: {  	v58 =	vmpcnt.ones.xlane vm3;
	[tilespmem:$0x1FFC0] =	vst v0;
	v0 =	vsel vm10, $0x1, v60;
	vm10 =	veq.s32 v49, $0x0;
	v54, _, _ =	vpop (xrf0)  }
0x133: {  	v44 =	vnsel vm13, $0x0, v44;
	v56 =	vmpcnt.ones.xlane vm14;
	(xrf0) =	vadd.scan.msk.s32 $0xffff, v0;
	v63 =	vsel vm10, $0x1, v60;
	v57, _, _ =	vpop (xrf0)  }
0x134: {  	vm13 =	veq.s32 v49, $0x3;
	vm14 =	veq.s32 v49, $0x4;
	(xrf0) =	vadd.scan.msk.s32 $0xffff, v63;
	v55, _, _ =	vpop (xrf0);
	v63 =	vsel vm11, $0x1, v60  }
0x135: {  	v3 =	vadd.s32 v56, v3;
	v51 =	vadd.s32 v61, v51;
	v0 =	vsel vm12, $0x1, v60;
	v59, _, _ =	vpop (xrf0);
	(xrf0) =	vadd.scan.msk.s32 $0xffff, v63  }
0x136: {  	vm15 =	veq.s32 v49, $0x5;
	v52 =	vadd.s32 v62, v52;
	v61, _, _ =	vpop (xrf0);
	(xrf0) =	vadd.scan.msk.s32 $0xffff, v0;
	v0 =	vsel vm13, $0x1, v60  }
0x137: {  	v28 =	vld [tilespmem:$0x1FFA0];
	vm1 =	veq.s32 v49, $0x6;
	v5 =	vadd.s32 v5, v45;
	v62, _, _ =	vpop (xrf0);
	(xrf0) =	vadd.scan.msk.s32 $0xffff, v0;
	v0 =	vsel vm14, $0x1, v60  }
0x138: {  	v53 =	vadd.s32 v53, v4;
	v4 =	vadd.s32 v58, v4;
	v58 =	vmpcnt.ones.xlane vm4  }
0x139: {  	v5 =	vnsel vm2, $0x0, v5;
	v54 =	vadd.s32 v54, v46;
	v53 =	vnsel vm3, $0x0, v53;
	v56, _, _ =	vpop (xrf0)  }
0x13a: {  	v46 =	vadd.s32 v58, v46;
	v57 =	vadd.s32 v57, v1;
	v54 =	vnsel vm4, $0x0, v54;
	(xrf0) =	vadd.scan.msk.s32 $0xffff, v0;
	v0, _, _ =	vpop (xrf0)  }
0x13b: {  	[tilespmem:$0x680] =	vst v10;
	v63 =	vsel vm15, $0x1, v60;
	v0 =	vadd.s32 v0, v4;
	v4 =	vmpcnt.ones.xlane vm5  }
0x13c: {  	[tilespmem:$0x510] =	vst v28;
	v55 =	vadd.s32 v55, v2;
	v57 =	vnsel vm5, $0x0, v57;
	v28 =	vadd.s32 v54, v53  }
0x13d: {  	v55 =	vnsel vm6, $0x0, v55;
	v10 =	vadd.s32 v57, v28;
	(xrf0) =	vadd.scan.msk.s32 $0xffff, v63;
	v63 =	vsel vm1, $0x1, v60;
	v58, _, _ =	vpop (xrf0)  }
0x13e: {  	v10 =	vadd.s32 v55, v10;
	(xrf0) =	vadd.scan.msk.s32 $0xffff, v63;
	v63 =	vmpcnt.ones.xlane vm6;
	v46 =	vadd.s32 v58, v46  }
0x13f: {  	v0 =	vnsel vm10, $0x0, v0;
	v1 =	vadd.s32 v4, v1;
	v46 =	vnsel vm11, $0x0, v46;
	v4, _, _ =	vpop (xrf0)  }
0x140: {  	v2 =	vadd.s32 v63, v2;
	v63 =	vmpcnt.ones.xlane vm7;
	v0 =	vadd.s32 v46, v0;
	v58, _, _ =	vpop (xrf0)  }
0x141: {  	v1 =	vadd.s32 v4, v1;
	v4 =	vmpcnt.ones.xlane vm8;
	v2 =	vadd.s32 v58, v2  }
0x142: {  	v58 =	vadd.s32 v59, v3;
	v3 =	vadd.s32 v63, v3;
	v59, _, _ =	vpop (xrf0);
	v63 =	vmpcnt.ones.xlane vm9  }
0x143: {  	v1 =	vnsel vm12, $0x0, v1;
	v3 =	vadd.s32 v59, v3;
	v59 =	vadd.s32 v61, v51  }
0x144: {  	v4 =	vadd.s32 v4, v51;
	v61 =	vadd.s32 v62, v52;
	v58 =	vnsel vm7, $0x0, v58  }
0x145: {  	v23 =	vld [tilespmem:$0x1FFC0];
	v51, _, _ =	vpop (xrf0);
	v2 =	vnsel vm13, $0x0, v2;
	v0 =	vadd.s32 v1, v0;
	v52 =	vadd.s32 v63, v52  }
0x146: {  	v62, _, _ =	vpop (xrf0);
	v4 =	vadd.s32 v51, v4;
	v59 =	vnsel vm8, $0x0, v59;
	v61 =	vnsel vm9, $0x0, v61  }
0x147: {  	v3 =	vnsel vm14, $0x0, v3;
	v51 =	vadd.s32 v62, v52;
	v52 =	vmpcnt.ones.xlane vm2  }
0x148: {  	v63 =	vadd.s32 v16, v15;
	v15 =	vadd.s32 v27, v24;
	v16 =	vadd.s32 v36, v34  }
0x149: {  	v0 =	vadd.s32 v2, v0;
	v4 =	vnsel vm15, $0x0, v4;
	v62 =	vadd.s32 v52, v45  }
0x14a: {  	[tilespmem:$0x590] =	vst v7;
	v51 =	vnsel vm1, $0x0, v51;
	vm1 =	vnez.u8 v23;
	v22 =	vadd.s32 v56, v62  }
0x14b: {  	[tilespmem:$0x600] =	vst v8;
	v24 =	vmpcnt.ones.xlane vm1;
	v8 =	vnsel vm1, $0x0, v22;
	vm1 =	veq.s32 v49, $0x7  }
0x14c: {  	[tilespmem:$0x610] =	vst v9;
	v35 =	vld [tilespmem:$0x1FFB0];
	v13 =	vadd.s32 v17, v63;
	v15 =	vadd.s32 v30, v15;
	v27 =	vsel vm1, $0x1, v60  }
0x14d: {  	v21 =	vadd.s32 v38, v16;
	v30 =	vadd.s32 v58, v10;
	v0 =	vadd.s32 v3, v0;
	(xrf0) =	vadd.scan.msk.s32 $0xffff, v27  }
0x14e: {  	[tilespmem:$0x690] =	vst v11;
	v13 =	vadd.s32 v19, v13;
	v15 =	vadd.s32 v29, v15;
	v25 =	vadd.s32 v37, v21  }
0x14f: {  	[tilespmem:$0x700] =	vst v12;
	v0 =	vadd.s32 v4, v0;
	v13 =	vadd.s32 v18, v13;
	v63 =	vadd.s32 v32, v15  }
0x150: {  	[tilespmem:$0x780] =	vst v14;
	v9 =	vadd.s32 v39, v25;
	v15 =	vadd.s32 v44, v26;
	v7 =	vadd.s32 v31, v63  }
0x151: {  	[tilespmem:$0x580] =	vst v35;
	v9 =	vadd.s32 v40, v9;
	v6 =	vadd.s32 v6, v15;
	v31 =	vadd.s32 v59, v30  }
0x152: {  	[tilespmem:$0x710] =	vst v13;
	v7 =	vadd.s32 v33, v7;
	v9 =	vadd.s32 v41, v9;
	v6 =	vadd.s32 v50, v6  }
0x153: {  	v33 =	vadd.s32 v24, v62;
	v2 =	vadd.s32 v61, v31;
	v6 =	vadd.s32 v47, v6;
	[tilespmem:$0x790] =	vst v7;
	v32, _, _ =	vpop (xrf0)  }
0x154: {  	[tilespmem:$0x800] =	vst v9;
	v34 =	vadd.s32 v8, v2;
	v6 =	vadd.s32 v48, v6;
	v3 =	vadd.s32 v32, v33  }
0x155: {  	v0 =	vadd.s32 v51, v0;
	[tilespmem:$0x880] =	vst v34;
	v29 =	vadd.s32 v5, v6;
	v35 =	vnsel vm1, $0x0, v3  }
0x156: {  	s10 =	rddreg [dreg:$0x8];
	[tilespmem:$0x810] =	vst v29;
	v0 =	vadd.s32 v35, v0  }
0x157: {  	s11 =	rddreg [dreg:$0x11];
	[tilespmem:$0x890] =	vst v0  }
0x158: {  	[hbm4b:s10+s2] =	stream.linear.scatter [tilespmem:s11], [sflag:$0x7], $0x400, $0x38;
	[tilespmem:$0x18900] =	vst v63  }
0x159: {  	_ =	swait.ge [sflag:s30], $0x8000  }
0x15a: {  	[sflag:s30] =	ssyncset.done $0x0  }
0x15b: {  	[sflag:s30] =	ssyncadd.s32 $0xFFFF8000  }
0x15c: {  	v36 =	vld [tilespmem:$0x500];
	_ =	sdelay $0x2  }
0x15d: {  	v38 =	vld [tilespmem:$0x1FFD0];
	_ =	sdelay $0x1  }
0x15e: {  	v39 =	vld [tilespmem:$0x1FFE0];
	v37 =	vshll.u32 v36, $0x3  }
0x15f: {  	v0 =	vand.u32 $0x7, v36;
	v1 =	vand.u32 $0xFFFFFFC0, v37  }
0x160: {  	v0 =	vor.u32 v0, v1  }
0x161: {  	v1 =	vperm.xlane v0, v38;
	_ =	sdelay $0x1  }
0x162: {  	v1 =	vadd.s32 v39, v1  }
0x163: {  	v40 =	vld [tilespmem:$0x1FFF0];
	_ =	sdelay $0x2  }
0x164: {  	s0 =	simm.s32 $0x900  }
0x165: {  	[hbm4b:s4+s2] =	stream.indirect_vreg.scatter [tilespmem:s0], [sflag:$0x4], $0x80, v1, vm0, $0xb8;
	[tilespmem:$0x18900] =	vst v63  }
0x166: {  	s13 =	simm.s32 $0x1100;
	v0 =	vperm.xlane v0, v40  }
0x167: {  	[hbm4b:s5+s2] =	stream.indirect_vreg.scatter [tilespmem:s13], [sflag:$0x4], $0x80, v1, vm0, $0xb8;
	[tilespmem:$0x18900] =	vst v63  }
0x168: {  	s14 =	simm.s32 $0x1900;
	v0 =	vadd.s32 v39, v0  }
0x169: {  	[hbm4b:s6+s2] =	stream.indirect_vreg.scatter [tilespmem:s14], [sflag:$0x4], $0x80, v1, vm0, $0xb8;
	[tilespmem:$0x18900] =	vst v63  }
0x16a: {  	s15 =	simm.s32 $0x2100  }
0x16b: {  	[hbm4b:s7+s2] =	stream.indirect_vreg.scatter [tilespmem:s15], [sflag:$0x4], $0x80, v1, vm0, $0xb8;
	[tilespmem:$0x18900] =	vst v63  }
0x16c: {  	s25 =	simm.s32 $0x2900  }
0x16d: {  	[hbm4b:s4+s2] =	stream.indirect_vreg.scatter [tilespmem:s25], [sflag:$0x4], $0x80, v0, vm0, $0xb8;
	[tilespmem:$0x18900] =	vst v63  }
0x16e: {  	s3 =	simm.s32 $0x3100  }
0x16f: {  	[hbm4b:s5+s2] =	stream.indirect_vreg.scatter [tilespmem:s3], [sflag:$0x4], $0x80, v0, vm0, $0xb8;
	[tilespmem:$0x18900] =	vst v63  }
0x170: {  	s9 =	simm.s32 $0x3900  }
0x171: {  	[hbm4b:s6+s2] =	stream.indirect_vreg.scatter [tilespmem:s9], [sflag:$0x4], $0x80, v0, vm0, $0xb8;
	[tilespmem:$0x18900] =	vst v63  }
0x172: {  	s10 =	simm.s32 $0x4100  }
0x173: {  	[hbm4b:s7+s2] =	stream.indirect_vreg.scatter [tilespmem:s10], [sflag:$0x4], $0x80, v0, vm0, $0xb8;
	[tilespmem:$0x18900] =	vst v63  }
0x174: {  	v0 =	vld [tilespmem:$0x510];
	_ =	sdelay $0x4  }
0x175: {  	v41 =	vshll.u32 v0, $0x3  }
0x176: {  	v0 =	vand.u32 $0x7, v0;
	v1 =	vand.u32 $0xFFFFFFC0, v41  }
0x177: {  	v0 =	vor.u32 v0, v1  }
0x178: {  	v1 =	vperm.xlane v0, v38;
	_ =	sdelay $0x1  }
0x179: {  	v1 =	vadd.s32 v39, v1;
	_ =	sdelay $0x3  }
0x17a: {  	s11 =	simm.s32 $0x4900  }
0x17b: {  	[hbm4b:s4+s2] =	stream.indirect_vreg.scatter [tilespmem:s11], [sflag:$0x4], $0x80, v1, vm0, $0xb8;
	[tilespmem:$0x18900] =	vst v63  }
0x17c: {  	s13 =	simm.s32 $0x5100;
	v0 =	vperm.xlane v0, v40  }
0x17d: {  	[hbm4b:s5+s2] =	stream.indirect_vreg.scatter [tilespmem:s13], [sflag:$0x4], $0x80, v1, vm0, $0xb8;
	[tilespmem:$0x18900] =	vst v63  }
0x17e: {  	s14 =	simm.s32 $0x5900;
	v0 =	vadd.s32 v39, v0  }
0x17f: {  	[hbm4b:s6+s2] =	stream.indirect_vreg.scatter [tilespmem:s14], [sflag:$0x4], $0x80, v1, vm0, $0xb8;
	[tilespmem:$0x18900] =	vst v63  }
0x180: {  	s15 =	simm.s32 $0x6100  }
0x181: {  	[hbm4b:s7+s2] =	stream.indirect_vreg.scatter [tilespmem:s15], [sflag:$0x4], $0x80, v1, vm0, $0xb8;
	[tilespmem:$0x18900] =	vst v63  }
0x182: {  	s25 =	simm.s32 $0x6900  }
0x183: {  	[hbm4b:s4+s2] =	stream.indirect_vreg.scatter [tilespmem:s25], [sflag:$0x4], $0x80, v0, vm0, $0xb8;
	[tilespmem:$0x18900] =	vst v63  }
0x184: {  	s3 =	simm.s32 $0x7100  }
0x185: {  	[hbm4b:s5+s2] =	stream.indirect_vreg.scatter [tilespmem:s3], [sflag:$0x4], $0x80, v0, vm0, $0xb8;
	[tilespmem:$0x18900] =	vst v63  }
0x186: {  	s9 =	simm.s32 $0x7900  }
0x187: {  	[hbm4b:s6+s2] =	stream.indirect_vreg.scatter [tilespmem:s9], [sflag:$0x4], $0x80, v0, vm0, $0xb8;
	[tilespmem:$0x18900] =	vst v63  }
0x188: {  	s10 =	simm.s32 $0x8100  }
0x189: {  	[hbm4b:s7+s2] =	stream.indirect_vreg.scatter [tilespmem:s10], [sflag:$0x4], $0x80, v0, vm0, $0xb8;
	[tilespmem:$0x18900] =	vst v63  }
0x18a: {  	_ =	swait.ge [sflag:s31], $0x8000  }
0x18b: {  	[sflag:s31] =	ssyncset.done $0x0  }
0x18c: {  	s11 =	rddreg [dreg:$0x9];
	[sflag:s31] =	ssyncadd.s32 $0xFFFF8000  }
0x18d: {  	[tilespmem:s0], [sflag:$0x1] =	stream.linear.gather [hbm4b:s11+s2], $0x8000, $0x38;
	[tilespmem:$0x18900] =	vst v63  }
0x18e: {  	_ =	swait.ge [sflag:s26], $0x8000  }
0x18f: {  	[sflag:s26] =	ssyncset.done $0x0  }
0x190: {  	[sflag:s26] =	ssyncadd.s32 $0xFFFF8000  }
0x191: {  	v42 =	vld [tilespmem:$0x580];
	_ =	sdelay $0x4  }
0x192: {  	v43 =	vshll.u32 v42, $0x3  }
0x193: {  	v0 =	vand.u32 $0x7, v42;
	v1 =	vand.u32 $0xFFFFFFC0, v43  }
0x194: {  	v0 =	vor.u32 v0, v1  }
0x195: {  	v1 =	vperm.xlane v0, v38;
	_ =	sdelay $0x1  }
0x196: {  	v1 =	vadd.s32 v39, v1;
	_ =	sdelay $0x3  }
0x197: {  	s0 =	simm.s32 $0x8900  }
0x198: {  	[hbm4b:s4+s2] =	stream.indirect_vreg.scatter [tilespmem:s0], [sflag:$0x5], $0x80, v1, vm0, $0xb8;
	[tilespmem:$0x18900] =	vst v63  }
0x199: {  	s13 =	simm.s32 $0x9100;
	v0 =	vperm.xlane v0, v40  }
0x19a: {  	[hbm4b:s5+s2] =	stream.indirect_vreg.scatter [tilespmem:s13], [sflag:$0x5], $0x80, v1, vm0, $0xb8;
	[tilespmem:$0x18900] =	vst v63  }
0x19b: {  	s14 =	simm.s32 $0x9900;
	v0 =	vadd.s32 v39, v0  }
0x19c: {  	[hbm4b:s6+s2] =	stream.indirect_vreg.scatter [tilespmem:s14], [sflag:$0x5], $0x80, v1, vm0, $0xb8;
	[tilespmem:$0x18900] =	vst v63  }
0x19d: {  	s15 =	simm.s32 $0xA100  }
0x19e: {  	[hbm4b:s7+s2] =	stream.indirect_vreg.scatter [tilespmem:s15], [sflag:$0x5], $0x80, v1, vm0, $0xb8;
	[tilespmem:$0x18900] =	vst v63  }
0x19f: {  	s25 =	simm.s32 $0xA900  }
0x1a0: {  	[hbm4b:s4+s2] =	stream.indirect_vreg.scatter [tilespmem:s25], [sflag:$0x5], $0x80, v0, vm0, $0xb8;
	[tilespmem:$0x18900] =	vst v63  }
0x1a1: {  	s3 =	simm.s32 $0xB100  }
0x1a2: {  	[hbm4b:s5+s2] =	stream.indirect_vreg.scatter [tilespmem:s3], [sflag:$0x5], $0x80, v0, vm0, $0xb8;
	[tilespmem:$0x18900] =	vst v63  }
0x1a3: {  	s11 =	simm.s32 $0xB900  }
0x1a4: {  	[hbm4b:s6+s2] =	stream.indirect_vreg.scatter [tilespmem:s11], [sflag:$0x5], $0x80, v0, vm0, $0xb8;
	[tilespmem:$0x18900] =	vst v63  }
0x1a5: {  	s13 =	simm.s32 $0xC100  }
0x1a6: {  	[hbm4b:s7+s2] =	stream.indirect_vreg.scatter [tilespmem:s13], [sflag:$0x5], $0x80, v0, vm0, $0xb8;
	[tilespmem:$0x18900] =	vst v63  }
0x1a7: {  	v0 =	vld [tilespmem:$0x590];
	_ =	sdelay $0x4  }
0x1a8: {  	v44 =	vshll.u32 v0, $0x3  }
0x1a9: {  	v0 =	vand.u32 $0x7, v0;
	v1 =	vand.u32 $0xFFFFFFC0, v44  }
0x1aa: {  	v0 =	vor.u32 v0, v1  }
0x1ab: {  	v1 =	vperm.xlane v0, v38;
	_ =	sdelay $0x1  }
0x1ac: {  	v1 =	vadd.s32 v39, v1;
	_ =	sdelay $0x3  }
0x1ad: {  	s14 =	simm.s32 $0xC900  }
0x1ae: {  	[hbm4b:s4+s2] =	stream.indirect_vreg.scatter [tilespmem:s14], [sflag:$0x5], $0x80, v1, vm0, $0xb8;
	[tilespmem:$0x18900] =	vst v63  }
0x1af: {  	s15 =	simm.s32 $0xD100;
	v0 =	vperm.xlane v0, v40  }
0x1b0: {  	[hbm4b:s5+s2] =	stream.indirect_vreg.scatter [tilespmem:s15], [sflag:$0x5], $0x80, v1, vm0, $0xb8;
	[tilespmem:$0x18900] =	vst v63  }
0x1b1: {  	s25 =	simm.s32 $0xD900;
	v0 =	vadd.s32 v39, v0  }
0x1b2: {  	[hbm4b:s6+s2] =	stream.indirect_vreg.scatter [tilespmem:s25], [sflag:$0x5], $0x80, v1, vm0, $0xb8;
	[tilespmem:$0x18900] =	vst v63  }
0x1b3: {  	s3 =	simm.s32 $0xE100  }
0x1b4: {  	[hbm4b:s7+s2] =	stream.indirect_vreg.scatter [tilespmem:s3], [sflag:$0x5], $0x80, v1, vm0, $0xb8;
	[tilespmem:$0x18900] =	vst v63  }
0x1b5: {  	s11 =	simm.s32 $0xE900  }
0x1b6: {  	[hbm4b:s4+s2] =	stream.indirect_vreg.scatter [tilespmem:s11], [sflag:$0x5], $0x80, v0, vm0, $0xb8;
	[tilespmem:$0x18900] =	vst v63  }
0x1b7: {  	s25 =	simm.s32 $0xF100  }
0x1b8: {  	[hbm4b:s5+s2] =	stream.indirect_vreg.scatter [tilespmem:s25], [sflag:$0x5], $0x80, v0, vm0, $0xb8;
	[tilespmem:$0x18900] =	vst v63  }
0x1b9: {  	s3 =	simm.s32 $0xF900  }
0x1ba: {  	[hbm4b:s6+s2] =	stream.indirect_vreg.scatter [tilespmem:s3], [sflag:$0x5], $0x80, v0, vm0, $0xb8;
	[tilespmem:$0x18900] =	vst v63  }
0x1bb: {  	s11 =	simm.s32 $0x10100;
	s3 =	simm.s32 $0x5  }
0x1bc: {  	[hbm4b:s7+s2] =	stream.indirect_vreg.scatter [tilespmem:s11], [sflag:$0x5], $0x80, v0, vm0, $0xb8;
	[tilespmem:$0x18900] =	vst v63  }
0x1bd: {  	_ =	swait.ge [sflag:s3], $0x8000  }
0x1be: {  	[sflag:s3] =	ssyncset.done $0x0  }
0x1bf: {  	s25 =	rddreg [dreg:$0xa];
	[sflag:s3] =	ssyncadd.s32 $0xFFFF8000  }
0x1c0: {  	[tilespmem:s0], [sflag:$0x2] =	stream.linear.gather [hbm4b:s25+s2], $0x8000, $0x38;
	[tilespmem:$0x18900] =	vst v63  }
0x1c1: {  	s0 =	simm.s32 $0x3  }
0x1c2: {  	_ =	swait.ge [sflag:s0], $0x8000  }
0x1c3: {  	[sflag:s0] =	ssyncset.done $0x0  }
0x1c4: {  	[sflag:s0] =	ssyncadd.s32 $0xFFFF8000  }
0x1c5: {  	v45 =	vld [tilespmem:$0x600];
	_ =	sdelay $0x4  }
0x1c6: {  	v46 =	vshll.u32 v45, $0x3  }
0x1c7: {  	v0 =	vand.u32 $0x7, v45;
	v1 =	vand.u32 $0xFFFFFFC0, v46  }
0x1c8: {  	v0 =	vor.u32 v0, v1  }
0x1c9: {  	v1 =	vperm.xlane v0, v38;
	_ =	sdelay $0x1  }
0x1ca: {  	v1 =	vadd.s32 v39, v1;
	_ =	sdelay $0x3  }
0x1cb: {  	s25 =	simm.s32 $0x10900  }
0x1cc: {  	[hbm4b:s4+s2] =	stream.indirect_vreg.scatter [tilespmem:s25], [sflag:$0x6], $0x80, v1, vm0, $0xb8;
	[tilespmem:$0x18900] =	vst v63  }
0x1cd: {  	v0 =	vperm.xlane v0, v40  }
0x1ce: {  	[hbm4b:s5+s2] =	stream.indirect_vreg.scatter [tilespmem:s23], [sflag:$0x6], $0x80, v1, vm0, $0xb8;
	[tilespmem:$0x18900] =	vst v63  }
0x1cf: {  	v0 =	vadd.s32 v39, v0  }
0x1d0: {  	[hbm4b:s6+s2] =	stream.indirect_vreg.scatter [tilespmem:s24], [sflag:$0x6], $0x80, v1, vm0, $0xb8;
	[tilespmem:$0x18900] =	vst v63  }
0x1d1: {  	_ = 	snop  }
0x1d2: {  	[hbm4b:s7+s2] =	stream.indirect_vreg.scatter [tilespmem:s28], [sflag:$0x6], $0x80, v1, vm0, $0xb8;
	[tilespmem:$0x18900] =	vst v63  }
0x1d3: {  	_ = 	snop  }
0x1d4: {  	[hbm4b:s4+s2] =	stream.indirect_vreg.scatter [tilespmem:s29], [sflag:$0x6], $0x80, v0, vm0, $0xb8;
	[tilespmem:$0x18900] =	vst v63  }
0x1d5: {  	s11 =	simm.s32 $0x13100  }
0x1d6: {  	[hbm4b:s5+s2] =	stream.indirect_vreg.scatter [tilespmem:s11], [sflag:$0x6], $0x80, v0, vm0, $0xb8;
	[tilespmem:$0x18900] =	vst v63  }
0x1d7: {  	s11 =	simm.s32 $0x13900  }
0x1d8: {  	[hbm4b:s6+s2] =	stream.indirect_vreg.scatter [tilespmem:s11], [sflag:$0x6], $0x80, v0, vm0, $0xb8;
	[tilespmem:$0x18900] =	vst v63  }
0x1d9: {  	s11 =	simm.s32 $0x14100  }
0x1da: {  	[hbm4b:s7+s2] =	stream.indirect_vreg.scatter [tilespmem:s11], [sflag:$0x6], $0x80, v0, vm0, $0xb8;
	[tilespmem:$0x18900] =	vst v63  }
0x1db: {  	v0 =	vld [tilespmem:$0x610];
	_ =	sdelay $0x4  }
0x1dc: {  	v47 =	vshll.u32 v0, $0x3  }
0x1dd: {  	v0 =	vand.u32 $0x7, v0;
	v1 =	vand.u32 $0xFFFFFFC0, v47  }
0x1de: {  	v0 =	vor.u32 v0, v1  }
0x1df: {  	v1 =	vperm.xlane v0, v38;
	_ =	sdelay $0x1  }
0x1e0: {  	v1 =	vadd.s32 v39, v1;
	_ =	sdelay $0x3  }
0x1e1: {  	s11 =	simm.s32 $0x14900  }
0x1e2: {  	[hbm4b:s4+s2] =	stream.indirect_vreg.scatter [tilespmem:s11], [sflag:$0x6], $0x80, v1, vm0, $0xb8;
	[tilespmem:$0x18900] =	vst v63  }
0x1e3: {  	v0 =	vperm.xlane v0, v40;
	s11 =	simm.s32 $0x15100  }
0x1e4: {  	[hbm4b:s5+s2] =	stream.indirect_vreg.scatter [tilespmem:s11], [sflag:$0x6], $0x80, v1, vm0, $0xb8;
	[tilespmem:$0x18900] =	vst v63  }
0x1e5: {  	v0 =	vadd.s32 v39, v0;
	s11 =	simm.s32 $0x15900  }
0x1e6: {  	[hbm4b:s6+s2] =	stream.indirect_vreg.scatter [tilespmem:s11], [sflag:$0x6], $0x80, v1, vm0, $0xb8;
	[tilespmem:$0x18900] =	vst v63  }
0x1e7: {  	s11 =	simm.s32 $0x16100  }
0x1e8: {  	[hbm4b:s7+s2] =	stream.indirect_vreg.scatter [tilespmem:s11], [sflag:$0x6], $0x80, v1, vm0, $0xb8;
	[tilespmem:$0x18900] =	vst v63  }
0x1e9: {  	_ = 	snop  }
0x1ea: {  	[hbm4b:s4+s2] =	stream.indirect_vreg.scatter [tilespmem:s19], [sflag:$0x6], $0x80, v0, vm0, $0xb8;
	[tilespmem:$0x18900] =	vst v63  }
0x1eb: {  	_ = 	snop  }
0x1ec: {  	[hbm4b:s5+s2] =	stream.indirect_vreg.scatter [tilespmem:s20], [sflag:$0x6], $0x80, v0, vm0, $0xb8;
	[tilespmem:$0x18900] =	vst v63  }
0x1ed: {  	_ = 	snop  }
0x1ee: {  	[hbm4b:s6+s2] =	stream.indirect_vreg.scatter [tilespmem:s21], [sflag:$0x6], $0x80, v0, vm0, $0xb8;
	[tilespmem:$0x18900] =	vst v63  }
0x1ef: {  	_ = 	snop  }
0x1f0: {  	[hbm4b:s7+s2] =	stream.indirect_vreg.scatter [tilespmem:s22], [sflag:$0x6], $0x80, v0, vm0, $0xb8;
	[tilespmem:$0x18900] =	vst v63  }
0x1f1: {  	_ =	swait.ge [sflag:s8], $0x8000  }
0x1f2: {  	[sflag:s8] =	ssyncset.done $0x0  }
0x1f3: {  	s11 =	rddreg [dreg:$0xb];
	[sflag:s8] =	ssyncadd.s32 $0xFFFF8000  }
0x1f4: {  	[tilespmem:s25], [sflag:$0x3] =	stream.linear.gather [hbm4b:s11+s2], $0x8000, $0x38;
	[tilespmem:$0x18900] =	vst v63  }
0x1f5: {  	_ =	swait.ge [sflag:s30], $0x8000  }
0x1f6: {  	[sflag:s30] =	ssyncset.done $0x0  }
0x1f7: {  	[sflag:s30] =	ssyncadd.s32 $0xFFFF8000  }
0x1f8: {  	v48 =	vld [tilespmem:$0x680];
	_ =	sdelay $0x4  }
0x1f9: {  	v49 =	vshll.u32 v48, $0x3  }
0x1fa: {  	v0 =	vand.u32 $0x7, v48;
	v1 =	vand.u32 $0xFFFFFFC0, v49  }
0x1fb: {  	v0 =	vor.u32 v0, v1  }
0x1fc: {  	v1 =	vperm.xlane v0, v38;
	_ =	sdelay $0x1  }
0x1fd: {  	v1 =	vadd.s32 v39, v1;
	_ =	sdelay $0x3  }
0x1fe: {  	s11 =	simm.s32 $0x900  }
0x1ff: {  	[hbm4b:s4+s2] =	stream.indirect_vreg.scatter [tilespmem:s11], [sflag:$0x4], $0x80, v1, vm0, $0xb8;
	[tilespmem:$0x18900] =	vst v63  }
0x200: {  	s25 =	simm.s32 $0x1100;
	v0 =	vperm.xlane v0, v40  }
0x201: {  	[hbm4b:s5+s2] =	stream.indirect_vreg.scatter [tilespmem:s25], [sflag:$0x4], $0x80, v1, vm0, $0xb8;
	[tilespmem:$0x18900] =	vst v63  }
0x202: {  	v0 =	vadd.s32 v39, v0;
	s25 =	simm.s32 $0x1900  }
0x203: {  	[hbm4b:s6+s2] =	stream.indirect_vreg.scatter [tilespmem:s25], [sflag:$0x4], $0x80, v1, vm0, $0xb8;
	[tilespmem:$0x18900] =	vst v63  }
0x204: {  	s25 =	simm.s32 $0x2100  }
0x205: {  	[hbm4b:s7+s2] =	stream.indirect_vreg.scatter [tilespmem:s25], [sflag:$0x4], $0x80, v1, vm0, $0xb8;
	[tilespmem:$0x18900] =	vst v63  }
0x206: {  	s25 =	simm.s32 $0x2900  }
0x207: {  	[hbm4b:s4+s2] =	stream.indirect_vreg.scatter [tilespmem:s25], [sflag:$0x4], $0x80, v0, vm0, $0xb8;
	[tilespmem:$0x18900] =	vst v63  }
0x208: {  	s25 =	simm.s32 $0x3100  }
0x209: {  	[hbm4b:s5+s2] =	stream.indirect_vreg.scatter [tilespmem:s25], [sflag:$0x4], $0x80, v0, vm0, $0xb8;
	[tilespmem:$0x18900] =	vst v63  }
0x20a: {  	s25 =	simm.s32 $0x3900  }
0x20b: {  	[hbm4b:s6+s2] =	stream.indirect_vreg.scatter [tilespmem:s25], [sflag:$0x4], $0x80, v0, vm0, $0xb8;
	[tilespmem:$0x18900] =	vst v63  }
0x20c: {  	s25 =	simm.s32 $0x4100  }
0x20d: {  	[hbm4b:s7+s2] =	stream.indirect_vreg.scatter [tilespmem:s25], [sflag:$0x4], $0x80, v0, vm0, $0xb8;
	[tilespmem:$0x18900] =	vst v63  }
0x20e: {  	v0 =	vld [tilespmem:$0x690];
	_ =	sdelay $0x4  }
0x20f: {  	v50 =	vshll.u32 v0, $0x3  }
0x210: {  	v0 =	vand.u32 $0x7, v0;
	v1 =	vand.u32 $0xFFFFFFC0, v50  }
0x211: {  	v0 =	vor.u32 v0, v1  }
0x212: {  	v1 =	vperm.xlane v0, v38;
	_ =	sdelay $0x1  }
0x213: {  	v1 =	vadd.s32 v39, v1;
	_ =	sdelay $0x3  }
0x214: {  	s25 =	simm.s32 $0x4900  }
0x215: {  	[hbm4b:s4+s2] =	stream.indirect_vreg.scatter [tilespmem:s25], [sflag:$0x4], $0x80, v1, vm0, $0xb8;
	[tilespmem:$0x18900] =	vst v63  }
0x216: {  	v0 =	vperm.xlane v0, v40;
	s25 =	simm.s32 $0x5100  }
0x217: {  	[hbm4b:s5+s2] =	stream.indirect_vreg.scatter [tilespmem:s25], [sflag:$0x4], $0x80, v1, vm0, $0xb8;
	[tilespmem:$0x18900] =	vst v63  }
0x218: {  	v0 =	vadd.s32 v39, v0;
	s25 =	simm.s32 $0x5900  }
0x219: {  	[hbm4b:s6+s2] =	stream.indirect_vreg.scatter [tilespmem:s25], [sflag:$0x4], $0x80, v1, vm0, $0xb8;
	[tilespmem:$0x18900] =	vst v63  }
0x21a: {  	s25 =	simm.s32 $0x6100  }
0x21b: {  	[hbm4b:s7+s2] =	stream.indirect_vreg.scatter [tilespmem:s25], [sflag:$0x4], $0x80, v1, vm0, $0xb8;
	[tilespmem:$0x18900] =	vst v63  }
0x21c: {  	s25 =	simm.s32 $0x6900  }
0x21d: {  	[hbm4b:s4+s2] =	stream.indirect_vreg.scatter [tilespmem:s25], [sflag:$0x4], $0x80, v0, vm0, $0xb8;
	[tilespmem:$0x18900] =	vst v63  }
0x21e: {  	s25 =	simm.s32 $0x7100  }
0x21f: {  	[hbm4b:s5+s2] =	stream.indirect_vreg.scatter [tilespmem:s25], [sflag:$0x4], $0x80, v0, vm0, $0xb8;
	[tilespmem:$0x18900] =	vst v63  }
0x220: {  	s25 =	simm.s32 $0x7900  }
0x221: {  	[hbm4b:s6+s2] =	stream.indirect_vreg.scatter [tilespmem:s25], [sflag:$0x4], $0x80, v0, vm0, $0xb8;
	[tilespmem:$0x18900] =	vst v63  }
0x222: {  	s25 =	simm.s32 $0x8100  }
0x223: {  	[hbm4b:s7+s2] =	stream.indirect_vreg.scatter [tilespmem:s25], [sflag:$0x4], $0x80, v0, vm0, $0xb8;
	[tilespmem:$0x18900] =	vst v63  }
0x224: {  	_ =	swait.ge [sflag:s31], $0x8000  }
0x225: {  	[sflag:s31] =	ssyncset.done $0x0  }
0x226: {  	s25 =	rddreg [dreg:$0xc];
	[sflag:s31] =	ssyncadd.s32 $0xFFFF8000  }
0x227: {  	[tilespmem:s11], [sflag:$0x1] =	stream.linear.gather [hbm4b:s25+s2], $0x8000, $0x38;
	[tilespmem:$0x18900] =	vst v63  }
0x228: {  	_ =	swait.ge [sflag:s26], $0x8000  }
0x229: {  	[sflag:s26] =	ssyncset.done $0x0  }
0x22a: {  	[sflag:s26] =	ssyncadd.s32 $0xFFFF8000  }
0x22b: {  	v51 =	vld [tilespmem:$0x700];
	_ =	sdelay $0x4  }
0x22c: {  	v52 =	vshll.u32 v51, $0x3  }
0x22d: {  	v0 =	vand.u32 $0x7, v51;
	v1 =	vand.u32 $0xFFFFFFC0, v52  }
0x22e: {  	v0 =	vor.u32 v0, v1  }
0x22f: {  	v1 =	vperm.xlane v0, v38;
	_ =	sdelay $0x1  }
0x230: {  	v1 =	vadd.s32 v39, v1;
	_ =	sdelay $0x3  }
0x231: {  	s25 =	simm.s32 $0x8900  }
0x232: {  	[hbm4b:s4+s2] =	stream.indirect_vreg.scatter [tilespmem:s25], [sflag:$0x5], $0x80, v1, vm0, $0xb8;
	[tilespmem:$0x18900] =	vst v63  }
0x233: {  	s9 =	simm.s32 $0x9100;
	v0 =	vperm.xlane v0, v40  }
0x234: {  	[hbm4b:s5+s2] =	stream.indirect_vreg.scatter [tilespmem:s9], [sflag:$0x5], $0x80, v1, vm0, $0xb8;
	[tilespmem:$0x18900] =	vst v63  }
0x235: {  	v0 =	vadd.s32 v39, v0;
	s9 =	simm.s32 $0x9900  }
0x236: {  	[hbm4b:s6+s2] =	stream.indirect_vreg.scatter [tilespmem:s9], [sflag:$0x5], $0x80, v1, vm0, $0xb8;
	[tilespmem:$0x18900] =	vst v63  }
0x237: {  	s10 =	simm.s32 $0xA100  }
0x238: {  	[hbm4b:s7+s2] =	stream.indirect_vreg.scatter [tilespmem:s10], [sflag:$0x5], $0x80, v1, vm0, $0xb8;
	[tilespmem:$0x18900] =	vst v63  }
0x239: {  	s10 =	simm.s32 $0xA900  }
0x23a: {  	[hbm4b:s4+s2] =	stream.indirect_vreg.scatter [tilespmem:s10], [sflag:$0x5], $0x80, v0, vm0, $0xb8;
	[tilespmem:$0x18900] =	vst v63  }
0x23b: {  	s11 =	simm.s32 $0xB100  }
0x23c: {  	[hbm4b:s5+s2] =	stream.indirect_vreg.scatter [tilespmem:s11], [sflag:$0x5], $0x80, v0, vm0, $0xb8;
	[tilespmem:$0x18900] =	vst v63  }
0x23d: {  	_ = 	snop  }
0x23e: {  	[hbm4b:s6+s2] =	stream.indirect_vreg.scatter [tilespmem:s12], [sflag:$0x5], $0x80, v0, vm0, $0xb8;
	[tilespmem:$0x18900] =	vst v63  }
0x23f: {  	s13 =	simm.s32 $0xC100  }
0x240: {  	[hbm4b:s7+s2] =	stream.indirect_vreg.scatter [tilespmem:s13], [sflag:$0x5], $0x80, v0, vm0, $0xb8;
	[tilespmem:$0x18900] =	vst v63  }
0x241: {  	v0 =	vld [tilespmem:$0x710];
	_ =	sdelay $0x4  }
0x242: {  	v53 =	vshll.u32 v0, $0x3  }
0x243: {  	v0 =	vand.u32 $0x7, v0;
	v1 =	vand.u32 $0xFFFFFFC0, v53  }
0x244: {  	v0 =	vor.u32 v0, v1  }
0x245: {  	v1 =	vperm.xlane v0, v38;
	_ =	sdelay $0x1  }
0x246: {  	v1 =	vadd.s32 v39, v1;
	_ =	sdelay $0x3  }
0x247: {  	s14 =	simm.s32 $0xC900  }
0x248: {  	[hbm4b:s4+s2] =	stream.indirect_vreg.scatter [tilespmem:s14], [sflag:$0x5], $0x80, v1, vm0, $0xb8;
	[tilespmem:$0x18900] =	vst v63  }
0x249: {  	s15 =	simm.s32 $0xD100;
	v0 =	vperm.xlane v0, v40  }
0x24a: {  	[hbm4b:s5+s2] =	stream.indirect_vreg.scatter [tilespmem:s15], [sflag:$0x5], $0x80, v1, vm0, $0xb8;
	[tilespmem:$0x18900] =	vst v63  }
0x24b: {  	s13 =	simm.s32 $0xD900;
	v0 =	vadd.s32 v39, v0  }
0x24c: {  	[hbm4b:s6+s2] =	stream.indirect_vreg.scatter [tilespmem:s13], [sflag:$0x5], $0x80, v1, vm0, $0xb8;
	[tilespmem:$0x18900] =	vst v63  }
0x24d: {  	s14 =	simm.s32 $0xE100  }
0x24e: {  	[hbm4b:s7+s2] =	stream.indirect_vreg.scatter [tilespmem:s14], [sflag:$0x5], $0x80, v1, vm0, $0xb8;
	[tilespmem:$0x18900] =	vst v63  }
0x24f: {  	s15 =	simm.s32 $0xE900  }
0x250: {  	[hbm4b:s4+s2] =	stream.indirect_vreg.scatter [tilespmem:s15], [sflag:$0x5], $0x80, v0, vm0, $0xb8;
	[tilespmem:$0x18900] =	vst v63  }
0x251: {  	_ = 	snop  }
0x252: {  	[hbm4b:s5+s2] =	stream.indirect_vreg.scatter [tilespmem:s16], [sflag:$0x5], $0x80, v0, vm0, $0xb8;
	[tilespmem:$0x18900] =	vst v63  }
0x253: {  	_ = 	snop  }
0x254: {  	[hbm4b:s6+s2] =	stream.indirect_vreg.scatter [tilespmem:s17], [sflag:$0x5], $0x80, v0, vm0, $0xb8;
	[tilespmem:$0x18900] =	vst v63  }
0x255: {  	_ = 	snop  }
0x256: {  	[hbm4b:s7+s2] =	stream.indirect_vreg.scatter [tilespmem:s18], [sflag:$0x5], $0x80, v0, vm0, $0xb8;
	[tilespmem:$0x18900] =	vst v63  }
0x257: {  	_ =	swait.ge [sflag:s3], $0x8000  }
0x258: {  	[sflag:s3] =	ssyncset.done $0x0  }
0x259: {  	s1 =	rddreg [dreg:$0xd];
	[sflag:s3] =	ssyncadd.s32 $0xFFFF8000  }
0x25a: {  	[tilespmem:s25], [sflag:$0x2] =	stream.linear.gather [hbm4b:s1+s2], $0x8000, $0x38;
	[tilespmem:$0x18900] =	vst v63  }
0x25b: {  	s1 =	rddreg [dreg:$0x13];
	_ =	swait.ge [sflag:s0], $0x8000  }
0x25c: {  	[sflag:s0] =	ssyncset.done $0x0  }
0x25d: {  	[sflag:s0] =	ssyncadd.s32 $0xFFFF8000  }
0x25e: {  	v54 =	vld [tilespmem:$0x780];
	_ =	sdelay $0x4  }
0x25f: {  	v55 =	vshll.u32 v54, $0x3  }
0x260: {  	v0 =	vand.u32 $0x7, v54;
	v1 =	vand.u32 $0xFFFFFFC0, v55  }
0x261: {  	v0 =	vor.u32 v0, v1  }
0x262: {  	v1 =	vperm.xlane v0, v38;
	_ =	sdelay $0x1  }
0x263: {  	v1 =	vadd.s32 v39, v1;
	_ =	sdelay $0x3  }
0x264: {  	s0 =	simm.s32 $0x10900  }
0x265: {  	[hbm4b:s4+s2] =	stream.indirect_vreg.scatter [tilespmem:s0], [sflag:$0x6], $0x80, v1, vm0, $0xb8;
	[tilespmem:$0x18900] =	vst v63  }
0x266: {  	v0 =	vperm.xlane v0, v40  }
0x267: {  	[hbm4b:s5+s2] =	stream.indirect_vreg.scatter [tilespmem:s23], [sflag:$0x6], $0x80, v1, vm0, $0xb8;
	[tilespmem:$0x18900] =	vst v63  }
0x268: {  	v0 =	vadd.s32 v39, v0  }
0x269: {  	[hbm4b:s6+s2] =	stream.indirect_vreg.scatter [tilespmem:s24], [sflag:$0x6], $0x80, v1, vm0, $0xb8;
	[tilespmem:$0x18900] =	vst v63  }
0x26a: {  	_ = 	snop  }
0x26b: {  	[hbm4b:s7+s2] =	stream.indirect_vreg.scatter [tilespmem:s28], [sflag:$0x6], $0x80, v1, vm0, $0xb8;
	[tilespmem:$0x18900] =	vst v63  }
0x26c: {  	_ = 	snop  }
0x26d: {  	[hbm4b:s4+s2] =	stream.indirect_vreg.scatter [tilespmem:s29], [sflag:$0x6], $0x80, v0, vm0, $0xb8;
	[tilespmem:$0x18900] =	vst v63  }
0x26e: {  	s0 =	simm.s32 $0x13100  }
0x26f: {  	[hbm4b:s5+s2] =	stream.indirect_vreg.scatter [tilespmem:s0], [sflag:$0x6], $0x80, v0, vm0, $0xb8;
	[tilespmem:$0x18900] =	vst v63  }
0x270: {  	s0 =	simm.s32 $0x13900  }
0x271: {  	[hbm4b:s6+s2] =	stream.indirect_vreg.scatter [tilespmem:s0], [sflag:$0x6], $0x80, v0, vm0, $0xb8;
	[tilespmem:$0x18900] =	vst v63  }
0x272: {  	s0 =	simm.s32 $0x14100  }
0x273: {  	[hbm4b:s7+s2] =	stream.indirect_vreg.scatter [tilespmem:s0], [sflag:$0x6], $0x80, v0, vm0, $0xb8;
	[tilespmem:$0x18900] =	vst v63  }
0x274: {  	v0 =	vld [tilespmem:$0x790];
	_ =	sdelay $0x4  }
0x275: {  	v56 =	vshll.u32 v0, $0x3  }
0x276: {  	v0 =	vand.u32 $0x7, v0;
	v1 =	vand.u32 $0xFFFFFFC0, v56  }
0x277: {  	v0 =	vor.u32 v0, v1  }
0x278: {  	v1 =	vperm.xlane v0, v38;
	_ =	sdelay $0x1  }
0x279: {  	v1 =	vadd.s32 v39, v1;
	_ =	sdelay $0x3  }
0x27a: {  	s0 =	simm.s32 $0x14900  }
0x27b: {  	[hbm4b:s4+s2] =	stream.indirect_vreg.scatter [tilespmem:s0], [sflag:$0x6], $0x80, v1, vm0, $0xb8;
	[tilespmem:$0x18900] =	vst v63  }
0x27c: {  	v0 =	vperm.xlane v0, v40;
	s0 =	simm.s32 $0x15100  }
0x27d: {  	[hbm4b:s5+s2] =	stream.indirect_vreg.scatter [tilespmem:s0], [sflag:$0x6], $0x80, v1, vm0, $0xb8;
	[tilespmem:$0x18900] =	vst v63  }
0x27e: {  	v0 =	vadd.s32 v39, v0;
	s0 =	simm.s32 $0x15900  }
0x27f: {  	[hbm4b:s6+s2] =	stream.indirect_vreg.scatter [tilespmem:s0], [sflag:$0x6], $0x80, v1, vm0, $0xb8;
	[tilespmem:$0x18900] =	vst v63  }
0x280: {  	s0 =	simm.s32 $0x16100  }
0x281: {  	[hbm4b:s7+s2] =	stream.indirect_vreg.scatter [tilespmem:s0], [sflag:$0x6], $0x80, v1, vm0, $0xb8;
	[tilespmem:$0x18900] =	vst v63  }
0x282: {  	_ = 	snop  }
0x283: {  	[hbm4b:s4+s2] =	stream.indirect_vreg.scatter [tilespmem:s19], [sflag:$0x6], $0x80, v0, vm0, $0xb8;
	[tilespmem:$0x18900] =	vst v63  }
0x284: {  	_ = 	snop  }
0x285: {  	[hbm4b:s5+s2] =	stream.indirect_vreg.scatter [tilespmem:s20], [sflag:$0x6], $0x80, v0, vm0, $0xb8;
	[tilespmem:$0x18900] =	vst v63  }
0x286: {  	_ = 	snop  }
0x287: {  	[hbm4b:s6+s2] =	stream.indirect_vreg.scatter [tilespmem:s21], [sflag:$0x6], $0x80, v0, vm0, $0xb8;
	[tilespmem:$0x18900] =	vst v63  }
0x288: {  	_ = 	snop  }
0x289: {  	[hbm4b:s7+s2] =	stream.indirect_vreg.scatter [tilespmem:s22], [sflag:$0x6], $0x80, v0, vm0, $0xb8;
	[tilespmem:$0x18900] =	vst v63  }
0x28a: {  	_ =	swait.ge [sflag:s30], $0x8000  }
0x28b: {  	[sflag:s30] =	ssyncset.done $0x0  }
0x28c: {  	[sflag:s30] =	ssyncadd.s32 $0xFFFF8000  }
0x28d: {  	v57 =	vld [tilespmem:$0x800];
	_ =	sdelay $0x4  }
0x28e: {  	v58 =	vshll.u32 v57, $0x3  }
0x28f: {  	v0 =	vand.u32 $0x7, v57;
	v1 =	vand.u32 $0xFFFFFFC0, v58  }
0x290: {  	v0 =	vor.u32 v0, v1  }
0x291: {  	v1 =	vperm.xlane v0, v38;
	_ =	sdelay $0x1  }
0x292: {  	v1 =	vadd.s32 v39, v1;
	_ =	sdelay $0x3  }
0x293: {  	s0 =	simm.s32 $0x900  }
0x294: {  	[hbm4b:s4+s2] =	stream.indirect_vreg.scatter [tilespmem:s0], [sflag:$0x4], $0x80, v1, vm0, $0xb8;
	[tilespmem:$0x18900] =	vst v63  }
0x295: {  	v0 =	vperm.xlane v0, v40;
	s0 =	simm.s32 $0x1100  }
0x296: {  	[hbm4b:s5+s2] =	stream.indirect_vreg.scatter [tilespmem:s0], [sflag:$0x4], $0x80, v1, vm0, $0xb8;
	[tilespmem:$0x18900] =	vst v63  }
0x297: {  	v0 =	vadd.s32 v39, v0;
	s0 =	simm.s32 $0x1900  }
0x298: {  	[hbm4b:s6+s2] =	stream.indirect_vreg.scatter [tilespmem:s0], [sflag:$0x4], $0x80, v1, vm0, $0xb8;
	[tilespmem:$0x18900] =	vst v63  }
0x299: {  	s0 =	simm.s32 $0x2100  }
0x29a: {  	[hbm4b:s7+s2] =	stream.indirect_vreg.scatter [tilespmem:s0], [sflag:$0x4], $0x80, v1, vm0, $0xb8;
	[tilespmem:$0x18900] =	vst v63  }
0x29b: {  	s0 =	simm.s32 $0x2900  }
0x29c: {  	[hbm4b:s4+s2] =	stream.indirect_vreg.scatter [tilespmem:s0], [sflag:$0x4], $0x80, v0, vm0, $0xb8;
	[tilespmem:$0x18900] =	vst v63  }
0x29d: {  	s0 =	simm.s32 $0x3100  }
0x29e: {  	[hbm4b:s5+s2] =	stream.indirect_vreg.scatter [tilespmem:s0], [sflag:$0x4], $0x80, v0, vm0, $0xb8;
	[tilespmem:$0x18900] =	vst v63  }
0x29f: {  	s0 =	simm.s32 $0x3900  }
0x2a0: {  	[hbm4b:s6+s2] =	stream.indirect_vreg.scatter [tilespmem:s0], [sflag:$0x4], $0x80, v0, vm0, $0xb8;
	[tilespmem:$0x18900] =	vst v63  }
0x2a1: {  	s0 =	simm.s32 $0x4100  }
0x2a2: {  	[hbm4b:s7+s2] =	stream.indirect_vreg.scatter [tilespmem:s0], [sflag:$0x4], $0x80, v0, vm0, $0xb8;
	[tilespmem:$0x18900] =	vst v63  }
0x2a3: {  	v0 =	vld [tilespmem:$0x810];
	_ =	sdelay $0x4  }
0x2a4: {  	v59 =	vshll.u32 v0, $0x3  }
0x2a5: {  	v0 =	vand.u32 $0x7, v0;
	v1 =	vand.u32 $0xFFFFFFC0, v59  }
0x2a6: {  	v0 =	vor.u32 v0, v1  }
0x2a7: {  	v1 =	vperm.xlane v0, v38;
	_ =	sdelay $0x1  }
0x2a8: {  	v1 =	vadd.s32 v39, v1;
	_ =	sdelay $0x3  }
0x2a9: {  	s0 =	simm.s32 $0x4900  }
0x2aa: {  	[hbm4b:s4+s2] =	stream.indirect_vreg.scatter [tilespmem:s0], [sflag:$0x4], $0x80, v1, vm0, $0xb8;
	[tilespmem:$0x18900] =	vst v63  }
0x2ab: {  	v0 =	vperm.xlane v0, v40;
	s0 =	simm.s32 $0x5100  }
0x2ac: {  	[hbm4b:s5+s2] =	stream.indirect_vreg.scatter [tilespmem:s0], [sflag:$0x4], $0x80, v1, vm0, $0xb8;
	[tilespmem:$0x18900] =	vst v63  }
0x2ad: {  	v0 =	vadd.s32 v39, v0;
	s0 =	simm.s32 $0x5900  }
0x2ae: {  	[hbm4b:s6+s2] =	stream.indirect_vreg.scatter [tilespmem:s0], [sflag:$0x4], $0x80, v1, vm0, $0xb8;
	[tilespmem:$0x18900] =	vst v63  }
0x2af: {  	s0 =	simm.s32 $0x6100  }
0x2b0: {  	[hbm4b:s7+s2] =	stream.indirect_vreg.scatter [tilespmem:s0], [sflag:$0x4], $0x80, v1, vm0, $0xb8;
	[tilespmem:$0x18900] =	vst v63  }
0x2b1: {  	s0 =	simm.s32 $0x6900  }
0x2b2: {  	[hbm4b:s4+s2] =	stream.indirect_vreg.scatter [tilespmem:s0], [sflag:$0x4], $0x80, v0, vm0, $0xb8;
	[tilespmem:$0x18900] =	vst v63  }
0x2b3: {  	s0 =	simm.s32 $0x7100  }
0x2b4: {  	[hbm4b:s5+s2] =	stream.indirect_vreg.scatter [tilespmem:s0], [sflag:$0x4], $0x80, v0, vm0, $0xb8;
	[tilespmem:$0x18900] =	vst v63  }
0x2b5: {  	s0 =	simm.s32 $0x7900  }
0x2b6: {  	[hbm4b:s6+s2] =	stream.indirect_vreg.scatter [tilespmem:s0], [sflag:$0x4], $0x80, v0, vm0, $0xb8;
	[tilespmem:$0x18900] =	vst v63  }
0x2b7: {  	s0 =	simm.s32 $0x8100  }
0x2b8: {  	[hbm4b:s7+s2] =	stream.indirect_vreg.scatter [tilespmem:s0], [sflag:$0x4], $0x80, v0, vm0, $0xb8;
	[tilespmem:$0x18900] =	vst v63  }
0x2b9: {  	_ =	swait.ge [sflag:s26], $0x8000  }
0x2ba: {  	[sflag:s26] =	ssyncset.done $0x0  }
0x2bb: {  	[sflag:s26] =	ssyncadd.s32 $0xFFFF8000  }
0x2bc: {  	v61 =	vld [tilespmem:$0x880];
	_ =	sdelay $0x4  }
0x2bd: {  	v62 =	vshll.u32 v61, $0x3  }
0x2be: {  	v0 =	vand.u32 $0x7, v61;
	v1 =	vand.u32 $0xFFFFFFC0, v62  }
0x2bf: {  	v0 =	vor.u32 v0, v1  }
0x2c0: {  	v1 =	vperm.xlane v0, v38;
	_ =	sdelay $0x1  }
0x2c1: {  	v1 =	vadd.s32 v39, v1;
	_ =	sdelay $0x3  }
0x2c2: {  	s25 =	simm.s32 $0x8900  }
0x2c3: {  	[hbm4b:s4+s2] =	stream.indirect_vreg.scatter [tilespmem:s25], [sflag:$0x5], $0x80, v1, vm0, $0xb8;
	[tilespmem:$0x18900] =	vst v63  }
0x2c4: {  	v0 =	vperm.xlane v0, v40;
	s25 =	simm.s32 $0x9100  }
0x2c5: {  	[hbm4b:s5+s2] =	stream.indirect_vreg.scatter [tilespmem:s25], [sflag:$0x5], $0x80, v1, vm0, $0xb8;
	[tilespmem:$0x18900] =	vst v63  }
0x2c6: {  	v0 =	vadd.s32 v39, v0  }
0x2c7: {  	[hbm4b:s6+s2] =	stream.indirect_vreg.scatter [tilespmem:s9], [sflag:$0x5], $0x80, v1, vm0, $0xb8;
	[tilespmem:$0x18900] =	vst v63  }
0x2c8: {  	s25 =	simm.s32 $0xA100  }
0x2c9: {  	[hbm4b:s7+s2] =	stream.indirect_vreg.scatter [tilespmem:s25], [sflag:$0x5], $0x80, v1, vm0, $0xb8;
	[tilespmem:$0x18900] =	vst v63  }
0x2ca: {  	_ = 	snop  }
0x2cb: {  	[hbm4b:s4+s2] =	stream.indirect_vreg.scatter [tilespmem:s10], [sflag:$0x5], $0x80, v0, vm0, $0xb8;
	[tilespmem:$0x18900] =	vst v63  }
0x2cc: {  	_ = 	snop  }
0x2cd: {  	[hbm4b:s5+s2] =	stream.indirect_vreg.scatter [tilespmem:s11], [sflag:$0x5], $0x80, v0, vm0, $0xb8;
	[tilespmem:$0x18900] =	vst v63  }
0x2ce: {  	_ = 	snop  }
0x2cf: {  	[hbm4b:s6+s2] =	stream.indirect_vreg.scatter [tilespmem:s12], [sflag:$0x5], $0x80, v0, vm0, $0xb8;
	[tilespmem:$0x18900] =	vst v63  }
0x2d0: {  	s9 =	simm.s32 $0xC100  }
0x2d1: {  	[hbm4b:s7+s2] =	stream.indirect_vreg.scatter [tilespmem:s9], [sflag:$0x5], $0x80, v0, vm0, $0xb8;
	[tilespmem:$0x18900] =	vst v63  }
0x2d2: {  	v0 =	vld [tilespmem:$0x890];
	_ =	sdelay $0x4  }
0x2d3: {  	v63 =	vshll.u32 v0, $0x3  }
0x2d4: {  	v0 =	vand.u32 $0x7, v0;
	v1 =	vand.u32 $0xFFFFFFC0, v63  }
0x2d5: {  	v0 =	vor.u32 v0, v1  }
0x2d6: {  	v1 =	vperm.xlane v0, v38;
	_ =	sdelay $0x1  }
0x2d7: {  	v1 =	vadd.s32 v39, v1;
	_ =	sdelay $0x3  }
0x2d8: {  	s10 =	simm.s32 $0xC900  }
0x2d9: {  	[hbm4b:s4+s2] =	stream.indirect_vreg.scatter [tilespmem:s10], [sflag:$0x5], $0x80, v1, vm0, $0xb8;
	[tilespmem:$0x18900] =	vst v63  }
0x2da: {  	s11 =	simm.s32 $0xD100;
	v0 =	vperm.xlane v0, v40  }
0x2db: {  	[hbm4b:s5+s2] =	stream.indirect_vreg.scatter [tilespmem:s11], [sflag:$0x5], $0x80, v1, vm0, $0xb8;
	[tilespmem:$0x18900] =	vst v63  }
0x2dc: {  	v0 =	vadd.s32 v39, v0  }
0x2dd: {  	[hbm4b:s6+s2] =	stream.indirect_vreg.scatter [tilespmem:s13], [sflag:$0x5], $0x80, v1, vm0, $0xb8;
	[tilespmem:$0x18900] =	vst v63  }
0x2de: {  	_ = 	snop  }
0x2df: {  	[hbm4b:s7+s2] =	stream.indirect_vreg.scatter [tilespmem:s14], [sflag:$0x5], $0x80, v1, vm0, $0xb8;
	[tilespmem:$0x18900] =	vst v63  }
0x2e0: {  	_ = 	snop  }
0x2e1: {  	[hbm4b:s4+s2] =	stream.indirect_vreg.scatter [tilespmem:s15], [sflag:$0x5], $0x80, v0, vm0, $0xb8;
	[tilespmem:$0x18900] =	vst v63  }
0x2e2: {  	_ = 	snop  }
0x2e3: {  	[hbm4b:s5+s2] =	stream.indirect_vreg.scatter [tilespmem:s16], [sflag:$0x5], $0x80, v0, vm0, $0xb8;
	[tilespmem:$0x18900] =	vst v63  }
0x2e4: {  	_ = 	snop  }
0x2e5: {  	[hbm4b:s6+s2] =	stream.indirect_vreg.scatter [tilespmem:s17], [sflag:$0x5], $0x80, v0, vm0, $0xb8;
	[tilespmem:$0x18900] =	vst v63  }
0x2e6: {  	_ = 	snop  }
0x2e7: {  	[hbm4b:s7+s2] =	stream.indirect_vreg.scatter [tilespmem:s18], [sflag:$0x5], $0x80, v0, vm0, $0xb8;
	[tilespmem:$0x18900] =	vst v63  }
0x2e8: {  	_ =	swait.ge [sflag:s31], $0x8000  }
0x2e9: {  	[sflag:s31] =	ssyncset.done $0x0  }
0x2ea: {  	[sflag:s31] =	ssyncadd.s32 $0xFFFF8000  }
0x2eb: {  	_ =	swait.ge [sflag:s3], $0x8000  }
0x2ec: {  	[sflag:s3] =	ssyncset.done $0x0  }
0x2ed: {  	[sflag:s3] =	ssyncadd.s32 $0xFFFF8000  }
0x2ee: {  	p0 =	sne.s32 s1, $0x1;
	_ =	swait.ge [sflag:s8], $0x8000  }
.Ltmp0:
0x2ef: {  	[sflag:s8] =	ssyncset.done $0x0;
	(pc) =	sbr.rel @p0 .LBB2_1-.Ltmp0, $4  }
0x2f0: {  	s25 =	simm.s32 $0x7;
	[sflag:s8] =	ssyncadd.s32 $0xFFFF8000  }
0x2f1: {  	_ =	swait.ge [sflag:s25], $0x400  }
0x2f2: {  	[sflag:s25] =	ssyncset.done $0x0  }
0x2f3: {  	s1 =	sadd.s32 $0xFFFFFFFF, s1;
	[sflag:s25] =	ssyncadd.s32 $0xFFFFFC00  }
0x2f4: {  	_ =	sfence.sel $0x180000  }
0x2f5: {  	[bflag:$0x0] =	sbarrier.arrive $0xFFFF  }
0x2f6: {  	_ =	strace $0x90000047  }
0x2f7: {  	s0 =	stileid.u32;
	[bflag:$0x2] =	sbarrier.arrive $0xFFFF  }
0x2f8: {  	p0 =	sne.s32 s0, $0x0;
	s0 =	rddreg [dreg:$0x3]  }
0x2f9: {  	s0 =	sadd.s32 @!p0 $0x100000, s0  }
0x2fa: {  	[sflag:s0] =	ssyncadd.tile.s32 @!p0 $0x1;
	_ =	shalt  }
.Lfunc_end2:
_tile_overlayer_lowered:
.L_overlay_start_2:
0x2fb: {  	(tag) =	ssettag $0x2  }
0x2fc: {  	s0 =	rddreg [dreg:$0x0];
	s2 =	stileid.u32  }
0x2fd: {  	s1 =	rddreg [dreg:$0x1];
	p0 =	sne.s32 s2, $0x0  }
0x2fe: {  	s3 =	rddreg [dreg:$0x2];
	[bflag:$0x3] =	sbarrier.arrive $0xFFFF;
	s2 =	simm.s32 @!p0 $0x1C08  }
0x2ff: {  	[timem:s3], [sflag:s2] =	dma.local @!p0 [hbm:s0], s1  }
0x300: {  	s0 =	simm.s32 @!p0 $0x8  }
0x301: {  	_ =	swait.ge @!p0 [sflag:s0], s1  }
0x302: {  	s1 =	ssub.s32 @!p0 $0x0, s1;
	[sflag:s0] =	ssyncset.done @!p0 $0x0  }
0x303: {  	[sflag:s0] =	ssyncadd.s32 @!p0 s1  }
0x304: {  	[bflag:$0x3] =	sbarrier.arrive $0xFFFF  }
0x305: {  	_ =	shalt  }

// kernel: kernel.8.cloned.1.call-start
scs
__scs_entry_jumppad:
0x0: {  	(pc) =	sbr.rel $0x88, $3  }
0x1: {  	(tag) =	ssettag $0x0;
	lr =	simm.s32 $0x1  }
0x2: {  	[smem:$0x3F9D] =	sst lr;
	_ =	strace $0xD0000000  }
0x3: {  	_ = 	snop  }
0x4: {  	_ = 	snop  }
0x5: {  	_ = 	snop  }
0x6: {  	_ = 	snop  }
0x7: {  	_ = 	snop  }
__scs_overlays_trampoline_lowered:
0x8: {  	[smem:$0x3FAC] =	sst s0  }
0x9: {  	[smem:$0x3FAD] =	sst s1  }
0xa: {  	[smem:$0x3FAE] =	sst s2  }
0xb: {  	[smem:$0x3FAF] =	sst s3  }
0xc: {  	[smem:$0x3FB0] =	sst s4  }
0xd: {  	[smem:$0x3FB1] =	sst s5  }
0xe: {  	[smem:$0x3FB2] =	sst s6  }
0xf: {  	[smem:$0x3FB3] =	sst s7  }
0x10: {  	[smem:$0x3FB4] =	sst s8  }
0x11: {  	[smem:$0x3FB5] =	sst s9;
	s0 =	simm.s32 @!p0 $0x0  }
0x12: {  	s1 =	sld [smem:$0x3F9B];
	s0 =	simm.s32 @p0 $0x1  }
0x13: {  	[smem:$0x3FB6] =	sst s0;
	s0 =	simm.s32 @!p1 $0x0  }
0x14: {  	s2 =	sld [smem:$0x3F9A];
	s0 =	simm.s32 @p1 $0x1  }
0x15: {  	[smem:$0x3FB7] =	sst s0;
	s0 =	simm.s32 @!p2 $0x0  }
0x16: {  	s3 =	sld [smem:$0x3FDB];
	s0 =	simm.s32 @p2 $0x1  }
0x17: {  	s4 =	simm.s32 $0x1BF5;
	[smem:$0x3FB9] =	sst s0  }
0x18: {  	s0 =	sld [smem:$0x3F9C];
	_ =	swait.ge [sflag:s4], $0x0  }
0x19: {  	s7 =	sld [smem:$0x3F9D]  }
0x1a: {  	s8 =	sadd.s32 $0xFFFFE003, lr  }
0x1b: {  	s9 =	sadd.s32 $0xFFFFFEF7, lr;
	s5 =	simm.s32 $0xFFFFFFFF;
	p2 =	slt.u32 s8, $0xFFFFF086  }
0x1c: {  	p1 =	slt.u32 s9, $0xF7A;
	s5 =	simm.s32 @!p2 $0x0  }
0x1d: {  	s5 =	simm.s32 @p1 $0x1;
	p0 =	seq.s32 s7, s2  }
0x1e: {  	s7 =	smul.u32 @!p0 $0xF7A, s2;
	p2 =	seq.s32 @!p0 s5, $0x0  }
0x1f: {  	s9 =	smul.u32 $0xF7A, s1;
	s8 =	simm.s32 @!p0 $0x1BF5;
	p2 =	por !p2, p0  }
0x20: {  	[sflag:s8] =	ssyncset.s32 @!p0 $0xFFFFF086;
	s6 =	sadd.s32 @!p0 s3, s7;
	s7 =	simm.s32 @!p0 $0x108  }
0x21: {  	s3 =	sadd.s32 s3, s9;
	s6 =	sadd.s32 @!p0 $0x88, s6;
	s7 =	simm.s32 @p2 $0x1082  }
0x22: {  	[simem:s7], [sflag:s8] =	dma.local @!p0 [hbm:s6], $0xF7A  }
0x23: {  	s9 =	sor.u32 $0xD0000000, s2;
	s6 =	simm.s32 $0x108;
	_ =	swait.ge @!p0 [sflag:s8], $0x0  }
0x24: {  	s3 =	sadd.s32 $0x88, s3;
	s6 =	simm.s32 @!p1 $0x1082;
	[sflag:s4] =	ssyncset.s32 $0xFFFFF086  }
0x25: {  	[simem:s6], [sflag:s4] =	dma.local [hbm:s3], $0xF7A  }
0x26: {  	[smem:$0x3F9D] =	sst s1;
	(tag) =	ssettag s2;
	_ =	strace s9  }
0x27: {  	s1 =	sld [smem:$0x3FAD]  }
0x28: {  	s2 =	sld [smem:$0x3FAE]  }
0x29: {  	s4 =	sld [smem:$0x3FB0]  }
0x2a: {  	p0 =	seq.s32 s5, $0x0;
	s5 =	sld [smem:$0x3FB1]  }
0x2b: {  	s6 =	sld [smem:$0x3FB2]  }
0x2c: {  	s7 =	sld [smem:$0x3FB3]  }
0x2d: {  	s3 =	simm.s32 $0x108;
	s8 =	sld [smem:$0x3FB4]  }
0x2e: {  	s3 =	simm.s32 @!p0 $0x1082;
	s9 =	sld [smem:$0x3FB5]  }
0x2f: {  	lr =	sadd.s32 s0, s3;
	s0 =	sld [smem:$0x3FAC]  }
0x30: {  	s3 =	sld [smem:$0x3FAF]  }
0x31: {  	[smem:$0x3FB8] =	sst s10  }
0x32: {  	s10 =	sld [smem:$0x3FB6];
	_ =	sdelay $0x3  }
0x33: {  	p0 =	seq.s32 s10, $0x1;
	s10 =	sld [smem:$0x3FB8];
	_ =	sdelay $0x3  }
0x34: {  	[smem:$0x3FB8] =	sst s10  }
0x35: {  	s10 =	sld [smem:$0x3FB7];
	_ =	sdelay $0x3  }
0x36: {  	p1 =	seq.s32 s10, $0x1;
	s10 =	sld [smem:$0x3FB8];
	_ =	sdelay $0x3  }
0x37: {  	[smem:$0x3FB8] =	sst s10  }
0x38: {  	s10 =	sld [smem:$0x3FB9]  }
0x39: {  	_ = 	snop;
	(pc) =	sbr.ind lr, $3  }
0x3a: {  	_ = 	snop  }
0x3b: {  	_ = 	snop  }
0x3c: {  	p2 =	seq.s32 s10, $0x1;
	s10 =	sld [smem:$0x3FB8]  }
0x3d: {  	_ =	shalt  }
0x3e: {  	_ =	shalt  }
0x3f: {  	_ =	shalt  }
0x40: {  	_ =	shalt  }
0x41: {  	_ =	shalt  }
0x42: {  	_ =	shalt  }
0x43: {  	_ =	shalt  }
0x44: {  	_ =	shalt  }
0x45: {  	_ =	shalt  }
0x46: {  	_ =	shalt  }
0x47: {  	_ =	shalt  }
0x48: {  	_ =	shalt  }
0x49: {  	_ =	shalt  }
0x4a: {  	_ =	shalt  }
0x4b: {  	_ =	shalt  }
0x4c: {  	_ =	shalt  }
0x4d: {  	_ =	shalt  }
0x4e: {  	_ =	shalt  }
0x4f: {  	_ =	shalt  }
0x50: {  	_ =	shalt  }
0x51: {  	_ =	shalt  }
0x52: {  	_ =	shalt  }
0x53: {  	_ =	shalt  }
0x54: {  	_ =	shalt  }
0x55: {  	_ =	shalt  }
0x56: {  	_ =	shalt  }
0x57: {  	_ =	shalt  }
0x58: {  	_ =	shalt  }
0x59: {  	_ =	shalt  }
0x5a: {  	_ =	shalt  }
0x5b: {  	_ =	shalt  }
0x5c: {  	_ =	shalt  }
0x5d: {  	_ =	shalt  }
0x5e: {  	_ =	shalt  }
0x5f: {  	_ =	shalt  }
0x60: {  	_ =	shalt  }
0x61: {  	_ =	shalt  }
0x62: {  	_ =	shalt  }
0x63: {  	_ =	shalt  }
0x64: {  	_ =	shalt  }
0x65: {  	_ =	shalt  }
0x66: {  	_ =	shalt  }
0x67: {  	_ =	shalt  }
0x68: {  	_ =	shalt  }
0x69: {  	_ =	shalt  }
0x6a: {  	_ =	shalt  }
0x6b: {  	_ =	shalt  }
0x6c: {  	_ =	shalt  }
0x6d: {  	_ =	shalt  }
0x6e: {  	_ =	shalt  }
0x6f: {  	_ =	shalt  }
0x70: {  	_ =	shalt  }
0x71: {  	_ =	shalt  }
0x72: {  	_ =	shalt  }
0x73: {  	_ =	shalt  }
0x74: {  	_ =	shalt  }
0x75: {  	_ =	shalt  }
0x76: {  	_ =	shalt  }
0x77: {  	_ =	shalt  }
0x78: {  	_ =	shalt  }
0x79: {  	_ =	shalt  }
0x7a: {  	_ =	shalt  }
0x7b: {  	_ =	shalt  }
0x7c: {  	_ =	shalt  }
0x7d: {  	_ =	shalt  }
0x7e: {  	_ =	shalt  }
0x7f: {  	_ =	shalt  }
0x80: {  	_ =	shalt  }
0x81: {  	_ =	shalt  }
0x82: {  	_ =	shalt  }
0x83: {  	_ =	shalt  }
0x84: {  	_ =	shalt  }
0x85: {  	_ =	shalt  }
0x86: {  	_ =	shalt  }
0x87: {  	_ =	shalt  }
.Lfunc_end0:
.L_simem_size_0:
called_computation.1_lowered:
.L_overlay_start_0:
0x88: {  	s2 =	sld [smem:$0x3FD9]  }
0x89: {  	s3 =	sld [smem:$0x3FFE];
	_ =	sdelay $0x1  }
0x8a: {  	s1 =	srdreg.scid  }
0x8b: {  	s0 =	sand.u32 $0x1, s1  }
0x8c: {  	s17 =	sshll.u32 s0, $0xA;
	s2 =	sadd.s32 s3, s2  }
0x8d: {  	s2 =	sadd.s32 s2, s17  }
0x8e: {  	[smem:$0x3FC4] =	sst s2  }
0x8f: {  	_ = 	snop  }
0x90: {  	s2 =	sld [smem:$0x3FD0];
	(tm) =	ssettm $0x1  }
0x91: {  	s18 =	sld [smem:$0x3FFB];
	_ =	sdelay $0x3  }
0x92: {  	_ =	strace s18  }
0x93: {  	s3 =	sld [smem:$0x3FFC];
	_ =	sdelay $0x3  }
0x94: {  	_ =	strace s3  }
0x95: {  	s3 =	sld [smem:$0x3FFD];
	_ =	sdelay $0x3  }
0x96: {  	_ =	strace s3  }
0x97: {  	_ =	strace $0x8FFFFFFF  }
0x98: {  	s19 =	sld [smem:$0x3FDB];
	_ =	sdelay $0x1  }
0x99: {  	s4 =	simm.s32 $_scs_section_size  }
0x9a: {  	s5 =	simm.s32 $_size__tile_overlayer_lowered;
	s6 =	simm.s32 $_tile_overlayer_lowered  }
0x9b: {  	s22 =	simm.s32 $0x1BFF;
	s21 =	sshll.u32 s6, $0x1;
	s3 =	sadd.s32 s4, s19  }
0x9c: {  	s7 =	simm.s32 $0x0;
	s20 =	sshll.u32 s5, $0x1;
	s5 =	sadd.s32 s21, s3  }
0x9d: {  	[timem:s7], [sflag:s22] =	dma.local [hbm:s5], s20  }
0x9e: {  	_ =	swait.ge [sflag:s22], s20  }
0x9f: {  	s4 =	ssub.s32 $0x0, s20;
	[sflag:s22] =	ssyncset.done $0x0  }
0xa0: {  	[sflag:s22] =	ssyncadd.s32 s4;
	_ =	sdelay $0x1  }
0xa1: {  	s23 =	simm.s32 $0x1B8B  }
0xa2: {  	_ =	swait.ge [sflag:s23], $0x1  }
0xa3: {  	[sflag:s23] =	ssyncset.done $0x0  }
0xa4: {  	s25 =	simm.s32 $0x1B8E;
	s24 =	sld [smem:$0x3FFE];
	[sflag:s23] =	ssyncadd.s32 $0xFFFFFFFF  }
0xa5: {  	s26 =	simm.s32 $execute0_lowered;
	[smem:$0x3FD2] =	sst s25  }
0xa6: {  	s5 =	sshll.u32 s26, $0x1;
	_ =	strace $0x80000049;
	[dreg:$0x1] =	wrdreg $0xFFFFFFFF  }
0xa7: {  	s28 =	simm.s32 $_size_execute0_lowered;
	s3 =	sadd.s32 s3, s5;
	[dreg:$0x0] =	wrdreg $0x0  }
0xa8: {  	s5 =	sshll.u32 s28, $0x1;
	[dreg:$0x2] =	wrdreg s3  }
0xa9: {  	[dreg:$0x3] =	wrdreg s5  }
0xaa: {  	[dreg:$0x4] =	wrdreg $0xC0  }
0xab: {  	_ =	task [dreg:s7], $0x5FFFF  }
0xac: {  	[dreg:$0x1] =	wrdreg $0xFFFFFFFF  }
0xad: {  	[dreg:$0x0] =	wrdreg $0x60  }
0xae: {  	[dreg:$0x2] =	wrdreg s24  }
0xaf: {  	[dreg:$0x3] =	wrdreg s2  }
0xb0: {  	[dreg:$0x4] =	wrdreg $0x9  }
0xb1: {  	_ =	task.clear_ibuf [dreg:s7], $0x5FFFF;
	_ =	strace $0x90000049  }
0xb2: {  	s29 =	simm.s32 $0x9;
	_ =	strace $0x8000004B  }
0xb3: {  	_ =	swait.ge [sflag:s29], $0x1  }
0xb4: {  	[sflag:s29] =	ssyncadd.s32 $0xFFFFFFFF  }
0xb5: {  	_ =	strace $0x9000004B  }
0xb6: {  	_ =	sfence  }
0xb7: {  	s30 =	sld [smem:$0x0];
	_ =	sdelay $0x2  }
0xb8: {  	s31 =	sshll.u32 s1, $0xD;
	s1 =	sshrl.u32 s1, $0x2  }
0xb9: {  	s3 =	sand.u32 $0x4000, s31;
	s1 =	sadd.s32 s1, s30  }
0xba: {  	s0 =	sor.u32 s3, s0;
	s1 =	sshll.u32 s1, $0x11  }
0xbb: {  	s0 =	sor.u32 s1, s0  }
0xbc: {  	s0 =	sadd.s32 $0x8F2B, s0  }
0xbd: {  	[sflag:s0] =	ssyncadd.remote.s32 $0x1  }
0xbe: {  	_ =	sfence.sel $0xFFFF  }
0xbf: {  	[dreg:$0x0] =	wrdreg $0xFFFFFFFF;
	(pc) =	sbr.abs _section_cstart, $3  }
0xc0: {  	[dreg:$0x1] =	wrdreg $0xFFFFFFFF  }
0xc1: {  	_ =	task.clear_ibuf [dreg:s7], $0x2FFFF;
	_ =	strace $0x9FFFFFFF  }
0xc2: {  	(tm) =	ssettm $0x7FFFFFFF  }
0xc3: {  	_ =	shalt  }
tec
execute0_lowered:
.L_overlay_start_1:
0x0: {  	(tag) =	ssettag $0x1  }
0x1: {  	s1 =	srdreg.scid  }
0x2: {  	s0 =	stileid.u32;
	s2 =	rddreg [dreg:$0x0]  }
0x3: {  	s4 =	rddreg [dreg:$0x1];
	s15 =	simm.s32 $0xC00;
	s16 =	simm.s32 $0x1400  }
0x4: {  	s17 =	simm.s32 $0x1C00;
	s18 =	simm.s32 $0x2400;
	s19 =	simm.s32 $0x2C00  }
0x5: {  	s20 =	simm.s32 $0x3400;
	s1 =	sand.u32 $0x1, s1;
	s3 =	sshll.u32 s0, $0x1  }
0x6: {  	s21 =	simm.s32 $0x3C00;
	s5 =	sor.u32 s1, s3;
	s3 =	simm.s32 $0x0  }
0x7: {  	s22 =	simm.s32 $0x4400;
	s24 =	simm.s32 $0x4C00;
	[smem:$0x7FF] =	sst s3  }
0x8: {  	s25 =	simm.s32 $0x5400;
	_ =	strace $0x8000004A;
	[dreg:$0x5] =	wrdreg s15  }
0x9: {  	s26 =	simm.s32 $0x5C00;
	s7 =	simm.s32 $0x400;
	[dreg:$0x6] =	wrdreg s16  }
0xa: {  	s9 =	simm.s32 $0x6C00;
	s10 =	simm.s32 $0x7400;
	[dreg:$0x7] =	wrdreg s17  }
0xb: {  	s11 =	simm.s32 $0x7C00;
	s12 =	simm.s32 $0x8400;
	[dreg:$0x8] =	wrdreg s18  }
0xc: {  	s13 =	simm.s32 $0x8C00;
	s14 =	simm.s32 $0x9400;
	[dreg:$0x9] =	wrdreg s19  }
0xd: {  	s28 =	simm.s32 $0xFC00;
	s29 =	simm.s32 $0x1;
	[dreg:$0xa] =	wrdreg s20  }
0xe: {  	s30 =	simm.s32 $0x2;
	s31 =	simm.s32 $0x3;
	[dreg:$0xb] =	wrdreg s21  }
0xf: {  	s1 =	ssub.s32 $0x2, s1;
	s6 =	sshll.u32 s5, $0x7;
	[dreg:$0xc] =	wrdreg s22  }
0x10: {  	s5 =	sshll.u32 s5, $0xD;
	s23 =	sshrl.u32 s1, $0x1;
	[dreg:$0xd] =	wrdreg s24  }
0x11: {  	s6 =	sadd.s32 s6, s2;
	s4 =	sadd.s32 s4, s5;
	[dreg:$0xe] =	wrdreg s25  }
0x12: {  	s1 =	ssub.s32 s1, s23;
	[dreg:$0xf] =	wrdreg s26;
	s15 =	simm.s32 $0x9C00  }
0x13: {  	s16 =	simm.s32 $0xA400;
	s17 =	simm.s32 $0xAC00;
	s18 =	simm.s32 $0xB400  }
0x14: {  	s19 =	simm.s32 $0xBC00;
	s20 =	simm.s32 $0xC400;
	s21 =	simm.s32 $0xCC00  }
0x15: {  	s22 =	simm.s32 $0xD400;
	s23 =	simm.s32 $0xDC00;
	s6 =	sadd.s32 $0x170400, s6  }
0x16: {  	v2 =	vlaneseq.u32;
	s24 =	simm.s32 $0xE400;
	s5 =	sadd.s32 $0x1000, s4;
	[dreg:$0x3] =	wrdreg s6  }
0x17: {  	vm0 =	vmmov $0xffff;
	v1 =	vshrl.u32 v2, $0x3;
	s25 =	simm.s32 $0xEC00;
	s26 =	simm.s32 $0xF400;
	[dreg:$0x4] =	wrdreg s5  }
0x18: {  	v0 =	vand.u32 $0x7, v2;
	v2 =	vor.u32 $0x8, v2;
	v1 =	vmul.u32 $0x8, v1;
	s5 =	smax.u32 s1, $0x1;
	s6 =	simm.s32 $0x5;
	s1 =	simm.s32 $0x4  }
.LBB2_1:
0x19: {  	s0 =	rddreg [dreg:$0x3]  }
0x1a: {  	[tilespmem:s3], [sflag:$0x5] =	stream.linear.gather [hbm4b:s0+s3], $0x400, $0x38;
	[tilespmem:$0x10400] =	vst v63  }
0x1b: {  	_ =	swait.ge [sflag:s6], $0x400  }
0x1c: {  	[sflag:s6] =	ssyncset.done $0x0  }
0x1d: {  	[sflag:s6] =	ssyncadd.s32 $0xFFFFFC00  }
0x1e: {  	v3 =	vld [tilespmem:$0x0];
	_ =	sdelay $0x4  }
0x1f: {  	v4 =	vshll.u32 v3, $0x1  }
0x20: {  	v3 =	vand.u32 $0x7, v3;
	v4 =	vand.u32 $0xFFFFFFF0, v4  }
0x21: {  	v3 =	vor.u32 v3, v4  }
0x22: {  	v4 =	vperm.xlane v3, v0;
	_ =	sdelay $0x1  }
0x23: {  	v3 =	vperm.xlane v3, v2;
	v4 =	vadd.s32 v1, v4;
	_ =	sdelay $0x1  }
0x24: {  	v3 =	vadd.s32 v1, v3;
	_ =	sdelay $0x2  }
0x25: {  	[tilespmem:s7], [sflag:$0x1] =	stream.indirect_vreg.gather [hbm4b:s2+s3], $0x80, v4, vm0, $0xb8;
	[tilespmem:$0x10400] =	vst v63  }
0x26: {  	s8 =	rddreg [dreg:$0x5]  }
0x27: {  	[tilespmem:s8], [sflag:$0x1] =	stream.indirect_vreg.gather [hbm4b:s2+s3], $0x80, v3, vm0, $0xb8;
	[tilespmem:$0x10400] =	vst v63  }
0x28: {  	v3 =	vld [tilespmem:$0x10];
	_ =	sdelay $0x4  }
0x29: {  	v49 =	vshll.u32 v3, $0x1  }
0x2a: {  	v3 =	vand.u32 $0x7, v3;
	v4 =	vand.u32 $0xFFFFFFF0, v49  }
0x2b: {  	v3 =	vor.u32 v3, v4  }
0x2c: {  	v4 =	vperm.xlane v3, v0;
	_ =	sdelay $0x1  }
0x2d: {  	v3 =	vperm.xlane v3, v2;
	v4 =	vadd.s32 v1, v4;
	_ =	sdelay $0x1  }
0x2e: {  	v3 =	vadd.s32 v1, v3;
	_ =	sdelay $0x1  }
0x2f: {  	s0 =	rddreg [dreg:$0x6]  }
0x30: {  	[tilespmem:s0], [sflag:$0x1] =	stream.indirect_vreg.gather [hbm4b:s2+s3], $0x80, v4, vm0, $0xb8;
	[tilespmem:$0x10400] =	vst v63  }
0x31: {  	s8 =	rddreg [dreg:$0x7]  }
0x32: {  	[tilespmem:s8], [sflag:$0x1] =	stream.indirect_vreg.gather [hbm4b:s2+s3], $0x80, v3, vm0, $0xb8;
	[tilespmem:$0x10400] =	vst v63  }
0x33: {  	v3 =	vld [tilespmem:$0x80];
	_ =	sdelay $0x4  }
0x34: {  	v50 =	vshll.u32 v3, $0x1  }
0x35: {  	v3 =	vand.u32 $0x7, v3;
	v4 =	vand.u32 $0xFFFFFFF0, v50  }
0x36: {  	v3 =	vor.u32 v3, v4  }
0x37: {  	v4 =	vperm.xlane v3, v0;
	_ =	sdelay $0x1  }
0x38: {  	v3 =	vperm.xlane v3, v2;
	v4 =	vadd.s32 v1, v4;
	_ =	sdelay $0x1  }
0x39: {  	v3 =	vadd.s32 v1, v3;
	_ =	sdelay $0x1  }
0x3a: {  	s0 =	rddreg [dreg:$0x8]  }
0x3b: {  	[tilespmem:s0], [sflag:$0x1] =	stream.indirect_vreg.gather [hbm4b:s2+s3], $0x80, v4, vm0, $0xb8;
	[tilespmem:$0x10400] =	vst v63  }
0x3c: {  	s8 =	rddreg [dreg:$0x9]  }
0x3d: {  	[tilespmem:s8], [sflag:$0x1] =	stream.indirect_vreg.gather [hbm4b:s2+s3], $0x80, v3, vm0, $0xb8;
	[tilespmem:$0x10400] =	vst v63  }
0x3e: {  	v3 =	vld [tilespmem:$0x90];
	_ =	sdelay $0x4  }
0x3f: {  	v51 =	vshll.u32 v3, $0x1  }
0x40: {  	v3 =	vand.u32 $0x7, v3;
	v4 =	vand.u32 $0xFFFFFFF0, v51  }
0x41: {  	v3 =	vor.u32 v3, v4  }
0x42: {  	v4 =	vperm.xlane v3, v0;
	_ =	sdelay $0x1  }
0x43: {  	v3 =	vperm.xlane v3, v2;
	v4 =	vadd.s32 v1, v4;
	_ =	sdelay $0x1  }
0x44: {  	v3 =	vadd.s32 v1, v3;
	_ =	sdelay $0x1  }
0x45: {  	s0 =	rddreg [dreg:$0xa]  }
0x46: {  	[tilespmem:s0], [sflag:$0x1] =	stream.indirect_vreg.gather [hbm4b:s2+s3], $0x80, v4, vm0, $0xb8;
	[tilespmem:$0x10400] =	vst v63  }
0x47: {  	s8 =	rddreg [dreg:$0xb]  }
0x48: {  	[tilespmem:s8], [sflag:$0x1] =	stream.indirect_vreg.gather [hbm4b:s2+s3], $0x80, v3, vm0, $0xb8;
	[tilespmem:$0x10400] =	vst v63  }
0x49: {  	v3 =	vld [tilespmem:$0x100];
	_ =	sdelay $0x4  }
0x4a: {  	v52 =	vshll.u32 v3, $0x1  }
0x4b: {  	v3 =	vand.u32 $0x7, v3;
	v4 =	vand.u32 $0xFFFFFFF0, v52  }
0x4c: {  	v3 =	vor.u32 v3, v4  }
0x4d: {  	v4 =	vperm.xlane v3, v0;
	_ =	sdelay $0x1  }
0x4e: {  	v3 =	vperm.xlane v3, v2;
	v4 =	vadd.s32 v1, v4;
	_ =	sdelay $0x1  }
0x4f: {  	v3 =	vadd.s32 v1, v3;
	_ =	sdelay $0x1  }
0x50: {  	s0 =	rddreg [dreg:$0xc]  }
0x51: {  	[tilespmem:s0], [sflag:$0x1] =	stream.indirect_vreg.gather [hbm4b:s2+s3], $0x80, v4, vm0, $0xb8;
	[tilespmem:$0x10400] =	vst v63  }
0x52: {  	s8 =	rddreg [dreg:$0xd]  }
0x53: {  	[tilespmem:s8], [sflag:$0x1] =	stream.indirect_vreg.gather [hbm4b:s2+s3], $0x80, v3, vm0, $0xb8;
	[tilespmem:$0x10400] =	vst v63  }
0x54: {  	v3 =	vld [tilespmem:$0x110];
	_ =	sdelay $0x4  }
0x55: {  	v53 =	vshll.u32 v3, $0x1  }
0x56: {  	v3 =	vand.u32 $0x7, v3;
	v4 =	vand.u32 $0xFFFFFFF0, v53  }
0x57: {  	v3 =	vor.u32 v3, v4  }
0x58: {  	v4 =	vperm.xlane v3, v0;
	_ =	sdelay $0x1  }
0x59: {  	v3 =	vperm.xlane v3, v2;
	v4 =	vadd.s32 v1, v4;
	_ =	sdelay $0x1  }
0x5a: {  	v3 =	vadd.s32 v1, v3;
	_ =	sdelay $0x1  }
0x5b: {  	s0 =	rddreg [dreg:$0xe]  }
0x5c: {  	[tilespmem:s0], [sflag:$0x1] =	stream.indirect_vreg.gather [hbm4b:s2+s3], $0x80, v4, vm0, $0xb8;
	[tilespmem:$0x10400] =	vst v63  }
0x5d: {  	s8 =	rddreg [dreg:$0xf]  }
0x5e: {  	[tilespmem:s8], [sflag:$0x1] =	stream.indirect_vreg.gather [hbm4b:s2+s3], $0x80, v3, vm0, $0xb8;
	[tilespmem:$0x10400] =	vst v63  }
0x5f: {  	v3 =	vld [tilespmem:$0x180];
	_ =	sdelay $0x4  }
0x60: {  	v54 =	vshll.u32 v3, $0x1  }
0x61: {  	v3 =	vand.u32 $0x7, v3;
	v4 =	vand.u32 $0xFFFFFFF0, v54  }
0x62: {  	v3 =	vor.u32 v3, v4  }
0x63: {  	v4 =	vperm.xlane v3, v0;
	_ =	sdelay $0x1  }
0x64: {  	v3 =	vperm.xlane v3, v2;
	v4 =	vadd.s32 v1, v4;
	_ =	sdelay $0x1  }
0x65: {  	v3 =	vadd.s32 v1, v3;
	_ =	sdelay $0x1  }
0x66: {  	s8 =	simm.s32 $0x6400  }
0x67: {  	[tilespmem:s8], [sflag:$0x1] =	stream.indirect_vreg.gather [hbm4b:s2+s3], $0x80, v4, vm0, $0xb8;
	[tilespmem:$0x10400] =	vst v63  }
0x68: {  	_ = 	snop  }
0x69: {  	[tilespmem:s9], [sflag:$0x1] =	stream.indirect_vreg.gather [hbm4b:s2+s3], $0x80, v3, vm0, $0xb8;
	[tilespmem:$0x10400] =	vst v63  }
0x6a: {  	v3 =	vld [tilespmem:$0x190];
	_ =	sdelay $0x4  }
0x6b: {  	v55 =	vshll.u32 v3, $0x1  }
0x6c: {  	v3 =	vand.u32 $0x7, v3;
	v4 =	vand.u32 $0xFFFFFFF0, v55  }
0x6d: {  	v3 =	vor.u32 v3, v4  }
0x6e: {  	v4 =	vperm.xlane v3, v0;
	_ =	sdelay $0x1  }
0x6f: {  	v3 =	vperm.xlane v3, v2;
	v4 =	vadd.s32 v1, v4;
	_ =	sdelay $0x1  }
0x70: {  	v3 =	vadd.s32 v1, v3;
	_ =	sdelay $0x2  }
0x71: {  	[tilespmem:s10], [sflag:$0x1] =	stream.indirect_vreg.gather [hbm4b:s2+s3], $0x80, v4, vm0, $0xb8;
	[tilespmem:$0x10400] =	vst v63  }
0x72: {  	_ = 	snop  }
0x73: {  	[tilespmem:s11], [sflag:$0x1] =	stream.indirect_vreg.gather [hbm4b:s2+s3], $0x80, v3, vm0, $0xb8;
	[tilespmem:$0x10400] =	vst v63  }
0x74: {  	v3 =	vld [tilespmem:$0x200];
	_ =	sdelay $0x4  }
0x75: {  	v56 =	vshll.u32 v3, $0x1  }
0x76: {  	v3 =	vand.u32 $0x7, v3;
	v4 =	vand.u32 $0xFFFFFFF0, v56  }
0x77: {  	v3 =	vor.u32 v3, v4  }
0x78: {  	v4 =	vperm.xlane v3, v0;
	_ =	sdelay $0x1  }
0x79: {  	v3 =	vperm.xlane v3, v2;
	v4 =	vadd.s32 v1, v4;
	_ =	sdelay $0x1  }
0x7a: {  	v3 =	vadd.s32 v1, v3;
	_ =	sdelay $0x2  }
0x7b: {  	[tilespmem:s12], [sflag:$0x2] =	stream.indirect_vreg.gather [hbm4b:s2+s3], $0x80, v4, vm0, $0xb8;
	[tilespmem:$0x10400] =	vst v63  }
0x7c: {  	_ = 	snop  }
0x7d: {  	[tilespmem:s13], [sflag:$0x2] =	stream.indirect_vreg.gather [hbm4b:s2+s3], $0x80, v3, vm0, $0xb8;
	[tilespmem:$0x10400] =	vst v63  }
0x7e: {  	v3 =	vld [tilespmem:$0x210];
	_ =	sdelay $0x4  }
0x7f: {  	v57 =	vshll.u32 v3, $0x1  }
0x80: {  	v3 =	vand.u32 $0x7, v3;
	v4 =	vand.u32 $0xFFFFFFF0, v57  }
0x81: {  	v3 =	vor.u32 v3, v4  }
0x82: {  	v4 =	vperm.xlane v3, v0;
	_ =	sdelay $0x1  }
0x83: {  	v3 =	vperm.xlane v3, v2;
	v4 =	vadd.s32 v1, v4;
	_ =	sdelay $0x1  }
0x84: {  	v3 =	vadd.s32 v1, v3;
	_ =	sdelay $0x2  }
0x85: {  	[tilespmem:s14], [sflag:$0x2] =	stream.indirect_vreg.gather [hbm4b:s2+s3], $0x80, v4, vm0, $0xb8;
	[tilespmem:$0x10400] =	vst v63  }
0x86: {  	_ = 	snop  }
0x87: {  	[tilespmem:s15], [sflag:$0x2] =	stream.indirect_vreg.gather [hbm4b:s2+s3], $0x80, v3, vm0, $0xb8;
	[tilespmem:$0x10400] =	vst v63  }
0x88: {  	v3 =	vld [tilespmem:$0x280];
	_ =	sdelay $0x4  }
0x89: {  	v58 =	vshll.u32 v3, $0x1  }
0x8a: {  	v3 =	vand.u32 $0x7, v3;
	v4 =	vand.u32 $0xFFFFFFF0, v58  }
0x8b: {  	v3 =	vor.u32 v3, v4  }
0x8c: {  	v4 =	vperm.xlane v3, v0;
	_ =	sdelay $0x1  }
0x8d: {  	v3 =	vperm.xlane v3, v2;
	v4 =	vadd.s32 v1, v4;
	_ =	sdelay $0x1  }
0x8e: {  	v3 =	vadd.s32 v1, v3;
	_ =	sdelay $0x2  }
0x8f: {  	[tilespmem:s16], [sflag:$0x2] =	stream.indirect_vreg.gather [hbm4b:s2+s3], $0x80, v4, vm0, $0xb8;
	[tilespmem:$0x10400] =	vst v63  }
0x90: {  	_ = 	snop  }
0x91: {  	[tilespmem:s17], [sflag:$0x2] =	stream.indirect_vreg.gather [hbm4b:s2+s3], $0x80, v3, vm0, $0xb8;
	[tilespmem:$0x10400] =	vst v63  }
0x92: {  	v3 =	vld [tilespmem:$0x290];
	_ =	sdelay $0x4  }
0x93: {  	v59 =	vshll.u32 v3, $0x1  }
0x94: {  	v3 =	vand.u32 $0x7, v3;
	v4 =	vand.u32 $0xFFFFFFF0, v59  }
0x95: {  	v3 =	vor.u32 v3, v4  }
0x96: {  	v4 =	vperm.xlane v3, v0;
	_ =	sdelay $0x1  }
0x97: {  	v3 =	vperm.xlane v3, v2;
	v4 =	vadd.s32 v1, v4;
	_ =	sdelay $0x1  }
0x98: {  	v3 =	vadd.s32 v1, v3;
	_ =	sdelay $0x2  }
0x99: {  	[tilespmem:s18], [sflag:$0x2] =	stream.indirect_vreg.gather [hbm4b:s2+s3], $0x80, v4, vm0, $0xb8;
	[tilespmem:$0x10400] =	vst v63  }
0x9a: {  	_ = 	snop  }
0x9b: {  	[tilespmem:s19], [sflag:$0x2] =	stream.indirect_vreg.gather [hbm4b:s2+s3], $0x80, v3, vm0, $0xb8;
	[tilespmem:$0x10400] =	vst v63  }
0x9c: {  	v3 =	vld [tilespmem:$0x300];
	_ =	sdelay $0x4  }
0x9d: {  	v60 =	vshll.u32 v3, $0x1  }
0x9e: {  	v3 =	vand.u32 $0x7, v3;
	v4 =	vand.u32 $0xFFFFFFF0, v60  }
0x9f: {  	v3 =	vor.u32 v3, v4  }
0xa0: {  	v4 =	vperm.xlane v3, v0;
	_ =	sdelay $0x1  }
0xa1: {  	v3 =	vperm.xlane v3, v2;
	v4 =	vadd.s32 v1, v4;
	_ =	sdelay $0x1  }
0xa2: {  	v3 =	vadd.s32 v1, v3;
	_ =	sdelay $0x2  }
0xa3: {  	[tilespmem:s20], [sflag:$0x2] =	stream.indirect_vreg.gather [hbm4b:s2+s3], $0x80, v4, vm0, $0xb8;
	[tilespmem:$0x10400] =	vst v63  }
0xa4: {  	_ = 	snop  }
0xa5: {  	[tilespmem:s21], [sflag:$0x2] =	stream.indirect_vreg.gather [hbm4b:s2+s3], $0x80, v3, vm0, $0xb8;
	[tilespmem:$0x10400] =	vst v63  }
0xa6: {  	v3 =	vld [tilespmem:$0x310];
	_ =	sdelay $0x4  }
0xa7: {  	v61 =	vshll.u32 v3, $0x1  }
0xa8: {  	v3 =	vand.u32 $0x7, v3;
	v4 =	vand.u32 $0xFFFFFFF0, v61  }
0xa9: {  	v3 =	vor.u32 v3, v4  }
0xaa: {  	v4 =	vperm.xlane v3, v0;
	_ =	sdelay $0x1  }
0xab: {  	v3 =	vperm.xlane v3, v2;
	v4 =	vadd.s32 v1, v4;
	_ =	sdelay $0x1  }
0xac: {  	v3 =	vadd.s32 v1, v3;
	_ =	sdelay $0x2  }
0xad: {  	[tilespmem:s22], [sflag:$0x2] =	stream.indirect_vreg.gather [hbm4b:s2+s3], $0x80, v4, vm0, $0xb8;
	[tilespmem:$0x10400] =	vst v63  }
0xae: {  	_ = 	snop  }
0xaf: {  	[tilespmem:s23], [sflag:$0x2] =	stream.indirect_vreg.gather [hbm4b:s2+s3], $0x80, v3, vm0, $0xb8;
	[tilespmem:$0x10400] =	vst v63  }
0xb0: {  	v3 =	vld [tilespmem:$0x380];
	_ =	sdelay $0x4  }
0xb1: {  	v62 =	vshll.u32 v3, $0x1  }
0xb2: {  	v3 =	vand.u32 $0x7, v3;
	v4 =	vand.u32 $0xFFFFFFF0, v62  }
0xb3: {  	v3 =	vor.u32 v3, v4  }
0xb4: {  	v4 =	vperm.xlane v3, v0;
	_ =	sdelay $0x1  }
0xb5: {  	v3 =	vperm.xlane v3, v2;
	v4 =	vadd.s32 v1, v4;
	_ =	sdelay $0x1  }
0xb6: {  	v3 =	vadd.s32 v1, v3;
	_ =	sdelay $0x2  }
0xb7: {  	[tilespmem:s24], [sflag:$0x2] =	stream.indirect_vreg.gather [hbm4b:s2+s3], $0x80, v4, vm0, $0xb8;
	[tilespmem:$0x10400] =	vst v63  }
0xb8: {  	_ = 	snop  }
0xb9: {  	[tilespmem:s25], [sflag:$0x2] =	stream.indirect_vreg.gather [hbm4b:s2+s3], $0x80, v3, vm0, $0xb8;
	[tilespmem:$0x10400] =	vst v63  }
0xba: {  	v3 =	vld [tilespmem:$0x390];
	_ =	sdelay $0x4  }
0xbb: {  	v63 =	vshll.u32 v3, $0x1  }
0xbc: {  	v3 =	vand.u32 $0x7, v3;
	v4 =	vand.u32 $0xFFFFFFF0, v63  }
0xbd: {  	v3 =	vor.u32 v3, v4  }
0xbe: {  	v4 =	vperm.xlane v3, v0;
	_ =	sdelay $0x1  }
0xbf: {  	v3 =	vperm.xlane v3, v2;
	v4 =	vadd.s32 v1, v4;
	_ =	sdelay $0x1  }
0xc0: {  	v3 =	vadd.s32 v1, v3;
	_ =	sdelay $0x2  }
0xc1: {  	[tilespmem:s26], [sflag:$0x2] =	stream.indirect_vreg.gather [hbm4b:s2+s3], $0x80, v4, vm0, $0xb8;
	[tilespmem:$0x10400] =	vst v63  }
0xc2: {  	_ = 	snop  }
0xc3: {  	[tilespmem:s28], [sflag:$0x2] =	stream.indirect_vreg.gather [hbm4b:s2+s3], $0x80, v3, vm0, $0xb8;
	[tilespmem:$0x10400] =	vst v63  }
0xc4: {  	_ =	swait.ge [sflag:s29], $0x2000  }
0xc5: {  	[sflag:s29] =	ssyncset.done $0x0  }
0xc6: {  	[sflag:s29] =	ssyncadd.s32 $0xFFFFE000  }
0xc7: {  	_ =	swait.ge [sflag:s29], $0x2000  }
0xc8: {  	[sflag:s29] =	ssyncset.done $0x0  }
0xc9: {  	[sflag:s29] =	ssyncadd.s32 $0xFFFFE000  }
0xca: {  	_ =	swait.ge [sflag:s29], $0x2000  }
0xcb: {  	[sflag:s29] =	ssyncset.done $0x0  }
0xcc: {  	[sflag:s29] =	ssyncadd.s32 $0xFFFFE000  }
0xcd: {  	_ =	swait.ge [sflag:s29], $0x2000  }
0xce: {  	[sflag:s29] =	ssyncset.done $0x0  }
0xcf: {  	[sflag:s29] =	ssyncadd.s32 $0xFFFFE000  }
0xd0: {  	[hbm4b:s4+s3] =	stream.linear.scatter [tilespmem:s7], [sflag:$0x3], $0x8000, $0x38;
	[tilespmem:$0x10400] =	vst v63  }
0xd1: {  	_ =	swait.ge [sflag:s30], $0x2000  }
0xd2: {  	[sflag:s30] =	ssyncset.done $0x0  }
0xd3: {  	[sflag:s30] =	ssyncadd.s32 $0xFFFFE000  }
0xd4: {  	_ =	swait.ge [sflag:s30], $0x2000  }
0xd5: {  	[sflag:s30] =	ssyncset.done $0x0  }
0xd6: {  	[sflag:s30] =	ssyncadd.s32 $0xFFFFE000  }
0xd7: {  	_ =	swait.ge [sflag:s30], $0x2000  }
0xd8: {  	[sflag:s30] =	ssyncset.done $0x0  }
0xd9: {  	[sflag:s30] =	ssyncadd.s32 $0xFFFFE000  }
0xda: {  	_ =	swait.ge [sflag:s30], $0x2000  }
0xdb: {  	[sflag:s30] =	ssyncset.done $0x0  }
0xdc: {  	s8 =	rddreg [dreg:$0x4];
	[sflag:s30] =	ssyncadd.s32 $0xFFFFE000  }
0xdd: {  	[hbm4b:s8+s3] =	stream.linear.scatter [tilespmem:s12], [sflag:$0x4], $0x8000, $0x38;
	[tilespmem:$0x10400] =	vst v63  }
0xde: {  	p0 =	sne.s32 s5, $0x1;
	_ =	swait.ge [sflag:s31], $0x8000  }
.Ltmp0:
0xdf: {  	[sflag:s31] =	ssyncset.done $0x0;
	(pc) =	sbr.rel @p0 .LBB2_1-.Ltmp0, $4  }
0xe0: {  	[sflag:s31] =	ssyncadd.s32 $0xFFFF8000  }
0xe1: {  	_ =	swait.ge [sflag:s1], $0x8000  }
0xe2: {  	[sflag:s1] =	ssyncset.done $0x0  }
0xe3: {  	s5 =	sadd.s32 $0xFFFFFFFF, s5;
	[sflag:s1] =	ssyncadd.s32 $0xFFFF8000  }
0xe4: {  	_ =	sfence.sel $0x180000  }
0xe5: {  	[bflag:$0x0] =	sbarrier.arrive $0xFFFF  }
0xe6: {  	_ =	strace $0x9000004A  }
0xe7: {  	s0 =	stileid.u32;
	[bflag:$0x2] =	sbarrier.arrive $0xFFFF  }
0xe8: {  	p0 =	sne.s32 s0, $0x0;
	s0 =	rddreg [dreg:$0x2]  }
0xe9: {  	s0 =	sadd.s32 @!p0 $0x100000, s0  }
0xea: {  	[sflag:s0] =	ssyncadd.tile.s32 @!p0 $0x1;
	_ =	shalt  }
.Lfunc_end2:
_tile_overlayer_lowered:
.L_overlay_start_2:
0xeb: {  	(tag) =	ssettag $0x2  }
0xec: {  	s0 =	rddreg [dreg:$0x0];
	s2 =	stileid.u32  }
0xed: {  	s1 =	rddreg [dreg:$0x1];
	p0 =	sne.s32 s2, $0x0  }
0xee: {  	s3 =	rddreg [dreg:$0x2];
	[bflag:$0x3] =	sbarrier.arrive $0xFFFF;
	s2 =	simm.s32 @!p0 $0x1C05  }
0xef: {  	[timem:s3], [sflag:s2] =	dma.local @!p0 [hbm:s0], s1  }
0xf0: {  	s0 =	simm.s32 @!p0 $0x5  }
0xf1: {  	_ =	swait.ge @!p0 [sflag:s0], s1  }
0xf2: {  	s1 =	ssub.s32 @!p0 $0x0, s1;
	[sflag:s0] =	ssyncset.done @!p0 $0x0  }
0xf3: {  	[sflag:s0] =	ssyncadd.s32 @!p0 s1  }
0xf4: {  	[bflag:$0x3] =	sbarrier.arrive $0xFFFF  }
0xf5: {  	_ =	shalt  }

</sc_bundles>
